<compile_context>
chip_gen: v7x
topology: tpu7x:2x2x1
jax: 0.10.2.dev20260603
libtpu: 0.0.44.dev20260713+nightly
codegen_flags: <defaults>
</compile_context>

<pallas_src>
import functools

import jax
import jax.numpy as jnp
from jax import lax
from jax.experimental import pallas as pl
from jax.experimental.pallas import tpu as pltpu
from jax.experimental.pallas import tpu_sc as plsc

F32 = jnp.float32

NB = 4000
EB = 4000
CH = 128


def _silu(v):
    return v * jax.nn.sigmoid(v)



def _pre_body(pos_ref, na_ref, pw_ref, ew_ref, eb_ref, x_ref, h_ref):
    x_ref[...] = jnp.dot(pos_ref[...], pw_ref[...], preferred_element_type=F32)
    h_ref[...] = jnp.dot(na_ref[...], ew_ref[...], preferred_element_type=F32) + eb_ref[...]


def _uv_body(h_ref, pos_ref, wa_ref, wb_ref, we_ref, u_ref, v_ref):
    pe = jnp.dot(pos_ref[...], we_ref[...], preferred_element_type=F32)
    u_ref[...] = jnp.dot(h_ref[...], wa_ref[...], preferred_element_type=F32) + pe
    v_ref[...] = jnp.dot(h_ref[...], wb_ref[...], preferred_element_type=F32) - pe


def _mlp_body(gu_ref, gv_ref, gxr_ref, gxc_ref, wr_ref, b1_ref, w2_ref, b2_ref,
              wc1_ref, bc1_ref, wc2_ref, ef_ref, tr_ref, *, aug):
    cd = gxr_ref[...] - gxc_ref[...]
    rad = jnp.sum(cd * cd, axis=1, keepdims=True)
    pre1 = gu_ref[...] + gv_ref[...] + rad * wr_ref[...] + b1_ref[...]
    t = _silu(pre1)
    ef = _silu(jnp.dot(t, w2_ref[...], preferred_element_type=F32) + b2_ref[...])
    s = _silu(jnp.dot(ef, wc1_ref[...], preferred_element_type=F32) + bc1_ref[...])
    cm = jnp.sum(s * wc2_ref[...], axis=1, keepdims=True)
    tr = cd * cm
    ef_ref[...] = ef
    if aug:
        n = tr.shape[0]
        tr_ref[...] = jnp.concatenate(
            [tr, jnp.ones((n, 1), F32), jnp.zeros((n, 15), F32)], axis=1)
    else:
        tr_ref[...] = tr


def _node_body(x_ref, xagg_ref, deg_ref, h_ref, hagg_ref, wa_ref, wb_ref,
               b1_ref, w2_ref, b2_ref, xo_ref, ho_ref):
    xo_ref[...] = x_ref[...] + xagg_ref[...] / jnp.maximum(deg_ref[...], 1.0)
    nf = _silu(jnp.dot(h_ref[...], wa_ref[...], preferred_element_type=F32)
               + jnp.dot(hagg_ref[...], wb_ref[...], preferred_element_type=F32)
               + b1_ref[...])
    nf = jnp.dot(nf, w2_ref[...], preferred_element_type=F32) + b2_ref[...]
    ho_ref[...] = h_ref[...] + nf


def _out_body(x_ref, w_ref, o_ref):
    o_ref[...] = jnp.dot(x_ref[...], w_ref[...], preferred_element_type=F32)


def _node_spec(d):
    return pl.BlockSpec((NB, d), lambda i: (i, 0))


def _edge_spec(d):
    return pl.BlockSpec((EB, d), lambda i: (i, 0))


def _full_spec(r, c):
    return pl.BlockSpec((r, c), lambda i: (0, 0))



def _sc_gather_body(u_hbm, v_hbm, x_hbm, row_hbm, col_hbm,
                    gu_hbm, gv_hbm, gxr_hbm, gxc_hbm,
                    row_v, col_v, u_v, v_v, xr_v, xc_v, sem_g, sem_s,
                    *, nchunks):
    cid = lax.axis_index("c")
    sid = lax.axis_index("s")
    wid = sid * 2 + cid

    @pl.loop(wid, nchunks, step=32)
    def _chunk(c):
        base = pl.multiple_of(c * CH, CH)
        pltpu.sync_copy(row_hbm.at[pl.ds(base, CH)], row_v)
        pltpu.sync_copy(col_hbm.at[pl.ds(base, CH)], col_v)
        d1 = pltpu.async_copy(u_hbm.at[row_v], u_v, sem_g)
        d2 = pltpu.async_copy(v_hbm.at[col_v], v_v, sem_g)
        d3 = pltpu.async_copy(x_hbm.at[row_v], xr_v, sem_g)
        d4 = pltpu.async_copy(x_hbm.at[col_v], xc_v, sem_g)
        d1.wait(); d2.wait(); d3.wait(); d4.wait()
        s1 = pltpu.async_copy(u_v, gu_hbm.at[pl.ds(base, CH)], sem_s)
        s2 = pltpu.async_copy(v_v, gv_hbm.at[pl.ds(base, CH)], sem_s)
        s3 = pltpu.async_copy(xr_v, gxr_hbm.at[pl.ds(base, CH)], sem_s)
        s4 = pltpu.async_copy(xc_v, gxc_hbm.at[pl.ds(base, CH)], sem_s)
        s1.wait(); s2.wait(); s3.wait(); s4.wait()


def _sc_gather(U, V, x, row, col):
    E = row.shape[0]
    mesh = plsc.VectorSubcoreMesh(core_axis_name="c", subcore_axis_name="s")
    out_type = [
        jax.ShapeDtypeStruct((E, 32), F32),
        jax.ShapeDtypeStruct((E, 32), F32),
        jax.ShapeDtypeStruct((E, 16), F32),
        jax.ShapeDtypeStruct((E, 16), F32),
    ]
    scratch = [
        pltpu.VMEM((CH,), jnp.int32),
        pltpu.VMEM((CH,), jnp.int32),
        pltpu.VMEM((CH, 32), F32),
        pltpu.VMEM((CH, 32), F32),
        pltpu.VMEM((CH, 16), F32),
        pltpu.VMEM((CH, 16), F32),
        pltpu.SemaphoreType.DMA,
        pltpu.SemaphoreType.DMA,
    ]
    fn = pl.kernel(
        functools.partial(_sc_gather_body, nchunks=E // CH),
        out_type=out_type, mesh=mesh, scratch_types=scratch,
        compiler_params=pltpu.CompilerParams(use_tc_tiling_on_sc=False),
        name="egnn_sc_gather")
    return fn(U, V, x, row, col)


_ACC_ROWS = 51200
_ROWS_PER_TILE = _ACC_ROWS // 16
_ZC = 400


def _sc_scatter_body(row_hbm, dat_hbm, out_hbm, acc, row_v, idx_v, dat_v, tmp_v,
                     *, nchunks, n_half, width):
    cid = lax.axis_index("c")
    sid = lax.axis_index("s")
    base_n = cid * n_half

    @pl.loop(0, _ZC)
    def _zrow(i):
        for j in range(width // 16):
            tmp_v[i, pl.ds(j * 16, 16)] = jnp.zeros((16,), F32)

    tile_row0 = sid * _ROWS_PER_TILE

    @pl.loop(0, _ROWS_PER_TILE // _ZC)
    def _zchunk(k):
        off = pl.multiple_of(tile_row0 + k * _ZC, 8)
        pltpu.sync_copy(tmp_v, acc.at[pl.ds(off, _ZC)])

    plsc.subcore_barrier()

    @pl.loop(sid, nchunks, step=16)
    def _chunk(c):
        base = pl.multiple_of(c * CH, CH)
        pltpu.sync_copy(row_hbm.at[pl.ds(base, CH)], row_v)
        pltpu.sync_copy(dat_hbm.at[pl.ds(base, CH)], dat_v)
        for i in range(CH // 16):
            r = row_v[pl.ds(i * 16, 16)]
            ok = (r >= base_n) & (r < base_n + n_half)
            idx_v[pl.ds(i * 16, 16)] = jnp.where(ok, r - base_n, n_half)
        pltpu.sync_copy(dat_v, acc.at[idx_v], add=True)

    plsc.subcore_barrier()

    nreal = jnp.minimum(_ROWS_PER_TILE, jnp.maximum(0, n_half - tile_row0))

    @pl.loop(0, nreal // _ZC)
    def _wo(k):
        off = pl.multiple_of(tile_row0 + k * _ZC, 8)
        pltpu.sync_copy(acc.at[pl.ds(off, _ZC)], tmp_v)
        pltpu.sync_copy(tmp_v, out_hbm.at[pl.ds(base_n + off, _ZC)])


def _sc_scatter(row, dat, n_nodes):
    E, width = dat.shape
    n_half = n_nodes // 2
    mesh = plsc.VectorSubcoreMesh(core_axis_name="c", subcore_axis_name="s")
    scratch = [
        pltpu.VMEM_SHARED((_ACC_ROWS, width), F32),
        pltpu.VMEM((CH,), jnp.int32),
        pltpu.VMEM((CH,), jnp.int32),
        pltpu.VMEM((CH, width), F32),
        pltpu.VMEM((_ZC, width), F32),
    ]
    fn = pl.kernel(
        functools.partial(_sc_scatter_body, nchunks=E // CH,
                          n_half=n_half, width=width),
        out_type=jax.ShapeDtypeStruct((n_nodes, width), F32),
        mesh=mesh, scratch_types=scratch,
        compiler_params=pltpu.CompilerParams(use_tc_tiling_on_sc=False),
        name=f"egnn_sc_scatter{width}")
    return fn(row, dat)



def kernel(node_attrs, positions, edge_index, params):
    row, col = edge_index[0], edge_index[1]
    N = node_attrs.shape[0]
    E = row.shape[0]

    x, h = pl.pallas_call(
        _pre_body,
        grid=(N // NB,),
        in_specs=[_node_spec(3), _node_spec(3), _full_spec(3, 16),
                  _full_spec(3, 32), _full_spec(1, 32)],
        out_specs=[_node_spec(16), _node_spec(32)],
        out_shape=[jax.ShapeDtypeStruct((N, 16), F32),
                   jax.ShapeDtypeStruct((N, 32), F32)],
    )(positions, node_attrs, params["proj_w"].T, params["emb_in_w"].T,
      params["emb_in_b"][None, :])

    deg = None
    for l in range(len(params["layers"])):
        lp = params["layers"][l]
        W1 = lp["edge_w1"]
        wa, wb = W1[:, :32].T, W1[:, 32:64].T
        wr = W1[:, 64][None, :]
        we = W1[:, 65:68].T

        U, V = pl.pallas_call(
            _uv_body,
            grid=(N // NB,),
            in_specs=[_node_spec(32), _node_spec(3), _full_spec(32, 32),
                      _full_spec(32, 32), _full_spec(3, 32)],
            out_specs=[_node_spec(32), _node_spec(32)],
            out_shape=[jax.ShapeDtypeStruct((N, 32), F32),
                       jax.ShapeDtypeStruct((N, 32), F32)],
        )(h, positions, wa, wb, we)

        gu, gv, gxr, gxc = _sc_gather(U, V, x, row, col)

        aug = l == 0
        tw = 32 if aug else 16
        ef, tr = pl.pallas_call(
            functools.partial(_mlp_body, aug=aug),
            grid=(E // EB,),
            in_specs=[_edge_spec(32), _edge_spec(32), _edge_spec(16),
                      _edge_spec(16), _full_spec(1, 32), _full_spec(1, 32),
                      _full_spec(32, 32), _full_spec(1, 32), _full_spec(32, 32),
                      _full_spec(1, 32), _full_spec(1, 32)],
            out_specs=[_edge_spec(32), _edge_spec(tw)],
            out_shape=[jax.ShapeDtypeStruct((E, 32), F32),
                       jax.ShapeDtypeStruct((E, tw), F32)],
        )(gu, gv, gxr, gxc, wr, lp["edge_b1"][None, :], lp["edge_w2"].T,
          lp["edge_b2"][None, :], lp["coord_w1"].T, lp["coord_b1"][None, :],
          lp["coord_w2"])

        hagg = _sc_scatter(row, ef, N)
        ta = _sc_scatter(row, tr, N)
        if aug:
            xagg = ta[:, :16]
            deg = ta[:, 16:17]
        else:
            xagg = ta

        x, h = pl.pallas_call(
            _node_body,
            grid=(N // NB,),
            in_specs=[_node_spec(16), _node_spec(16), _node_spec(1),
                      _node_spec(32), _node_spec(32), _full_spec(32, 32),
                      _full_spec(32, 32), _full_spec(1, 32), _full_spec(32, 32),
                      _full_spec(1, 32)],
            out_specs=[_node_spec(16), _node_spec(32)],
            out_shape=[jax.ShapeDtypeStruct((N, 16), F32),
                       jax.ShapeDtypeStruct((N, 32), F32)],
        )(x, xagg, deg, h, hagg, lp["node_w1"][:, :32].T, lp["node_w1"][:, 32:].T,
          lp["node_b1"][None, :], lp["node_w2"].T, lp["node_b2"][None, :])

    pred = pl.pallas_call(
        _out_body,
        grid=(N // NB,),
        in_specs=[_node_spec(16), _full_spec(16, 3)],
        out_specs=_node_spec(3),
        out_shape=jax.ShapeDtypeStruct((N, 3), F32),
    )(x, params["out_w"].T)
    return pred

# --- scband reference (transcript-rebuilt; emitter-appended) ---
"""Pipeline reference for scband-egnn-ener-15728170238376 (READ-ONLY COPY).

The authoritative reference and input builder live on the scoring server;
editing this copy changes nothing except your own understanding.
"""

import jax, jax.numpy as jnp
import numpy as np

N_NODES = 100000
N_EDGES = 1600000
HID = 32
NODE_IN = 3
NODE_OUT = 16
EDGE_IN = 3
N_LAYERS = 2


def _lin(key, out_d, in_d, scale=None):
    if scale is None:
        scale = 1.0 / np.sqrt(in_d)
    return jax.random.uniform(key, (out_d, in_d), jnp.float32, -scale, scale)


def setup_inputs(seed: int = 0) -> dict:
    key = jax.random.key(seed)
    ks = jax.random.split(key, 32)
    node_attrs = jax.random.normal(ks[0], (N_NODES, NODE_IN), jnp.float32)
    positions = jax.random.normal(ks[1], (N_NODES, 3), jnp.float32)
    edge_index = jax.random.randint(ks[2], (2, N_EDGES), 0, N_NODES, jnp.int32)
    params = {
        "proj_w": _lin(ks[3], NODE_OUT, 3),
        "emb_in_w": _lin(ks[4], HID, NODE_IN),
        "emb_in_b": jnp.zeros((HID,), jnp.float32),
        "emb_out_w": _lin(ks[5], NODE_OUT, HID),
        "emb_out_b": jnp.zeros((NODE_OUT,), jnp.float32),
        "out_w": _lin(ks[6], 3, NODE_OUT),
        "layers": [],
    }
    k = 7
    for l in range(N_LAYERS):
        lp = {
            "edge_w1": _lin(ks[k + 0], HID, 2 * HID + 1 + EDGE_IN),
            "edge_b1": jnp.zeros((HID,), jnp.float32),
            "edge_w2": _lin(ks[k + 1], HID, HID),
            "edge_b2": jnp.zeros((HID,), jnp.float32),
            "node_w1": _lin(ks[k + 2], HID, 2 * HID),
            "node_b1": jnp.zeros((HID,), jnp.float32),
            "node_w2": _lin(ks[k + 3], HID, HID),
            "node_b2": jnp.zeros((HID,), jnp.float32),
            "coord_w1": _lin(ks[k + 4], HID, HID),
            "coord_b1": jnp.zeros((HID,), jnp.float32),
            "coord_w2": _lin(ks[k + 5], 1, HID, scale=0.001),
        }
        params["layers"].append(lp)
        k += 6
    return {"node_attrs": node_attrs, "positions": positions, "edge_index": edge_index, "params": params}


def _egnn_forward(node_attrs, positions, edge_index, params):
    row, col = edge_index[0], edge_index[1]
    N = node_attrs.shape[0]
    # proj_layer: positions (N,3) -> coords (N,16)
    x = positions @ params["proj_w"].T
    # edge_attr built from ORIGINAL positions, constant across layers
    edge_attr = positions[row] - positions[col]
    # EGNN embedding_in
    h = node_attrs @ params["emb_in_w"].T + params["emb_in_b"]
    for l in range(N_LAYERS):
        p = params["layers"][l]
        # coord2radial
        coord_diff = x[row] - x[col]
        radial = jnp.sum(coord_diff ** 2, axis=1, keepdims=True)
        # edge_model
        ef = jnp.concatenate([h[row], h[col], radial, edge_attr], axis=1)
        ef = jax.nn.silu(ef @ p["edge_w1"].T + p["edge_b1"])
        ef = jax.nn.silu(ef @ p["edge_w2"].T + p["edge_b2"])
        # coord_model (coords_agg='mean')
        cm = jax.nn.silu(ef @ p["coord_w1"].T + p["coord_b1"])
        cm = cm @ p["coord_w2"].T
        trans = coord_diff * cm
        agg_sum = jax.ops.segment_sum(trans, row, num_segments=N)
        cnt = jax.ops.segment_sum(jnp.ones_like(trans), row, num_segments=N)
        x = x + agg_sum / jnp.maximum(cnt, 1.0)
        # node_model (residual)
        agg = jax.ops.segment_sum(ef, row, num_segments=N)
        nf = jnp.concatenate([h, agg], axis=1)
        nf = jax.nn.silu(nf @ p["node_w1"].T + p["node_b1"])
        nf = nf @ p["node_w2"].T + p["node_b2"]
        h = h + nf
    h = h @ params["emb_out_w"].T + params["emb_out_b"]
    # final linear on updated coords: (N,16) -> (N,3)
    pred_forces = x @ params["out_w"].T
    return pred_forces


def reference(node_attrs, positions, edge_index, params):
    return _egnn_forward(node_attrs, positions, edge_index, params)

if __name__ == "__main__":
    import jax
    _d = setup_inputs()
    print(jax.jit(kernel)(*tuple(_d.values())))

</pallas_src>

<mosaic_0001>
#map = affine_map<(d0, d1) -> (0)>
#map1 = affine_map<(d0, d1) -> (0, 0)>
module attributes {stable_mosaic.version = 14 : i64} {
  func.func @egnn_sc_scatter32(%arg0: i32, %arg1: i32, %arg2: memref<1600000xi32, #tpu.memory_space<hbm>>, %arg3: memref<1600000x32xf32, #tpu.memory_space<hbm>>, %arg4: memref<100000x32xf32, #tpu.memory_space<hbm>>, %arg5: memref<51200x32xf32, #tpu.memory_space<vmem_shared>>, %arg6: memref<128xi32, #tpu.memory_space<vmem>>, %arg7: memref<128xi32, #tpu.memory_space<vmem>>, %arg8: memref<128x32xf32, #tpu.memory_space<vmem>>, %arg9: memref<400x32xf32, #tpu.memory_space<vmem>>) attributes {dimension_semantics = [#tpu.dimension_semantics<core_parallel>, #tpu.dimension_semantics<subcore_parallel>], iteration_bounds = array<i64: 2, 16>, scalar_prefetch = 0 : i64, scratch_operands = 5 : i64, tpu.core_type = #tpu.core_type<sc_vector_subcore>, window_params = [{transform_indices = #map}, {transform_indices = #map1}, {transform_indices = #map1}]} {
    %mul3A = arith.constant 50000 : i32
    %mul3A_0 = arith.muli %arg0, %mul3A : i32
    %scan3A = arith.constant 0 : i32
    %scan3A_1 = arith.constant 400 : i32
    %scan3A_2 = arith.addi %scan3A, %scan3A_1 : i32
    %scan3A_3 = arith.constant 1 : i32
    scf.for %scan3A_68 = %scan3A to %scan3A_2 step %scan3A_3  : i32 {
      %mul3A_69 = arith.constant 1 : i32
      %mul3A_70 = arith.muli %scan3A_68, %mul3A_69 : i32
      %add3A_71 = arith.constant 0 : i32
      %add3A_72 = arith.addi %add3A_71, %mul3A_70 : i32
      %broadcast_in_dim3A = arith.constant 0.000000e+00 : f32
      %broadcast_in_dim3A_73 = vector.broadcast %broadcast_in_dim3A : f32 to vector<16xf32>
      %swap3A = arith.index_cast %add3A_72 : i32 to index
      %swap3A_74 = arith.constant 0 : index
      %swap3A_75 = tpu.vector_load %arg9[%swap3A, %swap3A_74] {strides = array<i32>} : memref<400x32xf32, #tpu.memory_space<vmem>>, vector<1x16xf32>,
      %swap3A_76 = vector.shape_cast %swap3A_75 : vector<1x16xf32> to vector<16xf32>
      %swap3A_77 = vector.shape_cast %broadcast_in_dim3A_73 : vector<16xf32> to vector<1x16xf32>
      tpu.vector_store %arg9[%swap3A, %swap3A_74], %swap3A_77 {strides = array<i32>} : memref<400x32xf32, #tpu.memory_space<vmem>>, vector<1x16xf32>,
      %broadcast_in_dim3A_78 = arith.constant 0.000000e+00 : f32
      %broadcast_in_dim3A_79 = vector.broadcast %broadcast_in_dim3A_78 : f32 to vector<16xf32>
      %swap3A_80 = arith.index_cast %add3A_72 : i32 to index
      %swap3A_81 = arith.constant 16 : index
      %swap3A_82 = tpu.vector_load %arg9[%swap3A_80, %swap3A_81] {strides = array<i32>} : memref<400x32xf32, #tpu.memory_space<vmem>>, vector<1x16xf32>,
      %swap3A_83 = vector.shape_cast %swap3A_82 : vector<1x16xf32> to vector<16xf32>
      %swap3A_84 = vector.shape_cast %broadcast_in_dim3A_79 : vector<16xf32> to vector<1x16xf32>
      tpu.vector_store %arg9[%swap3A_80, %swap3A_81], %swap3A_84 {strides = array<i32>} : memref<400x32xf32, #tpu.memory_space<vmem>>, vector<1x16xf32>,
    }
    %scan3A_4 = arith.constant 400 : i32
    %mul3A_5 = arith.constant 3200 : i32
    %mul3A_6 = arith.muli %arg1, %mul3A_5 : i32
    %scan3A_7 = arith.constant 0 : i32
    %scan3A_8 = arith.constant 8 : i32
    %scan3A_9 = arith.addi %scan3A_7, %scan3A_8 : i32
    %scan3A_10 = arith.constant 1 : i32
    scf.for %scan3A_68 = %scan3A_7 to %scan3A_9 step %scan3A_10  : i32 {
      %mul3A_69 = arith.constant 1 : i32
      %mul3A_70 = arith.muli %scan3A_68, %mul3A_69 : i32
      %add3A_71 = arith.constant 0 : i32
      %add3A_72 = arith.addi %add3A_71, %mul3A_70 : i32
      %mul3A_73 = arith.constant 400 : i32
      %mul3A_74 = arith.muli %add3A_72, %mul3A_73 : i32
      %add3A_75 = arith.addi %mul3A_6, %mul3A_74 : i32
      %multiple_of3A = tpu.assume_multiple %add3A_75, 8 : i32
      "tpu.region"() ({
        %run_scoped3A = tpu.sem_alloc : memref<!tpu.dma_semaphore, #tpu.memory_space<semaphore_mem>>
        %dma_start3A = arith.constant 0 : i32
        %dma_start3A_76 = tpu.memref_slice %arg5[%multiple_of3A, %dma_start3A] : memref<51200x32xf32, #tpu.memory_space<vmem_shared>> -> memref<400x32xf32, #tpu.memory_space<vmem_shared>>
        %dma_start3A_77 = arith.constant 0 : i32
        %dma_start3A_78 = tpu.memref_slice %arg5[%multiple_of3A, %dma_start3A_77] : memref<51200x32xf32, #tpu.memory_space<vmem_shared>> -> memref<400x32xf32, #tpu.memory_space<vmem_shared>>
        tpu.enqueue_dma source(%arg9 : memref<400x32xf32, #tpu.memory_space<vmem>>) target(%dma_start3A_78 : memref<400x32xf32, #tpu.memory_space<vmem_shared>>) target_semaphore(%run_scoped3A : memref<!tpu.dma_semaphore, #tpu.memory_space<semaphore_mem>>)
        %dma_wait3A = arith.constant 0 : i32
        %dma_wait3A_79 = tpu.memref_slice %arg5[%multiple_of3A, %dma_wait3A] : memref<51200x32xf32, #tpu.memory_space<vmem_shared>> -> memref<400x32xf32, #tpu.memory_space<vmem_shared>>
        %dma_wait3A_80 = arith.constant 0 : i32
        %dma_wait3A_81 = tpu.memref_slice %arg5[%multiple_of3A, %dma_wait3A_80] : memref<51200x32xf32, #tpu.memory_space<vmem_shared>> -> memref<400x32xf32, #tpu.memory_space<vmem_shared>>
        tpu.wait_dma2 semaphore(%run_scoped3A : memref<!tpu.dma_semaphore, #tpu.memory_space<semaphore_mem>>) src(%arg9 : memref<400x32xf32, #tpu.memory_space<vmem>>) dst(%dma_wait3A_81 : memref<400x32xf32, #tpu.memory_space<vmem_shared>>)
        tpu.yield
      }) : () -> ()
    }
    %scan3A_11 = arith.constant 8 : i32
    %barrier3A = arith.constant 0 : index
    tpu.barrier barrier_id(%barrier3A)
    %sub3A = arith.constant 12500 : i32
    %sub3A_12 = arith.subi %sub3A, %arg1 : i32
    %sub3A_13 = arith.constant 16 : i32
    %sub3A_14 = arith.constant 1 : i32
    %sub3A_15 = arith.subi %sub3A_13, %sub3A_14 : i32
    %add3A = arith.addi %sub3A_12, %sub3A_15 : i32
    %div3A = arith.constant 16 : i32
    %div3A_16 = arith.divsi %add3A, %div3A : i32
    %while3A = arith.constant 16 : i32
    %while3A_17 = arith.constant 0 : i32
    %while3A_18 = arith.subi %div3A_16, %while3A_17 : i32
    %while3A_19 = arith.addi %while3A_17, %while3A_18 : i32
    %while3A_20 = arith.constant 1 : i32
    %while3A_21 = arith.divsi %while3A_18, %while3A_20 : i32
    %while3A_22 = arith.muli %while3A_21, %while3A_20 : i32
    %while3A_23 = arith.addi %while3A_17, %while3A_22 : i32
    %while3A_24 = arith.constant 1 : i32
    scf.for %while3A_68 = %while3A_17 to %while3A_23 step %while3A_24  : i32 {
      %mul3A_69 = arith.muli %while3A_68, %while3A : i32
      %add3A_70 = arith.addi %arg1, %mul3A_69 : i32
      %mul3A_71 = arith.constant 128 : i32
      %mul3A_72 = arith.muli %add3A_70, %mul3A_71 : i32
      %multiple_of3A = tpu.assume_multiple %mul3A_72, 128 : i32
      "tpu.region"() ({
        %run_scoped3A = tpu.sem_alloc : memref<!tpu.dma_semaphore, #tpu.memory_space<semaphore_mem>>
        %dma_start3A = tpu.memref_slice %arg2[%multiple_of3A] : memref<1600000xi32, #tpu.memory_space<hbm>> -> memref<128xi32, #tpu.memory_space<hbm>>
        %dma_start3A_220 = tpu.memref_slice %arg2[%multiple_of3A] : memref<1600000xi32, #tpu.memory_space<hbm>> -> memref<128xi32, #tpu.memory_space<hbm>>
        tpu.enqueue_dma source(%dma_start3A_220 : memref<128xi32, #tpu.memory_space<hbm>>) target(%arg6 : memref<128xi32, #tpu.memory_space<vmem>>) target_semaphore(%run_scoped3A : memref<!tpu.dma_semaphore, #tpu.memory_space<semaphore_mem>>)
        %dma_wait3A = tpu.memref_slice %arg2[%multiple_of3A] : memref<1600000xi32, #tpu.memory_space<hbm>> -> memref<128xi32, #tpu.memory_space<hbm>>
        %dma_wait3A_221 = tpu.memref_slice %arg2[%multiple_of3A] : memref<1600000xi32, #tpu.memory_space<hbm>> -> memref<128xi32, #tpu.memory_space<hbm>>
        tpu.wait_dma2 semaphore(%run_scoped3A : memref<!tpu.dma_semaphore, #tpu.memory_space<semaphore_mem>>) src(%dma_wait3A_221 : memref<128xi32, #tpu.memory_space<hbm>>) dst(%arg6 : memref<128xi32, #tpu.memory_space<vmem>>)
        tpu.yield
      }) : () -> ()
      "tpu.region"() ({
        %run_scoped3A = tpu.sem_alloc : memref<!tpu.dma_semaphore, #tpu.memory_space<semaphore_mem>>
        %dma_start3A = arith.constant 0 : i32
        %dma_start3A_220 = tpu.memref_slice %arg3[%multiple_of3A, %dma_start3A] : memref<1600000x32xf32, #tpu.memory_space<hbm>> -> memref<128x32xf32, #tpu.memory_space<hbm>>
        %dma_start3A_221 = arith.constant 0 : i32
        %dma_start3A_222 = tpu.memref_slice %arg3[%multiple_of3A, %dma_start3A_221] : memref<1600000x32xf32, #tpu.memory_space<hbm>> -> memref<128x32xf32, #tpu.memory_space<hbm>>
        tpu.enqueue_dma source(%dma_start3A_222 : memref<128x32xf32, #tpu.memory_space<hbm>>) target(%arg8 : memref<128x32xf32, #tpu.memory_space<vmem>>) target_semaphore(%run_scoped3A : memref<!tpu.dma_semaphore, #tpu.memory_space<semaphore_mem>>)
        %dma_wait3A = arith.constant 0 : i32
        %dma_wait3A_223 = tpu.memref_slice %arg3[%multiple_of3A, %dma_wait3A] : memref<1600000x32xf32, #tpu.memory_space<hbm>> -> memref<128x32xf32, #tpu.memory_space<hbm>>
        %dma_wait3A_224 = arith.constant 0 : i32
        %dma_wait3A_225 = tpu.memref_slice %arg3[%multiple_of3A, %dma_wait3A_224] : memref<1600000x32xf32, #tpu.memory_space<hbm>> -> memref<128x32xf32, #tpu.memory_space<hbm>>
        tpu.wait_dma2 semaphore(%run_scoped3A : memref<!tpu.dma_semaphore, #tpu.memory_space<semaphore_mem>>) src(%dma_wait3A_225 : memref<128x32xf32, #tpu.memory_space<hbm>>) dst(%arg8 : memref<128x32xf32, #tpu.memory_space<vmem>>)
        tpu.yield
      }) : () -> ()
      %get3A = arith.constant 0 : index
      %get3A_73 = tpu.vector_load %arg6[%get3A] {strides = array<i32>} : memref<128xi32, #tpu.memory_space<vmem>>, vector<16xi32>,
      %get3A_74 = vector.shape_cast %get3A_73 : vector<16xi32> to vector<16xi32>
      %ge3A = vector.broadcast %mul3A_0 : i32 to vector<16xi32>
      %ge3A_75 = arith.cmpi sge, %get3A_74, %ge3A : vector<16xi32>
      %add3A_76 = arith.constant 50000 : i32
      %add3A_77 = arith.addi %mul3A_0, %add3A_76 : i32
      %lt3A = vector.broadcast %add3A_77 : i32 to vector<16xi32>
      %lt3A_78 = arith.cmpi slt, %get3A_74, %lt3A : vector<16xi32>
      %and3A_79 = arith.andi %ge3A_75, %lt3A_78 : vector<16xi1>
      %sub3A_80 = vector.broadcast %mul3A_0 : i32 to vector<16xi32>
      %sub3A_81 = arith.subi %get3A_74, %sub3A_80 : vector<16xi32>
      %jit3A_82 = arith.constant 50000 : i32
      %broadcast_in_dim3A = vector.broadcast %jit3A_82 : i32 to vector<16xi32>
      %select_n3A_83 = arith.select %and3A_79, %sub3A_81, %broadcast_in_dim3A : vector<16xi1>, vector<16xi32>
      %swap3A = arith.constant 0 : index
      %swap3A_84 = tpu.vector_load %arg7[%swap3A] {strides = array<i32>} : memref<128xi32, #tpu.memory_space<vmem>>, vector<16xi32>,
      %swap3A_85 = vector.shape_cast %swap3A_84 : vector<16xi32> to vector<16xi32>
      %swap3A_86 = vector.shape_cast %select_n3A_83 : vector<16xi32> to vector<16xi32>
      tpu.vector_store %arg7[%swap3A], %swap3A_86 {strides = array<i32>} : memref<128xi32, #tpu.memory_space<vmem>>, vector<16xi32>,
      %get3A_87 = arith.constant 16 : index
      %get3A_88 = tpu.vector_load %arg6[%get3A_87] {strides = array<i32>} : memref<128xi32, #tpu.memory_space<vmem>>, vector<16xi32>,
      %get3A_89 = vector.shape_cast %get3A_88 : vector<16xi32> to vector<16xi32>
      %ge3A_90 = vector.broadcast %mul3A_0 : i32 to vector<16xi32>
      %ge3A_91 = arith.cmpi sge, %get3A_89, %ge3A_90 : vector<16xi32>
      %add3A_92 = arith.constant 50000 : i32
      %add3A_93 = arith.addi %mul3A_0, %add3A_92 : i32
      %lt3A_94 = vector.broadcast %add3A_93 : i32 to vector<16xi32>
      %lt3A_95 = arith.cmpi slt, %get3A_89, %lt3A_94 : vector<16xi32>
      %and3A_96 = arith.andi %ge3A_91, %lt3A_95 : vector<16xi1>
      %sub3A_97 = vector.broadcast %mul3A_0 : i32 to vector<16xi32>
      %sub3A_98 = arith.subi %get3A_89, %sub3A_97 : vector<16xi32>
      %jit3A_99 = arith.constant 50000 : i32
      %broadcast_in_dim3A_100 = vector.broadcast %jit3A_99 : i32 to vector<16xi32>
      %select_n3A_101 = arith.select %and3A_96, %sub3A_98, %broadcast_in_dim3A_100 : vector<16xi1>, vector<16xi32>
      %swap3A_102 = arith.constant 16 : index
      %swap3A_103 = tpu.vector_load %arg7[%swap3A_102] {strides = array<i32>} : memref<128xi32, #tpu.memory_space<vmem>>, vector<16xi32>,
      %swap3A_104 = vector.shape_cast %swap3A_103 : vector<16xi32> to vector<16xi32>
      %swap3A_105 = vector.shape_cast %select_n3A_101 : vector<16xi32> to vector<16xi32>
      tpu.vector_store %arg7[%swap3A_102], %swap3A_105 {strides = array<i32>} : memref<128xi32, #tpu.memory_space<vmem>>, vector<16xi32>,
      %get3A_106 = arith.constant 32 : index
      %get3A_107 = tpu.vector_load %arg6[%get3A_106] {strides = array<i32>} : memref<128xi32, #tpu.memory_space<vmem>>, vector<16xi32>,
      %get3A_108 = vector.shape_cast %get3A_107 : vector<16xi32> to vector<16xi32>
      %ge3A_109 = vector.broadcast %mul3A_0 : i32 to vector<16xi32>
      %ge3A_110 = arith.cmpi sge, %get3A_108, %ge3A_109 : vector<16xi32>
      %add3A_111 = arith.constant 50000 : i32
      %add3A_112 = arith.addi %mul3A_0, %add3A_111 : i32
      %lt3A_113 = vector.broadcast %add3A_112 : i32 to vector<16xi32>
      %lt3A_114 = arith.cmpi slt, %get3A_108, %lt3A_113 : vector<16xi32>
      %and3A_115 = arith.andi %ge3A_110, %lt3A_114 : vector<16xi1>
      %sub3A_116 = vector.broadcast %mul3A_0 : i32 to vector<16xi32>
      %sub3A_117 = arith.subi %get3A_108, %sub3A_116 : vector<16xi32>
      %jit3A_118 = arith.constant 50000 : i32
      %broadcast_in_dim3A_119 = vector.broadcast %jit3A_118 : i32 to vector<16xi32>
      %select_n3A_120 = arith.select %and3A_115, %sub3A_117, %broadcast_in_dim3A_119 : vector<16xi1>, vector<16xi32>
      %swap3A_121 = arith.constant 32 : index
      %swap3A_122 = tpu.vector_load %arg7[%swap3A_121] {strides = array<i32>} : memref<128xi32, #tpu.memory_space<vmem>>, vector<16xi32>,
      %swap3A_123 = vector.shape_cast %swap3A_122 : vector<16xi32> to vector<16xi32>
      %swap3A_124 = vector.shape_cast %select_n3A_120 : vector<16xi32> to vector<16xi32>
      tpu.vector_store %arg7[%swap3A_121], %swap3A_124 {strides = array<i32>} : memref<128xi32, #tpu.memory_space<vmem>>, vector<16xi32>,
      %get3A_125 = arith.constant 48 : index
      %get3A_126 = tpu.vector_load %arg6[%get3A_125] {strides = array<i32>} : memref<128xi32, #tpu.memory_space<vmem>>, vector<16xi32>,
      %get3A_127 = vector.shape_cast %get3A_126 : vector<16xi32> to vector<16xi32>
      %ge3A_128 = vector.broadcast %mul3A_0 : i32 to vector<16xi32>
      %ge3A_129 = arith.cmpi sge, %get3A_127, %ge3A_128 : vector<16xi32>
      %add3A_130 = arith.constant 50000 : i32
      %add3A_131 = arith.addi %mul3A_0, %add3A_130 : i32
      %lt3A_132 = vector.broadcast %add3A_131 : i32 to vector<16xi32>
      %lt3A_133 = arith.cmpi slt, %get3A_127, %lt3A_132 : vector<16xi32>
      %and3A_134 = arith.andi %ge3A_129, %lt3A_133 : vector<16xi1>
      %sub3A_135 = vector.broadcast %mul3A_0 : i32 to vector<16xi32>
      %sub3A_136 = arith.subi %get3A_127, %sub3A_135 : vector<16xi32>
      %jit3A_137 = arith.constant 50000 : i32
      %broadcast_in_dim3A_138 = vector.broadcast %jit3A_137 : i32 to vector<16xi32>
      %select_n3A_139 = arith.select %and3A_134, %sub3A_136, %broadcast_in_dim3A_138 : vector<16xi1>, vector<16xi32>
      %swap3A_140 = arith.constant 48 : index
      %swap3A_141 = tpu.vector_load %arg7[%swap3A_140] {strides = array<i32>} : memref<128xi32, #tpu.memory_space<vmem>>, vector<16xi32>,
      %swap3A_142 = vector.shape_cast %swap3A_141 : vector<16xi32> to vector<16xi32>
      %swap3A_143 = vector.shape_cast %select_n3A_139 : vector<16xi32> to vector<16xi32>
      tpu.vector_store %arg7[%swap3A_140], %swap3A_143 {strides = array<i32>} : memref<128xi32, #tpu.memory_space<vmem>>, vector<16xi32>,
      %get3A_144 = arith.constant 64 : index
      %get3A_145 = tpu.vector_load %arg6[%get3A_144] {strides = array<i32>} : memref<128xi32, #tpu.memory_space<vmem>>, vector<16xi32>,
      %get3A_146 = vector.shape_cast %get3A_145 : vector<16xi32> to vector<16xi32>
      %ge3A_147 = vector.broadcast %mul3A_0 : i32 to vector<16xi32>
      %ge3A_148 = arith.cmpi sge, %get3A_146, %ge3A_147 : vector<16xi32>
      %add3A_149 = arith.constant 50000 : i32
      %add3A_150 = arith.addi %mul3A_0, %add3A_149 : i32
      %lt3A_151 = vector.broadcast %add3A_150 : i32 to vector<16xi32>
      %lt3A_152 = arith.cmpi slt, %get3A_146, %lt3A_151 : vector<16xi32>
      %and3A_153 = arith.andi %ge3A_148, %lt3A_152 : vector<16xi1>
      %sub3A_154 = vector.broadcast %mul3A_0 : i32 to vector<16xi32>
      %sub3A_155 = arith.subi %get3A_146, %sub3A_154 : vector<16xi32>
      %jit3A_156 = arith.constant 50000 : i32
      %broadcast_in_dim3A_157 = vector.broadcast %jit3A_156 : i32 to vector<16xi32>
      %select_n3A_158 = arith.select %and3A_153, %sub3A_155, %broadcast_in_dim3A_157 : vector<16xi1>, vector<16xi32>
      %swap3A_159 = arith.constant 64 : index
      %swap3A_160 = tpu.vector_load %arg7[%swap3A_159] {strides = array<i32>} : memref<128xi32, #tpu.memory_space<vmem>>, vector<16xi32>,
      %swap3A_161 = vector.shape_cast %swap3A_160 : vector<16xi32> to vector<16xi32>
      %swap3A_162 = vector.shape_cast %select_n3A_158 : vector<16xi32> to vector<16xi32>
      tpu.vector_store %arg7[%swap3A_159], %swap3A_162 {strides = array<i32>} : memref<128xi32, #tpu.memory_space<vmem>>, vector<16xi32>,
      %get3A_163 = arith.constant 80 : index
      %get3A_164 = tpu.vector_load %arg6[%get3A_163] {strides = array<i32>} : memref<128xi32, #tpu.memory_space<vmem>>, vector<16xi32>,
      %get3A_165 = vector.shape_cast %get3A_164 : vector<16xi32> to vector<16xi32>
      %ge3A_166 = vector.broadcast %mul3A_0 : i32 to vector<16xi32>
      %ge3A_167 = arith.cmpi sge, %get3A_165, %ge3A_166 : vector<16xi32>
      %add3A_168 = arith.constant 50000 : i32
      %add3A_169 = arith.addi %mul3A_0, %add3A_168 : i32
      %lt3A_170 = vector.broadcast %add3A_169 : i32 to vector<16xi32>
      %lt3A_171 = arith.cmpi slt, %get3A_165, %lt3A_170 : vector<16xi32>
      %and3A_172 = arith.andi %ge3A_167, %lt3A_171 : vector<16xi1>
      %sub3A_173 = vector.broadcast %mul3A_0 : i32 to vector<16xi32>
      %sub3A_174 = arith.subi %get3A_165, %sub3A_173 : vector<16xi32>
      %jit3A_175 = arith.constant 50000 : i32
      %broadcast_in_dim3A_176 = vector.broadcast %jit3A_175 : i32 to vector<16xi32>
      %select_n3A_177 = arith.select %and3A_172, %sub3A_174, %broadcast_in_dim3A_176 : vector<16xi1>, vector<16xi32>
      %swap3A_178 = arith.constant 80 : index
      %swap3A_179 = tpu.vector_load %arg7[%swap3A_178] {strides = array<i32>} : memref<128xi32, #tpu.memory_space<vmem>>, vector<16xi32>,
      %swap3A_180 = vector.shape_cast %swap3A_179 : vector<16xi32> to vector<16xi32>
      %swap3A_181 = vector.shape_cast %select_n3A_177 : vector<16xi32> to vector<16xi32>
      tpu.vector_store %arg7[%swap3A_178], %swap3A_181 {strides = array<i32>} : memref<128xi32, #tpu.memory_space<vmem>>, vector<16xi32>,
      %get3A_182 = arith.constant 96 : index
      %get3A_183 = tpu.vector_load %arg6[%get3A_182] {strides = array<i32>} : memref<128xi32, #tpu.memory_space<vmem>>, vector<16xi32>,
      %get3A_184 = vector.shape_cast %get3A_183 : vector<16xi32> to vector<16xi32>
      %ge3A_185 = vector.broadcast %mul3A_0 : i32 to vector<16xi32>
      %ge3A_186 = arith.cmpi sge, %get3A_184, %ge3A_185 : vector<16xi32>
      %add3A_187 = arith.constant 50000 : i32
      %add3A_188 = arith.addi %mul3A_0, %add3A_187 : i32
      %lt3A_189 = vector.broadcast %add3A_188 : i32 to vector<16xi32>
      %lt3A_190 = arith.cmpi slt, %get3A_184, %lt3A_189 : vector<16xi32>
      %and3A_191 = arith.andi %ge3A_186, %lt3A_190 : vector<16xi1>
      %sub3A_192 = vector.broadcast %mul3A_0 : i32 to vector<16xi32>
      %sub3A_193 = arith.subi %get3A_184, %sub3A_192 : vector<16xi32>
      %jit3A_194 = arith.constant 50000 : i32
      %broadcast_in_dim3A_195 = vector.broadcast %jit3A_194 : i32 to vector<16xi32>
      %select_n3A_196 = arith.select %and3A_191, %sub3A_193, %broadcast_in_dim3A_195 : vector<16xi1>, vector<16xi32>
      %swap3A_197 = arith.constant 96 : index
      %swap3A_198 = tpu.vector_load %arg7[%swap3A_197] {strides = array<i32>} : memref<128xi32, #tpu.memory_space<vmem>>, vector<16xi32>,
      %swap3A_199 = vector.shape_cast %swap3A_198 : vector<16xi32> to vector<16xi32>
      %swap3A_200 = vector.shape_cast %select_n3A_196 : vector<16xi32> to vector<16xi32>
      tpu.vector_store %arg7[%swap3A_197], %swap3A_200 {strides = array<i32>} : memref<128xi32, #tpu.memory_space<vmem>>, vector<16xi32>,
      %get3A_201 = arith.constant 112 : index
      %get3A_202 = tpu.vector_load %arg6[%get3A_201] {strides = array<i32>} : memref<128xi32, #tpu.memory_space<vmem>>, vector<16xi32>,
      %get3A_203 = vector.shape_cast %get3A_202 : vector<16xi32> to vector<16xi32>
      %ge3A_204 = vector.broadcast %mul3A_0 : i32 to vector<16xi32>
      %ge3A_205 = arith.cmpi sge, %get3A_203, %ge3A_204 : vector<16xi32>
      %add3A_206 = arith.constant 50000 : i32
      %add3A_207 = arith.addi %mul3A_0, %add3A_206 : i32
      %lt3A_208 = vector.broadcast %add3A_207 : i32 to vector<16xi32>
      %lt3A_209 = arith.cmpi slt, %get3A_203, %lt3A_208 : vector<16xi32>
      %and3A_210 = arith.andi %ge3A_205, %lt3A_209 : vector<16xi1>
      %sub3A_211 = vector.broadcast %mul3A_0 : i32 to vector<16xi32>
      %sub3A_212 = arith.subi %get3A_203, %sub3A_211 : vector<16xi32>
      %jit3A_213 = arith.constant 50000 : i32
      %broadcast_in_dim3A_214 = vector.broadcast %jit3A_213 : i32 to vector<16xi32>
      %select_n3A_215 = arith.select %and3A_210, %sub3A_212, %broadcast_in_dim3A_214 : vector<16xi1>, vector<16xi32>
      %swap3A_216 = arith.constant 112 : index
      %swap3A_217 = tpu.vector_load %arg7[%swap3A_216] {strides = array<i32>} : memref<128xi32, #tpu.memory_space<vmem>>, vector<16xi32>,
      %swap3A_218 = vector.shape_cast %swap3A_217 : vector<16xi32> to vector<16xi32>
      %swap3A_219 = vector.shape_cast %select_n3A_215 : vector<16xi32> to vector<16xi32>
      tpu.vector_store %arg7[%swap3A_216], %swap3A_219 {strides = array<i32>} : memref<128xi32, #tpu.memory_space<vmem>>, vector<16xi32>,
      "tpu.region"() ({
        %run_scoped3A = tpu.sem_alloc : memref<!tpu.dma_semaphore, #tpu.memory_space<semaphore_mem>>
        %dma_start3A = arith.constant 0 : i32
        %dma_start3A_220 = arith.constant 0 : i32
        %dma_start3A_221 = tpu.memref_slice %arg5[%dma_start3A, %dma_start3A_220] : memref<51200x32xf32, #tpu.memory_space<vmem_shared>> -> memref<51200x32xf32, #tpu.memory_space<vmem_shared>>
        tpu.enqueue_indirect_dma source(%arg8 : memref<128x32xf32, #tpu.memory_space<vmem>>) target(%dma_start3A_221 : memref<51200x32xf32, #tpu.memory_space<vmem_shared>>) offsets(%arg7 : memref<128xi32, #tpu.memory_space<vmem>>) semaphore(%run_scoped3A : memref<!tpu.dma_semaphore, #tpu.memory_space<semaphore_mem>>) {add = true}
        %dma_wait3A = arith.constant 0 : i32
        %dma_wait3A_222 = arith.constant 0 : i32
        %dma_wait3A_223 = tpu.memref_slice %arg5[%dma_wait3A, %dma_wait3A_222] : memref<51200x32xf32, #tpu.memory_space<vmem_shared>> -> memref<51200x32xf32, #tpu.memory_space<vmem_shared>>
        tpu.wait_indirect_dma semaphore(%run_scoped3A : memref<!tpu.dma_semaphore, #tpu.memory_space<semaphore_mem>>) src(%arg8 : memref<128x32xf32, #tpu.memory_space<vmem>>) dst(%dma_wait3A_223 : memref<51200x32xf32, #tpu.memory_space<vmem_shared>>)
        tpu.yield
      }) : () -> ()
    }
    %while3A_25 = arith.constant 1 : i32
    scf.for %while3A_68 = %while3A_23 to %while3A_19 step %while3A_25  : i32 {
      %mul3A_69 = arith.muli %while3A_68, %while3A : i32
      %add3A_70 = arith.addi %arg1, %mul3A_69 : i32
      %mul3A_71 = arith.constant 128 : i32
      %mul3A_72 = arith.muli %add3A_70, %mul3A_71 : i32
      %multiple_of3A = tpu.assume_multiple %mul3A_72, 128 : i32
      "tpu.region"() ({
        %run_scoped3A = tpu.sem_alloc : memref<!tpu.dma_semaphore, #tpu.memory_space<semaphore_mem>>
        %dma_start3A = tpu.memref_slice %arg2[%multiple_of3A] : memref<1600000xi32, #tpu.memory_space<hbm>> -> memref<128xi32, #tpu.memory_space<hbm>>
        %dma_start3A_220 = tpu.memref_slice %arg2[%multiple_of3A] : memref<1600000xi32, #tpu.memory_space<hbm>> -> memref<128xi32, #tpu.memory_space<hbm>>
        tpu.enqueue_dma source(%dma_start3A_220 : memref<128xi32, #tpu.memory_space<hbm>>) target(%arg6 : memref<128xi32, #tpu.memory_space<vmem>>) target_semaphore(%run_scoped3A : memref<!tpu.dma_semaphore, #tpu.memory_space<semaphore_mem>>)
        %dma_wait3A = tpu.memref_slice %arg2[%multiple_of3A] : memref<1600000xi32, #tpu.memory_space<hbm>> -> memref<128xi32, #tpu.memory_space<hbm>>
        %dma_wait3A_221 = tpu.memref_slice %arg2[%multiple_of3A] : memref<1600000xi32, #tpu.memory_space<hbm>> -> memref<128xi32, #tpu.memory_space<hbm>>
        tpu.wait_dma2 semaphore(%run_scoped3A : memref<!tpu.dma_semaphore, #tpu.memory_space<semaphore_mem>>) src(%dma_wait3A_221 : memref<128xi32, #tpu.memory_space<hbm>>) dst(%arg6 : memref<128xi32, #tpu.memory_space<vmem>>)
        tpu.yield
      }) : () -> ()
      "tpu.region"() ({
        %run_scoped3A = tpu.sem_alloc : memref<!tpu.dma_semaphore, #tpu.memory_space<semaphore_mem>>
        %dma_start3A = arith.constant 0 : i32
        %dma_start3A_220 = tpu.memref_slice %arg3[%multiple_of3A, %dma_start3A] : memref<1600000x32xf32, #tpu.memory_space<hbm>> -> memref<128x32xf32, #tpu.memory_space<hbm>>
        %dma_start3A_221 = arith.constant 0 : i32
        %dma_start3A_222 = tpu.memref_slice %arg3[%multiple_of3A, %dma_start3A_221] : memref<1600000x32xf32, #tpu.memory_space<hbm>> -> memref<128x32xf32, #tpu.memory_space<hbm>>
        tpu.enqueue_dma source(%dma_start3A_222 : memref<128x32xf32, #tpu.memory_space<hbm>>) target(%arg8 : memref<128x32xf32, #tpu.memory_space<vmem>>) target_semaphore(%run_scoped3A : memref<!tpu.dma_semaphore, #tpu.memory_space<semaphore_mem>>)
        %dma_wait3A = arith.constant 0 : i32
        %dma_wait3A_223 = tpu.memref_slice %arg3[%multiple_of3A, %dma_wait3A] : memref<1600000x32xf32, #tpu.memory_space<hbm>> -> memref<128x32xf32, #tpu.memory_space<hbm>>
        %dma_wait3A_224 = arith.constant 0 : i32
        %dma_wait3A_225 = tpu.memref_slice %arg3[%multiple_of3A, %dma_wait3A_224] : memref<1600000x32xf32, #tpu.memory_space<hbm>> -> memref<128x32xf32, #tpu.memory_space<hbm>>
        tpu.wait_dma2 semaphore(%run_scoped3A : memref<!tpu.dma_semaphore, #tpu.memory_space<semaphore_mem>>) src(%dma_wait3A_225 : memref<128x32xf32, #tpu.memory_space<hbm>>) dst(%arg8 : memref<128x32xf32, #tpu.memory_space<vmem>>)
        tpu.yield
      }) : () -> ()
      %get3A = arith.constant 0 : index
      %get3A_73 = tpu.vector_load %arg6[%get3A] {strides = array<i32>} : memref<128xi32, #tpu.memory_space<vmem>>, vector<16xi32>,
      %get3A_74 = vector.shape_cast %get3A_73 : vector<16xi32> to vector<16xi32>
      %ge3A = vector.broadcast %mul3A_0 : i32 to vector<16xi32>
      %ge3A_75 = arith.cmpi sge, %get3A_74, %ge3A : vector<16xi32>
      %add3A_76 = arith.constant 50000 : i32
      %add3A_77 = arith.addi %mul3A_0, %add3A_76 : i32
      %lt3A = vector.broadcast %add3A_77 : i32 to vector<16xi32>
      %lt3A_78 = arith.cmpi slt, %get3A_74, %lt3A : vector<16xi32>
      %and3A_79 = arith.andi %ge3A_75, %lt3A_78 : vector<16xi1>
      %sub3A_80 = vector.broadcast %mul3A_0 : i32 to vector<16xi32>
      %sub3A_81 = arith.subi %get3A_74, %sub3A_80 : vector<16xi32>
      %jit3A_82 = arith.constant 50000 : i32
      %broadcast_in_dim3A = vector.broadcast %jit3A_82 : i32 to vector<16xi32>
      %select_n3A_83 = arith.select %and3A_79, %sub3A_81, %broadcast_in_dim3A : vector<16xi1>, vector<16xi32>
      %swap3A = arith.constant 0 : index
      %swap3A_84 = tpu.vector_load %arg7[%swap3A] {strides = array<i32>} : memref<128xi32, #tpu.memory_space<vmem>>, vector<16xi32>,
      %swap3A_85 = vector.shape_cast %swap3A_84 : vector<16xi32> to vector<16xi32>
      %swap3A_86 = vector.shape_cast %select_n3A_83 : vector<16xi32> to vector<16xi32>
      tpu.vector_store %arg7[%swap3A], %swap3A_86 {strides = array<i32>} : memref<128xi32, #tpu.memory_space<vmem>>, vector<16xi32>,
      %get3A_87 = arith.constant 16 : index
      %get3A_88 = tpu.vector_load %arg6[%get3A_87] {strides = array<i32>} : memref<128xi32, #tpu.memory_space<vmem>>, vector<16xi32>,
      %get3A_89 = vector.shape_cast %get3A_88 : vector<16xi32> to vector<16xi32>
      %ge3A_90 = vector.broadcast %mul3A_0 : i32 to vector<16xi32>
      %ge3A_91 = arith.cmpi sge, %get3A_89, %ge3A_90 : vector<16xi32>
      %add3A_92 = arith.constant 50000 : i32
      %add3A_93 = arith.addi %mul3A_0, %add3A_92 : i32
      %lt3A_94 = vector.broadcast %add3A_93 : i32 to vector<16xi32>
      %lt3A_95 = arith.cmpi slt, %get3A_89, %lt3A_94 : vector<16xi32>
      %and3A_96 = arith.andi %ge3A_91, %lt3A_95 : vector<16xi1>
      %sub3A_97 = vector.broadcast %mul3A_0 : i32 to vector<16xi32>
      %sub3A_98 = arith.subi %get3A_89, %sub3A_97 : vector<16xi32>
      %jit3A_99 = arith.constant 50000 : i32
      %broadcast_in_dim3A_100 = vector.broadcast %jit3A_99 : i32 to vector<16xi32>
      %select_n3A_101 = arith.select %and3A_96, %sub3A_98, %broadcast_in_dim3A_100 : vector<16xi1>, vector<16xi32>
      %swap3A_102 = arith.constant 16 : index
      %swap3A_103 = tpu.vector_load %arg7[%swap3A_102] {strides = array<i32>} : memref<128xi32, #tpu.memory_space<vmem>>, vector<16xi32>,
      %swap3A_104 = vector.shape_cast %swap3A_103 : vector<16xi32> to vector<16xi32>
      %swap3A_105 = vector.shape_cast %select_n3A_101 : vector<16xi32> to vector<16xi32>
      tpu.vector_store %arg7[%swap3A_102], %swap3A_105 {strides = array<i32>} : memref<128xi32, #tpu.memory_space<vmem>>, vector<16xi32>,
      %get3A_106 = arith.constant 32 : index
      %get3A_107 = tpu.vector_load %arg6[%get3A_106] {strides = array<i32>} : memref<128xi32, #tpu.memory_space<vmem>>, vector<16xi32>,
      %get3A_108 = vector.shape_cast %get3A_107 : vector<16xi32> to vector<16xi32>
      %ge3A_109 = vector.broadcast %mul3A_0 : i32 to vector<16xi32>
      %ge3A_110 = arith.cmpi sge, %get3A_108, %ge3A_109 : vector<16xi32>
      %add3A_111 = arith.constant 50000 : i32
      %add3A_112 = arith.addi %mul3A_0, %add3A_111 : i32
      %lt3A_113 = vector.broadcast %add3A_112 : i32 to vector<16xi32>
      %lt3A_114 = arith.cmpi slt, %get3A_108, %lt3A_113 : vector<16xi32>
      %and3A_115 = arith.andi %ge3A_110, %lt3A_114 : vector<16xi1>
      %sub3A_116 = vector.broadcast %mul3A_0 : i32 to vector<16xi32>
      %sub3A_117 = arith.subi %get3A_108, %sub3A_116 : vector<16xi32>
      %jit3A_118 = arith.constant 50000 : i32
      %broadcast_in_dim3A_119 = vector.broadcast %jit3A_118 : i32 to vector<16xi32>
      %select_n3A_120 = arith.select %and3A_115, %sub3A_117, %broadcast_in_dim3A_119 : vector<16xi1>, vector<16xi32>
      %swap3A_121 = arith.constant 32 : index
      %swap3A_122 = tpu.vector_load %arg7[%swap3A_121] {strides = array<i32>} : memref<128xi32, #tpu.memory_space<vmem>>, vector<16xi32>,
      %swap3A_123 = vector.shape_cast %swap3A_122 : vector<16xi32> to vector<16xi32>
      %swap3A_124 = vector.shape_cast %select_n3A_120 : vector<16xi32> to vector<16xi32>
      tpu.vector_store %arg7[%swap3A_121], %swap3A_124 {strides = array<i32>} : memref<128xi32, #tpu.memory_space<vmem>>, vector<16xi32>,
      %get3A_125 = arith.constant 48 : index
      %get3A_126 = tpu.vector_load %arg6[%get3A_125] {strides = array<i32>} : memref<128xi32, #tpu.memory_space<vmem>>, vector<16xi32>,
      %get3A_127 = vector.shape_cast %get3A_126 : vector<16xi32> to vector<16xi32>
      %ge3A_128 = vector.broadcast %mul3A_0 : i32 to vector<16xi32>
      %ge3A_129 = arith.cmpi sge, %get3A_127, %ge3A_128 : vector<16xi32>
      %add3A_130 = arith.constant 50000 : i32
      %add3A_131 = arith.addi %mul3A_0, %add3A_130 : i32
      %lt3A_132 = vector.broadcast %add3A_131 : i32 to vector<16xi32>
      %lt3A_133 = arith.cmpi slt, %get3A_127, %lt3A_132 : vector<16xi32>
      %and3A_134 = arith.andi %ge3A_129, %lt3A_133 : vector<16xi1>
      %sub3A_135 = vector.broadcast %mul3A_0 : i32 to vector<16xi32>
      %sub3A_136 = arith.subi %get3A_127, %sub3A_135 : vector<16xi32>
      %jit3A_137 = arith.constant 50000 : i32
      %broadcast_in_dim3A_138 = vector.broadcast %jit3A_137 : i32 to vector<16xi32>
      %select_n3A_139 = arith.select %and3A_134, %sub3A_136, %broadcast_in_dim3A_138 : vector<16xi1>, vector<16xi32>
      %swap3A_140 = arith.constant 48 : index
      %swap3A_141 = tpu.vector_load %arg7[%swap3A_140] {strides = array<i32>} : memref<128xi32, #tpu.memory_space<vmem>>, vector<16xi32>,
      %swap3A_142 = vector.shape_cast %swap3A_141 : vector<16xi32> to vector<16xi32>
      %swap3A_143 = vector.shape_cast %select_n3A_139 : vector<16xi32> to vector<16xi32>
      tpu.vector_store %arg7[%swap3A_140], %swap3A_143 {strides = array<i32>} : memref<128xi32, #tpu.memory_space<vmem>>, vector<16xi32>,
      %get3A_144 = arith.constant 64 : index
      %get3A_145 = tpu.vector_load %arg6[%get3A_144] {strides = array<i32>} : memref<128xi32, #tpu.memory_space<vmem>>, vector<16xi32>,
      %get3A_146 = vector.shape_cast %get3A_145 : vector<16xi32> to vector<16xi32>
      %ge3A_147 = vector.broadcast %mul3A_0 : i32 to vector<16xi32>
      %ge3A_148 = arith.cmpi sge, %get3A_146, %ge3A_147 : vector<16xi32>
      %add3A_149 = arith.constant 50000 : i32
      %add3A_150 = arith.addi %mul3A_0, %add3A_149 : i32
      %lt3A_151 = vector.broadcast %add3A_150 : i32 to vector<16xi32>
      %lt3A_152 = arith.cmpi slt, %get3A_146, %lt3A_151 : vector<16xi32>
      %and3A_153 = arith.andi %ge3A_148, %lt3A_152 : vector<16xi1>
      %sub3A_154 = vector.broadcast %mul3A_0 : i32 to vector<16xi32>
      %sub3A_155 = arith.subi %get3A_146, %sub3A_154 : vector<16xi32>
      %jit3A_156 = arith.constant 50000 : i32
      %broadcast_in_dim3A_157 = vector.broadcast %jit3A_156 : i32 to vector<16xi32>
      %select_n3A_158 = arith.select %and3A_153, %sub3A_155, %broadcast_in_dim3A_157 : vector<16xi1>, vector<16xi32>
      %swap3A_159 = arith.constant 64 : index
      %swap3A_160 = tpu.vector_load %arg7[%swap3A_159] {strides = array<i32>} : memref<128xi32, #tpu.memory_space<vmem>>, vector<16xi32>,
      %swap3A_161 = vector.shape_cast %swap3A_160 : vector<16xi32> to vector<16xi32>
      %swap3A_162 = vector.shape_cast %select_n3A_158 : vector<16xi32> to vector<16xi32>
      tpu.vector_store %arg7[%swap3A_159], %swap3A_162 {strides = array<i32>} : memref<128xi32, #tpu.memory_space<vmem>>, vector<16xi32>,
      %get3A_163 = arith.constant 80 : index
      %get3A_164 = tpu.vector_load %arg6[%get3A_163] {strides = array<i32>} : memref<128xi32, #tpu.memory_space<vmem>>, vector<16xi32>,
      %get3A_165 = vector.shape_cast %get3A_164 : vector<16xi32> to vector<16xi32>
      %ge3A_166 = vector.broadcast %mul3A_0 : i32 to vector<16xi32>
      %ge3A_167 = arith.cmpi sge, %get3A_165, %ge3A_166 : vector<16xi32>
      %add3A_168 = arith.constant 50000 : i32
      %add3A_169 = arith.addi %mul3A_0, %add3A_168 : i32
      %lt3A_170 = vector.broadcast %add3A_169 : i32 to vector<16xi32>
      %lt3A_171 = arith.cmpi slt, %get3A_165, %lt3A_170 : vector<16xi32>
      %and3A_172 = arith.andi %ge3A_167, %lt3A_171 : vector<16xi1>
      %sub3A_173 = vector.broadcast %mul3A_0 : i32 to vector<16xi32>
      %sub3A_174 = arith.subi %get3A_165, %sub3A_173 : vector<16xi32>
      %jit3A_175 = arith.constant 50000 : i32
      %broadcast_in_dim3A_176 = vector.broadcast %jit3A_175 : i32 to vector<16xi32>
      %select_n3A_177 = arith.select %and3A_172, %sub3A_174, %broadcast_in_dim3A_176 : vector<16xi1>, vector<16xi32>
      %swap3A_178 = arith.constant 80 : index
      %swap3A_179 = tpu.vector_load %arg7[%swap3A_178] {strides = array<i32>} : memref<128xi32, #tpu.memory_space<vmem>>, vector<16xi32>,
      %swap3A_180 = vector.shape_cast %swap3A_179 : vector<16xi32> to vector<16xi32>
      %swap3A_181 = vector.shape_cast %select_n3A_177 : vector<16xi32> to vector<16xi32>
      tpu.vector_store %arg7[%swap3A_178], %swap3A_181 {strides = array<i32>} : memref<128xi32, #tpu.memory_space<vmem>>, vector<16xi32>,
      %get3A_182 = arith.constant 96 : index
      %get3A_183 = tpu.vector_load %arg6[%get3A_182] {strides = array<i32>} : memref<128xi32, #tpu.memory_space<vmem>>, vector<16xi32>,
      %get3A_184 = vector.shape_cast %get3A_183 : vector<16xi32> to vector<16xi32>
      %ge3A_185 = vector.broadcast %mul3A_0 : i32 to vector<16xi32>
      %ge3A_186 = arith.cmpi sge, %get3A_184, %ge3A_185 : vector<16xi32>
      %add3A_187 = arith.constant 50000 : i32
      %add3A_188 = arith.addi %mul3A_0, %add3A_187 : i32
      %lt3A_189 = vector.broadcast %add3A_188 : i32 to vector<16xi32>
      %lt3A_190 = arith.cmpi slt, %get3A_184, %lt3A_189 : vector<16xi32>
      %and3A_191 = arith.andi %ge3A_186, %lt3A_190 : vector<16xi1>
      %sub3A_192 = vector.broadcast %mul3A_0 : i32 to vector<16xi32>
      %sub3A_193 = arith.subi %get3A_184, %sub3A_192 : vector<16xi32>
      %jit3A_194 = arith.constant 50000 : i32
      %broadcast_in_dim3A_195 = vector.broadcast %jit3A_194 : i32 to vector<16xi32>
      %select_n3A_196 = arith.select %and3A_191, %sub3A_193, %broadcast_in_dim3A_195 : vector<16xi1>, vector<16xi32>
      %swap3A_197 = arith.constant 96 : index
      %swap3A_198 = tpu.vector_load %arg7[%swap3A_197] {strides = array<i32>} : memref<128xi32, #tpu.memory_space<vmem>>, vector<16xi32>,
      %swap3A_199 = vector.shape_cast %swap3A_198 : vector<16xi32> to vector<16xi32>
      %swap3A_200 = vector.shape_cast %select_n3A_196 : vector<16xi32> to vector<16xi32>
      tpu.vector_store %arg7[%swap3A_197], %swap3A_200 {strides = array<i32>} : memref<128xi32, #tpu.memory_space<vmem>>, vector<16xi32>,
      %get3A_201 = arith.constant 112 : index
      %get3A_202 = tpu.vector_load %arg6[%get3A_201] {strides = array<i32>} : memref<128xi32, #tpu.memory_space<vmem>>, vector<16xi32>,
      %get3A_203 = vector.shape_cast %get3A_202 : vector<16xi32> to vector<16xi32>
      %ge3A_204 = vector.broadcast %mul3A_0 : i32 to vector<16xi32>
      %ge3A_205 = arith.cmpi sge, %get3A_203, %ge3A_204 : vector<16xi32>
      %add3A_206 = arith.constant 50000 : i32
      %add3A_207 = arith.addi %mul3A_0, %add3A_206 : i32
      %lt3A_208 = vector.broadcast %add3A_207 : i32 to vector<16xi32>
      %lt3A_209 = arith.cmpi slt, %get3A_203, %lt3A_208 : vector<16xi32>
      %and3A_210 = arith.andi %ge3A_205, %lt3A_209 : vector<16xi1>
      %sub3A_211 = vector.broadcast %mul3A_0 : i32 to vector<16xi32>
      %sub3A_212 = arith.subi %get3A_203, %sub3A_211 : vector<16xi32>
      %jit3A_213 = arith.constant 50000 : i32
      %broadcast_in_dim3A_214 = vector.broadcast %jit3A_213 : i32 to vector<16xi32>
      %select_n3A_215 = arith.select %and3A_210, %sub3A_212, %broadcast_in_dim3A_214 : vector<16xi1>, vector<16xi32>
      %swap3A_216 = arith.constant 112 : index
      %swap3A_217 = tpu.vector_load %arg7[%swap3A_216] {strides = array<i32>} : memref<128xi32, #tpu.memory_space<vmem>>, vector<16xi32>,
      %swap3A_218 = vector.shape_cast %swap3A_217 : vector<16xi32> to vector<16xi32>
      %swap3A_219 = vector.shape_cast %select_n3A_215 : vector<16xi32> to vector<16xi32>
      tpu.vector_store %arg7[%swap3A_216], %swap3A_219 {strides = array<i32>} : memref<128xi32, #tpu.memory_space<vmem>>, vector<16xi32>,
      "tpu.region"() ({
        %run_scoped3A = tpu.sem_alloc : memref<!tpu.dma_semaphore, #tpu.memory_space<semaphore_mem>>
        %dma_start3A = arith.constant 0 : i32
        %dma_start3A_220 = arith.constant 0 : i32
        %dma_start3A_221 = tpu.memref_slice %arg5[%dma_start3A, %dma_start3A_220] : memref<51200x32xf32, #tpu.memory_space<vmem_shared>> -> memref<51200x32xf32, #tpu.memory_space<vmem_shared>>
        tpu.enqueue_indirect_dma source(%arg8 : memref<128x32xf32, #tpu.memory_space<vmem>>) target(%dma_start3A_221 : memref<51200x32xf32, #tpu.memory_space<vmem_shared>>) offsets(%arg7 : memref<128xi32, #tpu.memory_space<vmem>>) semaphore(%run_scoped3A : memref<!tpu.dma_semaphore, #tpu.memory_space<semaphore_mem>>) {add = true}
        %dma_wait3A = arith.constant 0 : i32
        %dma_wait3A_222 = arith.constant 0 : i32
        %dma_wait3A_223 = tpu.memref_slice %arg5[%dma_wait3A, %dma_wait3A_222] : memref<51200x32xf32, #tpu.memory_space<vmem_shared>> -> memref<51200x32xf32, #tpu.memory_space<vmem_shared>>
        tpu.wait_indirect_dma semaphore(%run_scoped3A : memref<!tpu.dma_semaphore, #tpu.memory_space<semaphore_mem>>) src(%arg8 : memref<128x32xf32, #tpu.memory_space<vmem>>) dst(%dma_wait3A_223 : memref<51200x32xf32, #tpu.memory_space<vmem_shared>>)
        tpu.yield
      }) : () -> ()
    }
    %barrier3A_26 = arith.constant 0 : index
    tpu.barrier barrier_id(%barrier3A_26)
    %sub3A_27 = arith.constant 50000 : i32
    %sub3A_28 = arith.subi %sub3A_27, %mul3A_6 : i32
    %max3A = arith.constant 0 : i32
    %max3A_29 = arith.maxsi %max3A, %sub3A_28 : i32
    %min3A = arith.constant 3200 : i32
    %min3A_30 = arith.minsi %min3A, %max3A_29 : i32
    %jit3A = arith.constant 400 : i32
    %div3A_31 = arith.divsi %min3A_30, %jit3A : i32
    %sign3A = arith.constant 0 : i32
    %sign3A_32 = arith.cmpi sgt, %min3A_30, %sign3A : i32
    %sign3A_33 = arith.extui %sign3A_32 : i1 to i32
    %sign3A_34 = arith.constant 0 : i32
    %sign3A_35 = arith.cmpi slt, %min3A_30, %sign3A_34 : i32
    %sign3A_36 = arith.extui %sign3A_35 : i1 to i32
    %sign3A_37 = arith.subi %sign3A_33, %sign3A_36 : i32
    %sign3A_38 = arith.constant 0 : i32
    %sign3A_39 = arith.cmpi sgt, %jit3A, %sign3A_38 : i32
    %sign3A_40 = arith.extui %sign3A_39 : i1 to i32
    %sign3A_41 = arith.constant 0 : i32
    %sign3A_42 = arith.cmpi slt, %jit3A, %sign3A_41 : i32
    %sign3A_43 = arith.extui %sign3A_42 : i1 to i32
    %sign3A_44 = arith.subi %sign3A_40, %sign3A_43 : i32
    %ne3A = arith.cmpi ne, %sign3A_37, %sign3A_44 : i32
    %rem3A = arith.remsi %min3A_30, %jit3A : i32
    %ne3A_45 = arith.constant 0 : i32
    %ne3A_46 = arith.cmpi ne, %rem3A, %ne3A_45 : i32
    %and3A = arith.andi %ne3A, %ne3A_46 : i1
    %sub3A_47 = arith.constant 1 : i32
    %sub3A_48 = arith.subi %div3A_31, %sub3A_47 : i32
    %select_n3A = arith.select %and3A, %sub3A_48, %div3A_31 : i32
    %sub3A_49 = arith.constant 0 : i32
    %sub3A_50 = arith.subi %select_n3A, %sub3A_49 : i32
    %sub3A_51 = arith.constant 1 : i32
    %sub3A_52 = arith.constant 1 : i32
    %sub3A_53 = arith.subi %sub3A_51, %sub3A_52 : i32
    %add3A_54 = arith.addi %sub3A_50, %sub3A_53 : i32
    %div3A_55 = arith.constant 1 : i32
    %div3A_56 = arith.divsi %add3A_54, %div3A_55 : i32
    %while3A_57 = arith.constant 1 : i32
    %while3A_58 = arith.constant 0 : i32
    %while3A_59 = arith.constant 0 : i32
    %while3A_60 = arith.subi %div3A_56, %while3A_59 : i32
    %while3A_61 = arith.addi %while3A_59, %while3A_60 : i32
    %while3A_62 = arith.constant 1 : i32
    %while3A_63 = arith.divsi %while3A_60, %while3A_62 : i32
    %while3A_64 = arith.muli %while3A_63, %while3A_62 : i32
    %while3A_65 = arith.addi %while3A_59, %while3A_64 : i32
    %while3A_66 = arith.constant 1 : i32
    scf.for %while3A_68 = %while3A_59 to %while3A_65 step %while3A_66  : i32 {
      %mul3A_69 = arith.muli %while3A_68, %while3A_57 : i32
      %add3A_70 = arith.addi %while3A_58, %mul3A_69 : i32
      %mul3A_71 = arith.constant 400 : i32
      %mul3A_72 = arith.muli %add3A_70, %mul3A_71 : i32
      %add3A_73 = arith.addi %mul3A_6, %mul3A_72 : i32
      %multiple_of3A = tpu.assume_multiple %add3A_73, 8 : i32
      "tpu.region"() ({
        %run_scoped3A = tpu.sem_alloc : memref<!tpu.dma_semaphore, #tpu.memory_space<semaphore_mem>>
        %dma_start3A = arith.constant 0 : i32
        %dma_start3A_75 = tpu.memref_slice %arg5[%multiple_of3A, %dma_start3A] : memref<51200x32xf32, #tpu.memory_space<vmem_shared>> -> memref<400x32xf32, #tpu.memory_space<vmem_shared>>
        %dma_start3A_76 = arith.constant 0 : i32
        %dma_start3A_77 = tpu.memref_slice %arg5[%multiple_of3A, %dma_start3A_76] : memref<51200x32xf32, #tpu.memory_space<vmem_shared>> -> memref<400x32xf32, #tpu.memory_space<vmem_shared>>
        tpu.enqueue_dma source(%dma_start3A_77 : memref<400x32xf32, #tpu.memory_space<vmem_shared>>) target(%arg9 : memref<400x32xf32, #tpu.memory_space<vmem>>) target_semaphore(%run_scoped3A : memref<!tpu.dma_semaphore, #tpu.memory_space<semaphore_mem>>)
        %dma_wait3A = arith.constant 0 : i32
        %dma_wait3A_78 = tpu.memref_slice %arg5[%multiple_of3A, %dma_wait3A] : memref<51200x32xf32, #tpu.memory_space<vmem_shared>> -> memref<400x32xf32, #tpu.memory_space<vmem_shared>>
        %dma_wait3A_79 = arith.constant 0 : i32
        %dma_wait3A_80 = tpu.memref_slice %arg5[%multiple_of3A, %dma_wait3A_79] : memref<51200x32xf32, #tpu.memory_space<vmem_shared>> -> memref<400x32xf32, #tpu.memory_space<vmem_shared>>
        tpu.wait_dma2 semaphore(%run_scoped3A : memref<!tpu.dma_semaphore, #tpu.memory_space<semaphore_mem>>) src(%dma_wait3A_80 : memref<400x32xf32, #tpu.memory_space<vmem_shared>>) dst(%arg9 : memref<400x32xf32, #tpu.memory_space<vmem>>)
        tpu.yield
      }) : () -> ()
      %add3A_74 = arith.addi %mul3A_0, %multiple_of3A : i32
      "tpu.region"() ({
        %run_scoped3A = tpu.sem_alloc : memref<!tpu.dma_semaphore, #tpu.memory_space<semaphore_mem>>
        %dma_start3A = arith.constant 0 : i32
        %dma_start3A_75 = tpu.memref_slice %arg4[%add3A_74, %dma_start3A] : memref<100000x32xf32, #tpu.memory_space<hbm>> -> memref<400x32xf32, #tpu.memory_space<hbm>>
        %dma_start3A_76 = arith.constant 0 : i32
        %dma_start3A_77 = tpu.memref_slice %arg4[%add3A_74, %dma_start3A_76] : memref<100000x32xf32, #tpu.memory_space<hbm>> -> memref<400x32xf32, #tpu.memory_space<hbm>>
        tpu.enqueue_dma source(%arg9 : memref<400x32xf32, #tpu.memory_space<vmem>>) target(%dma_start3A_77 : memref<400x32xf32, #tpu.memory_space<hbm>>) target_semaphore(%run_scoped3A : memref<!tpu.dma_semaphore, #tpu.memory_space<semaphore_mem>>)
        %dma_wait3A = arith.constant 0 : i32
        %dma_wait3A_78 = tpu.memref_slice %arg4[%add3A_74, %dma_wait3A] : memref<100000x32xf32, #tpu.memory_space<hbm>> -> memref<400x32xf32, #tpu.memory_space<hbm>>
        %dma_wait3A_79 = arith.constant 0 : i32
        %dma_wait3A_80 = tpu.memref_slice %arg4[%add3A_74, %dma_wait3A_79] : memref<100000x32xf32, #tpu.memory_space<hbm>> -> memref<400x32xf32, #tpu.memory_space<hbm>>
        tpu.wait_dma2 semaphore(%run_scoped3A : memref<!tpu.dma_semaphore, #tpu.memory_space<semaphore_mem>>) src(%arg9 : memref<400x32xf32, #tpu.memory_space<vmem>>) dst(%dma_wait3A_80 : memref<400x32xf32, #tpu.memory_space<hbm>>)
        tpu.yield
      }) : () -> ()
    }
    %while3A_67 = arith.constant 1 : i32
    scf.for %while3A_68 = %while3A_65 to %while3A_61 step %while3A_67  : i32 {
      %mul3A_69 = arith.muli %while3A_68, %while3A_57 : i32
      %add3A_70 = arith.addi %while3A_58, %mul3A_69 : i32
      %mul3A_71 = arith.constant 400 : i32
      %mul3A_72 = arith.muli %add3A_70, %mul3A_71 : i32
      %add3A_73 = arith.addi %mul3A_6, %mul3A_72 : i32
      %multiple_of3A = tpu.assume_multiple %add3A_73, 8 : i32
      "tpu.region"() ({
        %run_scoped3A = tpu.sem_alloc : memref<!tpu.dma_semaphore, #tpu.memory_space<semaphore_mem>>
        %dma_start3A = arith.constant 0 : i32
        %dma_start3A_75 = tpu.memref_slice %arg5[%multiple_of3A, %dma_start3A] : memref<51200x32xf32, #tpu.memory_space<vmem_shared>> -> memref<400x32xf32, #tpu.memory_space<vmem_shared>>
        %dma_start3A_76 = arith.constant 0 : i32
        %dma_start3A_77 = tpu.memref_slice %arg5[%multiple_of3A, %dma_start3A_76] : memref<51200x32xf32, #tpu.memory_space<vmem_shared>> -> memref<400x32xf32, #tpu.memory_space<vmem_shared>>
        tpu.enqueue_dma source(%dma_start3A_77 : memref<400x32xf32, #tpu.memory_space<vmem_shared>>) target(%arg9 : memref<400x32xf32, #tpu.memory_space<vmem>>) target_semaphore(%run_scoped3A : memref<!tpu.dma_semaphore, #tpu.memory_space<semaphore_mem>>)
        %dma_wait3A = arith.constant 0 : i32
        %dma_wait3A_78 = tpu.memref_slice %arg5[%multiple_of3A, %dma_wait3A] : memref<51200x32xf32, #tpu.memory_space<vmem_shared>> -> memref<400x32xf32, #tpu.memory_space<vmem_shared>>
        %dma_wait3A_79 = arith.constant 0 : i32
        %dma_wait3A_80 = tpu.memref_slice %arg5[%multiple_of3A, %dma_wait3A_79] : memref<51200x32xf32, #tpu.memory_space<vmem_shared>> -> memref<400x32xf32, #tpu.memory_space<vmem_shared>>
        tpu.wait_dma2 semaphore(%run_scoped3A : memref<!tpu.dma_semaphore, #tpu.memory_space<semaphore_mem>>) src(%dma_wait3A_80 : memref<400x32xf32, #tpu.memory_space<vmem_shared>>) dst(%arg9 : memref<400x32xf32, #tpu.memory_space<vmem>>)
        tpu.yield
      }) : () -> ()
      %add3A_74 = arith.addi %mul3A_0, %multiple_of3A : i32
      "tpu.region"() ({
        %run_scoped3A = tpu.sem_alloc : memref<!tpu.dma_semaphore, #tpu.memory_space<semaphore_mem>>
        %dma_start3A = arith.constant 0 : i32
        %dma_start3A_75 = tpu.memref_slice %arg4[%add3A_74, %dma_start3A] : memref<100000x32xf32, #tpu.memory_space<hbm>> -> memref<400x32xf32, #tpu.memory_space<hbm>>
        %dma_start3A_76 = arith.constant 0 : i32
        %dma_start3A_77 = tpu.memref_slice %arg4[%add3A_74, %dma_start3A_76] : memref<100000x32xf32, #tpu.memory_space<hbm>> -> memref<400x32xf32, #tpu.memory_space<hbm>>
        tpu.enqueue_dma source(%arg9 : memref<400x32xf32, #tpu.memory_space<vmem>>) target(%dma_start3A_77 : memref<400x32xf32, #tpu.memory_space<hbm>>) target_semaphore(%run_scoped3A : memref<!tpu.dma_semaphore, #tpu.memory_space<semaphore_mem>>)
        %dma_wait3A = arith.constant 0 : i32
        %dma_wait3A_78 = tpu.memref_slice %arg4[%add3A_74, %dma_wait3A] : memref<100000x32xf32, #tpu.memory_space<hbm>> -> memref<400x32xf32, #tpu.memory_space<hbm>>
        %dma_wait3A_79 = arith.constant 0 : i32
        %dma_wait3A_80 = tpu.memref_slice %arg4[%add3A_74, %dma_wait3A_79] : memref<100000x32xf32, #tpu.memory_space<hbm>> -> memref<400x32xf32, #tpu.memory_space<hbm>>
        tpu.wait_dma2 semaphore(%run_scoped3A : memref<!tpu.dma_semaphore, #tpu.memory_space<semaphore_mem>>) src(%arg9 : memref<400x32xf32, #tpu.memory_space<vmem>>) dst(%dma_wait3A_80 : memref<400x32xf32, #tpu.memory_space<hbm>>)
        tpu.yield
      }) : () -> ()
    }
    return
  }
}

#map = affine_map<(d0, d1) -> (0, 0)>
#map1 = affine_map<(d0, d1) -> (0)>
module attributes {stable_mosaic.version = 14 : i64} {
  func.func @egnn_sc_gather(%arg0: i32, %arg1: i32, %arg2: memref<100000x32xf32, #tpu.memory_space<hbm>>, %arg3: memref<100000x32xf32, #tpu.memory_space<hbm>>, %arg4: memref<100000x16xf32, #tpu.memory_space<hbm>>, %arg5: memref<1600000xi32, #tpu.memory_space<hbm>>, %arg6: memref<1600000xi32, #tpu.memory_space<hbm>>, %arg7: memref<1600000x32xf32, #tpu.memory_space<hbm>>, %arg8: memref<1600000x32xf32, #tpu.memory_space<hbm>>, %arg9: memref<1600000x16xf32, #tpu.memory_space<hbm>>, %arg10: memref<1600000x16xf32, #tpu.memory_space<hbm>>, %arg11: memref<128xi32, #tpu.memory_space<vmem>>, %arg12: memref<128xi32, #tpu.memory_space<vmem>>, %arg13: memref<128x32xf32, #tpu.memory_space<vmem>>, %arg14: memref<128x32xf32, #tpu.memory_space<vmem>>, %arg15: memref<128x16xf32, #tpu.memory_space<vmem>>, %arg16: memref<128x16xf32, #tpu.memory_space<vmem>>, %arg17: memref<!tpu.dma_semaphore, #tpu.memory_space<semaphore_mem>>, %arg18: memref<!tpu.dma_semaphore, #tpu.memory_space<semaphore_mem>>) attributes {dimension_semantics = [#tpu.dimension_semantics<core_parallel>, #tpu.dimension_semantics<subcore_parallel>], iteration_bounds = array<i64: 2, 16>, scalar_prefetch = 0 : i64, scratch_operands = 8 : i64, tpu.core_type = #tpu.core_type<sc_vector_subcore>, window_params = [{transform_indices = #map}, {transform_indices = #map}, {transform_indices = #map}, {transform_indices = #map1}, {transform_indices = #map1}, {transform_indices = #map}, {transform_indices = #map}, {transform_indices = #map}, {transform_indices = #map}]} {
    %mul3A = arith.constant 2 : i32
    %mul3A_0 = arith.muli %arg1, %mul3A : i32
    %add3A = arith.addi %mul3A_0, %arg0 : i32
    %sub3A = arith.constant 12500 : i32
    %sub3A_1 = arith.subi %sub3A, %add3A : i32
    %sub3A_2 = arith.constant 32 : i32
    %sub3A_3 = arith.constant 1 : i32
    %sub3A_4 = arith.subi %sub3A_2, %sub3A_3 : i32
    %add3A_5 = arith.addi %sub3A_1, %sub3A_4 : i32
    %div3A = arith.constant 32 : i32
    %div3A_6 = arith.divsi %add3A_5, %div3A : i32
    %while3A = arith.constant 32 : i32
    %while3A_7 = arith.constant 0 : i32
    %while3A_8 = arith.subi %div3A_6, %while3A_7 : i32
    %while3A_9 = arith.addi %while3A_7, %while3A_8 : i32
    %while3A_10 = arith.constant 1 : i32
    %while3A_11 = arith.divsi %while3A_8, %while3A_10 : i32
    %while3A_12 = arith.muli %while3A_11, %while3A_10 : i32
    %while3A_13 = arith.addi %while3A_7, %while3A_12 : i32
    %while3A_14 = arith.constant 1 : i32
    scf.for %while3A_16 = %while3A_7 to %while3A_13 step %while3A_14  : i32 {
      %mul3A_17 = arith.muli %while3A_16, %while3A : i32
      %add3A_18 = arith.addi %add3A, %mul3A_17 : i32
      %mul3A_19 = arith.constant 128 : i32
      %mul3A_20 = arith.muli %add3A_18, %mul3A_19 : i32
      %multiple_of3A = tpu.assume_multiple %mul3A_20, 128 : i32
      "tpu.region"() ({
        %run_scoped3A = tpu.sem_alloc : memref<!tpu.dma_semaphore, #tpu.memory_space<semaphore_mem>>
        %dma_start3A_75 = tpu.memref_slice %arg5[%multiple_of3A] : memref<1600000xi32, #tpu.memory_space<hbm>> -> memref<128xi32, #tpu.memory_space<hbm>>
        %dma_start3A_76 = tpu.memref_slice %arg5[%multiple_of3A] : memref<1600000xi32, #tpu.memory_space<hbm>> -> memref<128xi32, #tpu.memory_space<hbm>>
        tpu.enqueue_dma source(%dma_start3A_76 : memref<128xi32, #tpu.memory_space<hbm>>) target(%arg11 : memref<128xi32, #tpu.memory_space<vmem>>) target_semaphore(%run_scoped3A : memref<!tpu.dma_semaphore, #tpu.memory_space<semaphore_mem>>)
        %dma_wait3A_77 = tpu.memref_slice %arg5[%multiple_of3A] : memref<1600000xi32, #tpu.memory_space<hbm>> -> memref<128xi32, #tpu.memory_space<hbm>>
        %dma_wait3A_78 = tpu.memref_slice %arg5[%multiple_of3A] : memref<1600000xi32, #tpu.memory_space<hbm>> -> memref<128xi32, #tpu.memory_space<hbm>>
        tpu.wait_dma2 semaphore(%run_scoped3A : memref<!tpu.dma_semaphore, #tpu.memory_space<semaphore_mem>>) src(%dma_wait3A_78 : memref<128xi32, #tpu.memory_space<hbm>>) dst(%arg11 : memref<128xi32, #tpu.memory_space<vmem>>)
        tpu.yield
      }) : () -> ()
      "tpu.region"() ({
        %run_scoped3A = tpu.sem_alloc : memref<!tpu.dma_semaphore, #tpu.memory_space<semaphore_mem>>
        %dma_start3A_75 = tpu.memref_slice %arg6[%multiple_of3A] : memref<1600000xi32, #tpu.memory_space<hbm>> -> memref<128xi32, #tpu.memory_space<hbm>>
        %dma_start3A_76 = tpu.memref_slice %arg6[%multiple_of3A] : memref<1600000xi32, #tpu.memory_space<hbm>> -> memref<128xi32, #tpu.memory_space<hbm>>
        tpu.enqueue_dma source(%dma_start3A_76 : memref<128xi32, #tpu.memory_space<hbm>>) target(%arg12 : memref<128xi32, #tpu.memory_space<vmem>>) target_semaphore(%run_scoped3A : memref<!tpu.dma_semaphore, #tpu.memory_space<semaphore_mem>>)
        %dma_wait3A_77 = tpu.memref_slice %arg6[%multiple_of3A] : memref<1600000xi32, #tpu.memory_space<hbm>> -> memref<128xi32, #tpu.memory_space<hbm>>
        %dma_wait3A_78 = tpu.memref_slice %arg6[%multiple_of3A] : memref<1600000xi32, #tpu.memory_space<hbm>> -> memref<128xi32, #tpu.memory_space<hbm>>
        tpu.wait_dma2 semaphore(%run_scoped3A : memref<!tpu.dma_semaphore, #tpu.memory_space<semaphore_mem>>) src(%dma_wait3A_78 : memref<128xi32, #tpu.memory_space<hbm>>) dst(%arg12 : memref<128xi32, #tpu.memory_space<vmem>>)
        tpu.yield
      }) : () -> ()
      %dma_start3A = arith.constant 0 : i32
      %dma_start3A_21 = arith.constant 0 : i32
      %dma_start3A_22 = tpu.memref_slice %arg2[%dma_start3A, %dma_start3A_21] : memref<100000x32xf32, #tpu.memory_space<hbm>> -> memref<100000x32xf32, #tpu.memory_space<hbm>>
      tpu.enqueue_indirect_dma source(%dma_start3A_22 : memref<100000x32xf32, #tpu.memory_space<hbm>>) target(%arg13 : memref<128x32xf32, #tpu.memory_space<vmem>>) offsets(%arg11 : memref<128xi32, #tpu.memory_space<vmem>>) semaphore(%arg17 : memref<!tpu.dma_semaphore, #tpu.memory_space<semaphore_mem>>)
      %dma_start3A_23 = arith.constant 0 : i32
      %dma_start3A_24 = arith.constant 0 : i32
      %dma_start3A_25 = tpu.memref_slice %arg3[%dma_start3A_23, %dma_start3A_24] : memref<100000x32xf32, #tpu.memory_space<hbm>> -> memref<100000x32xf32, #tpu.memory_space<hbm>>
      tpu.enqueue_indirect_dma source(%dma_start3A_25 : memref<100000x32xf32, #tpu.memory_space<hbm>>) target(%arg14 : memref<128x32xf32, #tpu.memory_space<vmem>>) offsets(%arg12 : memref<128xi32, #tpu.memory_space<vmem>>) semaphore(%arg17 : memref<!tpu.dma_semaphore, #tpu.memory_space<semaphore_mem>>)
      %dma_start3A_26 = arith.constant 0 : i32
      %dma_start3A_27 = arith.constant 0 : i32
      %dma_start3A_28 = tpu.memref_slice %arg4[%dma_start3A_26, %dma_start3A_27] : memref<100000x16xf32, #tpu.memory_space<hbm>> -> memref<100000x16xf32, #tpu.memory_space<hbm>>
      tpu.enqueue_indirect_dma source(%dma_start3A_28 : memref<100000x16xf32, #tpu.memory_space<hbm>>) target(%arg15 : memref<128x16xf32, #tpu.memory_space<vmem>>) offsets(%arg11 : memref<128xi32, #tpu.memory_space<vmem>>) semaphore(%arg17 : memref<!tpu.dma_semaphore, #tpu.memory_space<semaphore_mem>>)
      %dma_start3A_29 = arith.constant 0 : i32
      %dma_start3A_30 = arith.constant 0 : i32
      %dma_start3A_31 = tpu.memref_slice %arg4[%dma_start3A_29, %dma_start3A_30] : memref<100000x16xf32, #tpu.memory_space<hbm>> -> memref<100000x16xf32, #tpu.memory_space<hbm>>
      tpu.enqueue_indirect_dma source(%dma_start3A_31 : memref<100000x16xf32, #tpu.memory_space<hbm>>) target(%arg16 : memref<128x16xf32, #tpu.memory_space<vmem>>) offsets(%arg12 : memref<128xi32, #tpu.memory_space<vmem>>) semaphore(%arg17 : memref<!tpu.dma_semaphore, #tpu.memory_space<semaphore_mem>>)
      %dma_wait3A = arith.constant 0 : i32
      %dma_wait3A_32 = arith.constant 0 : i32
      %dma_wait3A_33 = tpu.memref_slice %arg2[%dma_wait3A, %dma_wait3A_32] : memref<100000x32xf32, #tpu.memory_space<hbm>> -> memref<100000x32xf32, #tpu.memory_space<hbm>>
      tpu.wait_indirect_dma semaphore(%arg17 : memref<!tpu.dma_semaphore, #tpu.memory_space<semaphore_mem>>) src(%dma_wait3A_33 : memref<100000x32xf32, #tpu.memory_space<hbm>>) dst(%arg13 : memref<128x32xf32, #tpu.memory_space<vmem>>)
      %dma_wait3A_34 = arith.constant 0 : i32
      %dma_wait3A_35 = arith.constant 0 : i32
      %dma_wait3A_36 = tpu.memref_slice %arg3[%dma_wait3A_34, %dma_wait3A_35] : memref<100000x32xf32, #tpu.memory_space<hbm>> -> memref<100000x32xf32, #tpu.memory_space<hbm>>
      tpu.wait_indirect_dma semaphore(%arg17 : memref<!tpu.dma_semaphore, #tpu.memory_space<semaphore_mem>>) src(%dma_wait3A_36 : memref<100000x32xf32, #tpu.memory_space<hbm>>) dst(%arg14 : memref<128x32xf32, #tpu.memory_space<vmem>>)
      %dma_wait3A_37 = arith.constant 0 : i32
      %dma_wait3A_38 = arith.constant 0 : i32
      %dma_wait3A_39 = tpu.memref_slice %arg4[%dma_wait3A_37, %dma_wait3A_38] : memref<100000x16xf32, #tpu.memory_space<hbm>> -> memref<100000x16xf32, #tpu.memory_space<hbm>>
      tpu.wait_indirect_dma semaphore(%arg17 : memref<!tpu.dma_semaphore, #tpu.memory_space<semaphore_mem>>) src(%dma_wait3A_39 : memref<100000x16xf32, #tpu.memory_space<hbm>>) dst(%arg15 : memref<128x16xf32, #tpu.memory_space<vmem>>)
      %dma_wait3A_40 = arith.constant 0 : i32
      %dma_wait3A_41 = arith.constant 0 : i32
      %dma_wait3A_42 = tpu.memref_slice %arg4[%dma_wait3A_40, %dma_wait3A_41] : memref<100000x16xf32, #tpu.memory_space<hbm>> -> memref<100000x16xf32, #tpu.memory_space<hbm>>
      tpu.wait_indirect_dma semaphore(%arg17 : memref<!tpu.dma_semaphore, #tpu.memory_space<semaphore_mem>>) src(%dma_wait3A_42 : memref<100000x16xf32, #tpu.memory_space<hbm>>) dst(%arg16 : memref<128x16xf32, #tpu.memory_space<vmem>>)
      %dma_start3A_43 = arith.constant 0 : i32
      %dma_start3A_44 = tpu.memref_slice %arg7[%multiple_of3A, %dma_start3A_43] : memref<1600000x32xf32, #tpu.memory_space<hbm>> -> memref<128x32xf32, #tpu.memory_space<hbm>>
      %dma_start3A_45 = arith.constant 0 : i32
      %dma_start3A_46 = tpu.memref_slice %arg7[%multiple_of3A, %dma_start3A_45] : memref<1600000x32xf32, #tpu.memory_space<hbm>> -> memref<128x32xf32, #tpu.memory_space<hbm>>
      tpu.enqueue_dma source(%arg13 : memref<128x32xf32, #tpu.memory_space<vmem>>) target(%dma_start3A_46 : memref<128x32xf32, #tpu.memory_space<hbm>>) target_semaphore(%arg18 : memref<!tpu.dma_semaphore, #tpu.memory_space<semaphore_mem>>)
      %dma_start3A_47 = arith.constant 0 : i32
      %dma_start3A_48 = tpu.memref_slice %arg8[%multiple_of3A, %dma_start3A_47] : memref<1600000x32xf32, #tpu.memory_space<hbm>> -> memref<128x32xf32, #tpu.memory_space<hbm>>
      %dma_start3A_49 = arith.constant 0 : i32
      %dma_start3A_50 = tpu.memref_slice %arg8[%multiple_of3A, %dma_start3A_49] : memref<1600000x32xf32, #tpu.memory_space<hbm>> -> memref<128x32xf32, #tpu.memory_space<hbm>>
      tpu.enqueue_dma source(%arg14 : memref<128x32xf32, #tpu.memory_space<vmem>>) target(%dma_start3A_50 : memref<128x32xf32, #tpu.memory_space<hbm>>) target_semaphore(%arg18 : memref<!tpu.dma_semaphore, #tpu.memory_space<semaphore_mem>>)
      %dma_start3A_51 = arith.constant 0 : i32
      %dma_start3A_52 = tpu.memref_slice %arg9[%multiple_of3A, %dma_start3A_51] : memref<1600000x16xf32, #tpu.memory_space<hbm>> -> memref<128x16xf32, #tpu.memory_space<hbm>>
      %dma_start3A_53 = arith.constant 0 : i32
      %dma_start3A_54 = tpu.memref_slice %arg9[%multiple_of3A, %dma_start3A_53] : memref<1600000x16xf32, #tpu.memory_space<hbm>> -> memref<128x16xf32, #tpu.memory_space<hbm>>
      tpu.enqueue_dma source(%arg15 : memref<128x16xf32, #tpu.memory_space<vmem>>) target(%dma_start3A_54 : memref<128x16xf32, #tpu.memory_space<hbm>>) target_semaphore(%arg18 : memref<!tpu.dma_semaphore, #tpu.memory_space<semaphore_mem>>)
      %dma_start3A_55 = arith.constant 0 : i32
      %dma_start3A_56 = tpu.memref_slice %arg10[%multiple_of3A, %dma_start3A_55] : memref<1600000x16xf32, #tpu.memory_space<hbm>> -> memref<128x16xf32, #tpu.memory_space<hbm>>
      %dma_start3A_57 = arith.constant 0 : i32
      %dma_start3A_58 = tpu.memref_slice %arg10[%multiple_of3A, %dma_start3A_57] : memref<1600000x16xf32, #tpu.memory_space<hbm>> -> memref<128x16xf32, #tpu.memory_space<hbm>>
      tpu.enqueue_dma source(%arg16 : memref<128x16xf32, #tpu.memory_space<vmem>>) target(%dma_start3A_58 : memref<128x16xf32, #tpu.memory_space<hbm>>) target_semaphore(%arg18 : memref<!tpu.dma_semaphore, #tpu.memory_space<semaphore_mem>>)
      %dma_wait3A_59 = arith.constant 0 : i32
      %dma_wait3A_60 = tpu.memref_slice %arg7[%multiple_of3A, %dma_wait3A_59] : memref<1600000x32xf32, #tpu.memory_space<hbm>> -> memref<128x32xf32, #tpu.memory_space<hbm>>
      %dma_wait3A_61 = arith.constant 0 : i32
      %dma_wait3A_62 = tpu.memref_slice %arg7[%multiple_of3A, %dma_wait3A_61] : memref<1600000x32xf32, #tpu.memory_space<hbm>> -> memref<128x32xf32, #tpu.memory_space<hbm>>
      tpu.wait_dma2 semaphore(%arg18 : memref<!tpu.dma_semaphore, #tpu.memory_space<semaphore_mem>>) src(%arg13 : memref<128x32xf32, #tpu.memory_space<vmem>>) dst(%dma_wait3A_62 : memref<128x32xf32, #tpu.memory_space<hbm>>)
      %dma_wait3A_63 = arith.constant 0 : i32
      %dma_wait3A_64 = tpu.memref_slice %arg8[%multiple_of3A, %dma_wait3A_63] : memref<1600000x32xf32, #tpu.memory_space<hbm>> -> memref<128x32xf32, #tpu.memory_space<hbm>>
      %dma_wait3A_65 = arith.constant 0 : i32
      %dma_wait3A_66 = tpu.memref_slice %arg8[%multiple_of3A, %dma_wait3A_65] : memref<1600000x32xf32, #tpu.memory_space<hbm>> -> memref<128x32xf32, #tpu.memory_space<hbm>>
      tpu.wait_dma2 semaphore(%arg18 : memref<!tpu.dma_semaphore, #tpu.memory_space<semaphore_mem>>) src(%arg14 : memref<128x32xf32, #tpu.memory_space<vmem>>) dst(%dma_wait3A_66 : memref<128x32xf32, #tpu.memory_space<hbm>>)
      %dma_wait3A_67 = arith.constant 0 : i32
      %dma_wait3A_68 = tpu.memref_slice %arg9[%multiple_of3A, %dma_wait3A_67] : memref<1600000x16xf32, #tpu.memory_space<hbm>> -> memref<128x16xf32, #tpu.memory_space<hbm>>
      %dma_wait3A_69 = arith.constant 0 : i32
      %dma_wait3A_70 = tpu.memref_slice %arg9[%multiple_of3A, %dma_wait3A_69] : memref<1600000x16xf32, #tpu.memory_space<hbm>> -> memref<128x16xf32, #tpu.memory_space<hbm>>
      tpu.wait_dma2 semaphore(%arg18 : memref<!tpu.dma_semaphore, #tpu.memory_space<semaphore_mem>>) src(%arg15 : memref<128x16xf32, #tpu.memory_space<vmem>>) dst(%dma_wait3A_70 : memref<128x16xf32, #tpu.memory_space<hbm>>)
      %dma_wait3A_71 = arith.constant 0 : i32
      %dma_wait3A_72 = tpu.memref_slice %arg10[%multiple_of3A, %dma_wait3A_71] : memref<1600000x16xf32, #tpu.memory_space<hbm>> -> memref<128x16xf32, #tpu.memory_space<hbm>>
      %dma_wait3A_73 = arith.constant 0 : i32
      %dma_wait3A_74 = tpu.memref_slice %arg10[%multiple_of3A, %dma_wait3A_73] : memref<1600000x16xf32, #tpu.memory_space<hbm>> -> memref<128x16xf32, #tpu.memory_space<hbm>>
      tpu.wait_dma2 semaphore(%arg18 : memref<!tpu.dma_semaphore, #tpu.memory_space<semaphore_mem>>) src(%arg16 : memref<128x16xf32, #tpu.memory_space<vmem>>) dst(%dma_wait3A_74 : memref<128x16xf32, #tpu.memory_space<hbm>>)
    }
    %while3A_15 = arith.constant 1 : i32
    scf.for %while3A_16 = %while3A_13 to %while3A_9 step %while3A_15  : i32 {
      %mul3A_17 = arith.muli %while3A_16, %while3A : i32
      %add3A_18 = arith.addi %add3A, %mul3A_17 : i32
      %mul3A_19 = arith.constant 128 : i32
      %mul3A_20 = arith.muli %add3A_18, %mul3A_19 : i32
      %multiple_of3A = tpu.assume_multiple %mul3A_20, 128 : i32
      "tpu.region"() ({
        %run_scoped3A = tpu.sem_alloc : memref<!tpu.dma_semaphore, #tpu.memory_space<semaphore_mem>>
        %dma_start3A_75 = tpu.memref_slice %arg5[%multiple_of3A] : memref<1600000xi32, #tpu.memory_space<hbm>> -> memref<128xi32, #tpu.memory_space<hbm>>
        %dma_start3A_76 = tpu.memref_slice %arg5[%multiple_of3A] : memref<1600000xi32, #tpu.memory_space<hbm>> -> memref<128xi32, #tpu.memory_space<hbm>>
        tpu.enqueue_dma source(%dma_start3A_76 : memref<128xi32, #tpu.memory_space<hbm>>) target(%arg11 : memref<128xi32, #tpu.memory_space<vmem>>) target_semaphore(%run_scoped3A : memref<!tpu.dma_semaphore, #tpu.memory_space<semaphore_mem>>)
        %dma_wait3A_77 = tpu.memref_slice %arg5[%multiple_of3A] : memref<1600000xi32, #tpu.memory_space<hbm>> -> memref<128xi32, #tpu.memory_space<hbm>>
        %dma_wait3A_78 = tpu.memref_slice %arg5[%multiple_of3A] : memref<1600000xi32, #tpu.memory_space<hbm>> -> memref<128xi32, #tpu.memory_space<hbm>>
        tpu.wait_dma2 semaphore(%run_scoped3A : memref<!tpu.dma_semaphore, #tpu.memory_space<semaphore_mem>>) src(%dma_wait3A_78 : memref<128xi32, #tpu.memory_space<hbm>>) dst(%arg11 : memref<128xi32, #tpu.memory_space<vmem>>)
        tpu.yield
      }) : () -> ()
      "tpu.region"() ({
        %run_scoped3A = tpu.sem_alloc : memref<!tpu.dma_semaphore, #tpu.memory_space<semaphore_mem>>
        %dma_start3A_75 = tpu.memref_slice %arg6[%multiple_of3A] : memref<1600000xi32, #tpu.memory_space<hbm>> -> memref<128xi32, #tpu.memory_space<hbm>>
        %dma_start3A_76 = tpu.memref_slice %arg6[%multiple_of3A] : memref<1600000xi32, #tpu.memory_space<hbm>> -> memref<128xi32, #tpu.memory_space<hbm>>
        tpu.enqueue_dma source(%dma_start3A_76 : memref<128xi32, #tpu.memory_space<hbm>>) target(%arg12 : memref<128xi32, #tpu.memory_space<vmem>>) target_semaphore(%run_scoped3A : memref<!tpu.dma_semaphore, #tpu.memory_space<semaphore_mem>>)
        %dma_wait3A_77 = tpu.memref_slice %arg6[%multiple_of3A] : memref<1600000xi32, #tpu.memory_space<hbm>> -> memref<128xi32, #tpu.memory_space<hbm>>
        %dma_wait3A_78 = tpu.memref_slice %arg6[%multiple_of3A] : memref<1600000xi32, #tpu.memory_space<hbm>> -> memref<128xi32, #tpu.memory_space<hbm>>
        tpu.wait_dma2 semaphore(%run_scoped3A : memref<!tpu.dma_semaphore, #tpu.memory_space<semaphore_mem>>) src(%dma_wait3A_78 : memref<128xi32, #tpu.memory_space<hbm>>) dst(%arg12 : memref<128xi32, #tpu.memory_space<vmem>>)
        tpu.yield
      }) : () -> ()
      %dma_start3A = arith.constant 0 : i32
      %dma_start3A_21 = arith.constant 0 : i32
      %dma_start3A_22 = tpu.memref_slice %arg2[%dma_start3A, %dma_start3A_21] : memref<100000x32xf32, #tpu.memory_space<hbm>> -> memref<100000x32xf32, #tpu.memory_space<hbm>>
      tpu.enqueue_indirect_dma source(%dma_start3A_22 : memref<100000x32xf32, #tpu.memory_space<hbm>>) target(%arg13 : memref<128x32xf32, #tpu.memory_space<vmem>>) offsets(%arg11 : memref<128xi32, #tpu.memory_space<vmem>>) semaphore(%arg17 : memref<!tpu.dma_semaphore, #tpu.memory_space<semaphore_mem>>)
      %dma_start3A_23 = arith.constant 0 : i32
      %dma_start3A_24 = arith.constant 0 : i32
      %dma_start3A_25 = tpu.memref_slice %arg3[%dma_start3A_23, %dma_start3A_24] : memref<100000x32xf32, #tpu.memory_space<hbm>> -> memref<100000x32xf32, #tpu.memory_space<hbm>>
      tpu.enqueue_indirect_dma source(%dma_start3A_25 : memref<100000x32xf32, #tpu.memory_space<hbm>>) target(%arg14 : memref<128x32xf32, #tpu.memory_space<vmem>>) offsets(%arg12 : memref<128xi32, #tpu.memory_space<vmem>>) semaphore(%arg17 : memref<!tpu.dma_semaphore, #tpu.memory_space<semaphore_mem>>)
      %dma_start3A_26 = arith.constant 0 : i32
      %dma_start3A_27 = arith.constant 0 : i32
      %dma_start3A_28 = tpu.memref_slice %arg4[%dma_start3A_26, %dma_start3A_27] : memref<100000x16xf32, #tpu.memory_space<hbm>> -> memref<100000x16xf32, #tpu.memory_space<hbm>>
      tpu.enqueue_indirect_dma source(%dma_start3A_28 : memref<100000x16xf32, #tpu.memory_space<hbm>>) target(%arg15 : memref<128x16xf32, #tpu.memory_space<vmem>>) offsets(%arg11 : memref<128xi32, #tpu.memory_space<vmem>>) semaphore(%arg17 : memref<!tpu.dma_semaphore, #tpu.memory_space<semaphore_mem>>)
      %dma_start3A_29 = arith.constant 0 : i32
      %dma_start3A_30 = arith.constant 0 : i32
      %dma_start3A_31 = tpu.memref_slice %arg4[%dma_start3A_29, %dma_start3A_30] : memref<100000x16xf32, #tpu.memory_space<hbm>> -> memref<100000x16xf32, #tpu.memory_space<hbm>>
      tpu.enqueue_indirect_dma source(%dma_start3A_31 : memref<100000x16xf32, #tpu.memory_space<hbm>>) target(%arg16 : memref<128x16xf32, #tpu.memory_space<vmem>>) offsets(%arg12 : memref<128xi32, #tpu.memory_space<vmem>>) semaphore(%arg17 : memref<!tpu.dma_semaphore, #tpu.memory_space<semaphore_mem>>)
      %dma_wait3A = arith.constant 0 : i32
      %dma_wait3A_32 = arith.constant 0 : i32
      %dma_wait3A_33 = tpu.memref_slice %arg2[%dma_wait3A, %dma_wait3A_32] : memref<100000x32xf32, #tpu.memory_space<hbm>> -> memref<100000x32xf32, #tpu.memory_space<hbm>>
      tpu.wait_indirect_dma semaphore(%arg17 : memref<!tpu.dma_semaphore, #tpu.memory_space<semaphore_mem>>) src(%dma_wait3A_33 : memref<100000x32xf32, #tpu.memory_space<hbm>>) dst(%arg13 : memref<128x32xf32, #tpu.memory_space<vmem>>)
      %dma_wait3A_34 = arith.constant 0 : i32
      %dma_wait3A_35 = arith.constant 0 : i32
      %dma_wait3A_36 = tpu.memref_slice %arg3[%dma_wait3A_34, %dma_wait3A_35] : memref<100000x32xf32, #tpu.memory_space<hbm>> -> memref<100000x32xf32, #tpu.memory_space<hbm>>
      tpu.wait_indirect_dma semaphore(%arg17 : memref<!tpu.dma_semaphore, #tpu.memory_space<semaphore_mem>>) src(%dma_wait3A_36 : memref<100000x32xf32, #tpu.memory_space<hbm>>) dst(%arg14 : memref<128x32xf32, #tpu.memory_space<vmem>>)
      %dma_wait3A_37 = arith.constant 0 : i32
      %dma_wait3A_38 = arith.constant 0 : i32
      %dma_wait3A_39 = tpu.memref_slice %arg4[%dma_wait3A_37, %dma_wait3A_38] : memref<100000x16xf32, #tpu.memory_space<hbm>> -> memref<100000x16xf32, #tpu.memory_space<hbm>>
      tpu.wait_indirect_dma semaphore(%arg17 : memref<!tpu.dma_semaphore, #tpu.memory_space<semaphore_mem>>) src(%dma_wait3A_39 : memref<100000x16xf32, #tpu.memory_space<hbm>>) dst(%arg15 : memref<128x16xf32, #tpu.memory_space<vmem>>)
      %dma_wait3A_40 = arith.constant 0 : i32
      %dma_wait3A_41 = arith.constant 0 : i32
      %dma_wait3A_42 = tpu.memref_slice %arg4[%dma_wait3A_40, %dma_wait3A_41] : memref<100000x16xf32, #tpu.memory_space<hbm>> -> memref<100000x16xf32, #tpu.memory_space<hbm>>
      tpu.wait_indirect_dma semaphore(%arg17 : memref<!tpu.dma_semaphore, #tpu.memory_space<semaphore_mem>>) src(%dma_wait3A_42 : memref<100000x16xf32, #tpu.memory_space<hbm>>) dst(%arg16 : memref<128x16xf32, #tpu.memory_space<vmem>>)
      %dma_start3A_43 = arith.constant 0 : i32
      %dma_start3A_44 = tpu.memref_slice %arg7[%multiple_of3A, %dma_start3A_43] : memref<1600000x32xf32, #tpu.memory_space<hbm>> -> memref<128x32xf32, #tpu.memory_space<hbm>>
      %dma_start3A_45 = arith.constant 0 : i32
      %dma_start3A_46 = tpu.memref_slice %arg7[%multiple_of3A, %dma_start3A_45] : memref<1600000x32xf32, #tpu.memory_space<hbm>> -> memref<128x32xf32, #tpu.memory_space<hbm>>
      tpu.enqueue_dma source(%arg13 : memref<128x32xf32, #tpu.memory_space<vmem>>) target(%dma_start3A_46 : memref<128x32xf32, #tpu.memory_space<hbm>>) target_semaphore(%arg18 : memref<!tpu.dma_semaphore, #tpu.memory_space<semaphore_mem>>)
      %dma_start3A_47 = arith.constant 0 : i32
      %dma_start3A_48 = tpu.memref_slice %arg8[%multiple_of3A, %dma_start3A_47] : memref<1600000x32xf32, #tpu.memory_space<hbm>> -> memref<128x32xf32, #tpu.memory_space<hbm>>
      %dma_start3A_49 = arith.constant 0 : i32
      %dma_start3A_50 = tpu.memref_slice %arg8[%multiple_of3A, %dma_start3A_49] : memref<1600000x32xf32, #tpu.memory_space<hbm>> -> memref<128x32xf32, #tpu.memory_space<hbm>>
      tpu.enqueue_dma source(%arg14 : memref<128x32xf32, #tpu.memory_space<vmem>>) target(%dma_start3A_50 : memref<128x32xf32, #tpu.memory_space<hbm>>) target_semaphore(%arg18 : memref<!tpu.dma_semaphore, #tpu.memory_space<semaphore_mem>>)
      %dma_start3A_51 = arith.constant 0 : i32
      %dma_start3A_52 = tpu.memref_slice %arg9[%multiple_of3A, %dma_start3A_51] : memref<1600000x16xf32, #tpu.memory_space<hbm>> -> memref<128x16xf32, #tpu.memory_space<hbm>>
      %dma_start3A_53 = arith.constant 0 : i32
      %dma_start3A_54 = tpu.memref_slice %arg9[%multiple_of3A, %dma_start3A_53] : memref<1600000x16xf32, #tpu.memory_space<hbm>> -> memref<128x16xf32, #tpu.memory_space<hbm>>
      tpu.enqueue_dma source(%arg15 : memref<128x16xf32, #tpu.memory_space<vmem>>) target(%dma_start3A_54 : memref<128x16xf32, #tpu.memory_space<hbm>>) target_semaphore(%arg18 : memref<!tpu.dma_semaphore, #tpu.memory_space<semaphore_mem>>)
      %dma_start3A_55 = arith.constant 0 : i32
      %dma_start3A_56 = tpu.memref_slice %arg10[%multiple_of3A, %dma_start3A_55] : memref<1600000x16xf32, #tpu.memory_space<hbm>> -> memref<128x16xf32, #tpu.memory_space<hbm>>
      %dma_start3A_57 = arith.constant 0 : i32
      %dma_start3A_58 = tpu.memref_slice %arg10[%multiple_of3A, %dma_start3A_57] : memref<1600000x16xf32, #tpu.memory_space<hbm>> -> memref<128x16xf32, #tpu.memory_space<hbm>>
      tpu.enqueue_dma source(%arg16 : memref<128x16xf32, #tpu.memory_space<vmem>>) target(%dma_start3A_58 : memref<128x16xf32, #tpu.memory_space<hbm>>) target_semaphore(%arg18 : memref<!tpu.dma_semaphore, #tpu.memory_space<semaphore_mem>>)
      %dma_wait3A_59 = arith.constant 0 : i32
      %dma_wait3A_60 = tpu.memref_slice %arg7[%multiple_of3A, %dma_wait3A_59] : memref<1600000x32xf32, #tpu.memory_space<hbm>> -> memref<128x32xf32, #tpu.memory_space<hbm>>
      %dma_wait3A_61 = arith.constant 0 : i32
      %dma_wait3A_62 = tpu.memref_slice %arg7[%multiple_of3A, %dma_wait3A_61] : memref<1600000x32xf32, #tpu.memory_space<hbm>> -> memref<128x32xf32, #tpu.memory_space<hbm>>
      tpu.wait_dma2 semaphore(%arg18 : memref<!tpu.dma_semaphore, #tpu.memory_space<semaphore_mem>>) src(%arg13 : memref<128x32xf32, #tpu.memory_space<vmem>>) dst(%dma_wait3A_62 : memref<128x32xf32, #tpu.memory_space<hbm>>)
      %dma_wait3A_63 = arith.constant 0 : i32
      %dma_wait3A_64 = tpu.memref_slice %arg8[%multiple_of3A, %dma_wait3A_63] : memref<1600000x32xf32, #tpu.memory_space<hbm>> -> memref<128x32xf32, #tpu.memory_space<hbm>>
      %dma_wait3A_65 = arith.constant 0 : i32
      %dma_wait3A_66 = tpu.memref_slice %arg8[%multiple_of3A, %dma_wait3A_65] : memref<1600000x32xf32, #tpu.memory_space<hbm>> -> memref<128x32xf32, #tpu.memory_space<hbm>>
      tpu.wait_dma2 semaphore(%arg18 : memref<!tpu.dma_semaphore, #tpu.memory_space<semaphore_mem>>) src(%arg14 : memref<128x32xf32, #tpu.memory_space<vmem>>) dst(%dma_wait3A_66 : memref<128x32xf32, #tpu.memory_space<hbm>>)
      %dma_wait3A_67 = arith.constant 0 : i32
      %dma_wait3A_68 = tpu.memref_slice %arg9[%multiple_of3A, %dma_wait3A_67] : memref<1600000x16xf32, #tpu.memory_space<hbm>> -> memref<128x16xf32, #tpu.memory_space<hbm>>
      %dma_wait3A_69 = arith.constant 0 : i32
      %dma_wait3A_70 = tpu.memref_slice %arg9[%multiple_of3A, %dma_wait3A_69] : memref<1600000x16xf32, #tpu.memory_space<hbm>> -> memref<128x16xf32, #tpu.memory_space<hbm>>
      tpu.wait_dma2 semaphore(%arg18 : memref<!tpu.dma_semaphore, #tpu.memory_space<semaphore_mem>>) src(%arg15 : memref<128x16xf32, #tpu.memory_space<vmem>>) dst(%dma_wait3A_70 : memref<128x16xf32, #tpu.memory_space<hbm>>)
      %dma_wait3A_71 = arith.constant 0 : i32
      %dma_wait3A_72 = tpu.memref_slice %arg10[%multiple_of3A, %dma_wait3A_71] : memref<1600000x16xf32, #tpu.memory_space<hbm>> -> memref<128x16xf32, #tpu.memory_space<hbm>>
      %dma_wait3A_73 = arith.constant 0 : i32
      %dma_wait3A_74 = tpu.memref_slice %arg10[%multiple_of3A, %dma_wait3A_73] : memref<1600000x16xf32, #tpu.memory_space<hbm>> -> memref<128x16xf32, #tpu.memory_space<hbm>>
      tpu.wait_dma2 semaphore(%arg18 : memref<!tpu.dma_semaphore, #tpu.memory_space<semaphore_mem>>) src(%arg16 : memref<128x16xf32, #tpu.memory_space<vmem>>) dst(%dma_wait3A_74 : memref<128x16xf32, #tpu.memory_space<hbm>>)
    }
    return
  }
}

#map = affine_map<(d0, d1) -> (0, 0)>
#map1 = affine_map<(d0, d1) -> (0)>
module attributes {stable_mosaic.version = 14 : i64} {
  func.func @egnn_sc_gather(%arg0: i32, %arg1: i32, %arg2: memref<100000x32xf32, #tpu.memory_space<hbm>>, %arg3: memref<100000x32xf32, #tpu.memory_space<hbm>>, %arg4: memref<100000x16xf32, #tpu.memory_space<hbm>>, %arg5: memref<1600000xi32, #tpu.memory_space<hbm>>, %arg6: memref<1600000xi32, #tpu.memory_space<hbm>>, %arg7: memref<1600000x32xf32, #tpu.memory_space<hbm>>, %arg8: memref<1600000x32xf32, #tpu.memory_space<hbm>>, %arg9: memref<1600000x16xf32, #tpu.memory_space<hbm>>, %arg10: memref<1600000x16xf32, #tpu.memory_space<hbm>>, %arg11: memref<128xi32, #tpu.memory_space<vmem>>, %arg12: memref<128xi32, #tpu.memory_space<vmem>>, %arg13: memref<128x32xf32, #tpu.memory_space<vmem>>, %arg14: memref<128x32xf32, #tpu.memory_space<vmem>>, %arg15: memref<128x16xf32, #tpu.memory_space<vmem>>, %arg16: memref<128x16xf32, #tpu.memory_space<vmem>>, %arg17: memref<!tpu.dma_semaphore, #tpu.memory_space<semaphore_mem>>, %arg18: memref<!tpu.dma_semaphore, #tpu.memory_space<semaphore_mem>>) attributes {dimension_semantics = [#tpu.dimension_semantics<core_parallel>, #tpu.dimension_semantics<subcore_parallel>], iteration_bounds = array<i64: 2, 16>, scalar_prefetch = 0 : i64, scratch_operands = 8 : i64, tpu.core_type = #tpu.core_type<sc_vector_subcore>, window_params = [{transform_indices = #map}, {transform_indices = #map}, {transform_indices = #map}, {transform_indices = #map1}, {transform_indices = #map1}, {transform_indices = #map}, {transform_indices = #map}, {transform_indices = #map}, {transform_indices = #map}]} {
    %mul3A = arith.constant 2 : i32
    %mul3A_0 = arith.muli %arg1, %mul3A : i32
    %add3A = arith.addi %mul3A_0, %arg0 : i32
    %sub3A = arith.constant 12500 : i32
    %sub3A_1 = arith.subi %sub3A, %add3A : i32
    %sub3A_2 = arith.constant 32 : i32
    %sub3A_3 = arith.constant 1 : i32
    %sub3A_4 = arith.subi %sub3A_2, %sub3A_3 : i32
    %add3A_5 = arith.addi %sub3A_1, %sub3A_4 : i32
    %div3A = arith.constant 32 : i32
    %div3A_6 = arith.divsi %add3A_5, %div3A : i32
    %while3A = arith.constant 32 : i32
    %while3A_7 = arith.constant 0 : i32
    %while3A_8 = arith.subi %div3A_6, %while3A_7 : i32
    %while3A_9 = arith.addi %while3A_7, %while3A_8 : i32
    %while3A_10 = arith.constant 1 : i32
    %while3A_11 = arith.divsi %while3A_8, %while3A_10 : i32
    %while3A_12 = arith.muli %while3A_11, %while3A_10 : i32
    %while3A_13 = arith.addi %while3A_7, %while3A_12 : i32
    %while3A_14 = arith.constant 1 : i32
    scf.for %while3A_16 = %while3A_7 to %while3A_13 step %while3A_14  : i32 {
      %mul3A_17 = arith.muli %while3A_16, %while3A : i32
      %add3A_18 = arith.addi %add3A, %mul3A_17 : i32
      %mul3A_19 = arith.constant 128 : i32
      %mul3A_20 = arith.muli %add3A_18, %mul3A_19 : i32
      %multiple_of3A = tpu.assume_multiple %mul3A_20, 128 : i32
      "tpu.region"() ({
        %run_scoped3A = tpu.sem_alloc : memref<!tpu.dma_semaphore, #tpu.memory_space<semaphore_mem>>
        %dma_start3A_75 = tpu.memref_slice %arg5[%multiple_of3A] : memref<1600000xi32, #tpu.memory_space<hbm>> -> memref<128xi32, #tpu.memory_space<hbm>>
        %dma_start3A_76 = tpu.memref_slice %arg5[%multiple_of3A] : memref<1600000xi32, #tpu.memory_space<hbm>> -> memref<128xi32, #tpu.memory_space<hbm>>
        tpu.enqueue_dma source(%dma_start3A_76 : memref<128xi32, #tpu.memory_space<hbm>>) target(%arg11 : memref<128xi32, #tpu.memory_space<vmem>>) target_semaphore(%run_scoped3A : memref<!tpu.dma_semaphore, #tpu.memory_space<semaphore_mem>>)
        %dma_wait3A_77 = tpu.memref_slice %arg5[%multiple_of3A] : memref<1600000xi32, #tpu.memory_space<hbm>> -> memref<128xi32, #tpu.memory_space<hbm>>
        %dma_wait3A_78 = tpu.memref_slice %arg5[%multiple_of3A] : memref<1600000xi32, #tpu.memory_space<hbm>> -> memref<128xi32, #tpu.memory_space<hbm>>
        tpu.wait_dma2 semaphore(%run_scoped3A : memref<!tpu.dma_semaphore, #tpu.memory_space<semaphore_mem>>) src(%dma_wait3A_78 : memref<128xi32, #tpu.memory_space<hbm>>) dst(%arg11 : memref<128xi32, #tpu.memory_space<vmem>>)
        tpu.yield
      }) : () -> ()
      "tpu.region"() ({
        %run_scoped3A = tpu.sem_alloc : memref<!tpu.dma_semaphore, #tpu.memory_space<semaphore_mem>>
        %dma_start3A_75 = tpu.memref_slice %arg6[%multiple_of3A] : memref<1600000xi32, #tpu.memory_space<hbm>> -> memref<128xi32, #tpu.memory_space<hbm>>
        %dma_start3A_76 = tpu.memref_slice %arg6[%multiple_of3A] : memref<1600000xi32, #tpu.memory_space<hbm>> -> memref<128xi32, #tpu.memory_space<hbm>>
        tpu.enqueue_dma source(%dma_start3A_76 : memref<128xi32, #tpu.memory_space<hbm>>) target(%arg12 : memref<128xi32, #tpu.memory_space<vmem>>) target_semaphore(%run_scoped3A : memref<!tpu.dma_semaphore, #tpu.memory_space<semaphore_mem>>)
        %dma_wait3A_77 = tpu.memref_slice %arg6[%multiple_of3A] : memref<1600000xi32, #tpu.memory_space<hbm>> -> memref<128xi32, #tpu.memory_space<hbm>>
        %dma_wait3A_78 = tpu.memref_slice %arg6[%multiple_of3A] : memref<1600000xi32, #tpu.memory_space<hbm>> -> memref<128xi32, #tpu.memory_space<hbm>>
        tpu.wait_dma2 semaphore(%run_scoped3A : memref<!tpu.dma_semaphore, #tpu.memory_space<semaphore_mem>>) src(%dma_wait3A_78 : memref<128xi32, #tpu.memory_space<hbm>>) dst(%arg12 : memref<128xi32, #tpu.memory_space<vmem>>)
        tpu.yield
      }) : () -> ()
      %dma_start3A = arith.constant 0 : i32
      %dma_start3A_21 = arith.constant 0 : i32
      %dma_start3A_22 = tpu.memref_slice %arg2[%dma_start3A, %dma_start3A_21] : memref<100000x32xf32, #tpu.memory_space<hbm>> -> memref<100000x32xf32, #tpu.memory_space<hbm>>
      tpu.enqueue_indirect_dma source(%dma_start3A_22 : memref<100000x32xf32, #tpu.memory_space<hbm>>) target(%arg13 : memref<128x32xf32, #tpu.memory_space<vmem>>) offsets(%arg11 : memref<128xi32, #tpu.memory_space<vmem>>) semaphore(%arg17 : memref<!tpu.dma_semaphore, #tpu.memory_space<semaphore_mem>>)
      %dma_start3A_23 = arith.constant 0 : i32
      %dma_start3A_24 = arith.constant 0 : i32
      %dma_start3A_25 = tpu.memref_slice %arg3[%dma_start3A_23, %dma_start3A_24] : memref<100000x32xf32, #tpu.memory_space<hbm>> -> memref<100000x32xf32, #tpu.memory_space<hbm>>
      tpu.enqueue_indirect_dma source(%dma_start3A_25 : memref<100000x32xf32, #tpu.memory_space<hbm>>) target(%arg14 : memref<128x32xf32, #tpu.memory_space<vmem>>) offsets(%arg12 : memref<128xi32, #tpu.memory_space<vmem>>) semaphore(%arg17 : memref<!tpu.dma_semaphore, #tpu.memory_space<semaphore_mem>>)
      %dma_start3A_26 = arith.constant 0 : i32
      %dma_start3A_27 = arith.constant 0 : i32
      %dma_start3A_28 = tpu.memref_slice %arg4[%dma_start3A_26, %dma_start3A_27] : memref<100000x16xf32, #tpu.memory_space<hbm>> -> memref<100000x16xf32, #tpu.memory_space<hbm>>
      tpu.enqueue_indirect_dma source(%dma_start3A_28 : memref<100000x16xf32, #tpu.memory_space<hbm>>) target(%arg15 : memref<128x16xf32, #tpu.memory_space<vmem>>) offsets(%arg11 : memref<128xi32, #tpu.memory_space<vmem>>) semaphore(%arg17 : memref<!tpu.dma_semaphore, #tpu.memory_space<semaphore_mem>>)
      %dma_start3A_29 = arith.constant 0 : i32
      %dma_start3A_30 = arith.constant 0 : i32
      %dma_start3A_31 = tpu.memref_slice %arg4[%dma_start3A_29, %dma_start3A_30] : memref<100000x16xf32, #tpu.memory_space<hbm>> -> memref<100000x16xf32, #tpu.memory_space<hbm>>
      tpu.enqueue_indirect_dma source(%dma_start3A_31 : memref<100000x16xf32, #tpu.memory_space<hbm>>) target(%arg16 : memref<128x16xf32, #tpu.memory_space<vmem>>) offsets(%arg12 : memref<128xi32, #tpu.memory_space<vmem>>) semaphore(%arg17 : memref<!tpu.dma_semaphore, #tpu.memory_space<semaphore_mem>>)
      %dma_wait3A = arith.constant 0 : i32
      %dma_wait3A_32 = arith.constant 0 : i32
      %dma_wait3A_33 = tpu.memref_slice %arg2[%dma_wait3A, %dma_wait3A_32] : memref<100000x32xf32, #tpu.memory_space<hbm>> -> memref<100000x32xf32, #tpu.memory_space<hbm>>
      tpu.wait_indirect_dma semaphore(%arg17 : memref<!tpu.dma_semaphore, #tpu.memory_space<semaphore_mem>>) src(%dma_wait3A_33 : memref<100000x32xf32, #tpu.memory_space<hbm>>) dst(%arg13 : memref<128x32xf32, #tpu.memory_space<vmem>>)
      %dma_wait3A_34 = arith.constant 0 : i32
      %dma_wait3A_35 = arith.constant 0 : i32
      %dma_wait3A_36 = tpu.memref_slice %arg3[%dma_wait3A_34, %dma_wait3A_35] : memref<100000x32xf32, #tpu.memory_space<hbm>> -> memref<100000x32xf32, #tpu.memory_space<hbm>>
      tpu.wait_indirect_dma semaphore(%arg17 : memref<!tpu.dma_semaphore, #tpu.memory_space<semaphore_mem>>) src(%dma_wait3A_36 : memref<100000x32xf32, #tpu.memory_space<hbm>>) dst(%arg14 : memref<128x32xf32, #tpu.memory_space<vmem>>)
      %dma_wait3A_37 = arith.constant 0 : i32
      %dma_wait3A_38 = arith.constant 0 : i32
      %dma_wait3A_39 = tpu.memref_slice %arg4[%dma_wait3A_37, %dma_wait3A_38] : memref<100000x16xf32, #tpu.memory_space<hbm>> -> memref<100000x16xf32, #tpu.memory_space<hbm>>
      tpu.wait_indirect_dma semaphore(%arg17 : memref<!tpu.dma_semaphore, #tpu.memory_space<semaphore_mem>>) src(%dma_wait3A_39 : memref<100000x16xf32, #tpu.memory_space<hbm>>) dst(%arg15 : memref<128x16xf32, #tpu.memory_space<vmem>>)
      %dma_wait3A_40 = arith.constant 0 : i32
      %dma_wait3A_41 = arith.constant 0 : i32
      %dma_wait3A_42 = tpu.memref_slice %arg4[%dma_wait3A_40, %dma_wait3A_41] : memref<100000x16xf32, #tpu.memory_space<hbm>> -> memref<100000x16xf32, #tpu.memory_space<hbm>>
      tpu.wait_indirect_dma semaphore(%arg17 : memref<!tpu.dma_semaphore, #tpu.memory_space<semaphore_mem>>) src(%dma_wait3A_42 : memref<100000x16xf32, #tpu.memory_space<hbm>>) dst(%arg16 : memref<128x16xf32, #tpu.memory_space<vmem>>)
      %dma_start3A_43 = arith.constant 0 : i32
      %dma_start3A_44 = tpu.memref_slice %arg7[%multiple_of3A, %dma_start3A_43] : memref<1600000x32xf32, #tpu.memory_space<hbm>> -> memref<128x32xf32, #tpu.memory_space<hbm>>
      %dma_start3A_45 = arith.constant 0 : i32
      %dma_start3A_46 = tpu.memref_slice %arg7[%multiple_of3A, %dma_start3A_45] : memref<1600000x32xf32, #tpu.memory_space<hbm>> -> memref<128x32xf32, #tpu.memory_space<hbm>>
      tpu.enqueue_dma source(%arg13 : memref<128x32xf32, #tpu.memory_space<vmem>>) target(%dma_start3A_46 : memref<128x32xf32, #tpu.memory_space<hbm>>) target_semaphore(%arg18 : memref<!tpu.dma_semaphore, #tpu.memory_space<semaphore_mem>>)
      %dma_start3A_47 = arith.constant 0 : i32
      %dma_start3A_48 = tpu.memref_slice %arg8[%multiple_of3A, %dma_start3A_47] : memref<1600000x32xf32, #tpu.memory_space<hbm>> -> memref<128x32xf32, #tpu.memory_space<hbm>>
      %dma_start3A_49 = arith.constant 0 : i32
      %dma_start3A_50 = tpu.memref_slice %arg8[%multiple_of3A, %dma_start3A_49] : memref<1600000x32xf32, #tpu.memory_space<hbm>> -> memref<128x32xf32, #tpu.memory_space<hbm>>
      tpu.enqueue_dma source(%arg14 : memref<128x32xf32, #tpu.memory_space<vmem>>) target(%dma_start3A_50 : memref<128x32xf32, #tpu.memory_space<hbm>>) target_semaphore(%arg18 : memref<!tpu.dma_semaphore, #tpu.memory_space<semaphore_mem>>)
      %dma_start3A_51 = arith.constant 0 : i32
      %dma_start3A_52 = tpu.memref_slice %arg9[%multiple_of3A, %dma_start3A_51] : memref<1600000x16xf32, #tpu.memory_space<hbm>> -> memref<128x16xf32, #tpu.memory_space<hbm>>
      %dma_start3A_53 = arith.constant 0 : i32
      %dma_start3A_54 = tpu.memref_slice %arg9[%multiple_of3A, %dma_start3A_53] : memref<1600000x16xf32, #tpu.memory_space<hbm>> -> memref<128x16xf32, #tpu.memory_space<hbm>>
      tpu.enqueue_dma source(%arg15 : memref<128x16xf32, #tpu.memory_space<vmem>>) target(%dma_start3A_54 : memref<128x16xf32, #tpu.memory_space<hbm>>) target_semaphore(%arg18 : memref<!tpu.dma_semaphore, #tpu.memory_space<semaphore_mem>>)
      %dma_start3A_55 = arith.constant 0 : i32
      %dma_start3A_56 = tpu.memref_slice %arg10[%multiple_of3A, %dma_start3A_55] : memref<1600000x16xf32, #tpu.memory_space<hbm>> -> memref<128x16xf32, #tpu.memory_space<hbm>>
      %dma_start3A_57 = arith.constant 0 : i32
      %dma_start3A_58 = tpu.memref_slice %arg10[%multiple_of3A, %dma_start3A_57] : memref<1600000x16xf32, #tpu.memory_space<hbm>> -> memref<128x16xf32, #tpu.memory_space<hbm>>
      tpu.enqueue_dma source(%arg16 : memref<128x16xf32, #tpu.memory_space<vmem>>) target(%dma_start3A_58 : memref<128x16xf32, #tpu.memory_space<hbm>>) target_semaphore(%arg18 : memref<!tpu.dma_semaphore, #tpu.memory_space<semaphore_mem>>)
      %dma_wait3A_59 = arith.constant 0 : i32
      %dma_wait3A_60 = tpu.memref_slice %arg7[%multiple_of3A, %dma_wait3A_59] : memref<1600000x32xf32, #tpu.memory_space<hbm>> -> memref<128x32xf32, #tpu.memory_space<hbm>>
      %dma_wait3A_61 = arith.constant 0 : i32
      %dma_wait3A_62 = tpu.memref_slice %arg7[%multiple_of3A, %dma_wait3A_61] : memref<1600000x32xf32, #tpu.memory_space<hbm>> -> memref<128x32xf32, #tpu.memory_space<hbm>>
      tpu.wait_dma2 semaphore(%arg18 : memref<!tpu.dma_semaphore, #tpu.memory_space<semaphore_mem>>) src(%arg13 : memref<128x32xf32, #tpu.memory_space<vmem>>) dst(%dma_wait3A_62 : memref<128x32xf32, #tpu.memory_space<hbm>>)
      %dma_wait3A_63 = arith.constant 0 : i32
      %dma_wait3A_64 = tpu.memref_slice %arg8[%multiple_of3A, %dma_wait3A_63] : memref<1600000x32xf32, #tpu.memory_space<hbm>> -> memref<128x32xf32, #tpu.memory_space<hbm>>
      %dma_wait3A_65 = arith.constant 0 : i32
      %dma_wait3A_66 = tpu.memref_slice %arg8[%multiple_of3A, %dma_wait3A_65] : memref<1600000x32xf32, #tpu.memory_space<hbm>> -> memref<128x32xf32, #tpu.memory_space<hbm>>
      tpu.wait_dma2 semaphore(%arg18 : memref<!tpu.dma_semaphore, #tpu.memory_space<semaphore_mem>>) src(%arg14 : memref<128x32xf32, #tpu.memory_space<vmem>>) dst(%dma_wait3A_66 : memref<128x32xf32, #tpu.memory_space<hbm>>)
      %dma_wait3A_67 = arith.constant 0 : i32
      %dma_wait3A_68 = tpu.memref_slice %arg9[%multiple_of3A, %dma_wait3A_67] : memref<1600000x16xf32, #tpu.memory_space<hbm>> -> memref<128x16xf32, #tpu.memory_space<hbm>>
      %dma_wait3A_69 = arith.constant 0 : i32
      %dma_wait3A_70 = tpu.memref_slice %arg9[%multiple_of3A, %dma_wait3A_69] : memref<1600000x16xf32, #tpu.memory_space<hbm>> -> memref<128x16xf32, #tpu.memory_space<hbm>>
      tpu.wait_dma2 semaphore(%arg18 : memref<!tpu.dma_semaphore, #tpu.memory_space<semaphore_mem>>) src(%arg15 : memref<128x16xf32, #tpu.memory_space<vmem>>) dst(%dma_wait3A_70 : memref<128x16xf32, #tpu.memory_space<hbm>>)
      %dma_wait3A_71 = arith.constant 0 : i32
      %dma_wait3A_72 = tpu.memref_slice %arg10[%multiple_of3A, %dma_wait3A_71] : memref<1600000x16xf32, #tpu.memory_space<hbm>> -> memref<128x16xf32, #tpu.memory_space<hbm>>
      %dma_wait3A_73 = arith.constant 0 : i32
      %dma_wait3A_74 = tpu.memref_slice %arg10[%multiple_of3A, %dma_wait3A_73] : memref<1600000x16xf32, #tpu.memory_space<hbm>> -> memref<128x16xf32, #tpu.memory_space<hbm>>
      tpu.wait_dma2 semaphore(%arg18 : memref<!tpu.dma_semaphore, #tpu.memory_space<semaphore_mem>>) src(%arg16 : memref<128x16xf32, #tpu.memory_space<vmem>>) dst(%dma_wait3A_74 : memref<128x16xf32, #tpu.memory_space<hbm>>)
    }
    %while3A_15 = arith.constant 1 : i32
    scf.for %while3A_16 = %while3A_13 to %while3A_9 step %while3A_15  : i32 {
      %mul3A_17 = arith.muli %while3A_16, %while3A : i32
      %add3A_18 = arith.addi %add3A, %mul3A_17 : i32
      %mul3A_19 = arith.constant 128 : i32
      %mul3A_20 = arith.muli %add3A_18, %mul3A_19 : i32
      %multiple_of3A = tpu.assume_multiple %mul3A_20, 128 : i32
      "tpu.region"() ({
        %run_scoped3A = tpu.sem_alloc : memref<!tpu.dma_semaphore, #tpu.memory_space<semaphore_mem>>
        %dma_start3A_75 = tpu.memref_slice %arg5[%multiple_of3A] : memref<1600000xi32, #tpu.memory_space<hbm>> -> memref<128xi32, #tpu.memory_space<hbm>>
        %dma_start3A_76 = tpu.memref_slice %arg5[%multiple_of3A] : memref<1600000xi32, #tpu.memory_space<hbm>> -> memref<128xi32, #tpu.memory_space<hbm>>
        tpu.enqueue_dma source(%dma_start3A_76 : memref<128xi32, #tpu.memory_space<hbm>>) target(%arg11 : memref<128xi32, #tpu.memory_space<vmem>>) target_semaphore(%run_scoped3A : memref<!tpu.dma_semaphore, #tpu.memory_space<semaphore_mem>>)
        %dma_wait3A_77 = tpu.memref_slice %arg5[%multiple_of3A] : memref<1600000xi32, #tpu.memory_space<hbm>> -> memref<128xi32, #tpu.memory_space<hbm>>
        %dma_wait3A_78 = tpu.memref_slice %arg5[%multiple_of3A] : memref<1600000xi32, #tpu.memory_space<hbm>> -> memref<128xi32, #tpu.memory_space<hbm>>
        tpu.wait_dma2 semaphore(%run_scoped3A : memref<!tpu.dma_semaphore, #tpu.memory_space<semaphore_mem>>) src(%dma_wait3A_78 : memref<128xi32, #tpu.memory_space<hbm>>) dst(%arg11 : memref<128xi32, #tpu.memory_space<vmem>>)
        tpu.yield
      }) : () -> ()
      "tpu.region"() ({
        %run_scoped3A = tpu.sem_alloc : memref<!tpu.dma_semaphore, #tpu.memory_space<semaphore_mem>>
        %dma_start3A_75 = tpu.memref_slice %arg6[%multiple_of3A] : memref<1600000xi32, #tpu.memory_space<hbm>> -> memref<128xi32, #tpu.memory_space<hbm>>
        %dma_start3A_76 = tpu.memref_slice %arg6[%multiple_of3A] : memref<1600000xi32, #tpu.memory_space<hbm>> -> memref<128xi32, #tpu.memory_space<hbm>>
        tpu.enqueue_dma source(%dma_start3A_76 : memref<128xi32, #tpu.memory_space<hbm>>) target(%arg12 : memref<128xi32, #tpu.memory_space<vmem>>) target_semaphore(%run_scoped3A : memref<!tpu.dma_semaphore, #tpu.memory_space<semaphore_mem>>)
        %dma_wait3A_77 = tpu.memref_slice %arg6[%multiple_of3A] : memref<1600000xi32, #tpu.memory_space<hbm>> -> memref<128xi32, #tpu.memory_space<hbm>>
        %dma_wait3A_78 = tpu.memref_slice %arg6[%multiple_of3A] : memref<1600000xi32, #tpu.memory_space<hbm>> -> memref<128xi32, #tpu.memory_space<hbm>>
        tpu.wait_dma2 semaphore(%run_scoped3A : memref<!tpu.dma_semaphore, #tpu.memory_space<semaphore_mem>>) src(%dma_wait3A_78 : memref<128xi32, #tpu.memory_space<hbm>>) dst(%arg12 : memref<128xi32, #tpu.memory_space<vmem>>)
        tpu.yield
      }) : () -> ()
      %dma_start3A = arith.constant 0 : i32
      %dma_start3A_21 = arith.constant 0 : i32
      %dma_start3A_22 = tpu.memref_slice %arg2[%dma_start3A, %dma_start3A_21] : memref<100000x32xf32, #tpu.memory_space<hbm>> -> memref<100000x32xf32, #tpu.memory_space<hbm>>
      tpu.enqueue_indirect_dma source(%dma_start3A_22 : memref<100000x32xf32, #tpu.memory_space<hbm>>) target(%arg13 : memref<128x32xf32, #tpu.memory_space<vmem>>) offsets(%arg11 : memref<128xi32, #tpu.memory_space<vmem>>) semaphore(%arg17 : memref<!tpu.dma_semaphore, #tpu.memory_space<semaphore_mem>>)
      %dma_start3A_23 = arith.constant 0 : i32
      %dma_start3A_24 = arith.constant 0 : i32
      %dma_start3A_25 = tpu.memref_slice %arg3[%dma_start3A_23, %dma_start3A_24] : memref<100000x32xf32, #tpu.memory_space<hbm>> -> memref<100000x32xf32, #tpu.memory_space<hbm>>
      tpu.enqueue_indirect_dma source(%dma_start3A_25 : memref<100000x32xf32, #tpu.memory_space<hbm>>) target(%arg14 : memref<128x32xf32, #tpu.memory_space<vmem>>) offsets(%arg12 : memref<128xi32, #tpu.memory_space<vmem>>) semaphore(%arg17 : memref<!tpu.dma_semaphore, #tpu.memory_space<semaphore_mem>>)
      %dma_start3A_26 = arith.constant 0 : i32
      %dma_start3A_27 = arith.constant 0 : i32
      %dma_start3A_28 = tpu.memref_slice %arg4[%dma_start3A_26, %dma_start3A_27] : memref<100000x16xf32, #tpu.memory_space<hbm>> -> memref<100000x16xf32, #tpu.memory_space<hbm>>
      tpu.enqueue_indirect_dma source(%dma_start3A_28 : memref<100000x16xf32, #tpu.memory_space<hbm>>) target(%arg15 : memref<128x16xf32, #tpu.memory_space<vmem>>) offsets(%arg11 : memref<128xi32, #tpu.memory_space<vmem>>) semaphore(%arg17 : memref<!tpu.dma_semaphore, #tpu.memory_space<semaphore_mem>>)
      %dma_start3A_29 = arith.constant 0 : i32
      %dma_start3A_30 = arith.constant 0 : i32
      %dma_start3A_31 = tpu.memref_slice %arg4[%dma_start3A_29, %dma_start3A_30] : memref<100000x16xf32, #tpu.memory_space<hbm>> -> memref<100000x16xf32, #tpu.memory_space<hbm>>
      tpu.enqueue_indirect_dma source(%dma_start3A_31 : memref<100000x16xf32, #tpu.memory_space<hbm>>) target(%arg16 : memref<128x16xf32, #tpu.memory_space<vmem>>) offsets(%arg12 : memref<128xi32, #tpu.memory_space<vmem>>) semaphore(%arg17 : memref<!tpu.dma_semaphore, #tpu.memory_space<semaphore_mem>>)
      %dma_wait3A = arith.constant 0 : i32
      %dma_wait3A_32 = arith.constant 0 : i32
      %dma_wait3A_33 = tpu.memref_slice %arg2[%dma_wait3A, %dma_wait3A_32] : memref<100000x32xf32, #tpu.memory_space<hbm>> -> memref<100000x32xf32, #tpu.memory_space<hbm>>
      tpu.wait_indirect_dma semaphore(%arg17 : memref<!tpu.dma_semaphore, #tpu.memory_space<semaphore_mem>>) src(%dma_wait3A_33 : memref<100000x32xf32, #tpu.memory_space<hbm>>) dst(%arg13 : memref<128x32xf32, #tpu.memory_space<vmem>>)
      %dma_wait3A_34 = arith.constant 0 : i32
      %dma_wait3A_35 = arith.constant 0 : i32
      %dma_wait3A_36 = tpu.memref_slice %arg3[%dma_wait3A_34, %dma_wait3A_35] : memref<100000x32xf32, #tpu.memory_space<hbm>> -> memref<100000x32xf32, #tpu.memory_space<hbm>>
      tpu.wait_indirect_dma semaphore(%arg17 : memref<!tpu.dma_semaphore, #tpu.memory_space<semaphore_mem>>) src(%dma_wait3A_36 : memref<100000x32xf32, #tpu.memory_space<hbm>>) dst(%arg14 : memref<128x32xf32, #tpu.memory_space<vmem>>)
      %dma_wait3A_37 = arith.constant 0 : i32
      %dma_wait3A_38 = arith.constant 0 : i32
      %dma_wait3A_39 = tpu.memref_slice %arg4[%dma_wait3A_37, %dma_wait3A_38] : memref<100000x16xf32, #tpu.memory_space<hbm>> -> memref<100000x16xf32, #tpu.memory_space<hbm>>
      tpu.wait_indirect_dma semaphore(%arg17 : memref<!tpu.dma_semaphore, #tpu.memory_space<semaphore_mem>>) src(%dma_wait3A_39 : memref<100000x16xf32, #tpu.memory_space<hbm>>) dst(%arg15 : memref<128x16xf32, #tpu.memory_space<vmem>>)
      %dma_wait3A_40 = arith.constant 0 : i32
      %dma_wait3A_41 = arith.constant 0 : i32
      %dma_wait3A_42 = tpu.memref_slice %arg4[%dma_wait3A_40, %dma_wait3A_41] : memref<100000x16xf32, #tpu.memory_space<hbm>> -> memref<100000x16xf32, #tpu.memory_space<hbm>>
      tpu.wait_indirect_dma semaphore(%arg17 : memref<!tpu.dma_semaphore, #tpu.memory_space<semaphore_mem>>) src(%dma_wait3A_42 : memref<100000x16xf32, #tpu.memory_space<hbm>>) dst(%arg16 : memref<128x16xf32, #tpu.memory_space<vmem>>)
      %dma_start3A_43 = arith.constant 0 : i32
      %dma_start3A_44 = tpu.memref_slice %arg7[%multiple_of3A, %dma_start3A_43] : memref<1600000x32xf32, #tpu.memory_space<hbm>> -> memref<128x32xf32, #tpu.memory_space<hbm>>
      %dma_start3A_45 = arith.constant 0 : i32
      %dma_start3A_46 = tpu.memref_slice %arg7[%multiple_of3A, %dma_start3A_45] : memref<1600000x32xf32, #tpu.memory_space<hbm>> -> memref<128x32xf32, #tpu.memory_space<hbm>>
      tpu.enqueue_dma source(%arg13 : memref<128x32xf32, #tpu.memory_space<vmem>>) target(%dma_start3A_46 : memref<128x32xf32, #tpu.memory_space<hbm>>) target_semaphore(%arg18 : memref<!tpu.dma_semaphore, #tpu.memory_space<semaphore_mem>>)
      %dma_start3A_47 = arith.constant 0 : i32
      %dma_start3A_48 = tpu.memref_slice %arg8[%multiple_of3A, %dma_start3A_47] : memref<1600000x32xf32, #tpu.memory_space<hbm>> -> memref<128x32xf32, #tpu.memory_space<hbm>>
      %dma_start3A_49 = arith.constant 0 : i32
      %dma_start3A_50 = tpu.memref_slice %arg8[%multiple_of3A, %dma_start3A_49] : memref<1600000x32xf32, #tpu.memory_space<hbm>> -> memref<128x32xf32, #tpu.memory_space<hbm>>
      tpu.enqueue_dma source(%arg14 : memref<128x32xf32, #tpu.memory_space<vmem>>) target(%dma_start3A_50 : memref<128x32xf32, #tpu.memory_space<hbm>>) target_semaphore(%arg18 : memref<!tpu.dma_semaphore, #tpu.memory_space<semaphore_mem>>)
      %dma_start3A_51 = arith.constant 0 : i32
      %dma_start3A_52 = tpu.memref_slice %arg9[%multiple_of3A, %dma_start3A_51] : memref<1600000x16xf32, #tpu.memory_space<hbm>> -> memref<128x16xf32, #tpu.memory_space<hbm>>
      %dma_start3A_53 = arith.constant 0 : i32
      %dma_start3A_54 = tpu.memref_slice %arg9[%multiple_of3A, %dma_start3A_53] : memref<1600000x16xf32, #tpu.memory_space<hbm>> -> memref<128x16xf32, #tpu.memory_space<hbm>>
      tpu.enqueue_dma source(%arg15 : memref<128x16xf32, #tpu.memory_space<vmem>>) target(%dma_start3A_54 : memref<128x16xf32, #tpu.memory_space<hbm>>) target_semaphore(%arg18 : memref<!tpu.dma_semaphore, #tpu.memory_space<semaphore_mem>>)
      %dma_start3A_55 = arith.constant 0 : i32
      %dma_start3A_56 = tpu.memref_slice %arg10[%multiple_of3A, %dma_start3A_55] : memref<1600000x16xf32, #tpu.memory_space<hbm>> -> memref<128x16xf32, #tpu.memory_space<hbm>>
      %dma_start3A_57 = arith.constant 0 : i32
      %dma_start3A_58 = tpu.memref_slice %arg10[%multiple_of3A, %dma_start3A_57] : memref<1600000x16xf32, #tpu.memory_space<hbm>> -> memref<128x16xf32, #tpu.memory_space<hbm>>
      tpu.enqueue_dma source(%arg16 : memref<128x16xf32, #tpu.memory_space<vmem>>) target(%dma_start3A_58 : memref<128x16xf32, #tpu.memory_space<hbm>>) target_semaphore(%arg18 : memref<!tpu.dma_semaphore, #tpu.memory_space<semaphore_mem>>)
      %dma_wait3A_59 = arith.constant 0 : i32
      %dma_wait3A_60 = tpu.memref_slice %arg7[%multiple_of3A, %dma_wait3A_59] : memref<1600000x32xf32, #tpu.memory_space<hbm>> -> memref<128x32xf32, #tpu.memory_space<hbm>>
      %dma_wait3A_61 = arith.constant 0 : i32
      %dma_wait3A_62 = tpu.memref_slice %arg7[%multiple_of3A, %dma_wait3A_61] : memref<1600000x32xf32, #tpu.memory_space<hbm>> -> memref<128x32xf32, #tpu.memory_space<hbm>>
      tpu.wait_dma2 semaphore(%arg18 : memref<!tpu.dma_semaphore, #tpu.memory_space<semaphore_mem>>) src(%arg13 : memref<128x32xf32, #tpu.memory_space<vmem>>) dst(%dma_wait3A_62 : memref<128x32xf32, #tpu.memory_space<hbm>>)
      %dma_wait3A_63 = arith.constant 0 : i32
      %dma_wait3A_64 = tpu.memref_slice %arg8[%multiple_of3A, %dma_wait3A_63] : memref<1600000x32xf32, #tpu.memory_space<hbm>> -> memref<128x32xf32, #tpu.memory_space<hbm>>
      %dma_wait3A_65 = arith.constant 0 : i32
      %dma_wait3A_66 = tpu.memref_slice %arg8[%multiple_of3A, %dma_wait3A_65] : memref<1600000x32xf32, #tpu.memory_space<hbm>> -> memref<128x32xf32, #tpu.memory_space<hbm>>
      tpu.wait_dma2 semaphore(%arg18 : memref<!tpu.dma_semaphore, #tpu.memory_space<semaphore_mem>>) src(%arg14 : memref<128x32xf32, #tpu.memory_space<vmem>>) dst(%dma_wait3A_66 : memref<128x32xf32, #tpu.memory_space<hbm>>)
      %dma_wait3A_67 = arith.constant 0 : i32
      %dma_wait3A_68 = tpu.memref_slice %arg9[%multiple_of3A, %dma_wait3A_67] : memref<1600000x16xf32, #tpu.memory_space<hbm>> -> memref<128x16xf32, #tpu.memory_space<hbm>>
      %dma_wait3A_69 = arith.constant 0 : i32
      %dma_wait3A_70 = tpu.memref_slice %arg9[%multiple_of3A, %dma_wait3A_69] : memref<1600000x16xf32, #tpu.memory_space<hbm>> -> memref<128x16xf32, #tpu.memory_space<hbm>>
      tpu.wait_dma2 semaphore(%arg18 : memref<!tpu.dma_semaphore, #tpu.memory_space<semaphore_mem>>) src(%arg15 : memref<128x16xf32, #tpu.memory_space<vmem>>) dst(%dma_wait3A_70 : memref<128x16xf32, #tpu.memory_space<hbm>>)
      %dma_wait3A_71 = arith.constant 0 : i32
      %dma_wait3A_72 = tpu.memref_slice %arg10[%multiple_of3A, %dma_wait3A_71] : memref<1600000x16xf32, #tpu.memory_space<hbm>> -> memref<128x16xf32, #tpu.memory_space<hbm>>
      %dma_wait3A_73 = arith.constant 0 : i32
      %dma_wait3A_74 = tpu.memref_slice %arg10[%multiple_of3A, %dma_wait3A_73] : memref<1600000x16xf32, #tpu.memory_space<hbm>> -> memref<128x16xf32, #tpu.memory_space<hbm>>
      tpu.wait_dma2 semaphore(%arg18 : memref<!tpu.dma_semaphore, #tpu.memory_space<semaphore_mem>>) src(%arg16 : memref<128x16xf32, #tpu.memory_space<vmem>>) dst(%dma_wait3A_74 : memref<128x16xf32, #tpu.memory_space<hbm>>)
    }
    return
  }
}

#map = affine_map<(d0, d1) -> (0)>
#map1 = affine_map<(d0, d1) -> (0, 0)>
module attributes {stable_mosaic.version = 14 : i64} {
  func.func @egnn_sc_scatter32(%arg0: i32, %arg1: i32, %arg2: memref<1600000xi32, #tpu.memory_space<hbm>>, %arg3: memref<1600000x32xf32, #tpu.memory_space<hbm>>, %arg4: memref<100000x32xf32, #tpu.memory_space<hbm>>, %arg5: memref<51200x32xf32, #tpu.memory_space<vmem_shared>>, %arg6: memref<128xi32, #tpu.memory_space<vmem>>, %arg7: memref<128xi32, #tpu.memory_space<vmem>>, %arg8: memref<128x32xf32, #tpu.memory_space<vmem>>, %arg9: memref<400x32xf32, #tpu.memory_space<vmem>>) attributes {dimension_semantics = [#tpu.dimension_semantics<core_parallel>, #tpu.dimension_semantics<subcore_parallel>], iteration_bounds = array<i64: 2, 16>, scalar_prefetch = 0 : i64, scratch_operands = 5 : i64, tpu.core_type = #tpu.core_type<sc_vector_subcore>, window_params = [{transform_indices = #map}, {transform_indices = #map1}, {transform_indices = #map1}]} {
    %mul3A = arith.constant 50000 : i32
    %mul3A_0 = arith.muli %arg0, %mul3A : i32
    %scan3A = arith.constant 0 : i32
    %scan3A_1 = arith.constant 400 : i32
    %scan3A_2 = arith.addi %scan3A, %scan3A_1 : i32
    %scan3A_3 = arith.constant 1 : i32
    scf.for %scan3A_68 = %scan3A to %scan3A_2 step %scan3A_3  : i32 {
      %mul3A_69 = arith.constant 1 : i32
      %mul3A_70 = arith.muli %scan3A_68, %mul3A_69 : i32
      %add3A_71 = arith.constant 0 : i32
      %add3A_72 = arith.addi %add3A_71, %mul3A_70 : i32
      %broadcast_in_dim3A = arith.constant 0.000000e+00 : f32
      %broadcast_in_dim3A_73 = vector.broadcast %broadcast_in_dim3A : f32 to vector<16xf32>
      %swap3A = arith.index_cast %add3A_72 : i32 to index
      %swap3A_74 = arith.constant 0 : index
      %swap3A_75 = tpu.vector_load %arg9[%swap3A, %swap3A_74] {strides = array<i32>} : memref<400x32xf32, #tpu.memory_space<vmem>>, vector<1x16xf32>,
      %swap3A_76 = vector.shape_cast %swap3A_75 : vector<1x16xf32> to vector<16xf32>
      %swap3A_77 = vector.shape_cast %broadcast_in_dim3A_73 : vector<16xf32> to vector<1x16xf32>
      tpu.vector_store %arg9[%swap3A, %swap3A_74], %swap3A_77 {strides = array<i32>} : memref<400x32xf32, #tpu.memory_space<vmem>>, vector<1x16xf32>,
      %broadcast_in_dim3A_78 = arith.constant 0.000000e+00 : f32
      %broadcast_in_dim3A_79 = vector.broadcast %broadcast_in_dim3A_78 : f32 to vector<16xf32>
      %swap3A_80 = arith.index_cast %add3A_72 : i32 to index
      %swap3A_81 = arith.constant 16 : index
      %swap3A_82 = tpu.vector_load %arg9[%swap3A_80, %swap3A_81] {strides = array<i32>} : memref<400x32xf32, #tpu.memory_space<vmem>>, vector<1x16xf32>,
      %swap3A_83 = vector.shape_cast %swap3A_82 : vector<1x16xf32> to vector<16xf32>
      %swap3A_84 = vector.shape_cast %broadcast_in_dim3A_79 : vector<16xf32> to vector<1x16xf32>
      tpu.vector_store %arg9[%swap3A_80, %swap3A_81], %swap3A_84 {strides = array<i32>} : memref<400x32xf32, #tpu.memory_space<vmem>>, vector<1x16xf32>,
    }
    %scan3A_4 = arith.constant 400 : i32
    %mul3A_5 = arith.constant 3200 : i32
    %mul3A_6 = arith.muli %arg1, %mul3A_5 : i32
    %scan3A_7 = arith.constant 0 : i32
    %scan3A_8 = arith.constant 8 : i32
    %scan3A_9 = arith.addi %scan3A_7, %scan3A_8 : i32
    %scan3A_10 = arith.constant 1 : i32
    scf.for %scan3A_68 = %scan3A_7 to %scan3A_9 step %scan3A_10  : i32 {
      %mul3A_69 = arith.constant 1 : i32
      %mul3A_70 = arith.muli %scan3A_68, %mul3A_69 : i32
      %add3A_71 = arith.constant 0 : i32
      %add3A_72 = arith.addi %add3A_71, %mul3A_70 : i32
      %mul3A_73 = arith.constant 400 : i32
      %mul3A_74 = arith.muli %add3A_72, %mul3A_73 : i32
      %add3A_75 = arith.addi %mul3A_6, %mul3A_74 : i32
      %multiple_of3A = tpu.assume_multiple %add3A_75, 8 : i32
      "tpu.region"() ({
        %run_scoped3A = tpu.sem_alloc : memref<!tpu.dma_semaphore, #tpu.memory_space<semaphore_mem>>
        %dma_start3A = arith.constant 0 : i32
        %dma_start3A_76 = tpu.memref_slice %arg5[%multiple_of3A, %dma_start3A] : memref<51200x32xf32, #tpu.memory_space<vmem_shared>> -> memref<400x32xf32, #tpu.memory_space<vmem_shared>>
        %dma_start3A_77 = arith.constant 0 : i32
        %dma_start3A_78 = tpu.memref_slice %arg5[%multiple_of3A, %dma_start3A_77] : memref<51200x32xf32, #tpu.memory_space<vmem_shared>> -> memref<400x32xf32, #tpu.memory_space<vmem_shared>>
        tpu.enqueue_dma source(%arg9 : memref<400x32xf32, #tpu.memory_space<vmem>>) target(%dma_start3A_78 : memref<400x32xf32, #tpu.memory_space<vmem_shared>>) target_semaphore(%run_scoped3A : memref<!tpu.dma_semaphore, #tpu.memory_space<semaphore_mem>>)
        %dma_wait3A = arith.constant 0 : i32
        %dma_wait3A_79 = tpu.memref_slice %arg5[%multiple_of3A, %dma_wait3A] : memref<51200x32xf32, #tpu.memory_space<vmem_shared>> -> memref<400x32xf32, #tpu.memory_space<vmem_shared>>
        %dma_wait3A_80 = arith.constant 0 : i32
        %dma_wait3A_81 = tpu.memref_slice %arg5[%multiple_of3A, %dma_wait3A_80] : memref<51200x32xf32, #tpu.memory_space<vmem_shared>> -> memref<400x32xf32, #tpu.memory_space<vmem_shared>>
        tpu.wait_dma2 semaphore(%run_scoped3A : memref<!tpu.dma_semaphore, #tpu.memory_space<semaphore_mem>>) src(%arg9 : memref<400x32xf32, #tpu.memory_space<vmem>>) dst(%dma_wait3A_81 : memref<400x32xf32, #tpu.memory_space<vmem_shared>>)
        tpu.yield
      }) : () -> ()
    }
    %scan3A_11 = arith.constant 8 : i32
    %barrier3A = arith.constant 0 : index
    tpu.barrier barrier_id(%barrier3A)
    %sub3A = arith.constant 12500 : i32
    %sub3A_12 = arith.subi %sub3A, %arg1 : i32
    %sub3A_13 = arith.constant 16 : i32
    %sub3A_14 = arith.constant 1 : i32
    %sub3A_15 = arith.subi %sub3A_13, %sub3A_14 : i32
    %add3A = arith.addi %sub3A_12, %sub3A_15 : i32
    %div3A = arith.constant 16 : i32
    %div3A_16 = arith.divsi %add3A, %div3A : i32
    %while3A = arith.constant 16 : i32
    %while3A_17 = arith.constant 0 : i32
    %while3A_18 = arith.subi %div3A_16, %while3A_17 : i32
    %while3A_19 = arith.addi %while3A_17, %while3A_18 : i32
    %while3A_20 = arith.constant 1 : i32
    %while3A_21 = arith.divsi %while3A_18, %while3A_20 : i32
    %while3A_22 = arith.muli %while3A_21, %while3A_20 : i32
    %while3A_23 = arith.addi %while3A_17, %while3A_22 : i32
    %while3A_24 = arith.constant 1 : i32
    scf.for %while3A_68 = %while3A_17 to %while3A_23 step %while3A_24  : i32 {
      %mul3A_69 = arith.muli %while3A_68, %while3A : i32
      %add3A_70 = arith.addi %arg1, %mul3A_69 : i32
      %mul3A_71 = arith.constant 128 : i32
      %mul3A_72 = arith.muli %add3A_70, %mul3A_71 : i32
      %multiple_of3A = tpu.assume_multiple %mul3A_72, 128 : i32
      "tpu.region"() ({
        %run_scoped3A = tpu.sem_alloc : memref<!tpu.dma_semaphore, #tpu.memory_space<semaphore_mem>>
        %dma_start3A = tpu.memref_slice %arg2[%multiple_of3A] : memref<1600000xi32, #tpu.memory_space<hbm>> -> memref<128xi32, #tpu.memory_space<hbm>>
        %dma_start3A_220 = tpu.memref_slice %arg2[%multiple_of3A] : memref<1600000xi32, #tpu.memory_space<hbm>> -> memref<128xi32, #tpu.memory_space<hbm>>
        tpu.enqueue_dma source(%dma_start3A_220 : memref<128xi32, #tpu.memory_space<hbm>>) target(%arg6 : memref<128xi32, #tpu.memory_space<vmem>>) target_semaphore(%run_scoped3A : memref<!tpu.dma_semaphore, #tpu.memory_space<semaphore_mem>>)
        %dma_wait3A = tpu.memref_slice %arg2[%multiple_of3A] : memref<1600000xi32, #tpu.memory_space<hbm>> -> memref<128xi32, #tpu.memory_space<hbm>>
        %dma_wait3A_221 = tpu.memref_slice %arg2[%multiple_of3A] : memref<1600000xi32, #tpu.memory_space<hbm>> -> memref<128xi32, #tpu.memory_space<hbm>>
        tpu.wait_dma2 semaphore(%run_scoped3A : memref<!tpu.dma_semaphore, #tpu.memory_space<semaphore_mem>>) src(%dma_wait3A_221 : memref<128xi32, #tpu.memory_space<hbm>>) dst(%arg6 : memref<128xi32, #tpu.memory_space<vmem>>)
        tpu.yield
      }) : () -> ()
      "tpu.region"() ({
        %run_scoped3A = tpu.sem_alloc : memref<!tpu.dma_semaphore, #tpu.memory_space<semaphore_mem>>
        %dma_start3A = arith.constant 0 : i32
        %dma_start3A_220 = tpu.memref_slice %arg3[%multiple_of3A, %dma_start3A] : memref<1600000x32xf32, #tpu.memory_space<hbm>> -> memref<128x32xf32, #tpu.memory_space<hbm>>
        %dma_start3A_221 = arith.constant 0 : i32
        %dma_start3A_222 = tpu.memref_slice %arg3[%multiple_of3A, %dma_start3A_221] : memref<1600000x32xf32, #tpu.memory_space<hbm>> -> memref<128x32xf32, #tpu.memory_space<hbm>>
        tpu.enqueue_dma source(%dma_start3A_222 : memref<128x32xf32, #tpu.memory_space<hbm>>) target(%arg8 : memref<128x32xf32, #tpu.memory_space<vmem>>) target_semaphore(%run_scoped3A : memref<!tpu.dma_semaphore, #tpu.memory_space<semaphore_mem>>)
        %dma_wait3A = arith.constant 0 : i32
        %dma_wait3A_223 = tpu.memref_slice %arg3[%multiple_of3A, %dma_wait3A] : memref<1600000x32xf32, #tpu.memory_space<hbm>> -> memref<128x32xf32, #tpu.memory_space<hbm>>
        %dma_wait3A_224 = arith.constant 0 : i32
        %dma_wait3A_225 = tpu.memref_slice %arg3[%multiple_of3A, %dma_wait3A_224] : memref<1600000x32xf32, #tpu.memory_space<hbm>> -> memref<128x32xf32, #tpu.memory_space<hbm>>
        tpu.wait_dma2 semaphore(%run_scoped3A : memref<!tpu.dma_semaphore, #tpu.memory_space<semaphore_mem>>) src(%dma_wait3A_225 : memref<128x32xf32, #tpu.memory_space<hbm>>) dst(%arg8 : memref<128x32xf32, #tpu.memory_space<vmem>>)
        tpu.yield
      }) : () -> ()
      %get3A = arith.constant 0 : index
      %get3A_73 = tpu.vector_load %arg6[%get3A] {strides = array<i32>} : memref<128xi32, #tpu.memory_space<vmem>>, vector<16xi32>,
      %get3A_74 = vector.shape_cast %get3A_73 : vector<16xi32> to vector<16xi32>
      %ge3A = vector.broadcast %mul3A_0 : i32 to vector<16xi32>
      %ge3A_75 = arith.cmpi sge, %get3A_74, %ge3A : vector<16xi32>
      %add3A_76 = arith.constant 50000 : i32
      %add3A_77 = arith.addi %mul3A_0, %add3A_76 : i32
      %lt3A = vector.broadcast %add3A_77 : i32 to vector<16xi32>
      %lt3A_78 = arith.cmpi slt, %get3A_74, %lt3A : vector<16xi32>
      %and3A_79 = arith.andi %ge3A_75, %lt3A_78 : vector<16xi1>
      %sub3A_80 = vector.broadcast %mul3A_0 : i32 to vector<16xi32>
      %sub3A_81 = arith.subi %get3A_74, %sub3A_80 : vector<16xi32>
      %jit3A_82 = arith.constant 50000 : i32
      %broadcast_in_dim3A = vector.broadcast %jit3A_82 : i32 to vector<16xi32>
      %select_n3A_83 = arith.select %and3A_79, %sub3A_81, %broadcast_in_dim3A : vector<16xi1>, vector<16xi32>
      %swap3A = arith.constant 0 : index
      %swap3A_84 = tpu.vector_load %arg7[%swap3A] {strides = array<i32>} : memref<128xi32, #tpu.memory_space<vmem>>, vector<16xi32>,
      %swap3A_85 = vector.shape_cast %swap3A_84 : vector<16xi32> to vector<16xi32>
      %swap3A_86 = vector.shape_cast %select_n3A_83 : vector<16xi32> to vector<16xi32>
      tpu.vector_store %arg7[%swap3A], %swap3A_86 {strides = array<i32>} : memref<128xi32, #tpu.memory_space<vmem>>, vector<16xi32>,
      %get3A_87 = arith.constant 16 : index
      %get3A_88 = tpu.vector_load %arg6[%get3A_87] {strides = array<i32>} : memref<128xi32, #tpu.memory_space<vmem>>, vector<16xi32>,
      %get3A_89 = vector.shape_cast %get3A_88 : vector<16xi32> to vector<16xi32>
      %ge3A_90 = vector.broadcast %mul3A_0 : i32 to vector<16xi32>
      %ge3A_91 = arith.cmpi sge, %get3A_89, %ge3A_90 : vector<16xi32>
      %add3A_92 = arith.constant 50000 : i32
      %add3A_93 = arith.addi %mul3A_0, %add3A_92 : i32
      %lt3A_94 = vector.broadcast %add3A_93 : i32 to vector<16xi32>
      %lt3A_95 = arith.cmpi slt, %get3A_89, %lt3A_94 : vector<16xi32>
      %and3A_96 = arith.andi %ge3A_91, %lt3A_95 : vector<16xi1>
      %sub3A_97 = vector.broadcast %mul3A_0 : i32 to vector<16xi32>
      %sub3A_98 = arith.subi %get3A_89, %sub3A_97 : vector<16xi32>
      %jit3A_99 = arith.constant 50000 : i32
      %broadcast_in_dim3A_100 = vector.broadcast %jit3A_99 : i32 to vector<16xi32>
      %select_n3A_101 = arith.select %and3A_96, %sub3A_98, %broadcast_in_dim3A_100 : vector<16xi1>, vector<16xi32>
      %swap3A_102 = arith.constant 16 : index
      %swap3A_103 = tpu.vector_load %arg7[%swap3A_102] {strides = array<i32>} : memref<128xi32, #tpu.memory_space<vmem>>, vector<16xi32>,
      %swap3A_104 = vector.shape_cast %swap3A_103 : vector<16xi32> to vector<16xi32>
      %swap3A_105 = vector.shape_cast %select_n3A_101 : vector<16xi32> to vector<16xi32>
      tpu.vector_store %arg7[%swap3A_102], %swap3A_105 {strides = array<i32>} : memref<128xi32, #tpu.memory_space<vmem>>, vector<16xi32>,
      %get3A_106 = arith.constant 32 : index
      %get3A_107 = tpu.vector_load %arg6[%get3A_106] {strides = array<i32>} : memref<128xi32, #tpu.memory_space<vmem>>, vector<16xi32>,
      %get3A_108 = vector.shape_cast %get3A_107 : vector<16xi32> to vector<16xi32>
      %ge3A_109 = vector.broadcast %mul3A_0 : i32 to vector<16xi32>
      %ge3A_110 = arith.cmpi sge, %get3A_108, %ge3A_109 : vector<16xi32>
      %add3A_111 = arith.constant 50000 : i32
      %add3A_112 = arith.addi %mul3A_0, %add3A_111 : i32
      %lt3A_113 = vector.broadcast %add3A_112 : i32 to vector<16xi32>
      %lt3A_114 = arith.cmpi slt, %get3A_108, %lt3A_113 : vector<16xi32>
      %and3A_115 = arith.andi %ge3A_110, %lt3A_114 : vector<16xi1>
      %sub3A_116 = vector.broadcast %mul3A_0 : i32 to vector<16xi32>
      %sub3A_117 = arith.subi %get3A_108, %sub3A_116 : vector<16xi32>
      %jit3A_118 = arith.constant 50000 : i32
      %broadcast_in_dim3A_119 = vector.broadcast %jit3A_118 : i32 to vector<16xi32>
      %select_n3A_120 = arith.select %and3A_115, %sub3A_117, %broadcast_in_dim3A_119 : vector<16xi1>, vector<16xi32>
      %swap3A_121 = arith.constant 32 : index
      %swap3A_122 = tpu.vector_load %arg7[%swap3A_121] {strides = array<i32>} : memref<128xi32, #tpu.memory_space<vmem>>, vector<16xi32>,
      %swap3A_123 = vector.shape_cast %swap3A_122 : vector<16xi32> to vector<16xi32>
      %swap3A_124 = vector.shape_cast %select_n3A_120 : vector<16xi32> to vector<16xi32>
      tpu.vector_store %arg7[%swap3A_121], %swap3A_124 {strides = array<i32>} : memref<128xi32, #tpu.memory_space<vmem>>, vector<16xi32>,
      %get3A_125 = arith.constant 48 : index
      %get3A_126 = tpu.vector_load %arg6[%get3A_125] {strides = array<i32>} : memref<128xi32, #tpu.memory_space<vmem>>, vector<16xi32>,
      %get3A_127 = vector.shape_cast %get3A_126 : vector<16xi32> to vector<16xi32>
      %ge3A_128 = vector.broadcast %mul3A_0 : i32 to vector<16xi32>
      %ge3A_129 = arith.cmpi sge, %get3A_127, %ge3A_128 : vector<16xi32>
      %add3A_130 = arith.constant 50000 : i32
      %add3A_131 = arith.addi %mul3A_0, %add3A_130 : i32
      %lt3A_132 = vector.broadcast %add3A_131 : i32 to vector<16xi32>
      %lt3A_133 = arith.cmpi slt, %get3A_127, %lt3A_132 : vector<16xi32>
      %and3A_134 = arith.andi %ge3A_129, %lt3A_133 : vector<16xi1>
      %sub3A_135 = vector.broadcast %mul3A_0 : i32 to vector<16xi32>
      %sub3A_136 = arith.subi %get3A_127, %sub3A_135 : vector<16xi32>
      %jit3A_137 = arith.constant 50000 : i32
      %broadcast_in_dim3A_138 = vector.broadcast %jit3A_137 : i32 to vector<16xi32>
      %select_n3A_139 = arith.select %and3A_134, %sub3A_136, %broadcast_in_dim3A_138 : vector<16xi1>, vector<16xi32>
      %swap3A_140 = arith.constant 48 : index
      %swap3A_141 = tpu.vector_load %arg7[%swap3A_140] {strides = array<i32>} : memref<128xi32, #tpu.memory_space<vmem>>, vector<16xi32>,
      %swap3A_142 = vector.shape_cast %swap3A_141 : vector<16xi32> to vector<16xi32>
      %swap3A_143 = vector.shape_cast %select_n3A_139 : vector<16xi32> to vector<16xi32>
      tpu.vector_store %arg7[%swap3A_140], %swap3A_143 {strides = array<i32>} : memref<128xi32, #tpu.memory_space<vmem>>, vector<16xi32>,
      %get3A_144 = arith.constant 64 : index
      %get3A_145 = tpu.vector_load %arg6[%get3A_144] {strides = array<i32>} : memref<128xi32, #tpu.memory_space<vmem>>, vector<16xi32>,
      %get3A_146 = vector.shape_cast %get3A_145 : vector<16xi32> to vector<16xi32>
      %ge3A_147 = vector.broadcast %mul3A_0 : i32 to vector<16xi32>
      %ge3A_148 = arith.cmpi sge, %get3A_146, %ge3A_147 : vector<16xi32>
      %add3A_149 = arith.constant 50000 : i32
      %add3A_150 = arith.addi %mul3A_0, %add3A_149 : i32
      %lt3A_151 = vector.broadcast %add3A_150 : i32 to vector<16xi32>
      %lt3A_152 = arith.cmpi slt, %get3A_146, %lt3A_151 : vector<16xi32>
      %and3A_153 = arith.andi %ge3A_148, %lt3A_152 : vector<16xi1>
      %sub3A_154 = vector.broadcast %mul3A_0 : i32 to vector<16xi32>
      %sub3A_155 = arith.subi %get3A_146, %sub3A_154 : vector<16xi32>
      %jit3A_156 = arith.constant 50000 : i32
      %broadcast_in_dim3A_157 = vector.broadcast %jit3A_156 : i32 to vector<16xi32>
      %select_n3A_158 = arith.select %and3A_153, %sub3A_155, %broadcast_in_dim3A_157 : vector<16xi1>, vector<16xi32>
      %swap3A_159 = arith.constant 64 : index
      %swap3A_160 = tpu.vector_load %arg7[%swap3A_159] {strides = array<i32>} : memref<128xi32, #tpu.memory_space<vmem>>, vector<16xi32>,
      %swap3A_161 = vector.shape_cast %swap3A_160 : vector<16xi32> to vector<16xi32>
      %swap3A_162 = vector.shape_cast %select_n3A_158 : vector<16xi32> to vector<16xi32>
      tpu.vector_store %arg7[%swap3A_159], %swap3A_162 {strides = array<i32>} : memref<128xi32, #tpu.memory_space<vmem>>, vector<16xi32>,
      %get3A_163 = arith.constant 80 : index
      %get3A_164 = tpu.vector_load %arg6[%get3A_163] {strides = array<i32>} : memref<128xi32, #tpu.memory_space<vmem>>, vector<16xi32>,
      %get3A_165 = vector.shape_cast %get3A_164 : vector<16xi32> to vector<16xi32>
      %ge3A_166 = vector.broadcast %mul3A_0 : i32 to vector<16xi32>
      %ge3A_167 = arith.cmpi sge, %get3A_165, %ge3A_166 : vector<16xi32>
      %add3A_168 = arith.constant 50000 : i32
      %add3A_169 = arith.addi %mul3A_0, %add3A_168 : i32
      %lt3A_170 = vector.broadcast %add3A_169 : i32 to vector<16xi32>
      %lt3A_171 = arith.cmpi slt, %get3A_165, %lt3A_170 : vector<16xi32>
      %and3A_172 = arith.andi %ge3A_167, %lt3A_171 : vector<16xi1>
      %sub3A_173 = vector.broadcast %mul3A_0 : i32 to vector<16xi32>
      %sub3A_174 = arith.subi %get3A_165, %sub3A_173 : vector<16xi32>
      %jit3A_175 = arith.constant 50000 : i32
      %broadcast_in_dim3A_176 = vector.broadcast %jit3A_175 : i32 to vector<16xi32>
      %select_n3A_177 = arith.select %and3A_172, %sub3A_174, %broadcast_in_dim3A_176 : vector<16xi1>, vector<16xi32>
      %swap3A_178 = arith.constant 80 : index
      %swap3A_179 = tpu.vector_load %arg7[%swap3A_178] {strides = array<i32>} : memref<128xi32, #tpu.memory_space<vmem>>, vector<16xi32>,
      %swap3A_180 = vector.shape_cast %swap3A_179 : vector<16xi32> to vector<16xi32>
      %swap3A_181 = vector.shape_cast %select_n3A_177 : vector<16xi32> to vector<16xi32>
      tpu.vector_store %arg7[%swap3A_178], %swap3A_181 {strides = array<i32>} : memref<128xi32, #tpu.memory_space<vmem>>, vector<16xi32>,
      %get3A_182 = arith.constant 96 : index
      %get3A_183 = tpu.vector_load %arg6[%get3A_182] {strides = array<i32>} : memref<128xi32, #tpu.memory_space<vmem>>, vector<16xi32>,
      %get3A_184 = vector.shape_cast %get3A_183 : vector<16xi32> to vector<16xi32>
      %ge3A_185 = vector.broadcast %mul3A_0 : i32 to vector<16xi32>
      %ge3A_186 = arith.cmpi sge, %get3A_184, %ge3A_185 : vector<16xi32>
      %add3A_187 = arith.constant 50000 : i32
      %add3A_188 = arith.addi %mul3A_0, %add3A_187 : i32
      %lt3A_189 = vector.broadcast %add3A_188 : i32 to vector<16xi32>
      %lt3A_190 = arith.cmpi slt, %get3A_184, %lt3A_189 : vector<16xi32>
      %and3A_191 = arith.andi %ge3A_186, %lt3A_190 : vector<16xi1>
      %sub3A_192 = vector.broadcast %mul3A_0 : i32 to vector<16xi32>
      %sub3A_193 = arith.subi %get3A_184, %sub3A_192 : vector<16xi32>
      %jit3A_194 = arith.constant 50000 : i32
      %broadcast_in_dim3A_195 = vector.broadcast %jit3A_194 : i32 to vector<16xi32>
      %select_n3A_196 = arith.select %and3A_191, %sub3A_193, %broadcast_in_dim3A_195 : vector<16xi1>, vector<16xi32>
      %swap3A_197 = arith.constant 96 : index
      %swap3A_198 = tpu.vector_load %arg7[%swap3A_197] {strides = array<i32>} : memref<128xi32, #tpu.memory_space<vmem>>, vector<16xi32>,
      %swap3A_199 = vector.shape_cast %swap3A_198 : vector<16xi32> to vector<16xi32>
      %swap3A_200 = vector.shape_cast %select_n3A_196 : vector<16xi32> to vector<16xi32>
      tpu.vector_store %arg7[%swap3A_197], %swap3A_200 {strides = array<i32>} : memref<128xi32, #tpu.memory_space<vmem>>, vector<16xi32>,
      %get3A_201 = arith.constant 112 : index
      %get3A_202 = tpu.vector_load %arg6[%get3A_201] {strides = array<i32>} : memref<128xi32, #tpu.memory_space<vmem>>, vector<16xi32>,
      %get3A_203 = vector.shape_cast %get3A_202 : vector<16xi32> to vector<16xi32>
      %ge3A_204 = vector.broadcast %mul3A_0 : i32 to vector<16xi32>
      %ge3A_205 = arith.cmpi sge, %get3A_203, %ge3A_204 : vector<16xi32>
      %add3A_206 = arith.constant 50000 : i32
      %add3A_207 = arith.addi %mul3A_0, %add3A_206 : i32
      %lt3A_208 = vector.broadcast %add3A_207 : i32 to vector<16xi32>
      %lt3A_209 = arith.cmpi slt, %get3A_203, %lt3A_208 : vector<16xi32>
      %and3A_210 = arith.andi %ge3A_205, %lt3A_209 : vector<16xi1>
      %sub3A_211 = vector.broadcast %mul3A_0 : i32 to vector<16xi32>
      %sub3A_212 = arith.subi %get3A_203, %sub3A_211 : vector<16xi32>
      %jit3A_213 = arith.constant 50000 : i32
      %broadcast_in_dim3A_214 = vector.broadcast %jit3A_213 : i32 to vector<16xi32>
      %select_n3A_215 = arith.select %and3A_210, %sub3A_212, %broadcast_in_dim3A_214 : vector<16xi1>, vector<16xi32>
      %swap3A_216 = arith.constant 112 : index
      %swap3A_217 = tpu.vector_load %arg7[%swap3A_216] {strides = array<i32>} : memref<128xi32, #tpu.memory_space<vmem>>, vector<16xi32>,
      %swap3A_218 = vector.shape_cast %swap3A_217 : vector<16xi32> to vector<16xi32>
      %swap3A_219 = vector.shape_cast %select_n3A_215 : vector<16xi32> to vector<16xi32>
      tpu.vector_store %arg7[%swap3A_216], %swap3A_219 {strides = array<i32>} : memref<128xi32, #tpu.memory_space<vmem>>, vector<16xi32>,
      "tpu.region"() ({
        %run_scoped3A = tpu.sem_alloc : memref<!tpu.dma_semaphore, #tpu.memory_space<semaphore_mem>>
        %dma_start3A = arith.constant 0 : i32
        %dma_start3A_220 = arith.constant 0 : i32
        %dma_start3A_221 = tpu.memref_slice %arg5[%dma_start3A, %dma_start3A_220] : memref<51200x32xf32, #tpu.memory_space<vmem_shared>> -> memref<51200x32xf32, #tpu.memory_space<vmem_shared>>
        tpu.enqueue_indirect_dma source(%arg8 : memref<128x32xf32, #tpu.memory_space<vmem>>) target(%dma_start3A_221 : memref<51200x32xf32, #tpu.memory_space<vmem_shared>>) offsets(%arg7 : memref<128xi32, #tpu.memory_space<vmem>>) semaphore(%run_scoped3A : memref<!tpu.dma_semaphore, #tpu.memory_space<semaphore_mem>>) {add = true}
        %dma_wait3A = arith.constant 0 : i32
        %dma_wait3A_222 = arith.constant 0 : i32
        %dma_wait3A_223 = tpu.memref_slice %arg5[%dma_wait3A, %dma_wait3A_222] : memref<51200x32xf32, #tpu.memory_space<vmem_shared>> -> memref<51200x32xf32, #tpu.memory_space<vmem_shared>>
        tpu.wait_indirect_dma semaphore(%run_scoped3A : memref<!tpu.dma_semaphore, #tpu.memory_space<semaphore_mem>>) src(%arg8 : memref<128x32xf32, #tpu.memory_space<vmem>>) dst(%dma_wait3A_223 : memref<51200x32xf32, #tpu.memory_space<vmem_shared>>)
        tpu.yield
      }) : () -> ()
    }
    %while3A_25 = arith.constant 1 : i32
    scf.for %while3A_68 = %while3A_23 to %while3A_19 step %while3A_25  : i32 {
      %mul3A_69 = arith.muli %while3A_68, %while3A : i32
      %add3A_70 = arith.addi %arg1, %mul3A_69 : i32
      %mul3A_71 = arith.constant 128 : i32
      %mul3A_72 = arith.muli %add3A_70, %mul3A_71 : i32
      %multiple_of3A = tpu.assume_multiple %mul3A_72, 128 : i32
      "tpu.region"() ({
        %run_scoped3A = tpu.sem_alloc : memref<!tpu.dma_semaphore, #tpu.memory_space<semaphore_mem>>
        %dma_start3A = tpu.memref_slice %arg2[%multiple_of3A] : memref<1600000xi32, #tpu.memory_space<hbm>> -> memref<128xi32, #tpu.memory_space<hbm>>
        %dma_start3A_220 = tpu.memref_slice %arg2[%multiple_of3A] : memref<1600000xi32, #tpu.memory_space<hbm>> -> memref<128xi32, #tpu.memory_space<hbm>>
        tpu.enqueue_dma source(%dma_start3A_220 : memref<128xi32, #tpu.memory_space<hbm>>) target(%arg6 : memref<128xi32, #tpu.memory_space<vmem>>) target_semaphore(%run_scoped3A : memref<!tpu.dma_semaphore, #tpu.memory_space<semaphore_mem>>)
        %dma_wait3A = tpu.memref_slice %arg2[%multiple_of3A] : memref<1600000xi32, #tpu.memory_space<hbm>> -> memref<128xi32, #tpu.memory_space<hbm>>
        %dma_wait3A_221 = tpu.memref_slice %arg2[%multiple_of3A] : memref<1600000xi32, #tpu.memory_space<hbm>> -> memref<128xi32, #tpu.memory_space<hbm>>
        tpu.wait_dma2 semaphore(%run_scoped3A : memref<!tpu.dma_semaphore, #tpu.memory_space<semaphore_mem>>) src(%dma_wait3A_221 : memref<128xi32, #tpu.memory_space<hbm>>) dst(%arg6 : memref<128xi32, #tpu.memory_space<vmem>>)
        tpu.yield
      }) : () -> ()
      "tpu.region"() ({
        %run_scoped3A = tpu.sem_alloc : memref<!tpu.dma_semaphore, #tpu.memory_space<semaphore_mem>>
        %dma_start3A = arith.constant 0 : i32
        %dma_start3A_220 = tpu.memref_slice %arg3[%multiple_of3A, %dma_start3A] : memref<1600000x32xf32, #tpu.memory_space<hbm>> -> memref<128x32xf32, #tpu.memory_space<hbm>>
        %dma_start3A_221 = arith.constant 0 : i32
        %dma_start3A_222 = tpu.memref_slice %arg3[%multiple_of3A, %dma_start3A_221] : memref<1600000x32xf32, #tpu.memory_space<hbm>> -> memref<128x32xf32, #tpu.memory_space<hbm>>
        tpu.enqueue_dma source(%dma_start3A_222 : memref<128x32xf32, #tpu.memory_space<hbm>>) target(%arg8 : memref<128x32xf32, #tpu.memory_space<vmem>>) target_semaphore(%run_scoped3A : memref<!tpu.dma_semaphore, #tpu.memory_space<semaphore_mem>>)
        %dma_wait3A = arith.constant 0 : i32
        %dma_wait3A_223 = tpu.memref_slice %arg3[%multiple_of3A, %dma_wait3A] : memref<1600000x32xf32, #tpu.memory_space<hbm>> -> memref<128x32xf32, #tpu.memory_space<hbm>>
        %dma_wait3A_224 = arith.constant 0 : i32
        %dma_wait3A_225 = tpu.memref_slice %arg3[%multiple_of3A, %dma_wait3A_224] : memref<1600000x32xf32, #tpu.memory_space<hbm>> -> memref<128x32xf32, #tpu.memory_space<hbm>>
        tpu.wait_dma2 semaphore(%run_scoped3A : memref<!tpu.dma_semaphore, #tpu.memory_space<semaphore_mem>>) src(%dma_wait3A_225 : memref<128x32xf32, #tpu.memory_space<hbm>>) dst(%arg8 : memref<128x32xf32, #tpu.memory_space<vmem>>)
        tpu.yield
      }) : () -> ()
      %get3A = arith.constant 0 : index
      %get3A_73 = tpu.vector_load %arg6[%get3A] {strides = array<i32>} : memref<128xi32, #tpu.memory_space<vmem>>, vector<16xi32>,
      %get3A_74 = vector.shape_cast %get3A_73 : vector<16xi32> to vector<16xi32>
      %ge3A = vector.broadcast %mul3A_0 : i32 to vector<16xi32>
      %ge3A_75 = arith.cmpi sge, %get3A_74, %ge3A : vector<16xi32>
      %add3A_76 = arith.constant 50000 : i32
      %add3A_77 = arith.addi %mul3A_0, %add3A_76 : i32
      %lt3A = vector.broadcast %add3A_77 : i32 to vector<16xi32>
      %lt3A_78 = arith.cmpi slt, %get3A_74, %lt3A : vector<16xi32>
      %and3A_79 = arith.andi %ge3A_75, %lt3A_78 : vector<16xi1>
      %sub3A_80 = vector.broadcast %mul3A_0 : i32 to vector<16xi32>
      %sub3A_81 = arith.subi %get3A_74, %sub3A_80 : vector<16xi32>
      %jit3A_82 = arith.constant 50000 : i32
      %broadcast_in_dim3A = vector.broadcast %jit3A_82 : i32 to vector<16xi32>
      %select_n3A_83 = arith.select %and3A_79, %sub3A_81, %broadcast_in_dim3A : vector<16xi1>, vector<16xi32>
      %swap3A = arith.constant 0 : index
      %swap3A_84 = tpu.vector_load %arg7[%swap3A] {strides = array<i32>} : memref<128xi32, #tpu.memory_space<vmem>>, vector<16xi32>,
      %swap3A_85 = vector.shape_cast %swap3A_84 : vector<16xi32> to vector<16xi32>
      %swap3A_86 = vector.shape_cast %select_n3A_83 : vector<16xi32> to vector<16xi32>
      tpu.vector_store %arg7[%swap3A], %swap3A_86 {strides = array<i32>} : memref<128xi32, #tpu.memory_space<vmem>>, vector<16xi32>,
      %get3A_87 = arith.constant 16 : index
      %get3A_88 = tpu.vector_load %arg6[%get3A_87] {strides = array<i32>} : memref<128xi32, #tpu.memory_space<vmem>>, vector<16xi32>,
      %get3A_89 = vector.shape_cast %get3A_88 : vector<16xi32> to vector<16xi32>
      %ge3A_90 = vector.broadcast %mul3A_0 : i32 to vector<16xi32>
      %ge3A_91 = arith.cmpi sge, %get3A_89, %ge3A_90 : vector<16xi32>
      %add3A_92 = arith.constant 50000 : i32
      %add3A_93 = arith.addi %mul3A_0, %add3A_92 : i32
      %lt3A_94 = vector.broadcast %add3A_93 : i32 to vector<16xi32>
      %lt3A_95 = arith.cmpi slt, %get3A_89, %lt3A_94 : vector<16xi32>
      %and3A_96 = arith.andi %ge3A_91, %lt3A_95 : vector<16xi1>
      %sub3A_97 = vector.broadcast %mul3A_0 : i32 to vector<16xi32>
      %sub3A_98 = arith.subi %get3A_89, %sub3A_97 : vector<16xi32>
      %jit3A_99 = arith.constant 50000 : i32
      %broadcast_in_dim3A_100 = vector.broadcast %jit3A_99 : i32 to vector<16xi32>
      %select_n3A_101 = arith.select %and3A_96, %sub3A_98, %broadcast_in_dim3A_100 : vector<16xi1>, vector<16xi32>
      %swap3A_102 = arith.constant 16 : index
      %swap3A_103 = tpu.vector_load %arg7[%swap3A_102] {strides = array<i32>} : memref<128xi32, #tpu.memory_space<vmem>>, vector<16xi32>,
      %swap3A_104 = vector.shape_cast %swap3A_103 : vector<16xi32> to vector<16xi32>
      %swap3A_105 = vector.shape_cast %select_n3A_101 : vector<16xi32> to vector<16xi32>
      tpu.vector_store %arg7[%swap3A_102], %swap3A_105 {strides = array<i32>} : memref<128xi32, #tpu.memory_space<vmem>>, vector<16xi32>,
      %get3A_106 = arith.constant 32 : index
      %get3A_107 = tpu.vector_load %arg6[%get3A_106] {strides = array<i32>} : memref<128xi32, #tpu.memory_space<vmem>>, vector<16xi32>,
      %get3A_108 = vector.shape_cast %get3A_107 : vector<16xi32> to vector<16xi32>
      %ge3A_109 = vector.broadcast %mul3A_0 : i32 to vector<16xi32>
      %ge3A_110 = arith.cmpi sge, %get3A_108, %ge3A_109 : vector<16xi32>
      %add3A_111 = arith.constant 50000 : i32
      %add3A_112 = arith.addi %mul3A_0, %add3A_111 : i32
      %lt3A_113 = vector.broadcast %add3A_112 : i32 to vector<16xi32>
      %lt3A_114 = arith.cmpi slt, %get3A_108, %lt3A_113 : vector<16xi32>
      %and3A_115 = arith.andi %ge3A_110, %lt3A_114 : vector<16xi1>
      %sub3A_116 = vector.broadcast %mul3A_0 : i32 to vector<16xi32>
      %sub3A_117 = arith.subi %get3A_108, %sub3A_116 : vector<16xi32>
      %jit3A_118 = arith.constant 50000 : i32
      %broadcast_in_dim3A_119 = vector.broadcast %jit3A_118 : i32 to vector<16xi32>
      %select_n3A_120 = arith.select %and3A_115, %sub3A_117, %broadcast_in_dim3A_119 : vector<16xi1>, vector<16xi32>
      %swap3A_121 = arith.constant 32 : index
      %swap3A_122 = tpu.vector_load %arg7[%swap3A_121] {strides = array<i32>} : memref<128xi32, #tpu.memory_space<vmem>>, vector<16xi32>,
      %swap3A_123 = vector.shape_cast %swap3A_122 : vector<16xi32> to vector<16xi32>
      %swap3A_124 = vector.shape_cast %select_n3A_120 : vector<16xi32> to vector<16xi32>
      tpu.vector_store %arg7[%swap3A_121], %swap3A_124 {strides = array<i32>} : memref<128xi32, #tpu.memory_space<vmem>>, vector<16xi32>,
      %get3A_125 = arith.constant 48 : index
      %get3A_126 = tpu.vector_load %arg6[%get3A_125] {strides = array<i32>} : memref<128xi32, #tpu.memory_space<vmem>>, vector<16xi32>,
      %get3A_127 = vector.shape_cast %get3A_126 : vector<16xi32> to vector<16xi32>
      %ge3A_128 = vector.broadcast %mul3A_0 : i32 to vector<16xi32>
      %ge3A_129 = arith.cmpi sge, %get3A_127, %ge3A_128 : vector<16xi32>
      %add3A_130 = arith.constant 50000 : i32
      %add3A_131 = arith.addi %mul3A_0, %add3A_130 : i32
      %lt3A_132 = vector.broadcast %add3A_131 : i32 to vector<16xi32>
      %lt3A_133 = arith.cmpi slt, %get3A_127, %lt3A_132 : vector<16xi32>
      %and3A_134 = arith.andi %ge3A_129, %lt3A_133 : vector<16xi1>
      %sub3A_135 = vector.broadcast %mul3A_0 : i32 to vector<16xi32>
      %sub3A_136 = arith.subi %get3A_127, %sub3A_135 : vector<16xi32>
      %jit3A_137 = arith.constant 50000 : i32
      %broadcast_in_dim3A_138 = vector.broadcast %jit3A_137 : i32 to vector<16xi32>
      %select_n3A_139 = arith.select %and3A_134, %sub3A_136, %broadcast_in_dim3A_138 : vector<16xi1>, vector<16xi32>
      %swap3A_140 = arith.constant 48 : index
      %swap3A_141 = tpu.vector_load %arg7[%swap3A_140] {strides = array<i32>} : memref<128xi32, #tpu.memory_space<vmem>>, vector<16xi32>,
      %swap3A_142 = vector.shape_cast %swap3A_141 : vector<16xi32> to vector<16xi32>
      %swap3A_143 = vector.shape_cast %select_n3A_139 : vector<16xi32> to vector<16xi32>
      tpu.vector_store %arg7[%swap3A_140], %swap3A_143 {strides = array<i32>} : memref<128xi32, #tpu.memory_space<vmem>>, vector<16xi32>,
      %get3A_144 = arith.constant 64 : index
      %get3A_145 = tpu.vector_load %arg6[%get3A_144] {strides = array<i32>} : memref<128xi32, #tpu.memory_space<vmem>>, vector<16xi32>,
      %get3A_146 = vector.shape_cast %get3A_145 : vector<16xi32> to vector<16xi32>
      %ge3A_147 = vector.broadcast %mul3A_0 : i32 to vector<16xi32>
      %ge3A_148 = arith.cmpi sge, %get3A_146, %ge3A_147 : vector<16xi32>
      %add3A_149 = arith.constant 50000 : i32
      %add3A_150 = arith.addi %mul3A_0, %add3A_149 : i32
      %lt3A_151 = vector.broadcast %add3A_150 : i32 to vector<16xi32>
      %lt3A_152 = arith.cmpi slt, %get3A_146, %lt3A_151 : vector<16xi32>
      %and3A_153 = arith.andi %ge3A_148, %lt3A_152 : vector<16xi1>
      %sub3A_154 = vector.broadcast %mul3A_0 : i32 to vector<16xi32>
      %sub3A_155 = arith.subi %get3A_146, %sub3A_154 : vector<16xi32>
      %jit3A_156 = arith.constant 50000 : i32
      %broadcast_in_dim3A_157 = vector.broadcast %jit3A_156 : i32 to vector<16xi32>
      %select_n3A_158 = arith.select %and3A_153, %sub3A_155, %broadcast_in_dim3A_157 : vector<16xi1>, vector<16xi32>
      %swap3A_159 = arith.constant 64 : index
      %swap3A_160 = tpu.vector_load %arg7[%swap3A_159] {strides = array<i32>} : memref<128xi32, #tpu.memory_space<vmem>>, vector<16xi32>,
      %swap3A_161 = vector.shape_cast %swap3A_160 : vector<16xi32> to vector<16xi32>
      %swap3A_162 = vector.shape_cast %select_n3A_158 : vector<16xi32> to vector<16xi32>
      tpu.vector_store %arg7[%swap3A_159], %swap3A_162 {strides = array<i32>} : memref<128xi32, #tpu.memory_space<vmem>>, vector<16xi32>,
      %get3A_163 = arith.constant 80 : index
      %get3A_164 = tpu.vector_load %arg6[%get3A_163] {strides = array<i32>} : memref<128xi32, #tpu.memory_space<vmem>>, vector<16xi32>,
      %get3A_165 = vector.shape_cast %get3A_164 : vector<16xi32> to vector<16xi32>
      %ge3A_166 = vector.broadcast %mul3A_0 : i32 to vector<16xi32>
      %ge3A_167 = arith.cmpi sge, %get3A_165, %ge3A_166 : vector<16xi32>
      %add3A_168 = arith.constant 50000 : i32
      %add3A_169 = arith.addi %mul3A_0, %add3A_168 : i32
      %lt3A_170 = vector.broadcast %add3A_169 : i32 to vector<16xi32>
      %lt3A_171 = arith.cmpi slt, %get3A_165, %lt3A_170 : vector<16xi32>
      %and3A_172 = arith.andi %ge3A_167, %lt3A_171 : vector<16xi1>
      %sub3A_173 = vector.broadcast %mul3A_0 : i32 to vector<16xi32>
      %sub3A_174 = arith.subi %get3A_165, %sub3A_173 : vector<16xi32>
      %jit3A_175 = arith.constant 50000 : i32
      %broadcast_in_dim3A_176 = vector.broadcast %jit3A_175 : i32 to vector<16xi32>
      %select_n3A_177 = arith.select %and3A_172, %sub3A_174, %broadcast_in_dim3A_176 : vector<16xi1>, vector<16xi32>
      %swap3A_178 = arith.constant 80 : index
      %swap3A_179 = tpu.vector_load %arg7[%swap3A_178] {strides = array<i32>} : memref<128xi32, #tpu.memory_space<vmem>>, vector<16xi32>,
      %swap3A_180 = vector.shape_cast %swap3A_179 : vector<16xi32> to vector<16xi32>
      %swap3A_181 = vector.shape_cast %select_n3A_177 : vector<16xi32> to vector<16xi32>
      tpu.vector_store %arg7[%swap3A_178], %swap3A_181 {strides = array<i32>} : memref<128xi32, #tpu.memory_space<vmem>>, vector<16xi32>,
      %get3A_182 = arith.constant 96 : index
      %get3A_183 = tpu.vector_load %arg6[%get3A_182] {strides = array<i32>} : memref<128xi32, #tpu.memory_space<vmem>>, vector<16xi32>,
      %get3A_184 = vector.shape_cast %get3A_183 : vector<16xi32> to vector<16xi32>
      %ge3A_185 = vector.broadcast %mul3A_0 : i32 to vector<16xi32>
      %ge3A_186 = arith.cmpi sge, %get3A_184, %ge3A_185 : vector<16xi32>
      %add3A_187 = arith.constant 50000 : i32
      %add3A_188 = arith.addi %mul3A_0, %add3A_187 : i32
      %lt3A_189 = vector.broadcast %add3A_188 : i32 to vector<16xi32>
      %lt3A_190 = arith.cmpi slt, %get3A_184, %lt3A_189 : vector<16xi32>
      %and3A_191 = arith.andi %ge3A_186, %lt3A_190 : vector<16xi1>
      %sub3A_192 = vector.broadcast %mul3A_0 : i32 to vector<16xi32>
      %sub3A_193 = arith.subi %get3A_184, %sub3A_192 : vector<16xi32>
      %jit3A_194 = arith.constant 50000 : i32
      %broadcast_in_dim3A_195 = vector.broadcast %jit3A_194 : i32 to vector<16xi32>
      %select_n3A_196 = arith.select %and3A_191, %sub3A_193, %broadcast_in_dim3A_195 : vector<16xi1>, vector<16xi32>
      %swap3A_197 = arith.constant 96 : index
      %swap3A_198 = tpu.vector_load %arg7[%swap3A_197] {strides = array<i32>} : memref<128xi32, #tpu.memory_space<vmem>>, vector<16xi32>,
      %swap3A_199 = vector.shape_cast %swap3A_198 : vector<16xi32> to vector<16xi32>
      %swap3A_200 = vector.shape_cast %select_n3A_196 : vector<16xi32> to vector<16xi32>
      tpu.vector_store %arg7[%swap3A_197], %swap3A_200 {strides = array<i32>} : memref<128xi32, #tpu.memory_space<vmem>>, vector<16xi32>,
      %get3A_201 = arith.constant 112 : index
      %get3A_202 = tpu.vector_load %arg6[%get3A_201] {strides = array<i32>} : memref<128xi32, #tpu.memory_space<vmem>>, vector<16xi32>,
      %get3A_203 = vector.shape_cast %get3A_202 : vector<16xi32> to vector<16xi32>
      %ge3A_204 = vector.broadcast %mul3A_0 : i32 to vector<16xi32>
      %ge3A_205 = arith.cmpi sge, %get3A_203, %ge3A_204 : vector<16xi32>
      %add3A_206 = arith.constant 50000 : i32
      %add3A_207 = arith.addi %mul3A_0, %add3A_206 : i32
      %lt3A_208 = vector.broadcast %add3A_207 : i32 to vector<16xi32>
      %lt3A_209 = arith.cmpi slt, %get3A_203, %lt3A_208 : vector<16xi32>
      %and3A_210 = arith.andi %ge3A_205, %lt3A_209 : vector<16xi1>
      %sub3A_211 = vector.broadcast %mul3A_0 : i32 to vector<16xi32>
      %sub3A_212 = arith.subi %get3A_203, %sub3A_211 : vector<16xi32>
      %jit3A_213 = arith.constant 50000 : i32
      %broadcast_in_dim3A_214 = vector.broadcast %jit3A_213 : i32 to vector<16xi32>
      %select_n3A_215 = arith.select %and3A_210, %sub3A_212, %broadcast_in_dim3A_214 : vector<16xi1>, vector<16xi32>
      %swap3A_216 = arith.constant 112 : index
      %swap3A_217 = tpu.vector_load %arg7[%swap3A_216] {strides = array<i32>} : memref<128xi32, #tpu.memory_space<vmem>>, vector<16xi32>,
      %swap3A_218 = vector.shape_cast %swap3A_217 : vector<16xi32> to vector<16xi32>
      %swap3A_219 = vector.shape_cast %select_n3A_215 : vector<16xi32> to vector<16xi32>
      tpu.vector_store %arg7[%swap3A_216], %swap3A_219 {strides = array<i32>} : memref<128xi32, #tpu.memory_space<vmem>>, vector<16xi32>,
      "tpu.region"() ({
        %run_scoped3A = tpu.sem_alloc : memref<!tpu.dma_semaphore, #tpu.memory_space<semaphore_mem>>
        %dma_start3A = arith.constant 0 : i32
        %dma_start3A_220 = arith.constant 0 : i32
        %dma_start3A_221 = tpu.memref_slice %arg5[%dma_start3A, %dma_start3A_220] : memref<51200x32xf32, #tpu.memory_space<vmem_shared>> -> memref<51200x32xf32, #tpu.memory_space<vmem_shared>>
        tpu.enqueue_indirect_dma source(%arg8 : memref<128x32xf32, #tpu.memory_space<vmem>>) target(%dma_start3A_221 : memref<51200x32xf32, #tpu.memory_space<vmem_shared>>) offsets(%arg7 : memref<128xi32, #tpu.memory_space<vmem>>) semaphore(%run_scoped3A : memref<!tpu.dma_semaphore, #tpu.memory_space<semaphore_mem>>) {add = true}
        %dma_wait3A = arith.constant 0 : i32
        %dma_wait3A_222 = arith.constant 0 : i32
        %dma_wait3A_223 = tpu.memref_slice %arg5[%dma_wait3A, %dma_wait3A_222] : memref<51200x32xf32, #tpu.memory_space<vmem_shared>> -> memref<51200x32xf32, #tpu.memory_space<vmem_shared>>
        tpu.wait_indirect_dma semaphore(%run_scoped3A : memref<!tpu.dma_semaphore, #tpu.memory_space<semaphore_mem>>) src(%arg8 : memref<128x32xf32, #tpu.memory_space<vmem>>) dst(%dma_wait3A_223 : memref<51200x32xf32, #tpu.memory_space<vmem_shared>>)
        tpu.yield
      }) : () -> ()
    }
    %barrier3A_26 = arith.constant 0 : index
    tpu.barrier barrier_id(%barrier3A_26)
    %sub3A_27 = arith.constant 50000 : i32
    %sub3A_28 = arith.subi %sub3A_27, %mul3A_6 : i32
    %max3A = arith.constant 0 : i32
    %max3A_29 = arith.maxsi %max3A, %sub3A_28 : i32
    %min3A = arith.constant 3200 : i32
    %min3A_30 = arith.minsi %min3A, %max3A_29 : i32
    %jit3A = arith.constant 400 : i32
    %div3A_31 = arith.divsi %min3A_30, %jit3A : i32
    %sign3A = arith.constant 0 : i32
    %sign3A_32 = arith.cmpi sgt, %min3A_30, %sign3A : i32
    %sign3A_33 = arith.extui %sign3A_32 : i1 to i32
    %sign3A_34 = arith.constant 0 : i32
    %sign3A_35 = arith.cmpi slt, %min3A_30, %sign3A_34 : i32
    %sign3A_36 = arith.extui %sign3A_35 : i1 to i32
    %sign3A_37 = arith.subi %sign3A_33, %sign3A_36 : i32
    %sign3A_38 = arith.constant 0 : i32
    %sign3A_39 = arith.cmpi sgt, %jit3A, %sign3A_38 : i32
    %sign3A_40 = arith.extui %sign3A_39 : i1 to i32
    %sign3A_41 = arith.constant 0 : i32
    %sign3A_42 = arith.cmpi slt, %jit3A, %sign3A_41 : i32
    %sign3A_43 = arith.extui %sign3A_42 : i1 to i32
    %sign3A_44 = arith.subi %sign3A_40, %sign3A_43 : i32
    %ne3A = arith.cmpi ne, %sign3A_37, %sign3A_44 : i32
    %rem3A = arith.remsi %min3A_30, %jit3A : i32
    %ne3A_45 = arith.constant 0 : i32
    %ne3A_46 = arith.cmpi ne, %rem3A, %ne3A_45 : i32
    %and3A = arith.andi %ne3A, %ne3A_46 : i1
    %sub3A_47 = arith.constant 1 : i32
    %sub3A_48 = arith.subi %div3A_31, %sub3A_47 : i32
    %select_n3A = arith.select %and3A, %sub3A_48, %div3A_31 : i32
    %sub3A_49 = arith.constant 0 : i32
    %sub3A_50 = arith.subi %select_n3A, %sub3A_49 : i32
    %sub3A_51 = arith.constant 1 : i32
    %sub3A_52 = arith.constant 1 : i32
    %sub3A_53 = arith.subi %sub3A_51, %sub3A_52 : i32
    %add3A_54 = arith.addi %sub3A_50, %sub3A_53 : i32
    %div3A_55 = arith.constant 1 : i32
    %div3A_56 = arith.divsi %add3A_54, %div3A_55 : i32
    %while3A_57 = arith.constant 1 : i32
    %while3A_58 = arith.constant 0 : i32
    %while3A_59 = arith.constant 0 : i32
    %while3A_60 = arith.subi %div3A_56, %while3A_59 : i32
    %while3A_61 = arith.addi %while3A_59, %while3A_60 : i32
    %while3A_62 = arith.constant 1 : i32
    %while3A_63 = arith.divsi %while3A_60, %while3A_62 : i32
    %while3A_64 = arith.muli %while3A_63, %while3A_62 : i32
    %while3A_65 = arith.addi %while3A_59, %while3A_64 : i32
    %while3A_66 = arith.constant 1 : i32
    scf.for %while3A_68 = %while3A_59 to %while3A_65 step %while3A_66  : i32 {
      %mul3A_69 = arith.muli %while3A_68, %while3A_57 : i32
      %add3A_70 = arith.addi %while3A_58, %mul3A_69 : i32
      %mul3A_71 = arith.constant 400 : i32
      %mul3A_72 = arith.muli %add3A_70, %mul3A_71 : i32
      %add3A_73 = arith.addi %mul3A_6, %mul3A_72 : i32
      %multiple_of3A = tpu.assume_multiple %add3A_73, 8 : i32
      "tpu.region"() ({
        %run_scoped3A = tpu.sem_alloc : memref<!tpu.dma_semaphore, #tpu.memory_space<semaphore_mem>>
        %dma_start3A = arith.constant 0 : i32
        %dma_start3A_75 = tpu.memref_slice %arg5[%multiple_of3A, %dma_start3A] : memref<51200x32xf32, #tpu.memory_space<vmem_shared>> -> memref<400x32xf32, #tpu.memory_space<vmem_shared>>
        %dma_start3A_76 = arith.constant 0 : i32
        %dma_start3A_77 = tpu.memref_slice %arg5[%multiple_of3A, %dma_start3A_76] : memref<51200x32xf32, #tpu.memory_space<vmem_shared>> -> memref<400x32xf32, #tpu.memory_space<vmem_shared>>
        tpu.enqueue_dma source(%dma_start3A_77 : memref<400x32xf32, #tpu.memory_space<vmem_shared>>) target(%arg9 : memref<400x32xf32, #tpu.memory_space<vmem>>) target_semaphore(%run_scoped3A : memref<!tpu.dma_semaphore, #tpu.memory_space<semaphore_mem>>)
        %dma_wait3A = arith.constant 0 : i32
        %dma_wait3A_78 = tpu.memref_slice %arg5[%multiple_of3A, %dma_wait3A] : memref<51200x32xf32, #tpu.memory_space<vmem_shared>> -> memref<400x32xf32, #tpu.memory_space<vmem_shared>>
        %dma_wait3A_79 = arith.constant 0 : i32
        %dma_wait3A_80 = tpu.memref_slice %arg5[%multiple_of3A, %dma_wait3A_79] : memref<51200x32xf32, #tpu.memory_space<vmem_shared>> -> memref<400x32xf32, #tpu.memory_space<vmem_shared>>
        tpu.wait_dma2 semaphore(%run_scoped3A : memref<!tpu.dma_semaphore, #tpu.memory_space<semaphore_mem>>) src(%dma_wait3A_80 : memref<400x32xf32, #tpu.memory_space<vmem_shared>>) dst(%arg9 : memref<400x32xf32, #tpu.memory_space<vmem>>)
        tpu.yield
      }) : () -> ()
      %add3A_74 = arith.addi %mul3A_0, %multiple_of3A : i32
      "tpu.region"() ({
        %run_scoped3A = tpu.sem_alloc : memref<!tpu.dma_semaphore, #tpu.memory_space<semaphore_mem>>
        %dma_start3A = arith.constant 0 : i32
        %dma_start3A_75 = tpu.memref_slice %arg4[%add3A_74, %dma_start3A] : memref<100000x32xf32, #tpu.memory_space<hbm>> -> memref<400x32xf32, #tpu.memory_space<hbm>>
        %dma_start3A_76 = arith.constant 0 : i32
        %dma_start3A_77 = tpu.memref_slice %arg4[%add3A_74, %dma_start3A_76] : memref<100000x32xf32, #tpu.memory_space<hbm>> -> memref<400x32xf32, #tpu.memory_space<hbm>>
        tpu.enqueue_dma source(%arg9 : memref<400x32xf32, #tpu.memory_space<vmem>>) target(%dma_start3A_77 : memref<400x32xf32, #tpu.memory_space<hbm>>) target_semaphore(%run_scoped3A : memref<!tpu.dma_semaphore, #tpu.memory_space<semaphore_mem>>)
        %dma_wait3A = arith.constant 0 : i32
        %dma_wait3A_78 = tpu.memref_slice %arg4[%add3A_74, %dma_wait3A] : memref<100000x32xf32, #tpu.memory_space<hbm>> -> memref<400x32xf32, #tpu.memory_space<hbm>>
        %dma_wait3A_79 = arith.constant 0 : i32
        %dma_wait3A_80 = tpu.memref_slice %arg4[%add3A_74, %dma_wait3A_79] : memref<100000x32xf32, #tpu.memory_space<hbm>> -> memref<400x32xf32, #tpu.memory_space<hbm>>
        tpu.wait_dma2 semaphore(%run_scoped3A : memref<!tpu.dma_semaphore, #tpu.memory_space<semaphore_mem>>) src(%arg9 : memref<400x32xf32, #tpu.memory_space<vmem>>) dst(%dma_wait3A_80 : memref<400x32xf32, #tpu.memory_space<hbm>>)
        tpu.yield
      }) : () -> ()
    }
    %while3A_67 = arith.constant 1 : i32
    scf.for %while3A_68 = %while3A_65 to %while3A_61 step %while3A_67  : i32 {
      %mul3A_69 = arith.muli %while3A_68, %while3A_57 : i32
      %add3A_70 = arith.addi %while3A_58, %mul3A_69 : i32
      %mul3A_71 = arith.constant 400 : i32
      %mul3A_72 = arith.muli %add3A_70, %mul3A_71 : i32
      %add3A_73 = arith.addi %mul3A_6, %mul3A_72 : i32
      %multiple_of3A = tpu.assume_multiple %add3A_73, 8 : i32
      "tpu.region"() ({
        %run_scoped3A = tpu.sem_alloc : memref<!tpu.dma_semaphore, #tpu.memory_space<semaphore_mem>>
        %dma_start3A = arith.constant 0 : i32
        %dma_start3A_75 = tpu.memref_slice %arg5[%multiple_of3A, %dma_start3A] : memref<51200x32xf32, #tpu.memory_space<vmem_shared>> -> memref<400x32xf32, #tpu.memory_space<vmem_shared>>
        %dma_start3A_76 = arith.constant 0 : i32
        %dma_start3A_77 = tpu.memref_slice %arg5[%multiple_of3A, %dma_start3A_76] : memref<51200x32xf32, #tpu.memory_space<vmem_shared>> -> memref<400x32xf32, #tpu.memory_space<vmem_shared>>
        tpu.enqueue_dma source(%dma_start3A_77 : memref<400x32xf32, #tpu.memory_space<vmem_shared>>) target(%arg9 : memref<400x32xf32, #tpu.memory_space<vmem>>) target_semaphore(%run_scoped3A : memref<!tpu.dma_semaphore, #tpu.memory_space<semaphore_mem>>)
        %dma_wait3A = arith.constant 0 : i32
        %dma_wait3A_78 = tpu.memref_slice %arg5[%multiple_of3A, %dma_wait3A] : memref<51200x32xf32, #tpu.memory_space<vmem_shared>> -> memref<400x32xf32, #tpu.memory_space<vmem_shared>>
        %dma_wait3A_79 = arith.constant 0 : i32
        %dma_wait3A_80 = tpu.memref_slice %arg5[%multiple_of3A, %dma_wait3A_79] : memref<51200x32xf32, #tpu.memory_space<vmem_shared>> -> memref<400x32xf32, #tpu.memory_space<vmem_shared>>
        tpu.wait_dma2 semaphore(%run_scoped3A : memref<!tpu.dma_semaphore, #tpu.memory_space<semaphore_mem>>) src(%dma_wait3A_80 : memref<400x32xf32, #tpu.memory_space<vmem_shared>>) dst(%arg9 : memref<400x32xf32, #tpu.memory_space<vmem>>)
        tpu.yield
      }) : () -> ()
      %add3A_74 = arith.addi %mul3A_0, %multiple_of3A : i32
      "tpu.region"() ({
        %run_scoped3A = tpu.sem_alloc : memref<!tpu.dma_semaphore, #tpu.memory_space<semaphore_mem>>
        %dma_start3A = arith.constant 0 : i32
        %dma_start3A_75 = tpu.memref_slice %arg4[%add3A_74, %dma_start3A] : memref<100000x32xf32, #tpu.memory_space<hbm>> -> memref<400x32xf32, #tpu.memory_space<hbm>>
        %dma_start3A_76 = arith.constant 0 : i32
        %dma_start3A_77 = tpu.memref_slice %arg4[%add3A_74, %dma_start3A_76] : memref<100000x32xf32, #tpu.memory_space<hbm>> -> memref<400x32xf32, #tpu.memory_space<hbm>>
        tpu.enqueue_dma source(%arg9 : memref<400x32xf32, #tpu.memory_space<vmem>>) target(%dma_start3A_77 : memref<400x32xf32, #tpu.memory_space<hbm>>) target_semaphore(%run_scoped3A : memref<!tpu.dma_semaphore, #tpu.memory_space<semaphore_mem>>)
        %dma_wait3A = arith.constant 0 : i32
        %dma_wait3A_78 = tpu.memref_slice %arg4[%add3A_74, %dma_wait3A] : memref<100000x32xf32, #tpu.memory_space<hbm>> -> memref<400x32xf32, #tpu.memory_space<hbm>>
        %dma_wait3A_79 = arith.constant 0 : i32
        %dma_wait3A_80 = tpu.memref_slice %arg4[%add3A_74, %dma_wait3A_79] : memref<100000x32xf32, #tpu.memory_space<hbm>> -> memref<400x32xf32, #tpu.memory_space<hbm>>
        tpu.wait_dma2 semaphore(%run_scoped3A : memref<!tpu.dma_semaphore, #tpu.memory_space<semaphore_mem>>) src(%arg9 : memref<400x32xf32, #tpu.memory_space<vmem>>) dst(%dma_wait3A_80 : memref<400x32xf32, #tpu.memory_space<hbm>>)
        tpu.yield
      }) : () -> ()
    }
    return
  }
}

#map = affine_map<(d0, d1) -> (0)>
#map1 = affine_map<(d0, d1) -> (0, 0)>
module attributes {stable_mosaic.version = 14 : i64} {
  func.func @egnn_sc_scatter32(%arg0: i32, %arg1: i32, %arg2: memref<1600000xi32, #tpu.memory_space<hbm>>, %arg3: memref<1600000x32xf32, #tpu.memory_space<hbm>>, %arg4: memref<100000x32xf32, #tpu.memory_space<hbm>>, %arg5: memref<51200x32xf32, #tpu.memory_space<vmem_shared>>, %arg6: memref<128xi32, #tpu.memory_space<vmem>>, %arg7: memref<128xi32, #tpu.memory_space<vmem>>, %arg8: memref<128x32xf32, #tpu.memory_space<vmem>>, %arg9: memref<400x32xf32, #tpu.memory_space<vmem>>) attributes {dimension_semantics = [#tpu.dimension_semantics<core_parallel>, #tpu.dimension_semantics<subcore_parallel>], iteration_bounds = array<i64: 2, 16>, scalar_prefetch = 0 : i64, scratch_operands = 5 : i64, tpu.core_type = #tpu.core_type<sc_vector_subcore>, window_params = [{transform_indices = #map}, {transform_indices = #map1}, {transform_indices = #map1}]} {
    %mul3A = arith.constant 50000 : i32
    %mul3A_0 = arith.muli %arg0, %mul3A : i32
    %scan3A = arith.constant 0 : i32
    %scan3A_1 = arith.constant 400 : i32
    %scan3A_2 = arith.addi %scan3A, %scan3A_1 : i32
    %scan3A_3 = arith.constant 1 : i32
    scf.for %scan3A_68 = %scan3A to %scan3A_2 step %scan3A_3  : i32 {
      %mul3A_69 = arith.constant 1 : i32
      %mul3A_70 = arith.muli %scan3A_68, %mul3A_69 : i32
      %add3A_71 = arith.constant 0 : i32
      %add3A_72 = arith.addi %add3A_71, %mul3A_70 : i32
      %broadcast_in_dim3A = arith.constant 0.000000e+00 : f32
      %broadcast_in_dim3A_73 = vector.broadcast %broadcast_in_dim3A : f32 to vector<16xf32>
      %swap3A = arith.index_cast %add3A_72 : i32 to index
      %swap3A_74 = arith.constant 0 : index
      %swap3A_75 = tpu.vector_load %arg9[%swap3A, %swap3A_74] {strides = array<i32>} : memref<400x32xf32, #tpu.memory_space<vmem>>, vector<1x16xf32>,
      %swap3A_76 = vector.shape_cast %swap3A_75 : vector<1x16xf32> to vector<16xf32>
      %swap3A_77 = vector.shape_cast %broadcast_in_dim3A_73 : vector<16xf32> to vector<1x16xf32>
      tpu.vector_store %arg9[%swap3A, %swap3A_74], %swap3A_77 {strides = array<i32>} : memref<400x32xf32, #tpu.memory_space<vmem>>, vector<1x16xf32>,
      %broadcast_in_dim3A_78 = arith.constant 0.000000e+00 : f32
      %broadcast_in_dim3A_79 = vector.broadcast %broadcast_in_dim3A_78 : f32 to vector<16xf32>
      %swap3A_80 = arith.index_cast %add3A_72 : i32 to index
      %swap3A_81 = arith.constant 16 : index
      %swap3A_82 = tpu.vector_load %arg9[%swap3A_80, %swap3A_81] {strides = array<i32>} : memref<400x32xf32, #tpu.memory_space<vmem>>, vector<1x16xf32>,
      %swap3A_83 = vector.shape_cast %swap3A_82 : vector<1x16xf32> to vector<16xf32>
      %swap3A_84 = vector.shape_cast %broadcast_in_dim3A_79 : vector<16xf32> to vector<1x16xf32>
      tpu.vector_store %arg9[%swap3A_80, %swap3A_81], %swap3A_84 {strides = array<i32>} : memref<400x32xf32, #tpu.memory_space<vmem>>, vector<1x16xf32>,
    }
    %scan3A_4 = arith.constant 400 : i32
    %mul3A_5 = arith.constant 3200 : i32
    %mul3A_6 = arith.muli %arg1, %mul3A_5 : i32
    %scan3A_7 = arith.constant 0 : i32
    %scan3A_8 = arith.constant 8 : i32
    %scan3A_9 = arith.addi %scan3A_7, %scan3A_8 : i32
    %scan3A_10 = arith.constant 1 : i32
    scf.for %scan3A_68 = %scan3A_7 to %scan3A_9 step %scan3A_10  : i32 {
      %mul3A_69 = arith.constant 1 : i32
      %mul3A_70 = arith.muli %scan3A_68, %mul3A_69 : i32
      %add3A_71 = arith.constant 0 : i32
      %add3A_72 = arith.addi %add3A_71, %mul3A_70 : i32
      %mul3A_73 = arith.constant 400 : i32
      %mul3A_74 = arith.muli %add3A_72, %mul3A_73 : i32
      %add3A_75 = arith.addi %mul3A_6, %mul3A_74 : i32
      %multiple_of3A = tpu.assume_multiple %add3A_75, 8 : i32
      "tpu.region"() ({
        %run_scoped3A = tpu.sem_alloc : memref<!tpu.dma_semaphore, #tpu.memory_space<semaphore_mem>>
        %dma_start3A = arith.constant 0 : i32
        %dma_start3A_76 = tpu.memref_slice %arg5[%multiple_of3A, %dma_start3A] : memref<51200x32xf32, #tpu.memory_space<vmem_shared>> -> memref<400x32xf32, #tpu.memory_space<vmem_shared>>
        %dma_start3A_77 = arith.constant 0 : i32
        %dma_start3A_78 = tpu.memref_slice %arg5[%multiple_of3A, %dma_start3A_77] : memref<51200x32xf32, #tpu.memory_space<vmem_shared>> -> memref<400x32xf32, #tpu.memory_space<vmem_shared>>
        tpu.enqueue_dma source(%arg9 : memref<400x32xf32, #tpu.memory_space<vmem>>) target(%dma_start3A_78 : memref<400x32xf32, #tpu.memory_space<vmem_shared>>) target_semaphore(%run_scoped3A : memref<!tpu.dma_semaphore, #tpu.memory_space<semaphore_mem>>)
        %dma_wait3A = arith.constant 0 : i32
        %dma_wait3A_79 = tpu.memref_slice %arg5[%multiple_of3A, %dma_wait3A] : memref<51200x32xf32, #tpu.memory_space<vmem_shared>> -> memref<400x32xf32, #tpu.memory_space<vmem_shared>>
        %dma_wait3A_80 = arith.constant 0 : i32
        %dma_wait3A_81 = tpu.memref_slice %arg5[%multiple_of3A, %dma_wait3A_80] : memref<51200x32xf32, #tpu.memory_space<vmem_shared>> -> memref<400x32xf32, #tpu.memory_space<vmem_shared>>
        tpu.wait_dma2 semaphore(%run_scoped3A : memref<!tpu.dma_semaphore, #tpu.memory_space<semaphore_mem>>) src(%arg9 : memref<400x32xf32, #tpu.memory_space<vmem>>) dst(%dma_wait3A_81 : memref<400x32xf32, #tpu.memory_space<vmem_shared>>)
        tpu.yield
      }) : () -> ()
    }
    %scan3A_11 = arith.constant 8 : i32
    %barrier3A = arith.constant 0 : index
    tpu.barrier barrier_id(%barrier3A)
    %sub3A = arith.constant 12500 : i32
    %sub3A_12 = arith.subi %sub3A, %arg1 : i32
    %sub3A_13 = arith.constant 16 : i32
    %sub3A_14 = arith.constant 1 : i32
    %sub3A_15 = arith.subi %sub3A_13, %sub3A_14 : i32
    %add3A = arith.addi %sub3A_12, %sub3A_15 : i32
    %div3A = arith.constant 16 : i32
    %div3A_16 = arith.divsi %add3A, %div3A : i32
    %while3A = arith.constant 16 : i32
    %while3A_17 = arith.constant 0 : i32
    %while3A_18 = arith.subi %div3A_16, %while3A_17 : i32
    %while3A_19 = arith.addi %while3A_17, %while3A_18 : i32
    %while3A_20 = arith.constant 1 : i32
    %while3A_21 = arith.divsi %while3A_18, %while3A_20 : i32
    %while3A_22 = arith.muli %while3A_21, %while3A_20 : i32
    %while3A_23 = arith.addi %while3A_17, %while3A_22 : i32
    %while3A_24 = arith.constant 1 : i32
    scf.for %while3A_68 = %while3A_17 to %while3A_23 step %while3A_24  : i32 {
      %mul3A_69 = arith.muli %while3A_68, %while3A : i32
      %add3A_70 = arith.addi %arg1, %mul3A_69 : i32
      %mul3A_71 = arith.constant 128 : i32
      %mul3A_72 = arith.muli %add3A_70, %mul3A_71 : i32
      %multiple_of3A = tpu.assume_multiple %mul3A_72, 128 : i32
      "tpu.region"() ({
        %run_scoped3A = tpu.sem_alloc : memref<!tpu.dma_semaphore, #tpu.memory_space<semaphore_mem>>
        %dma_start3A = tpu.memref_slice %arg2[%multiple_of3A] : memref<1600000xi32, #tpu.memory_space<hbm>> -> memref<128xi32, #tpu.memory_space<hbm>>
        %dma_start3A_220 = tpu.memref_slice %arg2[%multiple_of3A] : memref<1600000xi32, #tpu.memory_space<hbm>> -> memref<128xi32, #tpu.memory_space<hbm>>
        tpu.enqueue_dma source(%dma_start3A_220 : memref<128xi32, #tpu.memory_space<hbm>>) target(%arg6 : memref<128xi32, #tpu.memory_space<vmem>>) target_semaphore(%run_scoped3A : memref<!tpu.dma_semaphore, #tpu.memory_space<semaphore_mem>>)
        %dma_wait3A = tpu.memref_slice %arg2[%multiple_of3A] : memref<1600000xi32, #tpu.memory_space<hbm>> -> memref<128xi32, #tpu.memory_space<hbm>>
        %dma_wait3A_221 = tpu.memref_slice %arg2[%multiple_of3A] : memref<1600000xi32, #tpu.memory_space<hbm>> -> memref<128xi32, #tpu.memory_space<hbm>>
        tpu.wait_dma2 semaphore(%run_scoped3A : memref<!tpu.dma_semaphore, #tpu.memory_space<semaphore_mem>>) src(%dma_wait3A_221 : memref<128xi32, #tpu.memory_space<hbm>>) dst(%arg6 : memref<128xi32, #tpu.memory_space<vmem>>)
        tpu.yield
      }) : () -> ()
      "tpu.region"() ({
        %run_scoped3A = tpu.sem_alloc : memref<!tpu.dma_semaphore, #tpu.memory_space<semaphore_mem>>
        %dma_start3A = arith.constant 0 : i32
        %dma_start3A_220 = tpu.memref_slice %arg3[%multiple_of3A, %dma_start3A] : memref<1600000x32xf32, #tpu.memory_space<hbm>> -> memref<128x32xf32, #tpu.memory_space<hbm>>
        %dma_start3A_221 = arith.constant 0 : i32
        %dma_start3A_222 = tpu.memref_slice %arg3[%multiple_of3A, %dma_start3A_221] : memref<1600000x32xf32, #tpu.memory_space<hbm>> -> memref<128x32xf32, #tpu.memory_space<hbm>>
        tpu.enqueue_dma source(%dma_start3A_222 : memref<128x32xf32, #tpu.memory_space<hbm>>) target(%arg8 : memref<128x32xf32, #tpu.memory_space<vmem>>) target_semaphore(%run_scoped3A : memref<!tpu.dma_semaphore, #tpu.memory_space<semaphore_mem>>)
        %dma_wait3A = arith.constant 0 : i32
        %dma_wait3A_223 = tpu.memref_slice %arg3[%multiple_of3A, %dma_wait3A] : memref<1600000x32xf32, #tpu.memory_space<hbm>> -> memref<128x32xf32, #tpu.memory_space<hbm>>
        %dma_wait3A_224 = arith.constant 0 : i32
        %dma_wait3A_225 = tpu.memref_slice %arg3[%multiple_of3A, %dma_wait3A_224] : memref<1600000x32xf32, #tpu.memory_space<hbm>> -> memref<128x32xf32, #tpu.memory_space<hbm>>
        tpu.wait_dma2 semaphore(%run_scoped3A : memref<!tpu.dma_semaphore, #tpu.memory_space<semaphore_mem>>) src(%dma_wait3A_225 : memref<128x32xf32, #tpu.memory_space<hbm>>) dst(%arg8 : memref<128x32xf32, #tpu.memory_space<vmem>>)
        tpu.yield
      }) : () -> ()
      %get3A = arith.constant 0 : index
      %get3A_73 = tpu.vector_load %arg6[%get3A] {strides = array<i32>} : memref<128xi32, #tpu.memory_space<vmem>>, vector<16xi32>,
      %get3A_74 = vector.shape_cast %get3A_73 : vector<16xi32> to vector<16xi32>
      %ge3A = vector.broadcast %mul3A_0 : i32 to vector<16xi32>
      %ge3A_75 = arith.cmpi sge, %get3A_74, %ge3A : vector<16xi32>
      %add3A_76 = arith.constant 50000 : i32
      %add3A_77 = arith.addi %mul3A_0, %add3A_76 : i32
      %lt3A = vector.broadcast %add3A_77 : i32 to vector<16xi32>
      %lt3A_78 = arith.cmpi slt, %get3A_74, %lt3A : vector<16xi32>
      %and3A_79 = arith.andi %ge3A_75, %lt3A_78 : vector<16xi1>
      %sub3A_80 = vector.broadcast %mul3A_0 : i32 to vector<16xi32>
      %sub3A_81 = arith.subi %get3A_74, %sub3A_80 : vector<16xi32>
      %jit3A_82 = arith.constant 50000 : i32
      %broadcast_in_dim3A = vector.broadcast %jit3A_82 : i32 to vector<16xi32>
      %select_n3A_83 = arith.select %and3A_79, %sub3A_81, %broadcast_in_dim3A : vector<16xi1>, vector<16xi32>
      %swap3A = arith.constant 0 : index
      %swap3A_84 = tpu.vector_load %arg7[%swap3A] {strides = array<i32>} : memref<128xi32, #tpu.memory_space<vmem>>, vector<16xi32>,
      %swap3A_85 = vector.shape_cast %swap3A_84 : vector<16xi32> to vector<16xi32>
      %swap3A_86 = vector.shape_cast %select_n3A_83 : vector<16xi32> to vector<16xi32>
      tpu.vector_store %arg7[%swap3A], %swap3A_86 {strides = array<i32>} : memref<128xi32, #tpu.memory_space<vmem>>, vector<16xi32>,
      %get3A_87 = arith.constant 16 : index
      %get3A_88 = tpu.vector_load %arg6[%get3A_87] {strides = array<i32>} : memref<128xi32, #tpu.memory_space<vmem>>, vector<16xi32>,
      %get3A_89 = vector.shape_cast %get3A_88 : vector<16xi32> to vector<16xi32>
      %ge3A_90 = vector.broadcast %mul3A_0 : i32 to vector<16xi32>
      %ge3A_91 = arith.cmpi sge, %get3A_89, %ge3A_90 : vector<16xi32>
      %add3A_92 = arith.constant 50000 : i32
      %add3A_93 = arith.addi %mul3A_0, %add3A_92 : i32
      %lt3A_94 = vector.broadcast %add3A_93 : i32 to vector<16xi32>
      %lt3A_95 = arith.cmpi slt, %get3A_89, %lt3A_94 : vector<16xi32>
      %and3A_96 = arith.andi %ge3A_91, %lt3A_95 : vector<16xi1>
      %sub3A_97 = vector.broadcast %mul3A_0 : i32 to vector<16xi32>
      %sub3A_98 = arith.subi %get3A_89, %sub3A_97 : vector<16xi32>
      %jit3A_99 = arith.constant 50000 : i32
      %broadcast_in_dim3A_100 = vector.broadcast %jit3A_99 : i32 to vector<16xi32>
      %select_n3A_101 = arith.select %and3A_96, %sub3A_98, %broadcast_in_dim3A_100 : vector<16xi1>, vector<16xi32>
      %swap3A_102 = arith.constant 16 : index
      %swap3A_103 = tpu.vector_load %arg7[%swap3A_102] {strides = array<i32>} : memref<128xi32, #tpu.memory_space<vmem>>, vector<16xi32>,
      %swap3A_104 = vector.shape_cast %swap3A_103 : vector<16xi32> to vector<16xi32>
      %swap3A_105 = vector.shape_cast %select_n3A_101 : vector<16xi32> to vector<16xi32>
      tpu.vector_store %arg7[%swap3A_102], %swap3A_105 {strides = array<i32>} : memref<128xi32, #tpu.memory_space<vmem>>, vector<16xi32>,
      %get3A_106 = arith.constant 32 : index
      %get3A_107 = tpu.vector_load %arg6[%get3A_106] {strides = array<i32>} : memref<128xi32, #tpu.memory_space<vmem>>, vector<16xi32>,
      %get3A_108 = vector.shape_cast %get3A_107 : vector<16xi32> to vector<16xi32>
      %ge3A_109 = vector.broadcast %mul3A_0 : i32 to vector<16xi32>
      %ge3A_110 = arith.cmpi sge, %get3A_108, %ge3A_109 : vector<16xi32>
      %add3A_111 = arith.constant 50000 : i32
      %add3A_112 = arith.addi %mul3A_0, %add3A_111 : i32
      %lt3A_113 = vector.broadcast %add3A_112 : i32 to vector<16xi32>
      %lt3A_114 = arith.cmpi slt, %get3A_108, %lt3A_113 : vector<16xi32>
      %and3A_115 = arith.andi %ge3A_110, %lt3A_114 : vector<16xi1>
      %sub3A_116 = vector.broadcast %mul3A_0 : i32 to vector<16xi32>
      %sub3A_117 = arith.subi %get3A_108, %sub3A_116 : vector<16xi32>
      %jit3A_118 = arith.constant 50000 : i32
      %broadcast_in_dim3A_119 = vector.broadcast %jit3A_118 : i32 to vector<16xi32>
      %select_n3A_120 = arith.select %and3A_115, %sub3A_117, %broadcast_in_dim3A_119 : vector<16xi1>, vector<16xi32>
      %swap3A_121 = arith.constant 32 : index
      %swap3A_122 = tpu.vector_load %arg7[%swap3A_121] {strides = array<i32>} : memref<128xi32, #tpu.memory_space<vmem>>, vector<16xi32>,
      %swap3A_123 = vector.shape_cast %swap3A_122 : vector<16xi32> to vector<16xi32>
      %swap3A_124 = vector.shape_cast %select_n3A_120 : vector<16xi32> to vector<16xi32>
      tpu.vector_store %arg7[%swap3A_121], %swap3A_124 {strides = array<i32>} : memref<128xi32, #tpu.memory_space<vmem>>, vector<16xi32>,
      %get3A_125 = arith.constant 48 : index
      %get3A_126 = tpu.vector_load %arg6[%get3A_125] {strides = array<i32>} : memref<128xi32, #tpu.memory_space<vmem>>, vector<16xi32>,
      %get3A_127 = vector.shape_cast %get3A_126 : vector<16xi32> to vector<16xi32>
      %ge3A_128 = vector.broadcast %mul3A_0 : i32 to vector<16xi32>
      %ge3A_129 = arith.cmpi sge, %get3A_127, %ge3A_128 : vector<16xi32>
      %add3A_130 = arith.constant 50000 : i32
      %add3A_131 = arith.addi %mul3A_0, %add3A_130 : i32
      %lt3A_132 = vector.broadcast %add3A_131 : i32 to vector<16xi32>
      %lt3A_133 = arith.cmpi slt, %get3A_127, %lt3A_132 : vector<16xi32>
      %and3A_134 = arith.andi %ge3A_129, %lt3A_133 : vector<16xi1>
      %sub3A_135 = vector.broadcast %mul3A_0 : i32 to vector<16xi32>
      %sub3A_136 = arith.subi %get3A_127, %sub3A_135 : vector<16xi32>
      %jit3A_137 = arith.constant 50000 : i32
      %broadcast_in_dim3A_138 = vector.broadcast %jit3A_137 : i32 to vector<16xi32>
      %select_n3A_139 = arith.select %and3A_134, %sub3A_136, %broadcast_in_dim3A_138 : vector<16xi1>, vector<16xi32>
      %swap3A_140 = arith.constant 48 : index
      %swap3A_141 = tpu.vector_load %arg7[%swap3A_140] {strides = array<i32>} : memref<128xi32, #tpu.memory_space<vmem>>, vector<16xi32>,
      %swap3A_142 = vector.shape_cast %swap3A_141 : vector<16xi32> to vector<16xi32>
      %swap3A_143 = vector.shape_cast %select_n3A_139 : vector<16xi32> to vector<16xi32>
      tpu.vector_store %arg7[%swap3A_140], %swap3A_143 {strides = array<i32>} : memref<128xi32, #tpu.memory_space<vmem>>, vector<16xi32>,
      %get3A_144 = arith.constant 64 : index
      %get3A_145 = tpu.vector_load %arg6[%get3A_144] {strides = array<i32>} : memref<128xi32, #tpu.memory_space<vmem>>, vector<16xi32>,
      %get3A_146 = vector.shape_cast %get3A_145 : vector<16xi32> to vector<16xi32>
      %ge3A_147 = vector.broadcast %mul3A_0 : i32 to vector<16xi32>
      %ge3A_148 = arith.cmpi sge, %get3A_146, %ge3A_147 : vector<16xi32>
      %add3A_149 = arith.constant 50000 : i32
      %add3A_150 = arith.addi %mul3A_0, %add3A_149 : i32
      %lt3A_151 = vector.broadcast %add3A_150 : i32 to vector<16xi32>
      %lt3A_152 = arith.cmpi slt, %get3A_146, %lt3A_151 : vector<16xi32>
      %and3A_153 = arith.andi %ge3A_148, %lt3A_152 : vector<16xi1>
      %sub3A_154 = vector.broadcast %mul3A_0 : i32 to vector<16xi32>
      %sub3A_155 = arith.subi %get3A_146, %sub3A_154 : vector<16xi32>
      %jit3A_156 = arith.constant 50000 : i32
      %broadcast_in_dim3A_157 = vector.broadcast %jit3A_156 : i32 to vector<16xi32>
      %select_n3A_158 = arith.select %and3A_153, %sub3A_155, %broadcast_in_dim3A_157 : vector<16xi1>, vector<16xi32>
      %swap3A_159 = arith.constant 64 : index
      %swap3A_160 = tpu.vector_load %arg7[%swap3A_159] {strides = array<i32>} : memref<128xi32, #tpu.memory_space<vmem>>, vector<16xi32>,
      %swap3A_161 = vector.shape_cast %swap3A_160 : vector<16xi32> to vector<16xi32>
      %swap3A_162 = vector.shape_cast %select_n3A_158 : vector<16xi32> to vector<16xi32>
      tpu.vector_store %arg7[%swap3A_159], %swap3A_162 {strides = array<i32>} : memref<128xi32, #tpu.memory_space<vmem>>, vector<16xi32>,
      %get3A_163 = arith.constant 80 : index
      %get3A_164 = tpu.vector_load %arg6[%get3A_163] {strides = array<i32>} : memref<128xi32, #tpu.memory_space<vmem>>, vector<16xi32>,
      %get3A_165 = vector.shape_cast %get3A_164 : vector<16xi32> to vector<16xi32>
      %ge3A_166 = vector.broadcast %mul3A_0 : i32 to vector<16xi32>
      %ge3A_167 = arith.cmpi sge, %get3A_165, %ge3A_166 : vector<16xi32>
      %add3A_168 = arith.constant 50000 : i32
      %add3A_169 = arith.addi %mul3A_0, %add3A_168 : i32
      %lt3A_170 = vector.broadcast %add3A_169 : i32 to vector<16xi32>
      %lt3A_171 = arith.cmpi slt, %get3A_165, %lt3A_170 : vector<16xi32>
      %and3A_172 = arith.andi %ge3A_167, %lt3A_171 : vector<16xi1>
      %sub3A_173 = vector.broadcast %mul3A_0 : i32 to vector<16xi32>
      %sub3A_174 = arith.subi %get3A_165, %sub3A_173 : vector<16xi32>
      %jit3A_175 = arith.constant 50000 : i32
      %broadcast_in_dim3A_176 = vector.broadcast %jit3A_175 : i32 to vector<16xi32>
      %select_n3A_177 = arith.select %and3A_172, %sub3A_174, %broadcast_in_dim3A_176 : vector<16xi1>, vector<16xi32>
      %swap3A_178 = arith.constant 80 : index
      %swap3A_179 = tpu.vector_load %arg7[%swap3A_178] {strides = array<i32>} : memref<128xi32, #tpu.memory_space<vmem>>, vector<16xi32>,
      %swap3A_180 = vector.shape_cast %swap3A_179 : vector<16xi32> to vector<16xi32>
      %swap3A_181 = vector.shape_cast %select_n3A_177 : vector<16xi32> to vector<16xi32>
      tpu.vector_store %arg7[%swap3A_178], %swap3A_181 {strides = array<i32>} : memref<128xi32, #tpu.memory_space<vmem>>, vector<16xi32>,
      %get3A_182 = arith.constant 96 : index
      %get3A_183 = tpu.vector_load %arg6[%get3A_182] {strides = array<i32>} : memref<128xi32, #tpu.memory_space<vmem>>, vector<16xi32>,
      %get3A_184 = vector.shape_cast %get3A_183 : vector<16xi32> to vector<16xi32>
      %ge3A_185 = vector.broadcast %mul3A_0 : i32 to vector<16xi32>
      %ge3A_186 = arith.cmpi sge, %get3A_184, %ge3A_185 : vector<16xi32>
      %add3A_187 = arith.constant 50000 : i32
      %add3A_188 = arith.addi %mul3A_0, %add3A_187 : i32
      %lt3A_189 = vector.broadcast %add3A_188 : i32 to vector<16xi32>
      %lt3A_190 = arith.cmpi slt, %get3A_184, %lt3A_189 : vector<16xi32>
      %and3A_191 = arith.andi %ge3A_186, %lt3A_190 : vector<16xi1>
      %sub3A_192 = vector.broadcast %mul3A_0 : i32 to vector<16xi32>
      %sub3A_193 = arith.subi %get3A_184, %sub3A_192 : vector<16xi32>
      %jit3A_194 = arith.constant 50000 : i32
      %broadcast_in_dim3A_195 = vector.broadcast %jit3A_194 : i32 to vector<16xi32>
      %select_n3A_196 = arith.select %and3A_191, %sub3A_193, %broadcast_in_dim3A_195 : vector<16xi1>, vector<16xi32>
      %swap3A_197 = arith.constant 96 : index
      %swap3A_198 = tpu.vector_load %arg7[%swap3A_197] {strides = array<i32>} : memref<128xi32, #tpu.memory_space<vmem>>, vector<16xi32>,
      %swap3A_199 = vector.shape_cast %swap3A_198 : vector<16xi32> to vector<16xi32>
      %swap3A_200 = vector.shape_cast %select_n3A_196 : vector<16xi32> to vector<16xi32>
      tpu.vector_store %arg7[%swap3A_197], %swap3A_200 {strides = array<i32>} : memref<128xi32, #tpu.memory_space<vmem>>, vector<16xi32>,
      %get3A_201 = arith.constant 112 : index
      %get3A_202 = tpu.vector_load %arg6[%get3A_201] {strides = array<i32>} : memref<128xi32, #tpu.memory_space<vmem>>, vector<16xi32>,
      %get3A_203 = vector.shape_cast %get3A_202 : vector<16xi32> to vector<16xi32>
      %ge3A_204 = vector.broadcast %mul3A_0 : i32 to vector<16xi32>
      %ge3A_205 = arith.cmpi sge, %get3A_203, %ge3A_204 : vector<16xi32>
      %add3A_206 = arith.constant 50000 : i32
      %add3A_207 = arith.addi %mul3A_0, %add3A_206 : i32
      %lt3A_208 = vector.broadcast %add3A_207 : i32 to vector<16xi32>
      %lt3A_209 = arith.cmpi slt, %get3A_203, %lt3A_208 : vector<16xi32>
      %and3A_210 = arith.andi %ge3A_205, %lt3A_209 : vector<16xi1>
      %sub3A_211 = vector.broadcast %mul3A_0 : i32 to vector<16xi32>
      %sub3A_212 = arith.subi %get3A_203, %sub3A_211 : vector<16xi32>
      %jit3A_213 = arith.constant 50000 : i32
      %broadcast_in_dim3A_214 = vector.broadcast %jit3A_213 : i32 to vector<16xi32>
      %select_n3A_215 = arith.select %and3A_210, %sub3A_212, %broadcast_in_dim3A_214 : vector<16xi1>, vector<16xi32>
      %swap3A_216 = arith.constant 112 : index
      %swap3A_217 = tpu.vector_load %arg7[%swap3A_216] {strides = array<i32>} : memref<128xi32, #tpu.memory_space<vmem>>, vector<16xi32>,
      %swap3A_218 = vector.shape_cast %swap3A_217 : vector<16xi32> to vector<16xi32>
      %swap3A_219 = vector.shape_cast %select_n3A_215 : vector<16xi32> to vector<16xi32>
      tpu.vector_store %arg7[%swap3A_216], %swap3A_219 {strides = array<i32>} : memref<128xi32, #tpu.memory_space<vmem>>, vector<16xi32>,
      "tpu.region"() ({
        %run_scoped3A = tpu.sem_alloc : memref<!tpu.dma_semaphore, #tpu.memory_space<semaphore_mem>>
        %dma_start3A = arith.constant 0 : i32
        %dma_start3A_220 = arith.constant 0 : i32
        %dma_start3A_221 = tpu.memref_slice %arg5[%dma_start3A, %dma_start3A_220] : memref<51200x32xf32, #tpu.memory_space<vmem_shared>> -> memref<51200x32xf32, #tpu.memory_space<vmem_shared>>
        tpu.enqueue_indirect_dma source(%arg8 : memref<128x32xf32, #tpu.memory_space<vmem>>) target(%dma_start3A_221 : memref<51200x32xf32, #tpu.memory_space<vmem_shared>>) offsets(%arg7 : memref<128xi32, #tpu.memory_space<vmem>>) semaphore(%run_scoped3A : memref<!tpu.dma_semaphore, #tpu.memory_space<semaphore_mem>>) {add = true}
        %dma_wait3A = arith.constant 0 : i32
        %dma_wait3A_222 = arith.constant 0 : i32
        %dma_wait3A_223 = tpu.memref_slice %arg5[%dma_wait3A, %dma_wait3A_222] : memref<51200x32xf32, #tpu.memory_space<vmem_shared>> -> memref<51200x32xf32, #tpu.memory_space<vmem_shared>>
        tpu.wait_indirect_dma semaphore(%run_scoped3A : memref<!tpu.dma_semaphore, #tpu.memory_space<semaphore_mem>>) src(%arg8 : memref<128x32xf32, #tpu.memory_space<vmem>>) dst(%dma_wait3A_223 : memref<51200x32xf32, #tpu.memory_space<vmem_shared>>)
        tpu.yield
      }) : () -> ()
    }
    %while3A_25 = arith.constant 1 : i32
    scf.for %while3A_68 = %while3A_23 to %while3A_19 step %while3A_25  : i32 {
      %mul3A_69 = arith.muli %while3A_68, %while3A : i32
      %add3A_70 = arith.addi %arg1, %mul3A_69 : i32
      %mul3A_71 = arith.constant 128 : i32
      %mul3A_72 = arith.muli %add3A_70, %mul3A_71 : i32
      %multiple_of3A = tpu.assume_multiple %mul3A_72, 128 : i32
      "tpu.region"() ({
        %run_scoped3A = tpu.sem_alloc : memref<!tpu.dma_semaphore, #tpu.memory_space<semaphore_mem>>
        %dma_start3A = tpu.memref_slice %arg2[%multiple_of3A] : memref<1600000xi32, #tpu.memory_space<hbm>> -> memref<128xi32, #tpu.memory_space<hbm>>
        %dma_start3A_220 = tpu.memref_slice %arg2[%multiple_of3A] : memref<1600000xi32, #tpu.memory_space<hbm>> -> memref<128xi32, #tpu.memory_space<hbm>>
        tpu.enqueue_dma source(%dma_start3A_220 : memref<128xi32, #tpu.memory_space<hbm>>) target(%arg6 : memref<128xi32, #tpu.memory_space<vmem>>) target_semaphore(%run_scoped3A : memref<!tpu.dma_semaphore, #tpu.memory_space<semaphore_mem>>)
        %dma_wait3A = tpu.memref_slice %arg2[%multiple_of3A] : memref<1600000xi32, #tpu.memory_space<hbm>> -> memref<128xi32, #tpu.memory_space<hbm>>
        %dma_wait3A_221 = tpu.memref_slice %arg2[%multiple_of3A] : memref<1600000xi32, #tpu.memory_space<hbm>> -> memref<128xi32, #tpu.memory_space<hbm>>
        tpu.wait_dma2 semaphore(%run_scoped3A : memref<!tpu.dma_semaphore, #tpu.memory_space<semaphore_mem>>) src(%dma_wait3A_221 : memref<128xi32, #tpu.memory_space<hbm>>) dst(%arg6 : memref<128xi32, #tpu.memory_space<vmem>>)
        tpu.yield
      }) : () -> ()
      "tpu.region"() ({
        %run_scoped3A = tpu.sem_alloc : memref<!tpu.dma_semaphore, #tpu.memory_space<semaphore_mem>>
        %dma_start3A = arith.constant 0 : i32
        %dma_start3A_220 = tpu.memref_slice %arg3[%multiple_of3A, %dma_start3A] : memref<1600000x32xf32, #tpu.memory_space<hbm>> -> memref<128x32xf32, #tpu.memory_space<hbm>>
        %dma_start3A_221 = arith.constant 0 : i32
        %dma_start3A_222 = tpu.memref_slice %arg3[%multiple_of3A, %dma_start3A_221] : memref<1600000x32xf32, #tpu.memory_space<hbm>> -> memref<128x32xf32, #tpu.memory_space<hbm>>
        tpu.enqueue_dma source(%dma_start3A_222 : memref<128x32xf32, #tpu.memory_space<hbm>>) target(%arg8 : memref<128x32xf32, #tpu.memory_space<vmem>>) target_semaphore(%run_scoped3A : memref<!tpu.dma_semaphore, #tpu.memory_space<semaphore_mem>>)
        %dma_wait3A = arith.constant 0 : i32
        %dma_wait3A_223 = tpu.memref_slice %arg3[%multiple_of3A, %dma_wait3A] : memref<1600000x32xf32, #tpu.memory_space<hbm>> -> memref<128x32xf32, #tpu.memory_space<hbm>>
        %dma_wait3A_224 = arith.constant 0 : i32
        %dma_wait3A_225 = tpu.memref_slice %arg3[%multiple_of3A, %dma_wait3A_224] : memref<1600000x32xf32, #tpu.memory_space<hbm>> -> memref<128x32xf32, #tpu.memory_space<hbm>>
        tpu.wait_dma2 semaphore(%run_scoped3A : memref<!tpu.dma_semaphore, #tpu.memory_space<semaphore_mem>>) src(%dma_wait3A_225 : memref<128x32xf32, #tpu.memory_space<hbm>>) dst(%arg8 : memref<128x32xf32, #tpu.memory_space<vmem>>)
        tpu.yield
      }) : () -> ()
      %get3A = arith.constant 0 : index
      %get3A_73 = tpu.vector_load %arg6[%get3A] {strides = array<i32>} : memref<128xi32, #tpu.memory_space<vmem>>, vector<16xi32>,
      %get3A_74 = vector.shape_cast %get3A_73 : vector<16xi32> to vector<16xi32>
      %ge3A = vector.broadcast %mul3A_0 : i32 to vector<16xi32>
      %ge3A_75 = arith.cmpi sge, %get3A_74, %ge3A : vector<16xi32>
      %add3A_76 = arith.constant 50000 : i32
      %add3A_77 = arith.addi %mul3A_0, %add3A_76 : i32
      %lt3A = vector.broadcast %add3A_77 : i32 to vector<16xi32>
      %lt3A_78 = arith.cmpi slt, %get3A_74, %lt3A : vector<16xi32>
      %and3A_79 = arith.andi %ge3A_75, %lt3A_78 : vector<16xi1>
      %sub3A_80 = vector.broadcast %mul3A_0 : i32 to vector<16xi32>
      %sub3A_81 = arith.subi %get3A_74, %sub3A_80 : vector<16xi32>
      %jit3A_82 = arith.constant 50000 : i32
      %broadcast_in_dim3A = vector.broadcast %jit3A_82 : i32 to vector<16xi32>
      %select_n3A_83 = arith.select %and3A_79, %sub3A_81, %broadcast_in_dim3A : vector<16xi1>, vector<16xi32>
      %swap3A = arith.constant 0 : index
      %swap3A_84 = tpu.vector_load %arg7[%swap3A] {strides = array<i32>} : memref<128xi32, #tpu.memory_space<vmem>>, vector<16xi32>,
      %swap3A_85 = vector.shape_cast %swap3A_84 : vector<16xi32> to vector<16xi32>
      %swap3A_86 = vector.shape_cast %select_n3A_83 : vector<16xi32> to vector<16xi32>
      tpu.vector_store %arg7[%swap3A], %swap3A_86 {strides = array<i32>} : memref<128xi32, #tpu.memory_space<vmem>>, vector<16xi32>,
      %get3A_87 = arith.constant 16 : index
      %get3A_88 = tpu.vector_load %arg6[%get3A_87] {strides = array<i32>} : memref<128xi32, #tpu.memory_space<vmem>>, vector<16xi32>,
      %get3A_89 = vector.shape_cast %get3A_88 : vector<16xi32> to vector<16xi32>
      %ge3A_90 = vector.broadcast %mul3A_0 : i32 to vector<16xi32>
      %ge3A_91 = arith.cmpi sge, %get3A_89, %ge3A_90 : vector<16xi32>
      %add3A_92 = arith.constant 50000 : i32
      %add3A_93 = arith.addi %mul3A_0, %add3A_92 : i32
      %lt3A_94 = vector.broadcast %add3A_93 : i32 to vector<16xi32>
      %lt3A_95 = arith.cmpi slt, %get3A_89, %lt3A_94 : vector<16xi32>
      %and3A_96 = arith.andi %ge3A_91, %lt3A_95 : vector<16xi1>
      %sub3A_97 = vector.broadcast %mul3A_0 : i32 to vector<16xi32>
      %sub3A_98 = arith.subi %get3A_89, %sub3A_97 : vector<16xi32>
      %jit3A_99 = arith.constant 50000 : i32
      %broadcast_in_dim3A_100 = vector.broadcast %jit3A_99 : i32 to vector<16xi32>
      %select_n3A_101 = arith.select %and3A_96, %sub3A_98, %broadcast_in_dim3A_100 : vector<16xi1>, vector<16xi32>
      %swap3A_102 = arith.constant 16 : index
      %swap3A_103 = tpu.vector_load %arg7[%swap3A_102] {strides = array<i32>} : memref<128xi32, #tpu.memory_space<vmem>>, vector<16xi32>,
      %swap3A_104 = vector.shape_cast %swap3A_103 : vector<16xi32> to vector<16xi32>
      %swap3A_105 = vector.shape_cast %select_n3A_101 : vector<16xi32> to vector<16xi32>
      tpu.vector_store %arg7[%swap3A_102], %swap3A_105 {strides = array<i32>} : memref<128xi32, #tpu.memory_space<vmem>>, vector<16xi32>,
      %get3A_106 = arith.constant 32 : index
      %get3A_107 = tpu.vector_load %arg6[%get3A_106] {strides = array<i32>} : memref<128xi32, #tpu.memory_space<vmem>>, vector<16xi32>,
      %get3A_108 = vector.shape_cast %get3A_107 : vector<16xi32> to vector<16xi32>
      %ge3A_109 = vector.broadcast %mul3A_0 : i32 to vector<16xi32>
      %ge3A_110 = arith.cmpi sge, %get3A_108, %ge3A_109 : vector<16xi32>
      %add3A_111 = arith.constant 50000 : i32
      %add3A_112 = arith.addi %mul3A_0, %add3A_111 : i32
      %lt3A_113 = vector.broadcast %add3A_112 : i32 to vector<16xi32>
      %lt3A_114 = arith.cmpi slt, %get3A_108, %lt3A_113 : vector<16xi32>
      %and3A_115 = arith.andi %ge3A_110, %lt3A_114 : vector<16xi1>
      %sub3A_116 = vector.broadcast %mul3A_0 : i32 to vector<16xi32>
      %sub3A_117 = arith.subi %get3A_108, %sub3A_116 : vector<16xi32>
      %jit3A_118 = arith.constant 50000 : i32
      %broadcast_in_dim3A_119 = vector.broadcast %jit3A_118 : i32 to vector<16xi32>
      %select_n3A_120 = arith.select %and3A_115, %sub3A_117, %broadcast_in_dim3A_119 : vector<16xi1>, vector<16xi32>
      %swap3A_121 = arith.constant 32 : index
      %swap3A_122 = tpu.vector_load %arg7[%swap3A_121] {strides = array<i32>} : memref<128xi32, #tpu.memory_space<vmem>>, vector<16xi32>,
      %swap3A_123 = vector.shape_cast %swap3A_122 : vector<16xi32> to vector<16xi32>
      %swap3A_124 = vector.shape_cast %select_n3A_120 : vector<16xi32> to vector<16xi32>
      tpu.vector_store %arg7[%swap3A_121], %swap3A_124 {strides = array<i32>} : memref<128xi32, #tpu.memory_space<vmem>>, vector<16xi32>,
      %get3A_125 = arith.constant 48 : index
      %get3A_126 = tpu.vector_load %arg6[%get3A_125] {strides = array<i32>} : memref<128xi32, #tpu.memory_space<vmem>>, vector<16xi32>,
      %get3A_127 = vector.shape_cast %get3A_126 : vector<16xi32> to vector<16xi32>
      %ge3A_128 = vector.broadcast %mul3A_0 : i32 to vector<16xi32>
      %ge3A_129 = arith.cmpi sge, %get3A_127, %ge3A_128 : vector<16xi32>
      %add3A_130 = arith.constant 50000 : i32
      %add3A_131 = arith.addi %mul3A_0, %add3A_130 : i32
      %lt3A_132 = vector.broadcast %add3A_131 : i32 to vector<16xi32>
      %lt3A_133 = arith.cmpi slt, %get3A_127, %lt3A_132 : vector<16xi32>
      %and3A_134 = arith.andi %ge3A_129, %lt3A_133 : vector<16xi1>
      %sub3A_135 = vector.broadcast %mul3A_0 : i32 to vector<16xi32>
      %sub3A_136 = arith.subi %get3A_127, %sub3A_135 : vector<16xi32>
      %jit3A_137 = arith.constant 50000 : i32
      %broadcast_in_dim3A_138 = vector.broadcast %jit3A_137 : i32 to vector<16xi32>
      %select_n3A_139 = arith.select %and3A_134, %sub3A_136, %broadcast_in_dim3A_138 : vector<16xi1>, vector<16xi32>
      %swap3A_140 = arith.constant 48 : index
      %swap3A_141 = tpu.vector_load %arg7[%swap3A_140] {strides = array<i32>} : memref<128xi32, #tpu.memory_space<vmem>>, vector<16xi32>,
      %swap3A_142 = vector.shape_cast %swap3A_141 : vector<16xi32> to vector<16xi32>
      %swap3A_143 = vector.shape_cast %select_n3A_139 : vector<16xi32> to vector<16xi32>
      tpu.vector_store %arg7[%swap3A_140], %swap3A_143 {strides = array<i32>} : memref<128xi32, #tpu.memory_space<vmem>>, vector<16xi32>,
      %get3A_144 = arith.constant 64 : index
      %get3A_145 = tpu.vector_load %arg6[%get3A_144] {strides = array<i32>} : memref<128xi32, #tpu.memory_space<vmem>>, vector<16xi32>,
      %get3A_146 = vector.shape_cast %get3A_145 : vector<16xi32> to vector<16xi32>
      %ge3A_147 = vector.broadcast %mul3A_0 : i32 to vector<16xi32>
      %ge3A_148 = arith.cmpi sge, %get3A_146, %ge3A_147 : vector<16xi32>
      %add3A_149 = arith.constant 50000 : i32
      %add3A_150 = arith.addi %mul3A_0, %add3A_149 : i32
      %lt3A_151 = vector.broadcast %add3A_150 : i32 to vector<16xi32>
      %lt3A_152 = arith.cmpi slt, %get3A_146, %lt3A_151 : vector<16xi32>
      %and3A_153 = arith.andi %ge3A_148, %lt3A_152 : vector<16xi1>
      %sub3A_154 = vector.broadcast %mul3A_0 : i32 to vector<16xi32>
      %sub3A_155 = arith.subi %get3A_146, %sub3A_154 : vector<16xi32>
      %jit3A_156 = arith.constant 50000 : i32
      %broadcast_in_dim3A_157 = vector.broadcast %jit3A_156 : i32 to vector<16xi32>
      %select_n3A_158 = arith.select %and3A_153, %sub3A_155, %broadcast_in_dim3A_157 : vector<16xi1>, vector<16xi32>
      %swap3A_159 = arith.constant 64 : index
      %swap3A_160 = tpu.vector_load %arg7[%swap3A_159] {strides = array<i32>} : memref<128xi32, #tpu.memory_space<vmem>>, vector<16xi32>,
      %swap3A_161 = vector.shape_cast %swap3A_160 : vector<16xi32> to vector<16xi32>
      %swap3A_162 = vector.shape_cast %select_n3A_158 : vector<16xi32> to vector<16xi32>
      tpu.vector_store %arg7[%swap3A_159], %swap3A_162 {strides = array<i32>} : memref<128xi32, #tpu.memory_space<vmem>>, vector<16xi32>,
      %get3A_163 = arith.constant 80 : index
      %get3A_164 = tpu.vector_load %arg6[%get3A_163] {strides = array<i32>} : memref<128xi32, #tpu.memory_space<vmem>>, vector<16xi32>,
      %get3A_165 = vector.shape_cast %get3A_164 : vector<16xi32> to vector<16xi32>
      %ge3A_166 = vector.broadcast %mul3A_0 : i32 to vector<16xi32>
      %ge3A_167 = arith.cmpi sge, %get3A_165, %ge3A_166 : vector<16xi32>
      %add3A_168 = arith.constant 50000 : i32
      %add3A_169 = arith.addi %mul3A_0, %add3A_168 : i32
      %lt3A_170 = vector.broadcast %add3A_169 : i32 to vector<16xi32>
      %lt3A_171 = arith.cmpi slt, %get3A_165, %lt3A_170 : vector<16xi32>
      %and3A_172 = arith.andi %ge3A_167, %lt3A_171 : vector<16xi1>
      %sub3A_173 = vector.broadcast %mul3A_0 : i32 to vector<16xi32>
      %sub3A_174 = arith.subi %get3A_165, %sub3A_173 : vector<16xi32>
      %jit3A_175 = arith.constant 50000 : i32
      %broadcast_in_dim3A_176 = vector.broadcast %jit3A_175 : i32 to vector<16xi32>
      %select_n3A_177 = arith.select %and3A_172, %sub3A_174, %broadcast_in_dim3A_176 : vector<16xi1>, vector<16xi32>
      %swap3A_178 = arith.constant 80 : index
      %swap3A_179 = tpu.vector_load %arg7[%swap3A_178] {strides = array<i32>} : memref<128xi32, #tpu.memory_space<vmem>>, vector<16xi32>,
      %swap3A_180 = vector.shape_cast %swap3A_179 : vector<16xi32> to vector<16xi32>
      %swap3A_181 = vector.shape_cast %select_n3A_177 : vector<16xi32> to vector<16xi32>
      tpu.vector_store %arg7[%swap3A_178], %swap3A_181 {strides = array<i32>} : memref<128xi32, #tpu.memory_space<vmem>>, vector<16xi32>,
      %get3A_182 = arith.constant 96 : index
      %get3A_183 = tpu.vector_load %arg6[%get3A_182] {strides = array<i32>} : memref<128xi32, #tpu.memory_space<vmem>>, vector<16xi32>,
      %get3A_184 = vector.shape_cast %get3A_183 : vector<16xi32> to vector<16xi32>
      %ge3A_185 = vector.broadcast %mul3A_0 : i32 to vector<16xi32>
      %ge3A_186 = arith.cmpi sge, %get3A_184, %ge3A_185 : vector<16xi32>
      %add3A_187 = arith.constant 50000 : i32
      %add3A_188 = arith.addi %mul3A_0, %add3A_187 : i32
      %lt3A_189 = vector.broadcast %add3A_188 : i32 to vector<16xi32>
      %lt3A_190 = arith.cmpi slt, %get3A_184, %lt3A_189 : vector<16xi32>
      %and3A_191 = arith.andi %ge3A_186, %lt3A_190 : vector<16xi1>
      %sub3A_192 = vector.broadcast %mul3A_0 : i32 to vector<16xi32>
      %sub3A_193 = arith.subi %get3A_184, %sub3A_192 : vector<16xi32>
      %jit3A_194 = arith.constant 50000 : i32
      %broadcast_in_dim3A_195 = vector.broadcast %jit3A_194 : i32 to vector<16xi32>
      %select_n3A_196 = arith.select %and3A_191, %sub3A_193, %broadcast_in_dim3A_195 : vector<16xi1>, vector<16xi32>
      %swap3A_197 = arith.constant 96 : index
      %swap3A_198 = tpu.vector_load %arg7[%swap3A_197] {strides = array<i32>} : memref<128xi32, #tpu.memory_space<vmem>>, vector<16xi32>,
      %swap3A_199 = vector.shape_cast %swap3A_198 : vector<16xi32> to vector<16xi32>
      %swap3A_200 = vector.shape_cast %select_n3A_196 : vector<16xi32> to vector<16xi32>
      tpu.vector_store %arg7[%swap3A_197], %swap3A_200 {strides = array<i32>} : memref<128xi32, #tpu.memory_space<vmem>>, vector<16xi32>,
      %get3A_201 = arith.constant 112 : index
      %get3A_202 = tpu.vector_load %arg6[%get3A_201] {strides = array<i32>} : memref<128xi32, #tpu.memory_space<vmem>>, vector<16xi32>,
      %get3A_203 = vector.shape_cast %get3A_202 : vector<16xi32> to vector<16xi32>
      %ge3A_204 = vector.broadcast %mul3A_0 : i32 to vector<16xi32>
      %ge3A_205 = arith.cmpi sge, %get3A_203, %ge3A_204 : vector<16xi32>
      %add3A_206 = arith.constant 50000 : i32
      %add3A_207 = arith.addi %mul3A_0, %add3A_206 : i32
      %lt3A_208 = vector.broadcast %add3A_207 : i32 to vector<16xi32>
      %lt3A_209 = arith.cmpi slt, %get3A_203, %lt3A_208 : vector<16xi32>
      %and3A_210 = arith.andi %ge3A_205, %lt3A_209 : vector<16xi1>
      %sub3A_211 = vector.broadcast %mul3A_0 : i32 to vector<16xi32>
      %sub3A_212 = arith.subi %get3A_203, %sub3A_211 : vector<16xi32>
      %jit3A_213 = arith.constant 50000 : i32
      %broadcast_in_dim3A_214 = vector.broadcast %jit3A_213 : i32 to vector<16xi32>
      %select_n3A_215 = arith.select %and3A_210, %sub3A_212, %broadcast_in_dim3A_214 : vector<16xi1>, vector<16xi32>
      %swap3A_216 = arith.constant 112 : index
      %swap3A_217 = tpu.vector_load %arg7[%swap3A_216] {strides = array<i32>} : memref<128xi32, #tpu.memory_space<vmem>>, vector<16xi32>,
      %swap3A_218 = vector.shape_cast %swap3A_217 : vector<16xi32> to vector<16xi32>
      %swap3A_219 = vector.shape_cast %select_n3A_215 : vector<16xi32> to vector<16xi32>
      tpu.vector_store %arg7[%swap3A_216], %swap3A_219 {strides = array<i32>} : memref<128xi32, #tpu.memory_space<vmem>>, vector<16xi32>,
      "tpu.region"() ({
        %run_scoped3A = tpu.sem_alloc : memref<!tpu.dma_semaphore, #tpu.memory_space<semaphore_mem>>
        %dma_start3A = arith.constant 0 : i32
        %dma_start3A_220 = arith.constant 0 : i32
        %dma_start3A_221 = tpu.memref_slice %arg5[%dma_start3A, %dma_start3A_220] : memref<51200x32xf32, #tpu.memory_space<vmem_shared>> -> memref<51200x32xf32, #tpu.memory_space<vmem_shared>>
        tpu.enqueue_indirect_dma source(%arg8 : memref<128x32xf32, #tpu.memory_space<vmem>>) target(%dma_start3A_221 : memref<51200x32xf32, #tpu.memory_space<vmem_shared>>) offsets(%arg7 : memref<128xi32, #tpu.memory_space<vmem>>) semaphore(%run_scoped3A : memref<!tpu.dma_semaphore, #tpu.memory_space<semaphore_mem>>) {add = true}
        %dma_wait3A = arith.constant 0 : i32
        %dma_wait3A_222 = arith.constant 0 : i32
        %dma_wait3A_223 = tpu.memref_slice %arg5[%dma_wait3A, %dma_wait3A_222] : memref<51200x32xf32, #tpu.memory_space<vmem_shared>> -> memref<51200x32xf32, #tpu.memory_space<vmem_shared>>
        tpu.wait_indirect_dma semaphore(%run_scoped3A : memref<!tpu.dma_semaphore, #tpu.memory_space<semaphore_mem>>) src(%arg8 : memref<128x32xf32, #tpu.memory_space<vmem>>) dst(%dma_wait3A_223 : memref<51200x32xf32, #tpu.memory_space<vmem_shared>>)
        tpu.yield
      }) : () -> ()
    }
    %barrier3A_26 = arith.constant 0 : index
    tpu.barrier barrier_id(%barrier3A_26)
    %sub3A_27 = arith.constant 50000 : i32
    %sub3A_28 = arith.subi %sub3A_27, %mul3A_6 : i32
    %max3A = arith.constant 0 : i32
    %max3A_29 = arith.maxsi %max3A, %sub3A_28 : i32
    %min3A = arith.constant 3200 : i32
    %min3A_30 = arith.minsi %min3A, %max3A_29 : i32
    %jit3A = arith.constant 400 : i32
    %div3A_31 = arith.divsi %min3A_30, %jit3A : i32
    %sign3A = arith.constant 0 : i32
    %sign3A_32 = arith.cmpi sgt, %min3A_30, %sign3A : i32
    %sign3A_33 = arith.extui %sign3A_32 : i1 to i32
    %sign3A_34 = arith.constant 0 : i32
    %sign3A_35 = arith.cmpi slt, %min3A_30, %sign3A_34 : i32
    %sign3A_36 = arith.extui %sign3A_35 : i1 to i32
    %sign3A_37 = arith.subi %sign3A_33, %sign3A_36 : i32
    %sign3A_38 = arith.constant 0 : i32
    %sign3A_39 = arith.cmpi sgt, %jit3A, %sign3A_38 : i32
    %sign3A_40 = arith.extui %sign3A_39 : i1 to i32
    %sign3A_41 = arith.constant 0 : i32
    %sign3A_42 = arith.cmpi slt, %jit3A, %sign3A_41 : i32
    %sign3A_43 = arith.extui %sign3A_42 : i1 to i32
    %sign3A_44 = arith.subi %sign3A_40, %sign3A_43 : i32
    %ne3A = arith.cmpi ne, %sign3A_37, %sign3A_44 : i32
    %rem3A = arith.remsi %min3A_30, %jit3A : i32
    %ne3A_45 = arith.constant 0 : i32
    %ne3A_46 = arith.cmpi ne, %rem3A, %ne3A_45 : i32
    %and3A = arith.andi %ne3A, %ne3A_46 : i1
    %sub3A_47 = arith.constant 1 : i32
    %sub3A_48 = arith.subi %div3A_31, %sub3A_47 : i32
    %select_n3A = arith.select %and3A, %sub3A_48, %div3A_31 : i32
    %sub3A_49 = arith.constant 0 : i32
    %sub3A_50 = arith.subi %select_n3A, %sub3A_49 : i32
    %sub3A_51 = arith.constant 1 : i32
    %sub3A_52 = arith.constant 1 : i32
    %sub3A_53 = arith.subi %sub3A_51, %sub3A_52 : i32
    %add3A_54 = arith.addi %sub3A_50, %sub3A_53 : i32
    %div3A_55 = arith.constant 1 : i32
    %div3A_56 = arith.divsi %add3A_54, %div3A_55 : i32
    %while3A_57 = arith.constant 1 : i32
    %while3A_58 = arith.constant 0 : i32
    %while3A_59 = arith.constant 0 : i32
    %while3A_60 = arith.subi %div3A_56, %while3A_59 : i32
    %while3A_61 = arith.addi %while3A_59, %while3A_60 : i32
    %while3A_62 = arith.constant 1 : i32
    %while3A_63 = arith.divsi %while3A_60, %while3A_62 : i32
    %while3A_64 = arith.muli %while3A_63, %while3A_62 : i32
    %while3A_65 = arith.addi %while3A_59, %while3A_64 : i32
    %while3A_66 = arith.constant 1 : i32
    scf.for %while3A_68 = %while3A_59 to %while3A_65 step %while3A_66  : i32 {
      %mul3A_69 = arith.muli %while3A_68, %while3A_57 : i32
      %add3A_70 = arith.addi %while3A_58, %mul3A_69 : i32
      %mul3A_71 = arith.constant 400 : i32
      %mul3A_72 = arith.muli %add3A_70, %mul3A_71 : i32
      %add3A_73 = arith.addi %mul3A_6, %mul3A_72 : i32
      %multiple_of3A = tpu.assume_multiple %add3A_73, 8 : i32
      "tpu.region"() ({
        %run_scoped3A = tpu.sem_alloc : memref<!tpu.dma_semaphore, #tpu.memory_space<semaphore_mem>>
        %dma_start3A = arith.constant 0 : i32
        %dma_start3A_75 = tpu.memref_slice %arg5[%multiple_of3A, %dma_start3A] : memref<51200x32xf32, #tpu.memory_space<vmem_shared>> -> memref<400x32xf32, #tpu.memory_space<vmem_shared>>
        %dma_start3A_76 = arith.constant 0 : i32
        %dma_start3A_77 = tpu.memref_slice %arg5[%multiple_of3A, %dma_start3A_76] : memref<51200x32xf32, #tpu.memory_space<vmem_shared>> -> memref<400x32xf32, #tpu.memory_space<vmem_shared>>
        tpu.enqueue_dma source(%dma_start3A_77 : memref<400x32xf32, #tpu.memory_space<vmem_shared>>) target(%arg9 : memref<400x32xf32, #tpu.memory_space<vmem>>) target_semaphore(%run_scoped3A : memref<!tpu.dma_semaphore, #tpu.memory_space<semaphore_mem>>)
        %dma_wait3A = arith.constant 0 : i32
        %dma_wait3A_78 = tpu.memref_slice %arg5[%multiple_of3A, %dma_wait3A] : memref<51200x32xf32, #tpu.memory_space<vmem_shared>> -> memref<400x32xf32, #tpu.memory_space<vmem_shared>>
        %dma_wait3A_79 = arith.constant 0 : i32
        %dma_wait3A_80 = tpu.memref_slice %arg5[%multiple_of3A, %dma_wait3A_79] : memref<51200x32xf32, #tpu.memory_space<vmem_shared>> -> memref<400x32xf32, #tpu.memory_space<vmem_shared>>
        tpu.wait_dma2 semaphore(%run_scoped3A : memref<!tpu.dma_semaphore, #tpu.memory_space<semaphore_mem>>) src(%dma_wait3A_80 : memref<400x32xf32, #tpu.memory_space<vmem_shared>>) dst(%arg9 : memref<400x32xf32, #tpu.memory_space<vmem>>)
        tpu.yield
      }) : () -> ()
      %add3A_74 = arith.addi %mul3A_0, %multiple_of3A : i32
      "tpu.region"() ({
        %run_scoped3A = tpu.sem_alloc : memref<!tpu.dma_semaphore, #tpu.memory_space<semaphore_mem>>
        %dma_start3A = arith.constant 0 : i32
        %dma_start3A_75 = tpu.memref_slice %arg4[%add3A_74, %dma_start3A] : memref<100000x32xf32, #tpu.memory_space<hbm>> -> memref<400x32xf32, #tpu.memory_space<hbm>>
        %dma_start3A_76 = arith.constant 0 : i32
        %dma_start3A_77 = tpu.memref_slice %arg4[%add3A_74, %dma_start3A_76] : memref<100000x32xf32, #tpu.memory_space<hbm>> -> memref<400x32xf32, #tpu.memory_space<hbm>>
        tpu.enqueue_dma source(%arg9 : memref<400x32xf32, #tpu.memory_space<vmem>>) target(%dma_start3A_77 : memref<400x32xf32, #tpu.memory_space<hbm>>) target_semaphore(%run_scoped3A : memref<!tpu.dma_semaphore, #tpu.memory_space<semaphore_mem>>)
        %dma_wait3A = arith.constant 0 : i32
        %dma_wait3A_78 = tpu.memref_slice %arg4[%add3A_74, %dma_wait3A] : memref<100000x32xf32, #tpu.memory_space<hbm>> -> memref<400x32xf32, #tpu.memory_space<hbm>>
        %dma_wait3A_79 = arith.constant 0 : i32
        %dma_wait3A_80 = tpu.memref_slice %arg4[%add3A_74, %dma_wait3A_79] : memref<100000x32xf32, #tpu.memory_space<hbm>> -> memref<400x32xf32, #tpu.memory_space<hbm>>
        tpu.wait_dma2 semaphore(%run_scoped3A : memref<!tpu.dma_semaphore, #tpu.memory_space<semaphore_mem>>) src(%arg9 : memref<400x32xf32, #tpu.memory_space<vmem>>) dst(%dma_wait3A_80 : memref<400x32xf32, #tpu.memory_space<hbm>>)
        tpu.yield
      }) : () -> ()
    }
    %while3A_67 = arith.constant 1 : i32
    scf.for %while3A_68 = %while3A_65 to %while3A_61 step %while3A_67  : i32 {
      %mul3A_69 = arith.muli %while3A_68, %while3A_57 : i32
      %add3A_70 = arith.addi %while3A_58, %mul3A_69 : i32
      %mul3A_71 = arith.constant 400 : i32
      %mul3A_72 = arith.muli %add3A_70, %mul3A_71 : i32
      %add3A_73 = arith.addi %mul3A_6, %mul3A_72 : i32
      %multiple_of3A = tpu.assume_multiple %add3A_73, 8 : i32
      "tpu.region"() ({
        %run_scoped3A = tpu.sem_alloc : memref<!tpu.dma_semaphore, #tpu.memory_space<semaphore_mem>>
        %dma_start3A = arith.constant 0 : i32
        %dma_start3A_75 = tpu.memref_slice %arg5[%multiple_of3A, %dma_start3A] : memref<51200x32xf32, #tpu.memory_space<vmem_shared>> -> memref<400x32xf32, #tpu.memory_space<vmem_shared>>
        %dma_start3A_76 = arith.constant 0 : i32
        %dma_start3A_77 = tpu.memref_slice %arg5[%multiple_of3A, %dma_start3A_76] : memref<51200x32xf32, #tpu.memory_space<vmem_shared>> -> memref<400x32xf32, #tpu.memory_space<vmem_shared>>
        tpu.enqueue_dma source(%dma_start3A_77 : memref<400x32xf32, #tpu.memory_space<vmem_shared>>) target(%arg9 : memref<400x32xf32, #tpu.memory_space<vmem>>) target_semaphore(%run_scoped3A : memref<!tpu.dma_semaphore, #tpu.memory_space<semaphore_mem>>)
        %dma_wait3A = arith.constant 0 : i32
        %dma_wait3A_78 = tpu.memref_slice %arg5[%multiple_of3A, %dma_wait3A] : memref<51200x32xf32, #tpu.memory_space<vmem_shared>> -> memref<400x32xf32, #tpu.memory_space<vmem_shared>>
        %dma_wait3A_79 = arith.constant 0 : i32
        %dma_wait3A_80 = tpu.memref_slice %arg5[%multiple_of3A, %dma_wait3A_79] : memref<51200x32xf32, #tpu.memory_space<vmem_shared>> -> memref<400x32xf32, #tpu.memory_space<vmem_shared>>
        tpu.wait_dma2 semaphore(%run_scoped3A : memref<!tpu.dma_semaphore, #tpu.memory_space<semaphore_mem>>) src(%dma_wait3A_80 : memref<400x32xf32, #tpu.memory_space<vmem_shared>>) dst(%arg9 : memref<400x32xf32, #tpu.memory_space<vmem>>)
        tpu.yield
      }) : () -> ()
      %add3A_74 = arith.addi %mul3A_0, %multiple_of3A : i32
      "tpu.region"() ({
        %run_scoped3A = tpu.sem_alloc : memref<!tpu.dma_semaphore, #tpu.memory_space<semaphore_mem>>
        %dma_start3A = arith.constant 0 : i32
        %dma_start3A_75 = tpu.memref_slice %arg4[%add3A_74, %dma_start3A] : memref<100000x32xf32, #tpu.memory_space<hbm>> -> memref<400x32xf32, #tpu.memory_space<hbm>>
        %dma_start3A_76 = arith.constant 0 : i32
        %dma_start3A_77 = tpu.memref_slice %arg4[%add3A_74, %dma_start3A_76] : memref<100000x32xf32, #tpu.memory_space<hbm>> -> memref<400x32xf32, #tpu.memory_space<hbm>>
        tpu.enqueue_dma source(%arg9 : memref<400x32xf32, #tpu.memory_space<vmem>>) target(%dma_start3A_77 : memref<400x32xf32, #tpu.memory_space<hbm>>) target_semaphore(%run_scoped3A : memref<!tpu.dma_semaphore, #tpu.memory_space<semaphore_mem>>)
        %dma_wait3A = arith.constant 0 : i32
        %dma_wait3A_78 = tpu.memref_slice %arg4[%add3A_74, %dma_wait3A] : memref<100000x32xf32, #tpu.memory_space<hbm>> -> memref<400x32xf32, #tpu.memory_space<hbm>>
        %dma_wait3A_79 = arith.constant 0 : i32
        %dma_wait3A_80 = tpu.memref_slice %arg4[%add3A_74, %dma_wait3A_79] : memref<100000x32xf32, #tpu.memory_space<hbm>> -> memref<400x32xf32, #tpu.memory_space<hbm>>
        tpu.wait_dma2 semaphore(%run_scoped3A : memref<!tpu.dma_semaphore, #tpu.memory_space<semaphore_mem>>) src(%arg9 : memref<400x32xf32, #tpu.memory_space<vmem>>) dst(%dma_wait3A_80 : memref<400x32xf32, #tpu.memory_space<hbm>>)
        tpu.yield
      }) : () -> ()
    }
    return
  }
}

#map = affine_map<(d0, d1) -> (0)>
#map1 = affine_map<(d0, d1) -> (0, 0)>
module attributes {stable_mosaic.version = 14 : i64} {
  func.func @egnn_sc_scatter16(%arg0: i32, %arg1: i32, %arg2: memref<1600000xi32, #tpu.memory_space<hbm>>, %arg3: memref<1600000x16xf32, #tpu.memory_space<hbm>>, %arg4: memref<100000x16xf32, #tpu.memory_space<hbm>>, %arg5: memref<51200x16xf32, #tpu.memory_space<vmem_shared>>, %arg6: memref<128xi32, #tpu.memory_space<vmem>>, %arg7: memref<128xi32, #tpu.memory_space<vmem>>, %arg8: memref<128x16xf32, #tpu.memory_space<vmem>>, %arg9: memref<400x16xf32, #tpu.memory_space<vmem>>) attributes {dimension_semantics = [#tpu.dimension_semantics<core_parallel>, #tpu.dimension_semantics<subcore_parallel>], iteration_bounds = array<i64: 2, 16>, scalar_prefetch = 0 : i64, scratch_operands = 5 : i64, tpu.core_type = #tpu.core_type<sc_vector_subcore>, window_params = [{transform_indices = #map}, {transform_indices = #map1}, {transform_indices = #map1}]} {
    %mul3A = arith.constant 50000 : i32
    %mul3A_0 = arith.muli %arg0, %mul3A : i32
    %scan3A = arith.constant 0 : i32
    %scan3A_1 = arith.constant 400 : i32
    %scan3A_2 = arith.addi %scan3A, %scan3A_1 : i32
    %scan3A_3 = arith.constant 1 : i32
    scf.for %scan3A_68 = %scan3A to %scan3A_2 step %scan3A_3  : i32 {
      %mul3A_69 = arith.constant 1 : i32
      %mul3A_70 = arith.muli %scan3A_68, %mul3A_69 : i32
      %add3A_71 = arith.constant 0 : i32
      %add3A_72 = arith.addi %add3A_71, %mul3A_70 : i32
      %broadcast_in_dim3A = arith.constant 0.000000e+00 : f32
      %broadcast_in_dim3A_73 = vector.broadcast %broadcast_in_dim3A : f32 to vector<16xf32>
      %swap3A = arith.index_cast %add3A_72 : i32 to index
      %swap3A_74 = arith.constant 0 : index
      %swap3A_75 = tpu.vector_load %arg9[%swap3A, %swap3A_74] {strides = array<i32>} : memref<400x16xf32, #tpu.memory_space<vmem>>, vector<1x16xf32>,
      %swap3A_76 = vector.shape_cast %swap3A_75 : vector<1x16xf32> to vector<16xf32>
      %swap3A_77 = vector.shape_cast %broadcast_in_dim3A_73 : vector<16xf32> to vector<1x16xf32>
      tpu.vector_store %arg9[%swap3A, %swap3A_74], %swap3A_77 {strides = array<i32>} : memref<400x16xf32, #tpu.memory_space<vmem>>, vector<1x16xf32>,
    }
    %scan3A_4 = arith.constant 400 : i32
    %mul3A_5 = arith.constant 3200 : i32
    %mul3A_6 = arith.muli %arg1, %mul3A_5 : i32
    %scan3A_7 = arith.constant 0 : i32
    %scan3A_8 = arith.constant 8 : i32
    %scan3A_9 = arith.addi %scan3A_7, %scan3A_8 : i32
    %scan3A_10 = arith.constant 1 : i32
    scf.for %scan3A_68 = %scan3A_7 to %scan3A_9 step %scan3A_10  : i32 {
      %mul3A_69 = arith.constant 1 : i32
      %mul3A_70 = arith.muli %scan3A_68, %mul3A_69 : i32
      %add3A_71 = arith.constant 0 : i32
      %add3A_72 = arith.addi %add3A_71, %mul3A_70 : i32
      %mul3A_73 = arith.constant 400 : i32
      %mul3A_74 = arith.muli %add3A_72, %mul3A_73 : i32
      %add3A_75 = arith.addi %mul3A_6, %mul3A_74 : i32
      %multiple_of3A = tpu.assume_multiple %add3A_75, 8 : i32
      "tpu.region"() ({
        %run_scoped3A = tpu.sem_alloc : memref<!tpu.dma_semaphore, #tpu.memory_space<semaphore_mem>>
        %dma_start3A = arith.constant 0 : i32
        %dma_start3A_76 = tpu.memref_slice %arg5[%multiple_of3A, %dma_start3A] : memref<51200x16xf32, #tpu.memory_space<vmem_shared>> -> memref<400x16xf32, #tpu.memory_space<vmem_shared>>
        %dma_start3A_77 = arith.constant 0 : i32
        %dma_start3A_78 = tpu.memref_slice %arg5[%multiple_of3A, %dma_start3A_77] : memref<51200x16xf32, #tpu.memory_space<vmem_shared>> -> memref<400x16xf32, #tpu.memory_space<vmem_shared>>
        tpu.enqueue_dma source(%arg9 : memref<400x16xf32, #tpu.memory_space<vmem>>) target(%dma_start3A_78 : memref<400x16xf32, #tpu.memory_space<vmem_shared>>) target_semaphore(%run_scoped3A : memref<!tpu.dma_semaphore, #tpu.memory_space<semaphore_mem>>)
        %dma_wait3A = arith.constant 0 : i32
        %dma_wait3A_79 = tpu.memref_slice %arg5[%multiple_of3A, %dma_wait3A] : memref<51200x16xf32, #tpu.memory_space<vmem_shared>> -> memref<400x16xf32, #tpu.memory_space<vmem_shared>>
        %dma_wait3A_80 = arith.constant 0 : i32
        %dma_wait3A_81 = tpu.memref_slice %arg5[%multiple_of3A, %dma_wait3A_80] : memref<51200x16xf32, #tpu.memory_space<vmem_shared>> -> memref<400x16xf32, #tpu.memory_space<vmem_shared>>
        tpu.wait_dma2 semaphore(%run_scoped3A : memref<!tpu.dma_semaphore, #tpu.memory_space<semaphore_mem>>) src(%arg9 : memref<400x16xf32, #tpu.memory_space<vmem>>) dst(%dma_wait3A_81 : memref<400x16xf32, #tpu.memory_space<vmem_shared>>)
        tpu.yield
      }) : () -> ()
    }
    %scan3A_11 = arith.constant 8 : i32
    %barrier3A = arith.constant 0 : index
    tpu.barrier barrier_id(%barrier3A)
    %sub3A = arith.constant 12500 : i32
    %sub3A_12 = arith.subi %sub3A, %arg1 : i32
    %sub3A_13 = arith.constant 16 : i32
    %sub3A_14 = arith.constant 1 : i32
    %sub3A_15 = arith.subi %sub3A_13, %sub3A_14 : i32
    %add3A = arith.addi %sub3A_12, %sub3A_15 : i32
    %div3A = arith.constant 16 : i32
    %div3A_16 = arith.divsi %add3A, %div3A : i32
    %while3A = arith.constant 16 : i32
    %while3A_17 = arith.constant 0 : i32
    %while3A_18 = arith.subi %div3A_16, %while3A_17 : i32
    %while3A_19 = arith.addi %while3A_17, %while3A_18 : i32
    %while3A_20 = arith.constant 1 : i32
    %while3A_21 = arith.divsi %while3A_18, %while3A_20 : i32
    %while3A_22 = arith.muli %while3A_21, %while3A_20 : i32
    %while3A_23 = arith.addi %while3A_17, %while3A_22 : i32
    %while3A_24 = arith.constant 1 : i32
    scf.for %while3A_68 = %while3A_17 to %while3A_23 step %while3A_24  : i32 {
      %mul3A_69 = arith.muli %while3A_68, %while3A : i32
      %add3A_70 = arith.addi %arg1, %mul3A_69 : i32
      %mul3A_71 = arith.constant 128 : i32
      %mul3A_72 = arith.muli %add3A_70, %mul3A_71 : i32
      %multiple_of3A = tpu.assume_multiple %mul3A_72, 128 : i32
      "tpu.region"() ({
        %run_scoped3A = tpu.sem_alloc : memref<!tpu.dma_semaphore, #tpu.memory_space<semaphore_mem>>
        %dma_start3A = tpu.memref_slice %arg2[%multiple_of3A] : memref<1600000xi32, #tpu.memory_space<hbm>> -> memref<128xi32, #tpu.memory_space<hbm>>
        %dma_start3A_220 = tpu.memref_slice %arg2[%multiple_of3A] : memref<1600000xi32, #tpu.memory_space<hbm>> -> memref<128xi32, #tpu.memory_space<hbm>>
        tpu.enqueue_dma source(%dma_start3A_220 : memref<128xi32, #tpu.memory_space<hbm>>) target(%arg6 : memref<128xi32, #tpu.memory_space<vmem>>) target_semaphore(%run_scoped3A : memref<!tpu.dma_semaphore, #tpu.memory_space<semaphore_mem>>)
        %dma_wait3A = tpu.memref_slice %arg2[%multiple_of3A] : memref<1600000xi32, #tpu.memory_space<hbm>> -> memref<128xi32, #tpu.memory_space<hbm>>
        %dma_wait3A_221 = tpu.memref_slice %arg2[%multiple_of3A] : memref<1600000xi32, #tpu.memory_space<hbm>> -> memref<128xi32, #tpu.memory_space<hbm>>
        tpu.wait_dma2 semaphore(%run_scoped3A : memref<!tpu.dma_semaphore, #tpu.memory_space<semaphore_mem>>) src(%dma_wait3A_221 : memref<128xi32, #tpu.memory_space<hbm>>) dst(%arg6 : memref<128xi32, #tpu.memory_space<vmem>>)
        tpu.yield
      }) : () -> ()
      "tpu.region"() ({
        %run_scoped3A = tpu.sem_alloc : memref<!tpu.dma_semaphore, #tpu.memory_space<semaphore_mem>>
        %dma_start3A = arith.constant 0 : i32
        %dma_start3A_220 = tpu.memref_slice %arg3[%multiple_of3A, %dma_start3A] : memref<1600000x16xf32, #tpu.memory_space<hbm>> -> memref<128x16xf32, #tpu.memory_space<hbm>>
        %dma_start3A_221 = arith.constant 0 : i32
        %dma_start3A_222 = tpu.memref_slice %arg3[%multiple_of3A, %dma_start3A_221] : memref<1600000x16xf32, #tpu.memory_space<hbm>> -> memref<128x16xf32, #tpu.memory_space<hbm>>
        tpu.enqueue_dma source(%dma_start3A_222 : memref<128x16xf32, #tpu.memory_space<hbm>>) target(%arg8 : memref<128x16xf32, #tpu.memory_space<vmem>>) target_semaphore(%run_scoped3A : memref<!tpu.dma_semaphore, #tpu.memory_space<semaphore_mem>>)
        %dma_wait3A = arith.constant 0 : i32
        %dma_wait3A_223 = tpu.memref_slice %arg3[%multiple_of3A, %dma_wait3A] : memref<1600000x16xf32, #tpu.memory_space<hbm>> -> memref<128x16xf32, #tpu.memory_space<hbm>>
        %dma_wait3A_224 = arith.constant 0 : i32
        %dma_wait3A_225 = tpu.memref_slice %arg3[%multiple_of3A, %dma_wait3A_224] : memref<1600000x16xf32, #tpu.memory_space<hbm>> -> memref<128x16xf32, #tpu.memory_space<hbm>>
        tpu.wait_dma2 semaphore(%run_scoped3A : memref<!tpu.dma_semaphore, #tpu.memory_space<semaphore_mem>>) src(%dma_wait3A_225 : memref<128x16xf32, #tpu.memory_space<hbm>>) dst(%arg8 : memref<128x16xf32, #tpu.memory_space<vmem>>)
        tpu.yield
      }) : () -> ()
      %get3A = arith.constant 0 : index
      %get3A_73 = tpu.vector_load %arg6[%get3A] {strides = array<i32>} : memref<128xi32, #tpu.memory_space<vmem>>, vector<16xi32>,
      %get3A_74 = vector.shape_cast %get3A_73 : vector<16xi32> to vector<16xi32>
      %ge3A = vector.broadcast %mul3A_0 : i32 to vector<16xi32>
      %ge3A_75 = arith.cmpi sge, %get3A_74, %ge3A : vector<16xi32>
      %add3A_76 = arith.constant 50000 : i32
      %add3A_77 = arith.addi %mul3A_0, %add3A_76 : i32
      %lt3A = vector.broadcast %add3A_77 : i32 to vector<16xi32>
      %lt3A_78 = arith.cmpi slt, %get3A_74, %lt3A : vector<16xi32>
      %and3A_79 = arith.andi %ge3A_75, %lt3A_78 : vector<16xi1>
      %sub3A_80 = vector.broadcast %mul3A_0 : i32 to vector<16xi32>
      %sub3A_81 = arith.subi %get3A_74, %sub3A_80 : vector<16xi32>
      %jit3A_82 = arith.constant 50000 : i32
      %broadcast_in_dim3A = vector.broadcast %jit3A_82 : i32 to vector<16xi32>
      %select_n3A_83 = arith.select %and3A_79, %sub3A_81, %broadcast_in_dim3A : vector<16xi1>, vector<16xi32>
      %swap3A = arith.constant 0 : index
      %swap3A_84 = tpu.vector_load %arg7[%swap3A] {strides = array<i32>} : memref<128xi32, #tpu.memory_space<vmem>>, vector<16xi32>,
      %swap3A_85 = vector.shape_cast %swap3A_84 : vector<16xi32> to vector<16xi32>
      %swap3A_86 = vector.shape_cast %select_n3A_83 : vector<16xi32> to vector<16xi32>
      tpu.vector_store %arg7[%swap3A], %swap3A_86 {strides = array<i32>} : memref<128xi32, #tpu.memory_space<vmem>>, vector<16xi32>,
      %get3A_87 = arith.constant 16 : index
      %get3A_88 = tpu.vector_load %arg6[%get3A_87] {strides = array<i32>} : memref<128xi32, #tpu.memory_space<vmem>>, vector<16xi32>,
      %get3A_89 = vector.shape_cast %get3A_88 : vector<16xi32> to vector<16xi32>
      %ge3A_90 = vector.broadcast %mul3A_0 : i32 to vector<16xi32>
      %ge3A_91 = arith.cmpi sge, %get3A_89, %ge3A_90 : vector<16xi32>
      %add3A_92 = arith.constant 50000 : i32
      %add3A_93 = arith.addi %mul3A_0, %add3A_92 : i32
      %lt3A_94 = vector.broadcast %add3A_93 : i32 to vector<16xi32>
      %lt3A_95 = arith.cmpi slt, %get3A_89, %lt3A_94 : vector<16xi32>
      %and3A_96 = arith.andi %ge3A_91, %lt3A_95 : vector<16xi1>
      %sub3A_97 = vector.broadcast %mul3A_0 : i32 to vector<16xi32>
      %sub3A_98 = arith.subi %get3A_89, %sub3A_97 : vector<16xi32>
      %jit3A_99 = arith.constant 50000 : i32
      %broadcast_in_dim3A_100 = vector.broadcast %jit3A_99 : i32 to vector<16xi32>
      %select_n3A_101 = arith.select %and3A_96, %sub3A_98, %broadcast_in_dim3A_100 : vector<16xi1>, vector<16xi32>
      %swap3A_102 = arith.constant 16 : index
      %swap3A_103 = tpu.vector_load %arg7[%swap3A_102] {strides = array<i32>} : memref<128xi32, #tpu.memory_space<vmem>>, vector<16xi32>,
      %swap3A_104 = vector.shape_cast %swap3A_103 : vector<16xi32> to vector<16xi32>
      %swap3A_105 = vector.shape_cast %select_n3A_101 : vector<16xi32> to vector<16xi32>
      tpu.vector_store %arg7[%swap3A_102], %swap3A_105 {strides = array<i32>} : memref<128xi32, #tpu.memory_space<vmem>>, vector<16xi32>,
      %get3A_106 = arith.constant 32 : index
      %get3A_107 = tpu.vector_load %arg6[%get3A_106] {strides = array<i32>} : memref<128xi32, #tpu.memory_space<vmem>>, vector<16xi32>,
      %get3A_108 = vector.shape_cast %get3A_107 : vector<16xi32> to vector<16xi32>
      %ge3A_109 = vector.broadcast %mul3A_0 : i32 to vector<16xi32>
      %ge3A_110 = arith.cmpi sge, %get3A_108, %ge3A_109 : vector<16xi32>
      %add3A_111 = arith.constant 50000 : i32
      %add3A_112 = arith.addi %mul3A_0, %add3A_111 : i32
      %lt3A_113 = vector.broadcast %add3A_112 : i32 to vector<16xi32>
      %lt3A_114 = arith.cmpi slt, %get3A_108, %lt3A_113 : vector<16xi32>
      %and3A_115 = arith.andi %ge3A_110, %lt3A_114 : vector<16xi1>
      %sub3A_116 = vector.broadcast %mul3A_0 : i32 to vector<16xi32>
      %sub3A_117 = arith.subi %get3A_108, %sub3A_116 : vector<16xi32>
      %jit3A_118 = arith.constant 50000 : i32
      %broadcast_in_dim3A_119 = vector.broadcast %jit3A_118 : i32 to vector<16xi32>
      %select_n3A_120 = arith.select %and3A_115, %sub3A_117, %broadcast_in_dim3A_119 : vector<16xi1>, vector<16xi32>
      %swap3A_121 = arith.constant 32 : index
      %swap3A_122 = tpu.vector_load %arg7[%swap3A_121] {strides = array<i32>} : memref<128xi32, #tpu.memory_space<vmem>>, vector<16xi32>,
      %swap3A_123 = vector.shape_cast %swap3A_122 : vector<16xi32> to vector<16xi32>
      %swap3A_124 = vector.shape_cast %select_n3A_120 : vector<16xi32> to vector<16xi32>
      tpu.vector_store %arg7[%swap3A_121], %swap3A_124 {strides = array<i32>} : memref<128xi32, #tpu.memory_space<vmem>>, vector<16xi32>,
      %get3A_125 = arith.constant 48 : index
      %get3A_126 = tpu.vector_load %arg6[%get3A_125] {strides = array<i32>} : memref<128xi32, #tpu.memory_space<vmem>>, vector<16xi32>,
      %get3A_127 = vector.shape_cast %get3A_126 : vector<16xi32> to vector<16xi32>
      %ge3A_128 = vector.broadcast %mul3A_0 : i32 to vector<16xi32>
      %ge3A_129 = arith.cmpi sge, %get3A_127, %ge3A_128 : vector<16xi32>
      %add3A_130 = arith.constant 50000 : i32
      %add3A_131 = arith.addi %mul3A_0, %add3A_130 : i32
      %lt3A_132 = vector.broadcast %add3A_131 : i32 to vector<16xi32>
      %lt3A_133 = arith.cmpi slt, %get3A_127, %lt3A_132 : vector<16xi32>
      %and3A_134 = arith.andi %ge3A_129, %lt3A_133 : vector<16xi1>
      %sub3A_135 = vector.broadcast %mul3A_0 : i32 to vector<16xi32>
      %sub3A_136 = arith.subi %get3A_127, %sub3A_135 : vector<16xi32>
      %jit3A_137 = arith.constant 50000 : i32
      %broadcast_in_dim3A_138 = vector.broadcast %jit3A_137 : i32 to vector<16xi32>
      %select_n3A_139 = arith.select %and3A_134, %sub3A_136, %broadcast_in_dim3A_138 : vector<16xi1>, vector<16xi32>
      %swap3A_140 = arith.constant 48 : index
      %swap3A_141 = tpu.vector_load %arg7[%swap3A_140] {strides = array<i32>} : memref<128xi32, #tpu.memory_space<vmem>>, vector<16xi32>,
      %swap3A_142 = vector.shape_cast %swap3A_141 : vector<16xi32> to vector<16xi32>
      %swap3A_143 = vector.shape_cast %select_n3A_139 : vector<16xi32> to vector<16xi32>
      tpu.vector_store %arg7[%swap3A_140], %swap3A_143 {strides = array<i32>} : memref<128xi32, #tpu.memory_space<vmem>>, vector<16xi32>,
      %get3A_144 = arith.constant 64 : index
      %get3A_145 = tpu.vector_load %arg6[%get3A_144] {strides = array<i32>} : memref<128xi32, #tpu.memory_space<vmem>>, vector<16xi32>,
      %get3A_146 = vector.shape_cast %get3A_145 : vector<16xi32> to vector<16xi32>
      %ge3A_147 = vector.broadcast %mul3A_0 : i32 to vector<16xi32>
      %ge3A_148 = arith.cmpi sge, %get3A_146, %ge3A_147 : vector<16xi32>
      %add3A_149 = arith.constant 50000 : i32
      %add3A_150 = arith.addi %mul3A_0, %add3A_149 : i32
      %lt3A_151 = vector.broadcast %add3A_150 : i32 to vector<16xi32>
      %lt3A_152 = arith.cmpi slt, %get3A_146, %lt3A_151 : vector<16xi32>
      %and3A_153 = arith.andi %ge3A_148, %lt3A_152 : vector<16xi1>
      %sub3A_154 = vector.broadcast %mul3A_0 : i32 to vector<16xi32>
      %sub3A_155 = arith.subi %get3A_146, %sub3A_154 : vector<16xi32>
      %jit3A_156 = arith.constant 50000 : i32
      %broadcast_in_dim3A_157 = vector.broadcast %jit3A_156 : i32 to vector<16xi32>
      %select_n3A_158 = arith.select %and3A_153, %sub3A_155, %broadcast_in_dim3A_157 : vector<16xi1>, vector<16xi32>
      %swap3A_159 = arith.constant 64 : index
      %swap3A_160 = tpu.vector_load %arg7[%swap3A_159] {strides = array<i32>} : memref<128xi32, #tpu.memory_space<vmem>>, vector<16xi32>,
      %swap3A_161 = vector.shape_cast %swap3A_160 : vector<16xi32> to vector<16xi32>
      %swap3A_162 = vector.shape_cast %select_n3A_158 : vector<16xi32> to vector<16xi32>
      tpu.vector_store %arg7[%swap3A_159], %swap3A_162 {strides = array<i32>} : memref<128xi32, #tpu.memory_space<vmem>>, vector<16xi32>,
      %get3A_163 = arith.constant 80 : index
      %get3A_164 = tpu.vector_load %arg6[%get3A_163] {strides = array<i32>} : memref<128xi32, #tpu.memory_space<vmem>>, vector<16xi32>,
      %get3A_165 = vector.shape_cast %get3A_164 : vector<16xi32> to vector<16xi32>
      %ge3A_166 = vector.broadcast %mul3A_0 : i32 to vector<16xi32>
      %ge3A_167 = arith.cmpi sge, %get3A_165, %ge3A_166 : vector<16xi32>
      %add3A_168 = arith.constant 50000 : i32
      %add3A_169 = arith.addi %mul3A_0, %add3A_168 : i32
      %lt3A_170 = vector.broadcast %add3A_169 : i32 to vector<16xi32>
      %lt3A_171 = arith.cmpi slt, %get3A_165, %lt3A_170 : vector<16xi32>
      %and3A_172 = arith.andi %ge3A_167, %lt3A_171 : vector<16xi1>
      %sub3A_173 = vector.broadcast %mul3A_0 : i32 to vector<16xi32>
      %sub3A_174 = arith.subi %get3A_165, %sub3A_173 : vector<16xi32>
      %jit3A_175 = arith.constant 50000 : i32
      %broadcast_in_dim3A_176 = vector.broadcast %jit3A_175 : i32 to vector<16xi32>
      %select_n3A_177 = arith.select %and3A_172, %sub3A_174, %broadcast_in_dim3A_176 : vector<16xi1>, vector<16xi32>
      %swap3A_178 = arith.constant 80 : index
      %swap3A_179 = tpu.vector_load %arg7[%swap3A_178] {strides = array<i32>} : memref<128xi32, #tpu.memory_space<vmem>>, vector<16xi32>,
      %swap3A_180 = vector.shape_cast %swap3A_179 : vector<16xi32> to vector<16xi32>
      %swap3A_181 = vector.shape_cast %select_n3A_177 : vector<16xi32> to vector<16xi32>
      tpu.vector_store %arg7[%swap3A_178], %swap3A_181 {strides = array<i32>} : memref<128xi32, #tpu.memory_space<vmem>>, vector<16xi32>,
      %get3A_182 = arith.constant 96 : index
      %get3A_183 = tpu.vector_load %arg6[%get3A_182] {strides = array<i32>} : memref<128xi32, #tpu.memory_space<vmem>>, vector<16xi32>,
      %get3A_184 = vector.shape_cast %get3A_183 : vector<16xi32> to vector<16xi32>
      %ge3A_185 = vector.broadcast %mul3A_0 : i32 to vector<16xi32>
      %ge3A_186 = arith.cmpi sge, %get3A_184, %ge3A_185 : vector<16xi32>
      %add3A_187 = arith.constant 50000 : i32
      %add3A_188 = arith.addi %mul3A_0, %add3A_187 : i32
      %lt3A_189 = vector.broadcast %add3A_188 : i32 to vector<16xi32>
      %lt3A_190 = arith.cmpi slt, %get3A_184, %lt3A_189 : vector<16xi32>
      %and3A_191 = arith.andi %ge3A_186, %lt3A_190 : vector<16xi1>
      %sub3A_192 = vector.broadcast %mul3A_0 : i32 to vector<16xi32>
      %sub3A_193 = arith.subi %get3A_184, %sub3A_192 : vector<16xi32>
      %jit3A_194 = arith.constant 50000 : i32
      %broadcast_in_dim3A_195 = vector.broadcast %jit3A_194 : i32 to vector<16xi32>
      %select_n3A_196 = arith.select %and3A_191, %sub3A_193, %broadcast_in_dim3A_195 : vector<16xi1>, vector<16xi32>
      %swap3A_197 = arith.constant 96 : index
      %swap3A_198 = tpu.vector_load %arg7[%swap3A_197] {strides = array<i32>} : memref<128xi32, #tpu.memory_space<vmem>>, vector<16xi32>,
      %swap3A_199 = vector.shape_cast %swap3A_198 : vector<16xi32> to vector<16xi32>
      %swap3A_200 = vector.shape_cast %select_n3A_196 : vector<16xi32> to vector<16xi32>
      tpu.vector_store %arg7[%swap3A_197], %swap3A_200 {strides = array<i32>} : memref<128xi32, #tpu.memory_space<vmem>>, vector<16xi32>,
      %get3A_201 = arith.constant 112 : index
      %get3A_202 = tpu.vector_load %arg6[%get3A_201] {strides = array<i32>} : memref<128xi32, #tpu.memory_space<vmem>>, vector<16xi32>,
      %get3A_203 = vector.shape_cast %get3A_202 : vector<16xi32> to vector<16xi32>
      %ge3A_204 = vector.broadcast %mul3A_0 : i32 to vector<16xi32>
      %ge3A_205 = arith.cmpi sge, %get3A_203, %ge3A_204 : vector<16xi32>
      %add3A_206 = arith.constant 50000 : i32
      %add3A_207 = arith.addi %mul3A_0, %add3A_206 : i32
      %lt3A_208 = vector.broadcast %add3A_207 : i32 to vector<16xi32>
      %lt3A_209 = arith.cmpi slt, %get3A_203, %lt3A_208 : vector<16xi32>
      %and3A_210 = arith.andi %ge3A_205, %lt3A_209 : vector<16xi1>
      %sub3A_211 = vector.broadcast %mul3A_0 : i32 to vector<16xi32>
      %sub3A_212 = arith.subi %get3A_203, %sub3A_211 : vector<16xi32>
      %jit3A_213 = arith.constant 50000 : i32
      %broadcast_in_dim3A_214 = vector.broadcast %jit3A_213 : i32 to vector<16xi32>
      %select_n3A_215 = arith.select %and3A_210, %sub3A_212, %broadcast_in_dim3A_214 : vector<16xi1>, vector<16xi32>
      %swap3A_216 = arith.constant 112 : index
      %swap3A_217 = tpu.vector_load %arg7[%swap3A_216] {strides = array<i32>} : memref<128xi32, #tpu.memory_space<vmem>>, vector<16xi32>,
      %swap3A_218 = vector.shape_cast %swap3A_217 : vector<16xi32> to vector<16xi32>
      %swap3A_219 = vector.shape_cast %select_n3A_215 : vector<16xi32> to vector<16xi32>
      tpu.vector_store %arg7[%swap3A_216], %swap3A_219 {strides = array<i32>} : memref<128xi32, #tpu.memory_space<vmem>>, vector<16xi32>,
      "tpu.region"() ({
        %run_scoped3A = tpu.sem_alloc : memref<!tpu.dma_semaphore, #tpu.memory_space<semaphore_mem>>
        %dma_start3A = arith.constant 0 : i32
        %dma_start3A_220 = arith.constant 0 : i32
        %dma_start3A_221 = tpu.memref_slice %arg5[%dma_start3A, %dma_start3A_220] : memref<51200x16xf32, #tpu.memory_space<vmem_shared>> -> memref<51200x16xf32, #tpu.memory_space<vmem_shared>>
        tpu.enqueue_indirect_dma source(%arg8 : memref<128x16xf32, #tpu.memory_space<vmem>>) target(%dma_start3A_221 : memref<51200x16xf32, #tpu.memory_space<vmem_shared>>) offsets(%arg7 : memref<128xi32, #tpu.memory_space<vmem>>) semaphore(%run_scoped3A : memref<!tpu.dma_semaphore, #tpu.memory_space<semaphore_mem>>) {add = true}
        %dma_wait3A = arith.constant 0 : i32
        %dma_wait3A_222 = arith.constant 0 : i32
        %dma_wait3A_223 = tpu.memref_slice %arg5[%dma_wait3A, %dma_wait3A_222] : memref<51200x16xf32, #tpu.memory_space<vmem_shared>> -> memref<51200x16xf32, #tpu.memory_space<vmem_shared>>
        tpu.wait_indirect_dma semaphore(%run_scoped3A : memref<!tpu.dma_semaphore, #tpu.memory_space<semaphore_mem>>) src(%arg8 : memref<128x16xf32, #tpu.memory_space<vmem>>) dst(%dma_wait3A_223 : memref<51200x16xf32, #tpu.memory_space<vmem_shared>>)
        tpu.yield
      }) : () -> ()
    }
    %while3A_25 = arith.constant 1 : i32
    scf.for %while3A_68 = %while3A_23 to %while3A_19 step %while3A_25  : i32 {
      %mul3A_69 = arith.muli %while3A_68, %while3A : i32
      %add3A_70 = arith.addi %arg1, %mul3A_69 : i32
      %mul3A_71 = arith.constant 128 : i32
      %mul3A_72 = arith.muli %add3A_70, %mul3A_71 : i32
      %multiple_of3A = tpu.assume_multiple %mul3A_72, 128 : i32
      "tpu.region"() ({
        %run_scoped3A = tpu.sem_alloc : memref<!tpu.dma_semaphore, #tpu.memory_space<semaphore_mem>>
        %dma_start3A = tpu.memref_slice %arg2[%multiple_of3A] : memref<1600000xi32, #tpu.memory_space<hbm>> -> memref<128xi32, #tpu.memory_space<hbm>>
        %dma_start3A_220 = tpu.memref_slice %arg2[%multiple_of3A] : memref<1600000xi32, #tpu.memory_space<hbm>> -> memref<128xi32, #tpu.memory_space<hbm>>
        tpu.enqueue_dma source(%dma_start3A_220 : memref<128xi32, #tpu.memory_space<hbm>>) target(%arg6 : memref<128xi32, #tpu.memory_space<vmem>>) target_semaphore(%run_scoped3A : memref<!tpu.dma_semaphore, #tpu.memory_space<semaphore_mem>>)
        %dma_wait3A = tpu.memref_slice %arg2[%multiple_of3A] : memref<1600000xi32, #tpu.memory_space<hbm>> -> memref<128xi32, #tpu.memory_space<hbm>>
        %dma_wait3A_221 = tpu.memref_slice %arg2[%multiple_of3A] : memref<1600000xi32, #tpu.memory_space<hbm>> -> memref<128xi32, #tpu.memory_space<hbm>>
        tpu.wait_dma2 semaphore(%run_scoped3A : memref<!tpu.dma_semaphore, #tpu.memory_space<semaphore_mem>>) src(%dma_wait3A_221 : memref<128xi32, #tpu.memory_space<hbm>>) dst(%arg6 : memref<128xi32, #tpu.memory_space<vmem>>)
        tpu.yield
      }) : () -> ()
      "tpu.region"() ({
        %run_scoped3A = tpu.sem_alloc : memref<!tpu.dma_semaphore, #tpu.memory_space<semaphore_mem>>
        %dma_start3A = arith.constant 0 : i32
        %dma_start3A_220 = tpu.memref_slice %arg3[%multiple_of3A, %dma_start3A] : memref<1600000x16xf32, #tpu.memory_space<hbm>> -> memref<128x16xf32, #tpu.memory_space<hbm>>
        %dma_start3A_221 = arith.constant 0 : i32
        %dma_start3A_222 = tpu.memref_slice %arg3[%multiple_of3A, %dma_start3A_221] : memref<1600000x16xf32, #tpu.memory_space<hbm>> -> memref<128x16xf32, #tpu.memory_space<hbm>>
        tpu.enqueue_dma source(%dma_start3A_222 : memref<128x16xf32, #tpu.memory_space<hbm>>) target(%arg8 : memref<128x16xf32, #tpu.memory_space<vmem>>) target_semaphore(%run_scoped3A : memref<!tpu.dma_semaphore, #tpu.memory_space<semaphore_mem>>)
        %dma_wait3A = arith.constant 0 : i32
        %dma_wait3A_223 = tpu.memref_slice %arg3[%multiple_of3A, %dma_wait3A] : memref<1600000x16xf32, #tpu.memory_space<hbm>> -> memref<128x16xf32, #tpu.memory_space<hbm>>
        %dma_wait3A_224 = arith.constant 0 : i32
        %dma_wait3A_225 = tpu.memref_slice %arg3[%multiple_of3A, %dma_wait3A_224] : memref<1600000x16xf32, #tpu.memory_space<hbm>> -> memref<128x16xf32, #tpu.memory_space<hbm>>
        tpu.wait_dma2 semaphore(%run_scoped3A : memref<!tpu.dma_semaphore, #tpu.memory_space<semaphore_mem>>) src(%dma_wait3A_225 : memref<128x16xf32, #tpu.memory_space<hbm>>) dst(%arg8 : memref<128x16xf32, #tpu.memory_space<vmem>>)
        tpu.yield
      }) : () -> ()
      %get3A = arith.constant 0 : index
      %get3A_73 = tpu.vector_load %arg6[%get3A] {strides = array<i32>} : memref<128xi32, #tpu.memory_space<vmem>>, vector<16xi32>,
      %get3A_74 = vector.shape_cast %get3A_73 : vector<16xi32> to vector<16xi32>
      %ge3A = vector.broadcast %mul3A_0 : i32 to vector<16xi32>
      %ge3A_75 = arith.cmpi sge, %get3A_74, %ge3A : vector<16xi32>
      %add3A_76 = arith.constant 50000 : i32
      %add3A_77 = arith.addi %mul3A_0, %add3A_76 : i32
      %lt3A = vector.broadcast %add3A_77 : i32 to vector<16xi32>
      %lt3A_78 = arith.cmpi slt, %get3A_74, %lt3A : vector<16xi32>
      %and3A_79 = arith.andi %ge3A_75, %lt3A_78 : vector<16xi1>
      %sub3A_80 = vector.broadcast %mul3A_0 : i32 to vector<16xi32>
      %sub3A_81 = arith.subi %get3A_74, %sub3A_80 : vector<16xi32>
      %jit3A_82 = arith.constant 50000 : i32
      %broadcast_in_dim3A = vector.broadcast %jit3A_82 : i32 to vector<16xi32>
      %select_n3A_83 = arith.select %and3A_79, %sub3A_81, %broadcast_in_dim3A : vector<16xi1>, vector<16xi32>
      %swap3A = arith.constant 0 : index
      %swap3A_84 = tpu.vector_load %arg7[%swap3A] {strides = array<i32>} : memref<128xi32, #tpu.memory_space<vmem>>, vector<16xi32>,
      %swap3A_85 = vector.shape_cast %swap3A_84 : vector<16xi32> to vector<16xi32>
      %swap3A_86 = vector.shape_cast %select_n3A_83 : vector<16xi32> to vector<16xi32>
      tpu.vector_store %arg7[%swap3A], %swap3A_86 {strides = array<i32>} : memref<128xi32, #tpu.memory_space<vmem>>, vector<16xi32>,
      %get3A_87 = arith.constant 16 : index
      %get3A_88 = tpu.vector_load %arg6[%get3A_87] {strides = array<i32>} : memref<128xi32, #tpu.memory_space<vmem>>, vector<16xi32>,
      %get3A_89 = vector.shape_cast %get3A_88 : vector<16xi32> to vector<16xi32>
      %ge3A_90 = vector.broadcast %mul3A_0 : i32 to vector<16xi32>
      %ge3A_91 = arith.cmpi sge, %get3A_89, %ge3A_90 : vector<16xi32>
      %add3A_92 = arith.constant 50000 : i32
      %add3A_93 = arith.addi %mul3A_0, %add3A_92 : i32
      %lt3A_94 = vector.broadcast %add3A_93 : i32 to vector<16xi32>
      %lt3A_95 = arith.cmpi slt, %get3A_89, %lt3A_94 : vector<16xi32>
      %and3A_96 = arith.andi %ge3A_91, %lt3A_95 : vector<16xi1>
      %sub3A_97 = vector.broadcast %mul3A_0 : i32 to vector<16xi32>
      %sub3A_98 = arith.subi %get3A_89, %sub3A_97 : vector<16xi32>
      %jit3A_99 = arith.constant 50000 : i32
      %broadcast_in_dim3A_100 = vector.broadcast %jit3A_99 : i32 to vector<16xi32>
      %select_n3A_101 = arith.select %and3A_96, %sub3A_98, %broadcast_in_dim3A_100 : vector<16xi1>, vector<16xi32>
      %swap3A_102 = arith.constant 16 : index
      %swap3A_103 = tpu.vector_load %arg7[%swap3A_102] {strides = array<i32>} : memref<128xi32, #tpu.memory_space<vmem>>, vector<16xi32>,
      %swap3A_104 = vector.shape_cast %swap3A_103 : vector<16xi32> to vector<16xi32>
      %swap3A_105 = vector.shape_cast %select_n3A_101 : vector<16xi32> to vector<16xi32>
      tpu.vector_store %arg7[%swap3A_102], %swap3A_105 {strides = array<i32>} : memref<128xi32, #tpu.memory_space<vmem>>, vector<16xi32>,
      %get3A_106 = arith.constant 32 : index
      %get3A_107 = tpu.vector_load %arg6[%get3A_106] {strides = array<i32>} : memref<128xi32, #tpu.memory_space<vmem>>, vector<16xi32>,
      %get3A_108 = vector.shape_cast %get3A_107 : vector<16xi32> to vector<16xi32>
      %ge3A_109 = vector.broadcast %mul3A_0 : i32 to vector<16xi32>
      %ge3A_110 = arith.cmpi sge, %get3A_108, %ge3A_109 : vector<16xi32>
      %add3A_111 = arith.constant 50000 : i32
      %add3A_112 = arith.addi %mul3A_0, %add3A_111 : i32
      %lt3A_113 = vector.broadcast %add3A_112 : i32 to vector<16xi32>
      %lt3A_114 = arith.cmpi slt, %get3A_108, %lt3A_113 : vector<16xi32>
      %and3A_115 = arith.andi %ge3A_110, %lt3A_114 : vector<16xi1>
      %sub3A_116 = vector.broadcast %mul3A_0 : i32 to vector<16xi32>
      %sub3A_117 = arith.subi %get3A_108, %sub3A_116 : vector<16xi32>
      %jit3A_118 = arith.constant 50000 : i32
      %broadcast_in_dim3A_119 = vector.broadcast %jit3A_118 : i32 to vector<16xi32>
      %select_n3A_120 = arith.select %and3A_115, %sub3A_117, %broadcast_in_dim3A_119 : vector<16xi1>, vector<16xi32>
      %swap3A_121 = arith.constant 32 : index
      %swap3A_122 = tpu.vector_load %arg7[%swap3A_121] {strides = array<i32>} : memref<128xi32, #tpu.memory_space<vmem>>, vector<16xi32>,
      %swap3A_123 = vector.shape_cast %swap3A_122 : vector<16xi32> to vector<16xi32>
      %swap3A_124 = vector.shape_cast %select_n3A_120 : vector<16xi32> to vector<16xi32>
      tpu.vector_store %arg7[%swap3A_121], %swap3A_124 {strides = array<i32>} : memref<128xi32, #tpu.memory_space<vmem>>, vector<16xi32>,
      %get3A_125 = arith.constant 48 : index
      %get3A_126 = tpu.vector_load %arg6[%get3A_125] {strides = array<i32>} : memref<128xi32, #tpu.memory_space<vmem>>, vector<16xi32>,
      %get3A_127 = vector.shape_cast %get3A_126 : vector<16xi32> to vector<16xi32>
      %ge3A_128 = vector.broadcast %mul3A_0 : i32 to vector<16xi32>
      %ge3A_129 = arith.cmpi sge, %get3A_127, %ge3A_128 : vector<16xi32>
      %add3A_130 = arith.constant 50000 : i32
      %add3A_131 = arith.addi %mul3A_0, %add3A_130 : i32
      %lt3A_132 = vector.broadcast %add3A_131 : i32 to vector<16xi32>
      %lt3A_133 = arith.cmpi slt, %get3A_127, %lt3A_132 : vector<16xi32>
      %and3A_134 = arith.andi %ge3A_129, %lt3A_133 : vector<16xi1>
      %sub3A_135 = vector.broadcast %mul3A_0 : i32 to vector<16xi32>
      %sub3A_136 = arith.subi %get3A_127, %sub3A_135 : vector<16xi32>
      %jit3A_137 = arith.constant 50000 : i32
      %broadcast_in_dim3A_138 = vector.broadcast %jit3A_137 : i32 to vector<16xi32>
      %select_n3A_139 = arith.select %and3A_134, %sub3A_136, %broadcast_in_dim3A_138 : vector<16xi1>, vector<16xi32>
      %swap3A_140 = arith.constant 48 : index
      %swap3A_141 = tpu.vector_load %arg7[%swap3A_140] {strides = array<i32>} : memref<128xi32, #tpu.memory_space<vmem>>, vector<16xi32>,
      %swap3A_142 = vector.shape_cast %swap3A_141 : vector<16xi32> to vector<16xi32>
      %swap3A_143 = vector.shape_cast %select_n3A_139 : vector<16xi32> to vector<16xi32>
      tpu.vector_store %arg7[%swap3A_140], %swap3A_143 {strides = array<i32>} : memref<128xi32, #tpu.memory_space<vmem>>, vector<16xi32>,
      %get3A_144 = arith.constant 64 : index
      %get3A_145 = tpu.vector_load %arg6[%get3A_144] {strides = array<i32>} : memref<128xi32, #tpu.memory_space<vmem>>, vector<16xi32>,
      %get3A_146 = vector.shape_cast %get3A_145 : vector<16xi32> to vector<16xi32>
      %ge3A_147 = vector.broadcast %mul3A_0 : i32 to vector<16xi32>
      %ge3A_148 = arith.cmpi sge, %get3A_146, %ge3A_147 : vector<16xi32>
      %add3A_149 = arith.constant 50000 : i32
      %add3A_150 = arith.addi %mul3A_0, %add3A_149 : i32
      %lt3A_151 = vector.broadcast %add3A_150 : i32 to vector<16xi32>
      %lt3A_152 = arith.cmpi slt, %get3A_146, %lt3A_151 : vector<16xi32>
      %and3A_153 = arith.andi %ge3A_148, %lt3A_152 : vector<16xi1>
      %sub3A_154 = vector.broadcast %mul3A_0 : i32 to vector<16xi32>
      %sub3A_155 = arith.subi %get3A_146, %sub3A_154 : vector<16xi32>
      %jit3A_156 = arith.constant 50000 : i32
      %broadcast_in_dim3A_157 = vector.broadcast %jit3A_156 : i32 to vector<16xi32>
      %select_n3A_158 = arith.select %and3A_153, %sub3A_155, %broadcast_in_dim3A_157 : vector<16xi1>, vector<16xi32>
      %swap3A_159 = arith.constant 64 : index
      %swap3A_160 = tpu.vector_load %arg7[%swap3A_159] {strides = array<i32>} : memref<128xi32, #tpu.memory_space<vmem>>, vector<16xi32>,
      %swap3A_161 = vector.shape_cast %swap3A_160 : vector<16xi32> to vector<16xi32>
      %swap3A_162 = vector.shape_cast %select_n3A_158 : vector<16xi32> to vector<16xi32>
      tpu.vector_store %arg7[%swap3A_159], %swap3A_162 {strides = array<i32>} : memref<128xi32, #tpu.memory_space<vmem>>, vector<16xi32>,
      %get3A_163 = arith.constant 80 : index
      %get3A_164 = tpu.vector_load %arg6[%get3A_163] {strides = array<i32>} : memref<128xi32, #tpu.memory_space<vmem>>, vector<16xi32>,
      %get3A_165 = vector.shape_cast %get3A_164 : vector<16xi32> to vector<16xi32>
      %ge3A_166 = vector.broadcast %mul3A_0 : i32 to vector<16xi32>
      %ge3A_167 = arith.cmpi sge, %get3A_165, %ge3A_166 : vector<16xi32>
      %add3A_168 = arith.constant 50000 : i32
      %add3A_169 = arith.addi %mul3A_0, %add3A_168 : i32
      %lt3A_170 = vector.broadcast %add3A_169 : i32 to vector<16xi32>
      %lt3A_171 = arith.cmpi slt, %get3A_165, %lt3A_170 : vector<16xi32>
      %and3A_172 = arith.andi %ge3A_167, %lt3A_171 : vector<16xi1>
      %sub3A_173 = vector.broadcast %mul3A_0 : i32 to vector<16xi32>
      %sub3A_174 = arith.subi %get3A_165, %sub3A_173 : vector<16xi32>
      %jit3A_175 = arith.constant 50000 : i32
      %broadcast_in_dim3A_176 = vector.broadcast %jit3A_175 : i32 to vector<16xi32>
      %select_n3A_177 = arith.select %and3A_172, %sub3A_174, %broadcast_in_dim3A_176 : vector<16xi1>, vector<16xi32>
      %swap3A_178 = arith.constant 80 : index
      %swap3A_179 = tpu.vector_load %arg7[%swap3A_178] {strides = array<i32>} : memref<128xi32, #tpu.memory_space<vmem>>, vector<16xi32>,
      %swap3A_180 = vector.shape_cast %swap3A_179 : vector<16xi32> to vector<16xi32>
      %swap3A_181 = vector.shape_cast %select_n3A_177 : vector<16xi32> to vector<16xi32>
      tpu.vector_store %arg7[%swap3A_178], %swap3A_181 {strides = array<i32>} : memref<128xi32, #tpu.memory_space<vmem>>, vector<16xi32>,
      %get3A_182 = arith.constant 96 : index
      %get3A_183 = tpu.vector_load %arg6[%get3A_182] {strides = array<i32>} : memref<128xi32, #tpu.memory_space<vmem>>, vector<16xi32>,
      %get3A_184 = vector.shape_cast %get3A_183 : vector<16xi32> to vector<16xi32>
      %ge3A_185 = vector.broadcast %mul3A_0 : i32 to vector<16xi32>
      %ge3A_186 = arith.cmpi sge, %get3A_184, %ge3A_185 : vector<16xi32>
      %add3A_187 = arith.constant 50000 : i32
      %add3A_188 = arith.addi %mul3A_0, %add3A_187 : i32
      %lt3A_189 = vector.broadcast %add3A_188 : i32 to vector<16xi32>
      %lt3A_190 = arith.cmpi slt, %get3A_184, %lt3A_189 : vector<16xi32>
      %and3A_191 = arith.andi %ge3A_186, %lt3A_190 : vector<16xi1>
      %sub3A_192 = vector.broadcast %mul3A_0 : i32 to vector<16xi32>
      %sub3A_193 = arith.subi %get3A_184, %sub3A_192 : vector<16xi32>
      %jit3A_194 = arith.constant 50000 : i32
      %broadcast_in_dim3A_195 = vector.broadcast %jit3A_194 : i32 to vector<16xi32>
      %select_n3A_196 = arith.select %and3A_191, %sub3A_193, %broadcast_in_dim3A_195 : vector<16xi1>, vector<16xi32>
      %swap3A_197 = arith.constant 96 : index
      %swap3A_198 = tpu.vector_load %arg7[%swap3A_197] {strides = array<i32>} : memref<128xi32, #tpu.memory_space<vmem>>, vector<16xi32>,
      %swap3A_199 = vector.shape_cast %swap3A_198 : vector<16xi32> to vector<16xi32>
      %swap3A_200 = vector.shape_cast %select_n3A_196 : vector<16xi32> to vector<16xi32>
      tpu.vector_store %arg7[%swap3A_197], %swap3A_200 {strides = array<i32>} : memref<128xi32, #tpu.memory_space<vmem>>, vector<16xi32>,
      %get3A_201 = arith.constant 112 : index
      %get3A_202 = tpu.vector_load %arg6[%get3A_201] {strides = array<i32>} : memref<128xi32, #tpu.memory_space<vmem>>, vector<16xi32>,
      %get3A_203 = vector.shape_cast %get3A_202 : vector<16xi32> to vector<16xi32>
      %ge3A_204 = vector.broadcast %mul3A_0 : i32 to vector<16xi32>
      %ge3A_205 = arith.cmpi sge, %get3A_203, %ge3A_204 : vector<16xi32>
      %add3A_206 = arith.constant 50000 : i32
      %add3A_207 = arith.addi %mul3A_0, %add3A_206 : i32
      %lt3A_208 = vector.broadcast %add3A_207 : i32 to vector<16xi32>
      %lt3A_209 = arith.cmpi slt, %get3A_203, %lt3A_208 : vector<16xi32>
      %and3A_210 = arith.andi %ge3A_205, %lt3A_209 : vector<16xi1>
      %sub3A_211 = vector.broadcast %mul3A_0 : i32 to vector<16xi32>
      %sub3A_212 = arith.subi %get3A_203, %sub3A_211 : vector<16xi32>
      %jit3A_213 = arith.constant 50000 : i32
      %broadcast_in_dim3A_214 = vector.broadcast %jit3A_213 : i32 to vector<16xi32>
      %select_n3A_215 = arith.select %and3A_210, %sub3A_212, %broadcast_in_dim3A_214 : vector<16xi1>, vector<16xi32>
      %swap3A_216 = arith.constant 112 : index
      %swap3A_217 = tpu.vector_load %arg7[%swap3A_216] {strides = array<i32>} : memref<128xi32, #tpu.memory_space<vmem>>, vector<16xi32>,
      %swap3A_218 = vector.shape_cast %swap3A_217 : vector<16xi32> to vector<16xi32>
      %swap3A_219 = vector.shape_cast %select_n3A_215 : vector<16xi32> to vector<16xi32>
      tpu.vector_store %arg7[%swap3A_216], %swap3A_219 {strides = array<i32>} : memref<128xi32, #tpu.memory_space<vmem>>, vector<16xi32>,
      "tpu.region"() ({
        %run_scoped3A = tpu.sem_alloc : memref<!tpu.dma_semaphore, #tpu.memory_space<semaphore_mem>>
        %dma_start3A = arith.constant 0 : i32
        %dma_start3A_220 = arith.constant 0 : i32
        %dma_start3A_221 = tpu.memref_slice %arg5[%dma_start3A, %dma_start3A_220] : memref<51200x16xf32, #tpu.memory_space<vmem_shared>> -> memref<51200x16xf32, #tpu.memory_space<vmem_shared>>
        tpu.enqueue_indirect_dma source(%arg8 : memref<128x16xf32, #tpu.memory_space<vmem>>) target(%dma_start3A_221 : memref<51200x16xf32, #tpu.memory_space<vmem_shared>>) offsets(%arg7 : memref<128xi32, #tpu.memory_space<vmem>>) semaphore(%run_scoped3A : memref<!tpu.dma_semaphore, #tpu.memory_space<semaphore_mem>>) {add = true}
        %dma_wait3A = arith.constant 0 : i32
        %dma_wait3A_222 = arith.constant 0 : i32
        %dma_wait3A_223 = tpu.memref_slice %arg5[%dma_wait3A, %dma_wait3A_222] : memref<51200x16xf32, #tpu.memory_space<vmem_shared>> -> memref<51200x16xf32, #tpu.memory_space<vmem_shared>>
        tpu.wait_indirect_dma semaphore(%run_scoped3A : memref<!tpu.dma_semaphore, #tpu.memory_space<semaphore_mem>>) src(%arg8 : memref<128x16xf32, #tpu.memory_space<vmem>>) dst(%dma_wait3A_223 : memref<51200x16xf32, #tpu.memory_space<vmem_shared>>)
        tpu.yield
      }) : () -> ()
    }
    %barrier3A_26 = arith.constant 0 : index
    tpu.barrier barrier_id(%barrier3A_26)
    %sub3A_27 = arith.constant 50000 : i32
    %sub3A_28 = arith.subi %sub3A_27, %mul3A_6 : i32
    %max3A = arith.constant 0 : i32
    %max3A_29 = arith.maxsi %max3A, %sub3A_28 : i32
    %min3A = arith.constant 3200 : i32
    %min3A_30 = arith.minsi %min3A, %max3A_29 : i32
    %jit3A = arith.constant 400 : i32
    %div3A_31 = arith.divsi %min3A_30, %jit3A : i32
    %sign3A = arith.constant 0 : i32
    %sign3A_32 = arith.cmpi sgt, %min3A_30, %sign3A : i32
    %sign3A_33 = arith.extui %sign3A_32 : i1 to i32
    %sign3A_34 = arith.constant 0 : i32
    %sign3A_35 = arith.cmpi slt, %min3A_30, %sign3A_34 : i32
    %sign3A_36 = arith.extui %sign3A_35 : i1 to i32
    %sign3A_37 = arith.subi %sign3A_33, %sign3A_36 : i32
    %sign3A_38 = arith.constant 0 : i32
    %sign3A_39 = arith.cmpi sgt, %jit3A, %sign3A_38 : i32
    %sign3A_40 = arith.extui %sign3A_39 : i1 to i32
    %sign3A_41 = arith.constant 0 : i32
    %sign3A_42 = arith.cmpi slt, %jit3A, %sign3A_41 : i32
    %sign3A_43 = arith.extui %sign3A_42 : i1 to i32
    %sign3A_44 = arith.subi %sign3A_40, %sign3A_43 : i32
    %ne3A = arith.cmpi ne, %sign3A_37, %sign3A_44 : i32
    %rem3A = arith.remsi %min3A_30, %jit3A : i32
    %ne3A_45 = arith.constant 0 : i32
    %ne3A_46 = arith.cmpi ne, %rem3A, %ne3A_45 : i32
    %and3A = arith.andi %ne3A, %ne3A_46 : i1
    %sub3A_47 = arith.constant 1 : i32
    %sub3A_48 = arith.subi %div3A_31, %sub3A_47 : i32
    %select_n3A = arith.select %and3A, %sub3A_48, %div3A_31 : i32
    %sub3A_49 = arith.constant 0 : i32
    %sub3A_50 = arith.subi %select_n3A, %sub3A_49 : i32
    %sub3A_51 = arith.constant 1 : i32
    %sub3A_52 = arith.constant 1 : i32
    %sub3A_53 = arith.subi %sub3A_51, %sub3A_52 : i32
    %add3A_54 = arith.addi %sub3A_50, %sub3A_53 : i32
    %div3A_55 = arith.constant 1 : i32
    %div3A_56 = arith.divsi %add3A_54, %div3A_55 : i32
    %while3A_57 = arith.constant 1 : i32
    %while3A_58 = arith.constant 0 : i32
    %while3A_59 = arith.constant 0 : i32
    %while3A_60 = arith.subi %div3A_56, %while3A_59 : i32
    %while3A_61 = arith.addi %while3A_59, %while3A_60 : i32
    %while3A_62 = arith.constant 1 : i32
    %while3A_63 = arith.divsi %while3A_60, %while3A_62 : i32
    %while3A_64 = arith.muli %while3A_63, %while3A_62 : i32
    %while3A_65 = arith.addi %while3A_59, %while3A_64 : i32
    %while3A_66 = arith.constant 1 : i32
    scf.for %while3A_68 = %while3A_59 to %while3A_65 step %while3A_66  : i32 {
      %mul3A_69 = arith.muli %while3A_68, %while3A_57 : i32
      %add3A_70 = arith.addi %while3A_58, %mul3A_69 : i32
      %mul3A_71 = arith.constant 400 : i32
      %mul3A_72 = arith.muli %add3A_70, %mul3A_71 : i32
      %add3A_73 = arith.addi %mul3A_6, %mul3A_72 : i32
      %multiple_of3A = tpu.assume_multiple %add3A_73, 8 : i32
      "tpu.region"() ({
        %run_scoped3A = tpu.sem_alloc : memref<!tpu.dma_semaphore, #tpu.memory_space<semaphore_mem>>
        %dma_start3A = arith.constant 0 : i32
        %dma_start3A_75 = tpu.memref_slice %arg5[%multiple_of3A, %dma_start3A] : memref<51200x16xf32, #tpu.memory_space<vmem_shared>> -> memref<400x16xf32, #tpu.memory_space<vmem_shared>>
        %dma_start3A_76 = arith.constant 0 : i32
        %dma_start3A_77 = tpu.memref_slice %arg5[%multiple_of3A, %dma_start3A_76] : memref<51200x16xf32, #tpu.memory_space<vmem_shared>> -> memref<400x16xf32, #tpu.memory_space<vmem_shared>>
        tpu.enqueue_dma source(%dma_start3A_77 : memref<400x16xf32, #tpu.memory_space<vmem_shared>>) target(%arg9 : memref<400x16xf32, #tpu.memory_space<vmem>>) target_semaphore(%run_scoped3A : memref<!tpu.dma_semaphore, #tpu.memory_space<semaphore_mem>>)
        %dma_wait3A = arith.constant 0 : i32
        %dma_wait3A_78 = tpu.memref_slice %arg5[%multiple_of3A, %dma_wait3A] : memref<51200x16xf32, #tpu.memory_space<vmem_shared>> -> memref<400x16xf32, #tpu.memory_space<vmem_shared>>
        %dma_wait3A_79 = arith.constant 0 : i32
        %dma_wait3A_80 = tpu.memref_slice %arg5[%multiple_of3A, %dma_wait3A_79] : memref<51200x16xf32, #tpu.memory_space<vmem_shared>> -> memref<400x16xf32, #tpu.memory_space<vmem_shared>>
        tpu.wait_dma2 semaphore(%run_scoped3A : memref<!tpu.dma_semaphore, #tpu.memory_space<semaphore_mem>>) src(%dma_wait3A_80 : memref<400x16xf32, #tpu.memory_space<vmem_shared>>) dst(%arg9 : memref<400x16xf32, #tpu.memory_space<vmem>>)
        tpu.yield
      }) : () -> ()
      %add3A_74 = arith.addi %mul3A_0, %multiple_of3A : i32
      "tpu.region"() ({
        %run_scoped3A = tpu.sem_alloc : memref<!tpu.dma_semaphore, #tpu.memory_space<semaphore_mem>>
        %dma_start3A = arith.constant 0 : i32
        %dma_start3A_75 = tpu.memref_slice %arg4[%add3A_74, %dma_start3A] : memref<100000x16xf32, #tpu.memory_space<hbm>> -> memref<400x16xf32, #tpu.memory_space<hbm>>
        %dma_start3A_76 = arith.constant 0 : i32
        %dma_start3A_77 = tpu.memref_slice %arg4[%add3A_74, %dma_start3A_76] : memref<100000x16xf32, #tpu.memory_space<hbm>> -> memref<400x16xf32, #tpu.memory_space<hbm>>
        tpu.enqueue_dma source(%arg9 : memref<400x16xf32, #tpu.memory_space<vmem>>) target(%dma_start3A_77 : memref<400x16xf32, #tpu.memory_space<hbm>>) target_semaphore(%run_scoped3A : memref<!tpu.dma_semaphore, #tpu.memory_space<semaphore_mem>>)
        %dma_wait3A = arith.constant 0 : i32
        %dma_wait3A_78 = tpu.memref_slice %arg4[%add3A_74, %dma_wait3A] : memref<100000x16xf32, #tpu.memory_space<hbm>> -> memref<400x16xf32, #tpu.memory_space<hbm>>
        %dma_wait3A_79 = arith.constant 0 : i32
        %dma_wait3A_80 = tpu.memref_slice %arg4[%add3A_74, %dma_wait3A_79] : memref<100000x16xf32, #tpu.memory_space<hbm>> -> memref<400x16xf32, #tpu.memory_space<hbm>>
        tpu.wait_dma2 semaphore(%run_scoped3A : memref<!tpu.dma_semaphore, #tpu.memory_space<semaphore_mem>>) src(%arg9 : memref<400x16xf32, #tpu.memory_space<vmem>>) dst(%dma_wait3A_80 : memref<400x16xf32, #tpu.memory_space<hbm>>)
        tpu.yield
      }) : () -> ()
    }
    %while3A_67 = arith.constant 1 : i32
    scf.for %while3A_68 = %while3A_65 to %while3A_61 step %while3A_67  : i32 {
      %mul3A_69 = arith.muli %while3A_68, %while3A_57 : i32
      %add3A_70 = arith.addi %while3A_58, %mul3A_69 : i32
      %mul3A_71 = arith.constant 400 : i32
      %mul3A_72 = arith.muli %add3A_70, %mul3A_71 : i32
      %add3A_73 = arith.addi %mul3A_6, %mul3A_72 : i32
      %multiple_of3A = tpu.assume_multiple %add3A_73, 8 : i32
      "tpu.region"() ({
        %run_scoped3A = tpu.sem_alloc : memref<!tpu.dma_semaphore, #tpu.memory_space<semaphore_mem>>
        %dma_start3A = arith.constant 0 : i32
        %dma_start3A_75 = tpu.memref_slice %arg5[%multiple_of3A, %dma_start3A] : memref<51200x16xf32, #tpu.memory_space<vmem_shared>> -> memref<400x16xf32, #tpu.memory_space<vmem_shared>>
        %dma_start3A_76 = arith.constant 0 : i32
        %dma_start3A_77 = tpu.memref_slice %arg5[%multiple_of3A, %dma_start3A_76] : memref<51200x16xf32, #tpu.memory_space<vmem_shared>> -> memref<400x16xf32, #tpu.memory_space<vmem_shared>>
        tpu.enqueue_dma source(%dma_start3A_77 : memref<400x16xf32, #tpu.memory_space<vmem_shared>>) target(%arg9 : memref<400x16xf32, #tpu.memory_space<vmem>>) target_semaphore(%run_scoped3A : memref<!tpu.dma_semaphore, #tpu.memory_space<semaphore_mem>>)
        %dma_wait3A = arith.constant 0 : i32
        %dma_wait3A_78 = tpu.memref_slice %arg5[%multiple_of3A, %dma_wait3A] : memref<51200x16xf32, #tpu.memory_space<vmem_shared>> -> memref<400x16xf32, #tpu.memory_space<vmem_shared>>
        %dma_wait3A_79 = arith.constant 0 : i32
        %dma_wait3A_80 = tpu.memref_slice %arg5[%multiple_of3A, %dma_wait3A_79] : memref<51200x16xf32, #tpu.memory_space<vmem_shared>> -> memref<400x16xf32, #tpu.memory_space<vmem_shared>>
        tpu.wait_dma2 semaphore(%run_scoped3A : memref<!tpu.dma_semaphore, #tpu.memory_space<semaphore_mem>>) src(%dma_wait3A_80 : memref<400x16xf32, #tpu.memory_space<vmem_shared>>) dst(%arg9 : memref<400x16xf32, #tpu.memory_space<vmem>>)
        tpu.yield
      }) : () -> ()
      %add3A_74 = arith.addi %mul3A_0, %multiple_of3A : i32
      "tpu.region"() ({
        %run_scoped3A = tpu.sem_alloc : memref<!tpu.dma_semaphore, #tpu.memory_space<semaphore_mem>>
        %dma_start3A = arith.constant 0 : i32
        %dma_start3A_75 = tpu.memref_slice %arg4[%add3A_74, %dma_start3A] : memref<100000x16xf32, #tpu.memory_space<hbm>> -> memref<400x16xf32, #tpu.memory_space<hbm>>
        %dma_start3A_76 = arith.constant 0 : i32
        %dma_start3A_77 = tpu.memref_slice %arg4[%add3A_74, %dma_start3A_76] : memref<100000x16xf32, #tpu.memory_space<hbm>> -> memref<400x16xf32, #tpu.memory_space<hbm>>
        tpu.enqueue_dma source(%arg9 : memref<400x16xf32, #tpu.memory_space<vmem>>) target(%dma_start3A_77 : memref<400x16xf32, #tpu.memory_space<hbm>>) target_semaphore(%run_scoped3A : memref<!tpu.dma_semaphore, #tpu.memory_space<semaphore_mem>>)
        %dma_wait3A = arith.constant 0 : i32
        %dma_wait3A_78 = tpu.memref_slice %arg4[%add3A_74, %dma_wait3A] : memref<100000x16xf32, #tpu.memory_space<hbm>> -> memref<400x16xf32, #tpu.memory_space<hbm>>
        %dma_wait3A_79 = arith.constant 0 : i32
        %dma_wait3A_80 = tpu.memref_slice %arg4[%add3A_74, %dma_wait3A_79] : memref<100000x16xf32, #tpu.memory_space<hbm>> -> memref<400x16xf32, #tpu.memory_space<hbm>>
        tpu.wait_dma2 semaphore(%run_scoped3A : memref<!tpu.dma_semaphore, #tpu.memory_space<semaphore_mem>>) src(%arg9 : memref<400x16xf32, #tpu.memory_space<vmem>>) dst(%dma_wait3A_80 : memref<400x16xf32, #tpu.memory_space<hbm>>)
        tpu.yield
      }) : () -> ()
    }
    return
  }
}

module attributes {stable_mosaic.version = 14 : i64} {
  func.func @_pre_body(%arg0: i32, %arg1: memref<4000x3xf32, #tpu.memory_space<vmem>>, %arg2: memref<4000x3xf32, #tpu.memory_space<vmem>>, %arg3: memref<3x16xf32, #tpu.memory_space<vmem>>, %arg4: memref<3x32xf32, #tpu.memory_space<vmem>>, %arg5: memref<1x32xf32, #tpu.memory_space<vmem>>, %arg6: memref<4000x16xf32, #tpu.memory_space<vmem>>, %arg7: memref<4000x32xf32, #tpu.memory_space<vmem>>) attributes {dimension_semantics = [#tpu.dimension_semantics<arbitrary>], iteration_bounds = array<i64: 25>, scalar_prefetch = 0 : i64, scratch_operands = 0 : i64, tpu.core_type = #tpu.core_type<tc>, window_params = [{transform_indices = @transform_0, window_bounds = array<i64: 4000, 3>}, {transform_indices = @transform_1, window_bounds = array<i64: 4000, 3>}, {pipeline_mode = #tpu.pipeline_mode<synchronous>, transform_indices = @transform_2, window_bounds = array<i64: 3, 16>}, {pipeline_mode = #tpu.pipeline_mode<synchronous>, transform_indices = @transform_3, window_bounds = array<i64: 3, 32>}, {pipeline_mode = #tpu.pipeline_mode<synchronous>, transform_indices = @transform_4, window_bounds = array<i64: 1, 32>}, {transform_indices = @transform_5, window_bounds = array<i64: 4000, 16>}, {transform_indices = @transform_6, window_bounds = array<i64: 4000, 32>}]} {
    %get3A = arith.constant 0 : index
    %get3A_0 = arith.constant 0 : index
    %get3A_1 = vector.load %arg1[%get3A, %get3A_0] : memref<4000x3xf32, #tpu.memory_space<vmem>>, vector<4000x3xf32>
    %get3A_2 = arith.constant 0 : index
    %get3A_3 = arith.constant 0 : index
    %get3A_4 = vector.load %arg3[%get3A_2, %get3A_3] : memref<3x16xf32, #tpu.memory_space<vmem>>, vector<3x16xf32>
    %dot_general3A = arith.constant dense<0.000000e+00> : vector<4000x16xf32>
    %dot_general3A_5 = tpu.matmul %get3A_1, %get3A_4, %dot_general3A {dimension_numbers = #tpu.dot_dimension_numbers<[1], [0], [0], [1], [0, 0, 1, 1], [], []>, transpose_lhs_hint = false} : vector<4000x3xf32>, vector<3x16xf32>, vector<4000x16xf32> -> vector<4000x16xf32>
    %swap3A = arith.constant 0 : index
    %swap3A_6 = arith.constant 0 : index
    %swap3A_7 = vector.load %arg6[%swap3A, %swap3A_6] : memref<4000x16xf32, #tpu.memory_space<vmem>>, vector<4000x16xf32>
    tpu.vector_store %arg6[%swap3A, %swap3A_6], %dot_general3A_5 {strides = array<i32>} : memref<4000x16xf32, #tpu.memory_space<vmem>>, vector<4000x16xf32>,
    %get3A_8 = arith.constant 0 : index
    %get3A_9 = arith.constant 0 : index
    %get3A_10 = vector.load %arg2[%get3A_8, %get3A_9] : memref<4000x3xf32, #tpu.memory_space<vmem>>, vector<4000x3xf32>
    %get3A_11 = arith.constant 0 : index
    %get3A_12 = arith.constant 0 : index
    %get3A_13 = vector.load %arg4[%get3A_11, %get3A_12] : memref<3x32xf32, #tpu.memory_space<vmem>>, vector<3x32xf32>
    %dot_general3A_14 = arith.constant dense<0.000000e+00> : vector<4000x32xf32>
    %dot_general3A_15 = tpu.matmul %get3A_10, %get3A_13, %dot_general3A_14 {dimension_numbers = #tpu.dot_dimension_numbers<[1], [0], [0], [1], [0, 0, 1, 1], [], []>, transpose_lhs_hint = false} : vector<4000x3xf32>, vector<3x32xf32>, vector<4000x32xf32> -> vector<4000x32xf32>
    %get3A_16 = arith.constant 0 : index
    %get3A_17 = arith.constant 0 : index
    %get3A_18 = vector.load %arg5[%get3A_16, %get3A_17] : memref<1x32xf32, #tpu.memory_space<vmem>>, vector<1x32xf32>
    %add3A = vector.broadcast %get3A_18 : vector<1x32xf32> to vector<4000x32xf32>
    %add3A_19 = arith.addf %dot_general3A_15, %add3A : vector<4000x32xf32>
    %swap3A_20 = arith.constant 0 : index
    %swap3A_21 = arith.constant 0 : index
    %swap3A_22 = vector.load %arg7[%swap3A_20, %swap3A_21] : memref<4000x32xf32, #tpu.memory_space<vmem>>, vector<4000x32xf32>
    tpu.vector_store %arg7[%swap3A_20, %swap3A_21], %add3A_19 {strides = array<i32>} : memref<4000x32xf32, #tpu.memory_space<vmem>>, vector<4000x32xf32>,
    return
  }
  func.func @transform_0(%arg0: i32) -> (i32, i32) {
    %c0_i32 = arith.constant 0 : i32
    %c0_i32_0 = arith.constant 0 : i32
    return %arg0, %c0_i32 : i32, i32
  }
  func.func @transform_1(%arg0: i32) -> (i32, i32) {
    %c0_i32 = arith.constant 0 : i32
    %c0_i32_0 = arith.constant 0 : i32
    return %arg0, %c0_i32 : i32, i32
  }
  func.func @transform_2(%arg0: i32) -> (i32, i32) {
    %c0_i32 = arith.constant 0 : i32
    %c0_i32_0 = arith.constant 0 : i32
    %c0_i32_1 = arith.constant 0 : i32
    return %c0_i32, %c0_i32_0 : i32, i32
  }
  func.func @transform_3(%arg0: i32) -> (i32, i32) {
    %c0_i32 = arith.constant 0 : i32
    %c0_i32_0 = arith.constant 0 : i32
    %c0_i32_1 = arith.constant 0 : i32
    return %c0_i32, %c0_i32_0 : i32, i32
  }
  func.func @transform_4(%arg0: i32) -> (i32, i32) {
    %c0_i32 = arith.constant 0 : i32
    %c0_i32_0 = arith.constant 0 : i32
    %c0_i32_1 = arith.constant 0 : i32
    return %c0_i32, %c0_i32_0 : i32, i32
  }
  func.func @transform_5(%arg0: i32) -> (i32, i32) {
    %c0_i32 = arith.constant 0 : i32
    %c0_i32_0 = arith.constant 0 : i32
    return %arg0, %c0_i32 : i32, i32
  }
  func.func @transform_6(%arg0: i32) -> (i32, i32) {
    %c0_i32 = arith.constant 0 : i32
    %c0_i32_0 = arith.constant 0 : i32
    return %arg0, %c0_i32 : i32, i32
  }
}

module attributes {stable_mosaic.version = 14 : i64} {
  func.func @_uv_body(%arg0: i32, %arg1: memref<4000x32xf32, #tpu.memory_space<vmem>>, %arg2: memref<4000x3xf32, #tpu.memory_space<vmem>>, %arg3: memref<32x32xf32, #tpu.memory_space<vmem>>, %arg4: memref<32x32xf32, #tpu.memory_space<vmem>>, %arg5: memref<3x32xf32, #tpu.memory_space<vmem>>, %arg6: memref<4000x32xf32, #tpu.memory_space<vmem>>, %arg7: memref<4000x32xf32, #tpu.memory_space<vmem>>) attributes {dimension_semantics = [#tpu.dimension_semantics<arbitrary>], iteration_bounds = array<i64: 25>, scalar_prefetch = 0 : i64, scratch_operands = 0 : i64, tpu.core_type = #tpu.core_type<tc>, window_params = [{transform_indices = @transform_0, window_bounds = array<i64: 4000, 32>}, {transform_indices = @transform_1, window_bounds = array<i64: 4000, 3>}, {pipeline_mode = #tpu.pipeline_mode<synchronous>, transform_indices = @transform_2, window_bounds = array<i64: 32, 32>}, {pipeline_mode = #tpu.pipeline_mode<synchronous>, transform_indices = @transform_3, window_bounds = array<i64: 32, 32>}, {pipeline_mode = #tpu.pipeline_mode<synchronous>, transform_indices = @transform_4, window_bounds = array<i64: 3, 32>}, {transform_indices = @transform_5, window_bounds = array<i64: 4000, 32>}, {transform_indices = @transform_6, window_bounds = array<i64: 4000, 32>}]} {
    %get3A = arith.constant 0 : index
    %get3A_0 = arith.constant 0 : index
    %get3A_1 = vector.load %arg2[%get3A, %get3A_0] : memref<4000x3xf32, #tpu.memory_space<vmem>>, vector<4000x3xf32>
    %get3A_2 = arith.constant 0 : index
    %get3A_3 = arith.constant 0 : index
    %get3A_4 = vector.load %arg5[%get3A_2, %get3A_3] : memref<3x32xf32, #tpu.memory_space<vmem>>, vector<3x32xf32>
    %dot_general3A = arith.constant dense<0.000000e+00> : vector<4000x32xf32>
    %dot_general3A_5 = tpu.matmul %get3A_1, %get3A_4, %dot_general3A {dimension_numbers = #tpu.dot_dimension_numbers<[1], [0], [0], [1], [0, 0, 1, 1], [], []>, transpose_lhs_hint = false} : vector<4000x3xf32>, vector<3x32xf32>, vector<4000x32xf32> -> vector<4000x32xf32>
    %get3A_6 = arith.constant 0 : index
    %get3A_7 = arith.constant 0 : index
    %get3A_8 = vector.load %arg1[%get3A_6, %get3A_7] : memref<4000x32xf32, #tpu.memory_space<vmem>>, vector<4000x32xf32>
    %get3A_9 = arith.constant 0 : index
    %get3A_10 = arith.constant 0 : index
    %get3A_11 = vector.load %arg3[%get3A_9, %get3A_10] : memref<32x32xf32, #tpu.memory_space<vmem>>, vector<32x32xf32>
    %dot_general3A_12 = arith.constant dense<0.000000e+00> : vector<4000x32xf32>
    %dot_general3A_13 = tpu.matmul %get3A_8, %get3A_11, %dot_general3A_12 {dimension_numbers = #tpu.dot_dimension_numbers<[1], [0], [0], [1], [0, 0, 1, 1], [], []>, transpose_lhs_hint = false} : vector<4000x32xf32>, vector<32x32xf32>, vector<4000x32xf32> -> vector<4000x32xf32>
    %add3A = arith.addf %dot_general3A_13, %dot_general3A_5 : vector<4000x32xf32>
    %swap3A = arith.constant 0 : index
    %swap3A_14 = arith.constant 0 : index
    %swap3A_15 = vector.load %arg6[%swap3A, %swap3A_14] : memref<4000x32xf32, #tpu.memory_space<vmem>>, vector<4000x32xf32>
    tpu.vector_store %arg6[%swap3A, %swap3A_14], %add3A {strides = array<i32>} : memref<4000x32xf32, #tpu.memory_space<vmem>>, vector<4000x32xf32>,
    %get3A_16 = arith.constant 0 : index
    %get3A_17 = arith.constant 0 : index
    %get3A_18 = vector.load %arg1[%get3A_16, %get3A_17] : memref<4000x32xf32, #tpu.memory_space<vmem>>, vector<4000x32xf32>
    %get3A_19 = arith.constant 0 : index
    %get3A_20 = arith.constant 0 : index
    %get3A_21 = vector.load %arg4[%get3A_19, %get3A_20] : memref<32x32xf32, #tpu.memory_space<vmem>>, vector<32x32xf32>
    %dot_general3A_22 = arith.constant dense<0.000000e+00> : vector<4000x32xf32>
    %dot_general3A_23 = tpu.matmul %get3A_18, %get3A_21, %dot_general3A_22 {dimension_numbers = #tpu.dot_dimension_numbers<[1], [0], [0], [1], [0, 0, 1, 1], [], []>, transpose_lhs_hint = false} : vector<4000x32xf32>, vector<32x32xf32>, vector<4000x32xf32> -> vector<4000x32xf32>
    %sub3A = arith.subf %dot_general3A_23, %dot_general3A_5 : vector<4000x32xf32>
    %swap3A_24 = arith.constant 0 : index
    %swap3A_25 = arith.constant 0 : index
    %swap3A_26 = vector.load %arg7[%swap3A_24, %swap3A_25] : memref<4000x32xf32, #tpu.memory_space<vmem>>, vector<4000x32xf32>
    tpu.vector_store %arg7[%swap3A_24, %swap3A_25], %sub3A {strides = array<i32>} : memref<4000x32xf32, #tpu.memory_space<vmem>>, vector<4000x32xf32>,
    return
  }
  func.func @transform_0(%arg0: i32) -> (i32, i32) {
    %c0_i32 = arith.constant 0 : i32
    %c0_i32_0 = arith.constant 0 : i32
    return %arg0, %c0_i32 : i32, i32
  }
  func.func @transform_1(%arg0: i32) -> (i32, i32) {
    %c0_i32 = arith.constant 0 : i32
    %c0_i32_0 = arith.constant 0 : i32
    return %arg0, %c0_i32 : i32, i32
  }
  func.func @transform_2(%arg0: i32) -> (i32, i32) {
    %c0_i32 = arith.constant 0 : i32
    %c0_i32_0 = arith.constant 0 : i32
    %c0_i32_1 = arith.constant 0 : i32
    return %c0_i32, %c0_i32_0 : i32, i32
  }
  func.func @transform_3(%arg0: i32) -> (i32, i32) {
    %c0_i32 = arith.constant 0 : i32
    %c0_i32_0 = arith.constant 0 : i32
    %c0_i32_1 = arith.constant 0 : i32
    return %c0_i32, %c0_i32_0 : i32, i32
  }
  func.func @transform_4(%arg0: i32) -> (i32, i32) {
    %c0_i32 = arith.constant 0 : i32
    %c0_i32_0 = arith.constant 0 : i32
    %c0_i32_1 = arith.constant 0 : i32
    return %c0_i32, %c0_i32_0 : i32, i32
  }
  func.func @transform_5(%arg0: i32) -> (i32, i32) {
    %c0_i32 = arith.constant 0 : i32
    %c0_i32_0 = arith.constant 0 : i32
    return %arg0, %c0_i32 : i32, i32
  }
  func.func @transform_6(%arg0: i32) -> (i32, i32) {
    %c0_i32 = arith.constant 0 : i32
    %c0_i32_0 = arith.constant 0 : i32
    return %arg0, %c0_i32 : i32, i32
  }
}

module attributes {stable_mosaic.version = 14 : i64} {
  func.func @_mlp_body(%arg0: i32, %arg1: memref<4000x32xf32, #tpu.memory_space<vmem>>, %arg2: memref<4000x32xf32, #tpu.memory_space<vmem>>, %arg3: memref<4000x16xf32, #tpu.memory_space<vmem>>, %arg4: memref<4000x16xf32, #tpu.memory_space<vmem>>, %arg5: memref<1x32xf32, #tpu.memory_space<vmem>>, %arg6: memref<1x32xf32, #tpu.memory_space<vmem>>, %arg7: memref<32x32xf32, #tpu.memory_space<vmem>>, %arg8: memref<1x32xf32, #tpu.memory_space<vmem>>, %arg9: memref<32x32xf32, #tpu.memory_space<vmem>>, %arg10: memref<1x32xf32, #tpu.memory_space<vmem>>, %arg11: memref<1x32xf32, #tpu.memory_space<vmem>>, %arg12: memref<4000x32xf32, #tpu.memory_space<vmem>>, %arg13: memref<4000x32xf32, #tpu.memory_space<vmem>>) attributes {dimension_semantics = [#tpu.dimension_semantics<arbitrary>], iteration_bounds = array<i64: 400>, scalar_prefetch = 0 : i64, scratch_operands = 0 : i64, tpu.core_type = #tpu.core_type<tc>, window_params = [{transform_indices = @transform_0, window_bounds = array<i64: 4000, 32>}, {transform_indices = @transform_1, window_bounds = array<i64: 4000, 32>}, {transform_indices = @transform_2, window_bounds = array<i64: 4000, 16>}, {transform_indices = @transform_3, window_bounds = array<i64: 4000, 16>}, {pipeline_mode = #tpu.pipeline_mode<synchronous>, transform_indices = @transform_4, window_bounds = array<i64: 1, 32>}, {pipeline_mode = #tpu.pipeline_mode<synchronous>, transform_indices = @transform_5, window_bounds = array<i64: 1, 32>}, {pipeline_mode = #tpu.pipeline_mode<synchronous>, transform_indices = @transform_6, window_bounds = array<i64: 32, 32>}, {pipeline_mode = #tpu.pipeline_mode<synchronous>, transform_indices = @transform_7, window_bounds = array<i64: 1, 32>}, {pipeline_mode = #tpu.pipeline_mode<synchronous>, transform_indices = @transform_8, window_bounds = array<i64: 32, 32>}, {pipeline_mode = #tpu.pipeline_mode<synchronous>, transform_indices = @transform_9, window_bounds = array<i64: 1, 32>}, {pipeline_mode = #tpu.pipeline_mode<synchronous>, transform_indices = @transform_10, window_bounds = array<i64: 1, 32>}, {transform_indices = @transform_11, window_bounds = array<i64: 4000, 32>}, {transform_indices = @transform_12, window_bounds = array<i64: 4000, 32>}]} {
    %get3A = arith.constant 0 : index
    %get3A_0 = arith.constant 0 : index
    %get3A_1 = vector.load %arg3[%get3A, %get3A_0] : memref<4000x16xf32, #tpu.memory_space<vmem>>, vector<4000x16xf32>
    %get3A_2 = arith.constant 0 : index
    %get3A_3 = arith.constant 0 : index
    %get3A_4 = vector.load %arg4[%get3A_2, %get3A_3] : memref<4000x16xf32, #tpu.memory_space<vmem>>, vector<4000x16xf32>
    %sub3A = arith.subf %get3A_1, %get3A_4 : vector<4000x16xf32>
    %mul3A = arith.mulf %sub3A, %sub3A : vector<4000x16xf32>
    %reduce_sum3A = arith.constant dense<0.000000e+00> : vector<4000xf32>
    %reduce_sum3A_5 = vector.multi_reduction <add>, %mul3A, %reduce_sum3A [1] : vector<4000x16xf32> to vector<4000xf32>
    %broadcast_in_dim3A = vector.shape_cast %reduce_sum3A_5 : vector<4000xf32> to vector<4000x1xf32>
    %get3A_6 = arith.constant 0 : index
    %get3A_7 = arith.constant 0 : index
    %get3A_8 = vector.load %arg1[%get3A_6, %get3A_7] : memref<4000x32xf32, #tpu.memory_space<vmem>>, vector<4000x32xf32>
    %get3A_9 = arith.constant 0 : index
    %get3A_10 = arith.constant 0 : index
    %get3A_11 = vector.load %arg2[%get3A_9, %get3A_10] : memref<4000x32xf32, #tpu.memory_space<vmem>>, vector<4000x32xf32>
    %add3A = arith.addf %get3A_8, %get3A_11 : vector<4000x32xf32>
    %get3A_12 = arith.constant 0 : index
    %get3A_13 = arith.constant 0 : index
    %get3A_14 = vector.load %arg5[%get3A_12, %get3A_13] : memref<1x32xf32, #tpu.memory_space<vmem>>, vector<1x32xf32>
    %mul3A_15 = vector.broadcast %broadcast_in_dim3A : vector<4000x1xf32> to vector<4000x32xf32>
    %mul3A_16 = vector.broadcast %get3A_14 : vector<1x32xf32> to vector<4000x32xf32>
    %mul3A_17 = arith.mulf %mul3A_15, %mul3A_16 : vector<4000x32xf32>
    %add3A_18 = arith.addf %add3A, %mul3A_17 : vector<4000x32xf32>
    %get3A_19 = arith.constant 0 : index
    %get3A_20 = arith.constant 0 : index
    %get3A_21 = vector.load %arg6[%get3A_19, %get3A_20] : memref<1x32xf32, #tpu.memory_space<vmem>>, vector<1x32xf32>
    %add3A_22 = vector.broadcast %get3A_21 : vector<1x32xf32> to vector<4000x32xf32>
    %add3A_23 = arith.addf %add3A_18, %add3A_22 : vector<4000x32xf32>
    %logistic3A = arith.negf %add3A_23 : vector<4000x32xf32>
    %logistic3A_24 = math.exp %logistic3A : vector<4000x32xf32>
    %logistic3A_25 = arith.constant 1.000000e+00 : f32
    %logistic3A_26 = vector.broadcast %logistic3A_25 : f32 to vector<4000x32xf32>
    %logistic3A_27 = arith.addf %logistic3A_26, %logistic3A_24 : vector<4000x32xf32>
    %logistic3A_28 = arith.divf %logistic3A_26, %logistic3A_27 : vector<4000x32xf32>
    %mul3A_29 = arith.mulf %add3A_23, %logistic3A_28 : vector<4000x32xf32>
    %get3A_30 = arith.constant 0 : index
    %get3A_31 = arith.constant 0 : index
    %get3A_32 = vector.load %arg7[%get3A_30, %get3A_31] : memref<32x32xf32, #tpu.memory_space<vmem>>, vector<32x32xf32>
    %dot_general3A = arith.constant dense<0.000000e+00> : vector<4000x32xf32>
    %dot_general3A_33 = tpu.matmul %mul3A_29, %get3A_32, %dot_general3A {dimension_numbers = #tpu.dot_dimension_numbers<[1], [0], [0], [1], [0, 0, 1, 1], [], []>, transpose_lhs_hint = false} : vector<4000x32xf32>, vector<32x32xf32>, vector<4000x32xf32> -> vector<4000x32xf32>
    %get3A_34 = arith.constant 0 : index
    %get3A_35 = arith.constant 0 : index
    %get3A_36 = vector.load %arg8[%get3A_34, %get3A_35] : memref<1x32xf32, #tpu.memory_space<vmem>>, vector<1x32xf32>
    %add3A_37 = vector.broadcast %get3A_36 : vector<1x32xf32> to vector<4000x32xf32>
    %add3A_38 = arith.addf %dot_general3A_33, %add3A_37 : vector<4000x32xf32>
    %logistic3A_39 = arith.negf %add3A_38 : vector<4000x32xf32>
    %logistic3A_40 = math.exp %logistic3A_39 : vector<4000x32xf32>
    %logistic3A_41 = arith.constant 1.000000e+00 : f32
    %logistic3A_42 = vector.broadcast %logistic3A_41 : f32 to vector<4000x32xf32>
    %logistic3A_43 = arith.addf %logistic3A_42, %logistic3A_40 : vector<4000x32xf32>
    %logistic3A_44 = arith.divf %logistic3A_42, %logistic3A_43 : vector<4000x32xf32>
    %mul3A_45 = arith.mulf %add3A_38, %logistic3A_44 : vector<4000x32xf32>
    %get3A_46 = arith.constant 0 : index
    %get3A_47 = arith.constant 0 : index
    %get3A_48 = vector.load %arg9[%get3A_46, %get3A_47] : memref<32x32xf32, #tpu.memory_space<vmem>>, vector<32x32xf32>
    %dot_general3A_49 = arith.constant dense<0.000000e+00> : vector<4000x32xf32>
    %dot_general3A_50 = tpu.matmul %mul3A_45, %get3A_48, %dot_general3A_49 {dimension_numbers = #tpu.dot_dimension_numbers<[1], [0], [0], [1], [0, 0, 1, 1], [], []>, transpose_lhs_hint = false} : vector<4000x32xf32>, vector<32x32xf32>, vector<4000x32xf32> -> vector<4000x32xf32>
    %get3A_51 = arith.constant 0 : index
    %get3A_52 = arith.constant 0 : index
    %get3A_53 = vector.load %arg10[%get3A_51, %get3A_52] : memref<1x32xf32, #tpu.memory_space<vmem>>, vector<1x32xf32>
    %add3A_54 = vector.broadcast %get3A_53 : vector<1x32xf32> to vector<4000x32xf32>
    %add3A_55 = arith.addf %dot_general3A_50, %add3A_54 : vector<4000x32xf32>
    %logistic3A_56 = arith.negf %add3A_55 : vector<4000x32xf32>
    %logistic3A_57 = math.exp %logistic3A_56 : vector<4000x32xf32>
    %logistic3A_58 = arith.constant 1.000000e+00 : f32
    %logistic3A_59 = vector.broadcast %logistic3A_58 : f32 to vector<4000x32xf32>
    %logistic3A_60 = arith.addf %logistic3A_59, %logistic3A_57 : vector<4000x32xf32>
    %logistic3A_61 = arith.divf %logistic3A_59, %logistic3A_60 : vector<4000x32xf32>
    %mul3A_62 = arith.mulf %add3A_55, %logistic3A_61 : vector<4000x32xf32>
    %get3A_63 = arith.constant 0 : index
    %get3A_64 = arith.constant 0 : index
    %get3A_65 = vector.load %arg11[%get3A_63, %get3A_64] : memref<1x32xf32, #tpu.memory_space<vmem>>, vector<1x32xf32>
    %mul3A_66 = vector.broadcast %get3A_65 : vector<1x32xf32> to vector<4000x32xf32>
    %mul3A_67 = arith.mulf %mul3A_62, %mul3A_66 : vector<4000x32xf32>
    %reduce_sum3A_68 = arith.constant dense<0.000000e+00> : vector<4000xf32>
    %reduce_sum3A_69 = vector.multi_reduction <add>, %mul3A_67, %reduce_sum3A_68 [1] : vector<4000x32xf32> to vector<4000xf32>
    %broadcast_in_dim3A_70 = vector.shape_cast %reduce_sum3A_69 : vector<4000xf32> to vector<4000x1xf32>
    %mul3A_71 = vector.broadcast %broadcast_in_dim3A_70 : vector<4000x1xf32> to vector<4000x16xf32>
    %mul3A_72 = arith.mulf %sub3A, %mul3A_71 : vector<4000x16xf32>
    %swap3A = arith.constant 0 : index
    %swap3A_73 = arith.constant 0 : index
    %swap3A_74 = vector.load %arg12[%swap3A, %swap3A_73] : memref<4000x32xf32, #tpu.memory_space<vmem>>, vector<4000x32xf32>
    tpu.vector_store %arg12[%swap3A, %swap3A_73], %mul3A_45 {strides = array<i32>} : memref<4000x32xf32, #tpu.memory_space<vmem>>, vector<4000x32xf32>,
    %broadcast_in_dim3A_75 = arith.constant 1.000000e+00 : f32
    %broadcast_in_dim3A_76 = vector.broadcast %broadcast_in_dim3A_75 : f32 to vector<4000x1xf32>
    %broadcast_in_dim3A_77 = arith.constant 0.000000e+00 : f32
    %broadcast_in_dim3A_78 = vector.broadcast %broadcast_in_dim3A_77 : f32 to vector<4000x15xf32>
    %concatenate3A = tpu.concatenate %mul3A_72, %broadcast_in_dim3A_76, %broadcast_in_dim3A_78 in 1 : vector<4000x16xf32>, vector<4000x1xf32>, vector<4000x15xf32> -> vector<4000x32xf32>
    %swap3A_79 = arith.constant 0 : index
    %swap3A_80 = arith.constant 0 : index
    %swap3A_81 = vector.load %arg13[%swap3A_79, %swap3A_80] : memref<4000x32xf32, #tpu.memory_space<vmem>>, vector<4000x32xf32>
    tpu.vector_store %arg13[%swap3A_79, %swap3A_80], %concatenate3A {strides = array<i32>} : memref<4000x32xf32, #tpu.memory_space<vmem>>, vector<4000x32xf32>,
    return
  }
  func.func @transform_0(%arg0: i32) -> (i32, i32) {
    %c0_i32 = arith.constant 0 : i32
    %c0_i32_0 = arith.constant 0 : i32
    return %arg0, %c0_i32 : i32, i32
  }
  func.func @transform_1(%arg0: i32) -> (i32, i32) {
    %c0_i32 = arith.constant 0 : i32
    %c0_i32_0 = arith.constant 0 : i32
    return %arg0, %c0_i32 : i32, i32
  }
  func.func @transform_2(%arg0: i32) -> (i32, i32) {
    %c0_i32 = arith.constant 0 : i32
    %c0_i32_0 = arith.constant 0 : i32
    return %arg0, %c0_i32 : i32, i32
  }
  func.func @transform_3(%arg0: i32) -> (i32, i32) {
    %c0_i32 = arith.constant 0 : i32
    %c0_i32_0 = arith.constant 0 : i32
    return %arg0, %c0_i32 : i32, i32
  }
  func.func @transform_4(%arg0: i32) -> (i32, i32) {
    %c0_i32 = arith.constant 0 : i32
    %c0_i32_0 = arith.constant 0 : i32
    %c0_i32_1 = arith.constant 0 : i32
    return %c0_i32, %c0_i32_0 : i32, i32
  }
  func.func @transform_5(%arg0: i32) -> (i32, i32) {
    %c0_i32 = arith.constant 0 : i32
    %c0_i32_0 = arith.constant 0 : i32
    %c0_i32_1 = arith.constant 0 : i32
    return %c0_i32, %c0_i32_0 : i32, i32
  }
  func.func @transform_6(%arg0: i32) -> (i32, i32) {
    %c0_i32 = arith.constant 0 : i32
    %c0_i32_0 = arith.constant 0 : i32
    %c0_i32_1 = arith.constant 0 : i32
    return %c0_i32, %c0_i32_0 : i32, i32
  }
  func.func @transform_7(%arg0: i32) -> (i32, i32) {
    %c0_i32 = arith.constant 0 : i32
    %c0_i32_0 = arith.constant 0 : i32
    %c0_i32_1 = arith.constant 0 : i32
    return %c0_i32, %c0_i32_0 : i32, i32
  }
  func.func @transform_8(%arg0: i32) -> (i32, i32) {
    %c0_i32 = arith.constant 0 : i32
    %c0_i32_0 = arith.constant 0 : i32
    %c0_i32_1 = arith.constant 0 : i32
    return %c0_i32, %c0_i32_0 : i32, i32
  }
  func.func @transform_9(%arg0: i32) -> (i32, i32) {
    %c0_i32 = arith.constant 0 : i32
    %c0_i32_0 = arith.constant 0 : i32
    %c0_i32_1 = arith.constant 0 : i32
    return %c0_i32, %c0_i32_0 : i32, i32
  }
  func.func @transform_10(%arg0: i32) -> (i32, i32) {
    %c0_i32 = arith.constant 0 : i32
    %c0_i32_0 = arith.constant 0 : i32
    %c0_i32_1 = arith.constant 0 : i32
    return %c0_i32, %c0_i32_0 : i32, i32
  }
  func.func @transform_11(%arg0: i32) -> (i32, i32) {
    %c0_i32 = arith.constant 0 : i32
    %c0_i32_0 = arith.constant 0 : i32
    return %arg0, %c0_i32 : i32, i32
  }
  func.func @transform_12(%arg0: i32) -> (i32, i32) {
    %c0_i32 = arith.constant 0 : i32
    %c0_i32_0 = arith.constant 0 : i32
    return %arg0, %c0_i32 : i32, i32
  }
}

module attributes {stable_mosaic.version = 14 : i64} {
  func.func @_node_body(%arg0: i32, %arg1: memref<4000x16xf32, #tpu.memory_space<vmem>>, %arg2: memref<4000x16xf32, #tpu.memory_space<vmem>>, %arg3: memref<4000x1xf32, #tpu.memory_space<vmem>>, %arg4: memref<4000x32xf32, #tpu.memory_space<vmem>>, %arg5: memref<4000x32xf32, #tpu.memory_space<vmem>>, %arg6: memref<32x32xf32, #tpu.memory_space<vmem>>, %arg7: memref<32x32xf32, #tpu.memory_space<vmem>>, %arg8: memref<1x32xf32, #tpu.memory_space<vmem>>, %arg9: memref<32x32xf32, #tpu.memory_space<vmem>>, %arg10: memref<1x32xf32, #tpu.memory_space<vmem>>, %arg11: memref<4000x16xf32, #tpu.memory_space<vmem>>, %arg12: memref<4000x32xf32, #tpu.memory_space<vmem>>) attributes {dimension_semantics = [#tpu.dimension_semantics<arbitrary>], iteration_bounds = array<i64: 25>, scalar_prefetch = 0 : i64, scratch_operands = 0 : i64, tpu.core_type = #tpu.core_type<tc>, window_params = [{transform_indices = @transform_0, window_bounds = array<i64: 4000, 16>}, {transform_indices = @transform_1, window_bounds = array<i64: 4000, 16>}, {transform_indices = @transform_2, window_bounds = array<i64: 4000, 1>}, {transform_indices = @transform_3, window_bounds = array<i64: 4000, 32>}, {transform_indices = @transform_4, window_bounds = array<i64: 4000, 32>}, {pipeline_mode = #tpu.pipeline_mode<synchronous>, transform_indices = @transform_5, window_bounds = array<i64: 32, 32>}, {pipeline_mode = #tpu.pipeline_mode<synchronous>, transform_indices = @transform_6, window_bounds = array<i64: 32, 32>}, {pipeline_mode = #tpu.pipeline_mode<synchronous>, transform_indices = @transform_7, window_bounds = array<i64: 1, 32>}, {pipeline_mode = #tpu.pipeline_mode<synchronous>, transform_indices = @transform_8, window_bounds = array<i64: 32, 32>}, {pipeline_mode = #tpu.pipeline_mode<synchronous>, transform_indices = @transform_9, window_bounds = array<i64: 1, 32>}, {transform_indices = @transform_10, window_bounds = array<i64: 4000, 16>}, {transform_indices = @transform_11, window_bounds = array<i64: 4000, 32>}]} {
    %get3A = arith.constant 0 : index
    %get3A_0 = arith.constant 0 : index
    %get3A_1 = vector.load %arg1[%get3A, %get3A_0] : memref<4000x16xf32, #tpu.memory_space<vmem>>, vector<4000x16xf32>
    %get3A_2 = arith.constant 0 : index
    %get3A_3 = arith.constant 0 : index
    %get3A_4 = vector.load %arg2[%get3A_2, %get3A_3] : memref<4000x16xf32, #tpu.memory_space<vmem>>, vector<4000x16xf32>
    %get3A_5 = arith.constant 0 : index
    %get3A_6 = arith.constant 0 : index
    %get3A_7 = vector.load %arg3[%get3A_5, %get3A_6] : memref<4000x1xf32, #tpu.memory_space<vmem>>, vector<4000x1xf32>
    %max3A = arith.constant 1.000000e+00 : f32
    %max3A_8 = vector.broadcast %max3A : f32 to vector<4000x1xf32>
    %max3A_9 = arith.maximumf %get3A_7, %max3A_8 : vector<4000x1xf32>
    %div3A = vector.broadcast %max3A_9 : vector<4000x1xf32> to vector<4000x16xf32>
    %div3A_10 = arith.divf %get3A_4, %div3A : vector<4000x16xf32>
    %add3A = arith.addf %get3A_1, %div3A_10 : vector<4000x16xf32>
    %swap3A = arith.constant 0 : index
    %swap3A_11 = arith.constant 0 : index
    %swap3A_12 = vector.load %arg11[%swap3A, %swap3A_11] : memref<4000x16xf32, #tpu.memory_space<vmem>>, vector<4000x16xf32>
    tpu.vector_store %arg11[%swap3A, %swap3A_11], %add3A {strides = array<i32>} : memref<4000x16xf32, #tpu.memory_space<vmem>>, vector<4000x16xf32>,
    %get3A_13 = arith.constant 0 : index
    %get3A_14 = arith.constant 0 : index
    %get3A_15 = vector.load %arg4[%get3A_13, %get3A_14] : memref<4000x32xf32, #tpu.memory_space<vmem>>, vector<4000x32xf32>
    %get3A_16 = arith.constant 0 : index
    %get3A_17 = arith.constant 0 : index
    %get3A_18 = vector.load %arg6[%get3A_16, %get3A_17] : memref<32x32xf32, #tpu.memory_space<vmem>>, vector<32x32xf32>
    %dot_general3A = arith.constant dense<0.000000e+00> : vector<4000x32xf32>
    %dot_general3A_19 = tpu.matmul %get3A_15, %get3A_18, %dot_general3A {dimension_numbers = #tpu.dot_dimension_numbers<[1], [0], [0], [1], [0, 0, 1, 1], [], []>, transpose_lhs_hint = false} : vector<4000x32xf32>, vector<32x32xf32>, vector<4000x32xf32> -> vector<4000x32xf32>
    %get3A_20 = arith.constant 0 : index
    %get3A_21 = arith.constant 0 : index
    %get3A_22 = vector.load %arg5[%get3A_20, %get3A_21] : memref<4000x32xf32, #tpu.memory_space<vmem>>, vector<4000x32xf32>
    %get3A_23 = arith.constant 0 : index
    %get3A_24 = arith.constant 0 : index
    %get3A_25 = vector.load %arg7[%get3A_23, %get3A_24] : memref<32x32xf32, #tpu.memory_space<vmem>>, vector<32x32xf32>
    %dot_general3A_26 = arith.constant dense<0.000000e+00> : vector<4000x32xf32>
    %dot_general3A_27 = tpu.matmul %get3A_22, %get3A_25, %dot_general3A_26 {dimension_numbers = #tpu.dot_dimension_numbers<[1], [0], [0], [1], [0, 0, 1, 1], [], []>, transpose_lhs_hint = false} : vector<4000x32xf32>, vector<32x32xf32>, vector<4000x32xf32> -> vector<4000x32xf32>
    %add3A_28 = arith.addf %dot_general3A_19, %dot_general3A_27 : vector<4000x32xf32>
    %get3A_29 = arith.constant 0 : index
    %get3A_30 = arith.constant 0 : index
    %get3A_31 = vector.load %arg8[%get3A_29, %get3A_30] : memref<1x32xf32, #tpu.memory_space<vmem>>, vector<1x32xf32>
    %add3A_32 = vector.broadcast %get3A_31 : vector<1x32xf32> to vector<4000x32xf32>
    %add3A_33 = arith.addf %add3A_28, %add3A_32 : vector<4000x32xf32>
    %logistic3A = arith.negf %add3A_33 : vector<4000x32xf32>
    %logistic3A_34 = math.exp %logistic3A : vector<4000x32xf32>
    %logistic3A_35 = arith.constant 1.000000e+00 : f32
    %logistic3A_36 = vector.broadcast %logistic3A_35 : f32 to vector<4000x32xf32>
    %logistic3A_37 = arith.addf %logistic3A_36, %logistic3A_34 : vector<4000x32xf32>
    %logistic3A_38 = arith.divf %logistic3A_36, %logistic3A_37 : vector<4000x32xf32>
    %mul3A = arith.mulf %add3A_33, %logistic3A_38 : vector<4000x32xf32>
    %get3A_39 = arith.constant 0 : index
    %get3A_40 = arith.constant 0 : index
    %get3A_41 = vector.load %arg9[%get3A_39, %get3A_40] : memref<32x32xf32, #tpu.memory_space<vmem>>, vector<32x32xf32>
    %dot_general3A_42 = arith.constant dense<0.000000e+00> : vector<4000x32xf32>
    %dot_general3A_43 = tpu.matmul %mul3A, %get3A_41, %dot_general3A_42 {dimension_numbers = #tpu.dot_dimension_numbers<[1], [0], [0], [1], [0, 0, 1, 1], [], []>, transpose_lhs_hint = false} : vector<4000x32xf32>, vector<32x32xf32>, vector<4000x32xf32> -> vector<4000x32xf32>
    %get3A_44 = arith.constant 0 : index
    %get3A_45 = arith.constant 0 : index
    %get3A_46 = vector.load %arg10[%get3A_44, %get3A_45] : memref<1x32xf32, #tpu.memory_space<vmem>>, vector<1x32xf32>
    %add3A_47 = vector.broadcast %get3A_46 : vector<1x32xf32> to vector<4000x32xf32>
    %add3A_48 = arith.addf %dot_general3A_43, %add3A_47 : vector<4000x32xf32>
    %get3A_49 = arith.constant 0 : index
    %get3A_50 = arith.constant 0 : index
    %get3A_51 = vector.load %arg4[%get3A_49, %get3A_50] : memref<4000x32xf32, #tpu.memory_space<vmem>>, vector<4000x32xf32>
    %add3A_52 = arith.addf %get3A_51, %add3A_48 : vector<4000x32xf32>
    %swap3A_53 = arith.constant 0 : index
    %swap3A_54 = arith.constant 0 : index
    %swap3A_55 = vector.load %arg12[%swap3A_53, %swap3A_54] : memref<4000x32xf32, #tpu.memory_space<vmem>>, vector<4000x32xf32>
    tpu.vector_store %arg12[%swap3A_53, %swap3A_54], %add3A_52 {strides = array<i32>} : memref<4000x32xf32, #tpu.memory_space<vmem>>, vector<4000x32xf32>,
    return
  }
  func.func @transform_0(%arg0: i32) -> (i32, i32) {
    %c0_i32 = arith.constant 0 : i32
    %c0_i32_0 = arith.constant 0 : i32
    return %arg0, %c0_i32 : i32, i32
  }
  func.func @transform_1(%arg0: i32) -> (i32, i32) {
    %c0_i32 = arith.constant 0 : i32
    %c0_i32_0 = arith.constant 0 : i32
    return %arg0, %c0_i32 : i32, i32
  }
  func.func @transform_2(%arg0: i32) -> (i32, i32) {
    %c0_i32 = arith.constant 0 : i32
    %c0_i32_0 = arith.constant 0 : i32
    return %arg0, %c0_i32 : i32, i32
  }
  func.func @transform_3(%arg0: i32) -> (i32, i32) {
    %c0_i32 = arith.constant 0 : i32
    %c0_i32_0 = arith.constant 0 : i32
    return %arg0, %c0_i32 : i32, i32
  }
  func.func @transform_4(%arg0: i32) -> (i32, i32) {
    %c0_i32 = arith.constant 0 : i32
    %c0_i32_0 = arith.constant 0 : i32
    return %arg0, %c0_i32 : i32, i32
  }
  func.func @transform_5(%arg0: i32) -> (i32, i32) {
    %c0_i32 = arith.constant 0 : i32
    %c0_i32_0 = arith.constant 0 : i32
    %c0_i32_1 = arith.constant 0 : i32
    return %c0_i32, %c0_i32_0 : i32, i32
  }
  func.func @transform_6(%arg0: i32) -> (i32, i32) {
    %c0_i32 = arith.constant 0 : i32
    %c0_i32_0 = arith.constant 0 : i32
    %c0_i32_1 = arith.constant 0 : i32
    return %c0_i32, %c0_i32_0 : i32, i32
  }
  func.func @transform_7(%arg0: i32) -> (i32, i32) {
    %c0_i32 = arith.constant 0 : i32
    %c0_i32_0 = arith.constant 0 : i32
    %c0_i32_1 = arith.constant 0 : i32
    return %c0_i32, %c0_i32_0 : i32, i32
  }
  func.func @transform_8(%arg0: i32) -> (i32, i32) {
    %c0_i32 = arith.constant 0 : i32
    %c0_i32_0 = arith.constant 0 : i32
    %c0_i32_1 = arith.constant 0 : i32
    return %c0_i32, %c0_i32_0 : i32, i32
  }
  func.func @transform_9(%arg0: i32) -> (i32, i32) {
    %c0_i32 = arith.constant 0 : i32
    %c0_i32_0 = arith.constant 0 : i32
    %c0_i32_1 = arith.constant 0 : i32
    return %c0_i32, %c0_i32_0 : i32, i32
  }
  func.func @transform_10(%arg0: i32) -> (i32, i32) {
    %c0_i32 = arith.constant 0 : i32
    %c0_i32_0 = arith.constant 0 : i32
    return %arg0, %c0_i32 : i32, i32
  }
  func.func @transform_11(%arg0: i32) -> (i32, i32) {
    %c0_i32 = arith.constant 0 : i32
    %c0_i32_0 = arith.constant 0 : i32
    return %arg0, %c0_i32 : i32, i32
  }
}

module attributes {stable_mosaic.version = 14 : i64} {
  func.func @_mlp_body(%arg0: i32, %arg1: memref<4000x32xf32, #tpu.memory_space<vmem>>, %arg2: memref<4000x32xf32, #tpu.memory_space<vmem>>, %arg3: memref<4000x16xf32, #tpu.memory_space<vmem>>, %arg4: memref<4000x16xf32, #tpu.memory_space<vmem>>, %arg5: memref<1x32xf32, #tpu.memory_space<vmem>>, %arg6: memref<1x32xf32, #tpu.memory_space<vmem>>, %arg7: memref<32x32xf32, #tpu.memory_space<vmem>>, %arg8: memref<1x32xf32, #tpu.memory_space<vmem>>, %arg9: memref<32x32xf32, #tpu.memory_space<vmem>>, %arg10: memref<1x32xf32, #tpu.memory_space<vmem>>, %arg11: memref<1x32xf32, #tpu.memory_space<vmem>>, %arg12: memref<4000x32xf32, #tpu.memory_space<vmem>>, %arg13: memref<4000x16xf32, #tpu.memory_space<vmem>>) attributes {dimension_semantics = [#tpu.dimension_semantics<arbitrary>], iteration_bounds = array<i64: 400>, scalar_prefetch = 0 : i64, scratch_operands = 0 : i64, tpu.core_type = #tpu.core_type<tc>, window_params = [{transform_indices = @transform_0, window_bounds = array<i64: 4000, 32>}, {transform_indices = @transform_1, window_bounds = array<i64: 4000, 32>}, {transform_indices = @transform_2, window_bounds = array<i64: 4000, 16>}, {transform_indices = @transform_3, window_bounds = array<i64: 4000, 16>}, {pipeline_mode = #tpu.pipeline_mode<synchronous>, transform_indices = @transform_4, window_bounds = array<i64: 1, 32>}, {pipeline_mode = #tpu.pipeline_mode<synchronous>, transform_indices = @transform_5, window_bounds = array<i64: 1, 32>}, {pipeline_mode = #tpu.pipeline_mode<synchronous>, transform_indices = @transform_6, window_bounds = array<i64: 32, 32>}, {pipeline_mode = #tpu.pipeline_mode<synchronous>, transform_indices = @transform_7, window_bounds = array<i64: 1, 32>}, {pipeline_mode = #tpu.pipeline_mode<synchronous>, transform_indices = @transform_8, window_bounds = array<i64: 32, 32>}, {pipeline_mode = #tpu.pipeline_mode<synchronous>, transform_indices = @transform_9, window_bounds = array<i64: 1, 32>}, {pipeline_mode = #tpu.pipeline_mode<synchronous>, transform_indices = @transform_10, window_bounds = array<i64: 1, 32>}, {transform_indices = @transform_11, window_bounds = array<i64: 4000, 32>}, {transform_indices = @transform_12, window_bounds = array<i64: 4000, 16>}]} {
    %get3A = arith.constant 0 : index
    %get3A_0 = arith.constant 0 : index
    %get3A_1 = vector.load %arg3[%get3A, %get3A_0] : memref<4000x16xf32, #tpu.memory_space<vmem>>, vector<4000x16xf32>
    %get3A_2 = arith.constant 0 : index
    %get3A_3 = arith.constant 0 : index
    %get3A_4 = vector.load %arg4[%get3A_2, %get3A_3] : memref<4000x16xf32, #tpu.memory_space<vmem>>, vector<4000x16xf32>
    %sub3A = arith.subf %get3A_1, %get3A_4 : vector<4000x16xf32>
    %mul3A = arith.mulf %sub3A, %sub3A : vector<4000x16xf32>
    %reduce_sum3A = arith.constant dense<0.000000e+00> : vector<4000xf32>
    %reduce_sum3A_5 = vector.multi_reduction <add>, %mul3A, %reduce_sum3A [1] : vector<4000x16xf32> to vector<4000xf32>
    %broadcast_in_dim3A = vector.shape_cast %reduce_sum3A_5 : vector<4000xf32> to vector<4000x1xf32>
    %get3A_6 = arith.constant 0 : index
    %get3A_7 = arith.constant 0 : index
    %get3A_8 = vector.load %arg1[%get3A_6, %get3A_7] : memref<4000x32xf32, #tpu.memory_space<vmem>>, vector<4000x32xf32>
    %get3A_9 = arith.constant 0 : index
    %get3A_10 = arith.constant 0 : index
    %get3A_11 = vector.load %arg2[%get3A_9, %get3A_10] : memref<4000x32xf32, #tpu.memory_space<vmem>>, vector<4000x32xf32>
    %add3A = arith.addf %get3A_8, %get3A_11 : vector<4000x32xf32>
    %get3A_12 = arith.constant 0 : index
    %get3A_13 = arith.constant 0 : index
    %get3A_14 = vector.load %arg5[%get3A_12, %get3A_13] : memref<1x32xf32, #tpu.memory_space<vmem>>, vector<1x32xf32>
    %mul3A_15 = vector.broadcast %broadcast_in_dim3A : vector<4000x1xf32> to vector<4000x32xf32>
    %mul3A_16 = vector.broadcast %get3A_14 : vector<1x32xf32> to vector<4000x32xf32>
    %mul3A_17 = arith.mulf %mul3A_15, %mul3A_16 : vector<4000x32xf32>
    %add3A_18 = arith.addf %add3A, %mul3A_17 : vector<4000x32xf32>
    %get3A_19 = arith.constant 0 : index
    %get3A_20 = arith.constant 0 : index
    %get3A_21 = vector.load %arg6[%get3A_19, %get3A_20] : memref<1x32xf32, #tpu.memory_space<vmem>>, vector<1x32xf32>
    %add3A_22 = vector.broadcast %get3A_21 : vector<1x32xf32> to vector<4000x32xf32>
    %add3A_23 = arith.addf %add3A_18, %add3A_22 : vector<4000x32xf32>
    %logistic3A = arith.negf %add3A_23 : vector<4000x32xf32>
    %logistic3A_24 = math.exp %logistic3A : vector<4000x32xf32>
    %logistic3A_25 = arith.constant 1.000000e+00 : f32
    %logistic3A_26 = vector.broadcast %logistic3A_25 : f32 to vector<4000x32xf32>
    %logistic3A_27 = arith.addf %logistic3A_26, %logistic3A_24 : vector<4000x32xf32>
    %logistic3A_28 = arith.divf %logistic3A_26, %logistic3A_27 : vector<4000x32xf32>
    %mul3A_29 = arith.mulf %add3A_23, %logistic3A_28 : vector<4000x32xf32>
    %get3A_30 = arith.constant 0 : index
    %get3A_31 = arith.constant 0 : index
    %get3A_32 = vector.load %arg7[%get3A_30, %get3A_31] : memref<32x32xf32, #tpu.memory_space<vmem>>, vector<32x32xf32>
    %dot_general3A = arith.constant dense<0.000000e+00> : vector<4000x32xf32>
    %dot_general3A_33 = tpu.matmul %mul3A_29, %get3A_32, %dot_general3A {dimension_numbers = #tpu.dot_dimension_numbers<[1], [0], [0], [1], [0, 0, 1, 1], [], []>, transpose_lhs_hint = false} : vector<4000x32xf32>, vector<32x32xf32>, vector<4000x32xf32> -> vector<4000x32xf32>
    %get3A_34 = arith.constant 0 : index
    %get3A_35 = arith.constant 0 : index
    %get3A_36 = vector.load %arg8[%get3A_34, %get3A_35] : memref<1x32xf32, #tpu.memory_space<vmem>>, vector<1x32xf32>
    %add3A_37 = vector.broadcast %get3A_36 : vector<1x32xf32> to vector<4000x32xf32>
    %add3A_38 = arith.addf %dot_general3A_33, %add3A_37 : vector<4000x32xf32>
    %logistic3A_39 = arith.negf %add3A_38 : vector<4000x32xf32>
    %logistic3A_40 = math.exp %logistic3A_39 : vector<4000x32xf32>
    %logistic3A_41 = arith.constant 1.000000e+00 : f32
    %logistic3A_42 = vector.broadcast %logistic3A_41 : f32 to vector<4000x32xf32>
    %logistic3A_43 = arith.addf %logistic3A_42, %logistic3A_40 : vector<4000x32xf32>
    %logistic3A_44 = arith.divf %logistic3A_42, %logistic3A_43 : vector<4000x32xf32>
    %mul3A_45 = arith.mulf %add3A_38, %logistic3A_44 : vector<4000x32xf32>
    %get3A_46 = arith.constant 0 : index
    %get3A_47 = arith.constant 0 : index
    %get3A_48 = vector.load %arg9[%get3A_46, %get3A_47] : memref<32x32xf32, #tpu.memory_space<vmem>>, vector<32x32xf32>
    %dot_general3A_49 = arith.constant dense<0.000000e+00> : vector<4000x32xf32>
    %dot_general3A_50 = tpu.matmul %mul3A_45, %get3A_48, %dot_general3A_49 {dimension_numbers = #tpu.dot_dimension_numbers<[1], [0], [0], [1], [0, 0, 1, 1], [], []>, transpose_lhs_hint = false} : vector<4000x32xf32>, vector<32x32xf32>, vector<4000x32xf32> -> vector<4000x32xf32>
    %get3A_51 = arith.constant 0 : index
    %get3A_52 = arith.constant 0 : index
    %get3A_53 = vector.load %arg10[%get3A_51, %get3A_52] : memref<1x32xf32, #tpu.memory_space<vmem>>, vector<1x32xf32>
    %add3A_54 = vector.broadcast %get3A_53 : vector<1x32xf32> to vector<4000x32xf32>
    %add3A_55 = arith.addf %dot_general3A_50, %add3A_54 : vector<4000x32xf32>
    %logistic3A_56 = arith.negf %add3A_55 : vector<4000x32xf32>
    %logistic3A_57 = math.exp %logistic3A_56 : vector<4000x32xf32>
    %logistic3A_58 = arith.constant 1.000000e+00 : f32
    %logistic3A_59 = vector.broadcast %logistic3A_58 : f32 to vector<4000x32xf32>
    %logistic3A_60 = arith.addf %logistic3A_59, %logistic3A_57 : vector<4000x32xf32>
    %logistic3A_61 = arith.divf %logistic3A_59, %logistic3A_60 : vector<4000x32xf32>
    %mul3A_62 = arith.mulf %add3A_55, %logistic3A_61 : vector<4000x32xf32>
    %get3A_63 = arith.constant 0 : index
    %get3A_64 = arith.constant 0 : index
    %get3A_65 = vector.load %arg11[%get3A_63, %get3A_64] : memref<1x32xf32, #tpu.memory_space<vmem>>, vector<1x32xf32>
    %mul3A_66 = vector.broadcast %get3A_65 : vector<1x32xf32> to vector<4000x32xf32>
    %mul3A_67 = arith.mulf %mul3A_62, %mul3A_66 : vector<4000x32xf32>
    %reduce_sum3A_68 = arith.constant dense<0.000000e+00> : vector<4000xf32>
    %reduce_sum3A_69 = vector.multi_reduction <add>, %mul3A_67, %reduce_sum3A_68 [1] : vector<4000x32xf32> to vector<4000xf32>
    %broadcast_in_dim3A_70 = vector.shape_cast %reduce_sum3A_69 : vector<4000xf32> to vector<4000x1xf32>
    %mul3A_71 = vector.broadcast %broadcast_in_dim3A_70 : vector<4000x1xf32> to vector<4000x16xf32>
    %mul3A_72 = arith.mulf %sub3A, %mul3A_71 : vector<4000x16xf32>
    %swap3A = arith.constant 0 : index
    %swap3A_73 = arith.constant 0 : index
    %swap3A_74 = vector.load %arg12[%swap3A, %swap3A_73] : memref<4000x32xf32, #tpu.memory_space<vmem>>, vector<4000x32xf32>
    tpu.vector_store %arg12[%swap3A, %swap3A_73], %mul3A_45 {strides = array<i32>} : memref<4000x32xf32, #tpu.memory_space<vmem>>, vector<4000x32xf32>,
    %swap3A_75 = arith.constant 0 : index
    %swap3A_76 = arith.constant 0 : index
    %swap3A_77 = vector.load %arg13[%swap3A_75, %swap3A_76] : memref<4000x16xf32, #tpu.memory_space<vmem>>, vector<4000x16xf32>
    tpu.vector_store %arg13[%swap3A_75, %swap3A_76], %mul3A_72 {strides = array<i32>} : memref<4000x16xf32, #tpu.memory_space<vmem>>, vector<4000x16xf32>,
    return
  }
  func.func @transform_0(%arg0: i32) -> (i32, i32) {
    %c0_i32 = arith.constant 0 : i32
    %c0_i32_0 = arith.constant 0 : i32
    return %arg0, %c0_i32 : i32, i32
  }
  func.func @transform_1(%arg0: i32) -> (i32, i32) {
    %c0_i32 = arith.constant 0 : i32
    %c0_i32_0 = arith.constant 0 : i32
    return %arg0, %c0_i32 : i32, i32
  }
  func.func @transform_2(%arg0: i32) -> (i32, i32) {
    %c0_i32 = arith.constant 0 : i32
    %c0_i32_0 = arith.constant 0 : i32
    return %arg0, %c0_i32 : i32, i32
  }
  func.func @transform_3(%arg0: i32) -> (i32, i32) {
    %c0_i32 = arith.constant 0 : i32
    %c0_i32_0 = arith.constant 0 : i32
    return %arg0, %c0_i32 : i32, i32
  }
  func.func @transform_4(%arg0: i32) -> (i32, i32) {
    %c0_i32 = arith.constant 0 : i32
    %c0_i32_0 = arith.constant 0 : i32
    %c0_i32_1 = arith.constant 0 : i32
    return %c0_i32, %c0_i32_0 : i32, i32
  }
  func.func @transform_5(%arg0: i32) -> (i32, i32) {
    %c0_i32 = arith.constant 0 : i32
    %c0_i32_0 = arith.constant 0 : i32
    %c0_i32_1 = arith.constant 0 : i32
    return %c0_i32, %c0_i32_0 : i32, i32
  }
  func.func @transform_6(%arg0: i32) -> (i32, i32) {
    %c0_i32 = arith.constant 0 : i32
    %c0_i32_0 = arith.constant 0 : i32
    %c0_i32_1 = arith.constant 0 : i32
    return %c0_i32, %c0_i32_0 : i32, i32
  }
  func.func @transform_7(%arg0: i32) -> (i32, i32) {
    %c0_i32 = arith.constant 0 : i32
    %c0_i32_0 = arith.constant 0 : i32
    %c0_i32_1 = arith.constant 0 : i32
    return %c0_i32, %c0_i32_0 : i32, i32
  }
  func.func @transform_8(%arg0: i32) -> (i32, i32) {
    %c0_i32 = arith.constant 0 : i32
    %c0_i32_0 = arith.constant 0 : i32
    %c0_i32_1 = arith.constant 0 : i32
    return %c0_i32, %c0_i32_0 : i32, i32
  }
  func.func @transform_9(%arg0: i32) -> (i32, i32) {
    %c0_i32 = arith.constant 0 : i32
    %c0_i32_0 = arith.constant 0 : i32
    %c0_i32_1 = arith.constant 0 : i32
    return %c0_i32, %c0_i32_0 : i32, i32
  }
  func.func @transform_10(%arg0: i32) -> (i32, i32) {
    %c0_i32 = arith.constant 0 : i32
    %c0_i32_0 = arith.constant 0 : i32
    %c0_i32_1 = arith.constant 0 : i32
    return %c0_i32, %c0_i32_0 : i32, i32
  }
  func.func @transform_11(%arg0: i32) -> (i32, i32) {
    %c0_i32 = arith.constant 0 : i32
    %c0_i32_0 = arith.constant 0 : i32
    return %arg0, %c0_i32 : i32, i32
  }
  func.func @transform_12(%arg0: i32) -> (i32, i32) {
    %c0_i32 = arith.constant 0 : i32
    %c0_i32_0 = arith.constant 0 : i32
    return %arg0, %c0_i32 : i32, i32
  }
}

module attributes {stable_mosaic.version = 14 : i64} {
  func.func @_out_body(%arg0: i32, %arg1: memref<4000x16xf32, #tpu.memory_space<vmem>>, %arg2: memref<16x3xf32, #tpu.memory_space<vmem>>, %arg3: memref<4000x3xf32, #tpu.memory_space<vmem>>) attributes {dimension_semantics = [#tpu.dimension_semantics<arbitrary>], iteration_bounds = array<i64: 25>, scalar_prefetch = 0 : i64, scratch_operands = 0 : i64, tpu.core_type = #tpu.core_type<tc>, window_params = [{transform_indices = @transform_0, window_bounds = array<i64: 4000, 16>}, {pipeline_mode = #tpu.pipeline_mode<synchronous>, transform_indices = @transform_1, window_bounds = array<i64: 16, 3>}, {transform_indices = @transform_2, window_bounds = array<i64: 4000, 3>}]} {
    %get3A = arith.constant 0 : index
    %get3A_0 = arith.constant 0 : index
    %get3A_1 = vector.load %arg1[%get3A, %get3A_0] : memref<4000x16xf32, #tpu.memory_space<vmem>>, vector<4000x16xf32>
    %get3A_2 = arith.constant 0 : index
    %get3A_3 = arith.constant 0 : index
    %get3A_4 = vector.load %arg2[%get3A_2, %get3A_3] : memref<16x3xf32, #tpu.memory_space<vmem>>, vector<16x3xf32>
    %dot_general3A = arith.constant dense<0.000000e+00> : vector<4000x3xf32>
    %dot_general3A_5 = tpu.matmul %get3A_1, %get3A_4, %dot_general3A {dimension_numbers = #tpu.dot_dimension_numbers<[1], [0], [0], [1], [0, 0, 1, 1], [], []>, transpose_lhs_hint = false} : vector<4000x16xf32>, vector<16x3xf32>, vector<4000x3xf32> -> vector<4000x3xf32>
    %swap3A = arith.constant 0 : index
    %swap3A_6 = arith.constant 0 : index
    %swap3A_7 = vector.load %arg3[%swap3A, %swap3A_6] : memref<4000x3xf32, #tpu.memory_space<vmem>>, vector<4000x3xf32>
    tpu.vector_store %arg3[%swap3A, %swap3A_6], %dot_general3A_5 {strides = array<i32>} : memref<4000x3xf32, #tpu.memory_space<vmem>>, vector<4000x3xf32>,
    return
  }
  func.func @transform_0(%arg0: i32) -> (i32, i32) {
    %c0_i32 = arith.constant 0 : i32
    %c0_i32_0 = arith.constant 0 : i32
    return %arg0, %c0_i32 : i32, i32
  }
  func.func @transform_1(%arg0: i32) -> (i32, i32) {
    %c0_i32 = arith.constant 0 : i32
    %c0_i32_0 = arith.constant 0 : i32
    %c0_i32_1 = arith.constant 0 : i32
    return %c0_i32, %c0_i32_0 : i32, i32
  }
  func.func @transform_2(%arg0: i32) -> (i32, i32) {
    %c0_i32 = arith.constant 0 : i32
    %c0_i32_0 = arith.constant 0 : i32
    return %arg0, %c0_i32 : i32, i32
  }
}

</mosaic_0001>

<sc_bundles>
// kernel: egnn_sc_gather.4.cloned.1.call-start
scs
__scs_entry_jumppad:
0x0: {  	(pc) =	sbr.rel $0x88, $3  }
0x1: {  	(tag) =	ssettag $0x0;
	lr =	simm.s32 $0x1  }
0x2: {  	[smem:$0x3F84] =	sst lr;
	_ =	strace $0xD0000000  }
0x3: {  	_ = 	snop  }
0x4: {  	_ = 	snop  }
0x5: {  	_ = 	snop  }
0x6: {  	_ = 	snop  }
0x7: {  	_ = 	snop  }
__scs_overlays_trampoline_lowered:
0x8: {  	[smem:$0x3F93] =	sst s0  }
0x9: {  	[smem:$0x3F94] =	sst s1  }
0xa: {  	[smem:$0x3F95] =	sst s2  }
0xb: {  	[smem:$0x3F96] =	sst s3  }
0xc: {  	[smem:$0x3F97] =	sst s4  }
0xd: {  	[smem:$0x3F98] =	sst s5  }
0xe: {  	[smem:$0x3F99] =	sst s6  }
0xf: {  	[smem:$0x3F9A] =	sst s7  }
0x10: {  	[smem:$0x3F9B] =	sst s8  }
0x11: {  	[smem:$0x3F9C] =	sst s9;
	s0 =	simm.s32 @!p0 $0x0  }
0x12: {  	s1 =	sld [smem:$0x3F82];
	s0 =	simm.s32 @p0 $0x1  }
0x13: {  	[smem:$0x3F9D] =	sst s0;
	s0 =	simm.s32 @!p1 $0x0  }
0x14: {  	s2 =	sld [smem:$0x3F81];
	s0 =	simm.s32 @p1 $0x1  }
0x15: {  	[smem:$0x3F9E] =	sst s0;
	s0 =	simm.s32 @!p2 $0x0  }
0x16: {  	s3 =	sld [smem:$0x3FDB];
	s0 =	simm.s32 @p2 $0x1  }
0x17: {  	s4 =	simm.s32 $0x1BF5;
	[smem:$0x3FA0] =	sst s0  }
0x18: {  	s0 =	sld [smem:$0x3F83];
	_ =	swait.ge [sflag:s4], $0x0  }
0x19: {  	s7 =	sld [smem:$0x3F84]  }
0x1a: {  	s8 =	sadd.s32 $0xFFFFE003, lr  }
0x1b: {  	s9 =	sadd.s32 $0xFFFFFEF7, lr;
	s5 =	simm.s32 $0xFFFFFFFF;
	p2 =	slt.u32 s8, $0xFFFFF086  }
0x1c: {  	p1 =	slt.u32 s9, $0xF7A;
	s5 =	simm.s32 @!p2 $0x0  }
0x1d: {  	s5 =	simm.s32 @p1 $0x1;
	p0 =	seq.s32 s7, s2  }
0x1e: {  	s7 =	smul.u32 @!p0 $0xF7A, s2;
	p2 =	seq.s32 @!p0 s5, $0x0  }
0x1f: {  	s9 =	smul.u32 $0xF7A, s1;
	s8 =	simm.s32 @!p0 $0x1BF5;
	p2 =	por !p2, p0  }
0x20: {  	[sflag:s8] =	ssyncset.s32 @!p0 $0xFFFFF086;
	s6 =	sadd.s32 @!p0 s3, s7;
	s7 =	simm.s32 @!p0 $0x108  }
0x21: {  	s3 =	sadd.s32 s3, s9;
	s6 =	sadd.s32 @!p0 $0x88, s6;
	s7 =	simm.s32 @p2 $0x1082  }
0x22: {  	[simem:s7], [sflag:s8] =	dma.local @!p0 [hbm:s6], $0xF7A  }
0x23: {  	s9 =	sor.u32 $0xD0000000, s2;
	s6 =	simm.s32 $0x108;
	_ =	swait.ge @!p0 [sflag:s8], $0x0  }
0x24: {  	s3 =	sadd.s32 $0x88, s3;
	s6 =	simm.s32 @!p1 $0x1082;
	[sflag:s4] =	ssyncset.s32 $0xFFFFF086  }
0x25: {  	[simem:s6], [sflag:s4] =	dma.local [hbm:s3], $0xF7A  }
0x26: {  	[smem:$0x3F84] =	sst s1;
	(tag) =	ssettag s2;
	_ =	strace s9  }
0x27: {  	s1 =	sld [smem:$0x3F94]  }
0x28: {  	s2 =	sld [smem:$0x3F95]  }
0x29: {  	s4 =	sld [smem:$0x3F97]  }
0x2a: {  	p0 =	seq.s32 s5, $0x0;
	s5 =	sld [smem:$0x3F98]  }
0x2b: {  	s6 =	sld [smem:$0x3F99]  }
0x2c: {  	s7 =	sld [smem:$0x3F9A]  }
0x2d: {  	s3 =	simm.s32 $0x108;
	s8 =	sld [smem:$0x3F9B]  }
0x2e: {  	s3 =	simm.s32 @!p0 $0x1082;
	s9 =	sld [smem:$0x3F9C]  }
0x2f: {  	lr =	sadd.s32 s0, s3;
	s0 =	sld [smem:$0x3F93]  }
0x30: {  	s3 =	sld [smem:$0x3F96]  }
0x31: {  	[smem:$0x3F9F] =	sst s10  }
0x32: {  	s10 =	sld [smem:$0x3F9D];
	_ =	sdelay $0x3  }
0x33: {  	p0 =	seq.s32 s10, $0x1;
	s10 =	sld [smem:$0x3F9F];
	_ =	sdelay $0x3  }
0x34: {  	[smem:$0x3F9F] =	sst s10  }
0x35: {  	s10 =	sld [smem:$0x3F9E];
	_ =	sdelay $0x3  }
0x36: {  	p1 =	seq.s32 s10, $0x1;
	s10 =	sld [smem:$0x3F9F];
	_ =	sdelay $0x3  }
0x37: {  	[smem:$0x3F9F] =	sst s10  }
0x38: {  	s10 =	sld [smem:$0x3FA0]  }
0x39: {  	_ = 	snop;
	(pc) =	sbr.ind lr, $3  }
0x3a: {  	_ = 	snop  }
0x3b: {  	_ = 	snop  }
0x3c: {  	p2 =	seq.s32 s10, $0x1;
	s10 =	sld [smem:$0x3F9F]  }
0x3d: {  	_ =	shalt  }
0x3e: {  	_ =	shalt  }
0x3f: {  	_ =	shalt  }
0x40: {  	_ =	shalt  }
0x41: {  	_ =	shalt  }
0x42: {  	_ =	shalt  }
0x43: {  	_ =	shalt  }
0x44: {  	_ =	shalt  }
0x45: {  	_ =	shalt  }
0x46: {  	_ =	shalt  }
0x47: {  	_ =	shalt  }
0x48: {  	_ =	shalt  }
0x49: {  	_ =	shalt  }
0x4a: {  	_ =	shalt  }
0x4b: {  	_ =	shalt  }
0x4c: {  	_ =	shalt  }
0x4d: {  	_ =	shalt  }
0x4e: {  	_ =	shalt  }
0x4f: {  	_ =	shalt  }
0x50: {  	_ =	shalt  }
0x51: {  	_ =	shalt  }
0x52: {  	_ =	shalt  }
0x53: {  	_ =	shalt  }
0x54: {  	_ =	shalt  }
0x55: {  	_ =	shalt  }
0x56: {  	_ =	shalt  }
0x57: {  	_ =	shalt  }
0x58: {  	_ =	shalt  }
0x59: {  	_ =	shalt  }
0x5a: {  	_ =	shalt  }
0x5b: {  	_ =	shalt  }
0x5c: {  	_ =	shalt  }
0x5d: {  	_ =	shalt  }
0x5e: {  	_ =	shalt  }
0x5f: {  	_ =	shalt  }
0x60: {  	_ =	shalt  }
0x61: {  	_ =	shalt  }
0x62: {  	_ =	shalt  }
0x63: {  	_ =	shalt  }
0x64: {  	_ =	shalt  }
0x65: {  	_ =	shalt  }
0x66: {  	_ =	shalt  }
0x67: {  	_ =	shalt  }
0x68: {  	_ =	shalt  }
0x69: {  	_ =	shalt  }
0x6a: {  	_ =	shalt  }
0x6b: {  	_ =	shalt  }
0x6c: {  	_ =	shalt  }
0x6d: {  	_ =	shalt  }
0x6e: {  	_ =	shalt  }
0x6f: {  	_ =	shalt  }
0x70: {  	_ =	shalt  }
0x71: {  	_ =	shalt  }
0x72: {  	_ =	shalt  }
0x73: {  	_ =	shalt  }
0x74: {  	_ =	shalt  }
0x75: {  	_ =	shalt  }
0x76: {  	_ =	shalt  }
0x77: {  	_ =	shalt  }
0x78: {  	_ =	shalt  }
0x79: {  	_ =	shalt  }
0x7a: {  	_ =	shalt  }
0x7b: {  	_ =	shalt  }
0x7c: {  	_ =	shalt  }
0x7d: {  	_ =	shalt  }
0x7e: {  	_ =	shalt  }
0x7f: {  	_ =	shalt  }
0x80: {  	_ =	shalt  }
0x81: {  	_ =	shalt  }
0x82: {  	_ =	shalt  }
0x83: {  	_ =	shalt  }
0x84: {  	_ =	shalt  }
0x85: {  	_ =	shalt  }
0x86: {  	_ =	shalt  }
0x87: {  	_ =	shalt  }
.Lfunc_end0:
.L_simem_size_0:
called_computation_lowered:
.L_overlay_start_0:
0x88: {  	s2 =	sld [smem:$0x3FD9]  }
0x89: {  	s3 =	sld [smem:$0x3FFE];
	_ =	sdelay $0x1  }
0x8a: {  	s1 =	srdreg.scid  }
0x8b: {  	s0 =	sand.u32 $0x1, s1  }
0x8c: {  	s16 =	sshll.u32 s0, $0xA;
	s2 =	sadd.s32 s3, s2  }
0x8d: {  	s2 =	sadd.s32 s2, s16  }
0x8e: {  	[smem:$0x3FAB] =	sst s2  }
0x8f: {  	_ = 	snop  }
0x90: {  	(tm) =	ssettm $0x1  }
0x91: {  	s17 =	sld [smem:$0x3FFB];
	_ =	sdelay $0x3  }
0x92: {  	_ =	strace s17  }
0x93: {  	s2 =	sld [smem:$0x3FFC];
	_ =	sdelay $0x3  }
0x94: {  	_ =	strace s2  }
0x95: {  	s2 =	sld [smem:$0x3FFD];
	_ =	sdelay $0x3  }
0x96: {  	_ =	strace s2  }
0x97: {  	_ =	strace $0x8FFFFFFF  }
0x98: {  	s18 =	sld [smem:$0x3FDB];
	_ =	sdelay $0x1  }
0x99: {  	s19 =	simm.s32 $_scs_section_size  }
0x9a: {  	s4 =	simm.s32 $_size__tile_overlayer_lowered;
	s5 =	simm.s32 $_tile_overlayer_lowered  }
0x9b: {  	s22 =	simm.s32 $0x1BFF;
	s21 =	sshll.u32 s5, $0x1;
	s2 =	sadd.s32 s19, s18  }
0x9c: {  	s6 =	simm.s32 $0x0;
	s20 =	sshll.u32 s4, $0x1;
	s4 =	sadd.s32 s21, s2  }
0x9d: {  	[timem:s6], [sflag:s22] =	dma.local [hbm:s4], s20  }
0x9e: {  	_ =	swait.ge [sflag:s22], s20  }
0x9f: {  	s3 =	ssub.s32 $0x0, s20;
	[sflag:s22] =	ssyncset.done $0x0  }
0xa0: {  	[sflag:s22] =	ssyncadd.s32 s3;
	_ =	sdelay $0x1  }
0xa1: {  	s23 =	simm.s32 $0x1B8B  }
0xa2: {  	_ =	swait.ge [sflag:s23], $0x1  }
0xa3: {  	[sflag:s23] =	ssyncset.done $0x0  }
0xa4: {  	s25 =	simm.s32 $0x1B8E;
	s24 =	sld [smem:$0x3FFE];
	[sflag:s23] =	ssyncadd.s32 $0xFFFFFFFF  }
0xa5: {  	s26 =	simm.s32 $execute0_lowered;
	[smem:$0x3FD2] =	sst s25  }
0xa6: {  	s4 =	sshll.u32 s26, $0x1;
	_ =	strace $0x80000046;
	[dreg:$0x1] =	wrdreg $0xFFFFFFFF  }
0xa7: {  	s28 =	simm.s32 $_size_execute0_lowered;
	s2 =	sadd.s32 s2, s4;
	[dreg:$0x0] =	wrdreg $0x0  }
0xa8: {  	s4 =	sshll.u32 s28, $0x1;
	[dreg:$0x2] =	wrdreg s2  }
0xa9: {  	[dreg:$0x3] =	wrdreg s4  }
0xaa: {  	[dreg:$0x4] =	wrdreg $0xC0  }
0xab: {  	_ =	task [dreg:s6], $0x5FFFF  }
0xac: {  	[dreg:$0x1] =	wrdreg $0xFFFFFFFF  }
0xad: {  	[dreg:$0x0] =	wrdreg $0x60  }
0xae: {  	[dreg:$0x2] =	wrdreg s24  }
0xaf: {  	[dreg:$0x3] =	wrdreg $0x9  }
0xb0: {  	_ =	task.clear_ibuf [dreg:s6], $0x4FFFF;
	_ =	strace $0x90000046  }
0xb1: {  	s29 =	simm.s32 $0x9;
	_ =	strace $0x80000048  }
0xb2: {  	_ =	swait.ge [sflag:s29], $0x1  }
0xb3: {  	[sflag:s29] =	ssyncadd.s32 $0xFFFFFFFF  }
0xb4: {  	_ =	strace $0x90000048  }
0xb5: {  	_ =	sfence  }
0xb6: {  	s30 =	sld [smem:$0x0];
	_ =	sdelay $0x2  }
0xb7: {  	s31 =	sshll.u32 s1, $0xD;
	s1 =	sshrl.u32 s1, $0x2  }
0xb8: {  	s3 =	sand.u32 $0x4000, s31;
	s1 =	sadd.s32 s1, s30  }
0xb9: {  	s0 =	sor.u32 s3, s0;
	s1 =	sshll.u32 s1, $0x11  }
0xba: {  	s0 =	sor.u32 s1, s0  }
0xbb: {  	s0 =	sadd.s32 $0x8F2B, s0  }
0xbc: {  	[sflag:s0] =	ssyncadd.remote.s32 $0x1  }
0xbd: {  	_ =	sfence.sel $0xFFFF  }
0xbe: {  	[dreg:$0x0] =	wrdreg $0xFFFFFFFF;
	(pc) =	sbr.abs _section_cstart, $3  }
0xbf: {  	[dreg:$0x1] =	wrdreg $0xFFFFFFFF  }
0xc0: {  	_ =	task.clear_ibuf [dreg:s6], $0x2FFFF;
	_ =	strace $0x9FFFFFFF  }
0xc1: {  	(tm) =	ssettm $0x7FFFFFFF  }
tec
execute0_lowered:
.L_overlay_start_1:
0x0: {  	(tag) =	ssettag $0x1  }
0x1: {  	s9 =	rddreg [dreg:$0x0]  }
0x2: {  	s0 =	rddreg [dreg:$0x1];
	s1 =	simm.s32 $0x0  }
0x3: {  	s6 =	srdreg.scid;
	s19 =	simm.s32 $0x2100;
	s20 =	simm.s32 $0x2900  }
0x4: {  	s21 =	simm.s32 $0x1;
	[smem:$0x7FF] =	sst s1;
	s2 =	sadd.s32 $0x18E000, s9  }
0x5: {  	s22 =	simm.s32 $0x2;
	s29 =	sadd.s32 $0x7A8800, s9;
	s3 =	sadd.s32 $0x251800, s9  }
0x6: {  	s23 =	simm.s32 $0x0;
	s4 =	sadd.s32 $0x220A00, s9;
	s5 =	sadd.s32 $0x1EFC00, s9  }
0x7: {  	s12 =	sand.u32 $0x1, s6;
	_ =	strace $0x80000047;
	[dreg:$0x2] =	wrdreg s2  }
0x8: {  	s6 =	sadd.s32 $0x143F400, s9;
	s7 =	sadd.s32 $0xE24C00, s9;
	[dreg:$0x3] =	wrdreg s29  }
0x9: {  	s2 =	stileid.u32;
	s10 =	ssub.s32 $0x2, s12;
	s14 =	sshll.u32 s12, $0x7  }
0xa: {  	s16 =	sshll.u32 s12, $0x9;
	s18 =	sshll.u32 s12, $0x8;
	s8 =	sshll.u32 s2, $0x1  }
0xb: {  	s11 =	sshrl.u32 s10, $0x1;
	s31 =	sshll.u32 s2, $0x8;
	s15 =	sshll.u32 s2, $0xA  }
0xc: {  	s17 =	sshll.u32 s2, $0x9;
	s13 =	sor.u32 s8, s12;
	s8 =	sadd.s32 $0xB17800, s9  }
0xd: {  	s10 =	ssub.s32 s10, s11;
	s9 =	sadd.s32 $0x80A400, s9;
	s12 =	sor.u32 s14, s31  }
0xe: {  	s14 =	sor.u32 s18, s17;
	s17 =	simm.s32 $0x100;
	s18 =	simm.s32 $0x1100  }
0xf: {  	s30 =	ssub.s32 $0x30F3, s13;
	s10 =	smax.u32 s10, $0x1;
	s13 =	sor.u32 s16, s15  }
0x10: {  	s15 =	simm.s32 $0x3;
	s16 =	simm.s32 $0x80;
	s11 =	sshrl.u32 s30, $0x5  }
.LBB2_1:
0x11: {  	p1 =	sne.s32 s11, $0x1  }
.Ltmp0:
0x12: {  	_ = 	snop;
	(pc) =	sbr.rel @!p1 .LBB2_2-.Ltmp0, $2  }
0x13: {  	_ =	sdelay $0x2  }
0x14: {  	s24 =	sadd.s32 $0xFFFFFFFF, s11;
	s29 =	sshrl.u32 s12, $0x3;
	p0 =	por $0x0, $0x0  }
0x15: {  	s25 =	sadd.s32 s4, s29  }
0x16: {  	[tilespmem:s1], [sflag:$0x3] =	stream.linear.gather [hbm4b:s25+s1], $0x80, $0x38;
	[tilespmem:$0x3100] =	vst v63  }
0x17: {  	_ =	swait.ge [sflag:s15], $0x80  }
0x18: {  	[sflag:s15] =	ssyncset.done $0x0  }
0x19: {  	s26 =	sadd.s32 s5, s29;
	[sflag:s15] =	ssyncadd.s32 $0xFFFFFF80  }
0x1a: {  	[tilespmem:s16], [sflag:$0x3] =	stream.linear.gather [hbm4b:s26+s1], $0x80, $0x38;
	[tilespmem:$0x3100] =	vst v63  }
0x1b: {  	_ =	swait.ge [sflag:s15], $0x80  }
0x1c: {  	[sflag:s15] =	ssyncset.done $0x0  }
0x1d: {  	s30 =	rddreg [dreg:$0x2];
	[sflag:s15] =	ssyncadd.s32 $0xFFFFFF80  }
0x1e: {  	[tilespmem:s17], [sflag:$0x1] =	stream.indirect.gather [hbm4b:s30+s16], $0x20, s1, s16, $0xb8;
	[tilespmem:$0x3100] =	vst v63  }
0x1f: {  	s26 =	rddreg [dreg:$0x3]  }
0x20: {  	[tilespmem:s18], [sflag:$0x1] =	stream.indirect.gather [hbm4b:s26+s16], $0x20, s16, s16, $0xb8;
	[tilespmem:$0x3100] =	vst v63  }
0x21: {  	_ = 	snop  }
0x22: {  	[tilespmem:s19], [sflag:$0x1] =	stream.indirect.gather [hbm4b:s3+s16], $0x10, s1, s16, $0xb8;
	[tilespmem:$0x3100] =	vst v63  }
0x23: {  	_ = 	snop  }
0x24: {  	[tilespmem:s20], [sflag:$0x1] =	stream.indirect.gather [hbm4b:s3+s16], $0x10, s16, s16, $0xb8;
	[tilespmem:$0x3100] =	vst v63  }
0x25: {  	_ =	swait.ge [sflag:s21], $0x1000  }
0x26: {  	[sflag:s21] =	ssyncset.done $0x0  }
0x27: {  	[sflag:s21] =	ssyncadd.s32 $0xFFFFF000  }
0x28: {  	_ =	swait.ge [sflag:s21], $0x1000  }
0x29: {  	[sflag:s21] =	ssyncset.done $0x0  }
0x2a: {  	[sflag:s21] =	ssyncadd.s32 $0xFFFFF000  }
0x2b: {  	_ =	swait.ge [sflag:s21], $0x800  }
0x2c: {  	[sflag:s21] =	ssyncset.done $0x0  }
0x2d: {  	[sflag:s21] =	ssyncadd.s32 $0xFFFFF800  }
0x2e: {  	_ =	swait.ge [sflag:s21], $0x800  }
0x2f: {  	s31 =	sand.u32 $0x1FFFFE00, s13;
	[sflag:s21] =	ssyncset.done $0x0  }
0x30: {  	s30 =	sadd.s32 s6, s31;
	[sflag:s21] =	ssyncadd.s32 $0xFFFFF800  }
0x31: {  	[hbm4b:s30+s1] =	stream.linear.scatter [tilespmem:s17], [sflag:$0x2], $0x1000, $0x38;
	[tilespmem:$0x3100] =	vst v63  }
0x32: {  	s25 =	sadd.s32 s7, s31;
	s31 =	sand.u32 $0x1FFFFF00, s14  }
0x33: {  	[hbm4b:s25+s1] =	stream.linear.scatter [tilespmem:s18], [sflag:$0x2], $0x1000, $0x38;
	[tilespmem:$0x3100] =	vst v63  }
0x34: {  	s30 =	sadd.s32 s8, s31  }
0x35: {  	[hbm4b:s30+s1] =	stream.linear.scatter [tilespmem:s19], [sflag:$0x2], $0x800, $0x38;
	[tilespmem:$0x3100] =	vst v63  }
0x36: {  	s31 =	sadd.s32 s9, s31  }
0x37: {  	[hbm4b:s31+s1] =	stream.linear.scatter [tilespmem:s20], [sflag:$0x2], $0x800, $0x38;
	[tilespmem:$0x3100] =	vst v63  }
0x38: {  	_ =	swait.ge [sflag:s22], $0x1000  }
0x39: {  	[sflag:s22] =	ssyncset.done $0x0  }
0x3a: {  	[sflag:s22] =	ssyncadd.s32 $0xFFFFF000  }
0x3b: {  	_ =	swait.ge [sflag:s22], $0x1000  }
0x3c: {  	[sflag:s22] =	ssyncset.done $0x0  }
0x3d: {  	p1 =	sne.s32 s24, $0x1;
	[sflag:s22] =	ssyncadd.s32 $0xFFFFF000  }
.Ltmp1:
0x3e: {  	_ =	swait.ge [sflag:s22], $0x800;
	(pc) =	sbr.rel @!p1 .LBB2_4-.Ltmp1, $4  }
0x3f: {  	[sflag:s22] =	ssyncset.done $0x0  }
0x40: {  	s28 =	sadd.s32 $0xFFFFFFFF, s24;
	s24 =	sadd.s32 $0x2000, s14;
	[sflag:s22] =	ssyncadd.s32 $0xFFFFF800  }
0x41: {  	p0 =	por $0x1, $0x1;
	s26 =	sadd.s32 $0x1000, s12;
	_ =	swait.ge [sflag:s22], $0x800  }
0x42: {  	s29 =	sshrl.u32 s26, $0x3;
	s25 =	smov.u32 s13;
	[sflag:s22] =	ssyncset.done $0x0  }
.LBB2_5:
0x43: {  	s30 =	sadd.s32 s4, s29;
	[sflag:s22] =	ssyncadd.s32 $0xFFFFF800  }
0x44: {  	[tilespmem:s1], [sflag:$0x3] =	stream.linear.gather [hbm4b:s30+s1], $0x80, $0x38;
	[tilespmem:$0x3100] =	vst v63  }
0x45: {  	_ =	swait.ge [sflag:s15], $0x80  }
0x46: {  	[sflag:s15] =	ssyncset.done $0x0  }
0x47: {  	s29 =	sadd.s32 s5, s29;
	[sflag:s15] =	ssyncadd.s32 $0xFFFFFF80  }
0x48: {  	[tilespmem:s16], [sflag:$0x3] =	stream.linear.gather [hbm4b:s29+s1], $0x80, $0x38;
	[tilespmem:$0x3100] =	vst v63  }
0x49: {  	_ =	swait.ge [sflag:s15], $0x80  }
0x4a: {  	[sflag:s15] =	ssyncset.done $0x0  }
0x4b: {  	s29 =	rddreg [dreg:$0x2];
	[sflag:s15] =	ssyncadd.s32 $0xFFFFFF80  }
0x4c: {  	[tilespmem:s17], [sflag:$0x1] =	stream.indirect.gather [hbm4b:s29+s16], $0x20, s1, s16, $0xb8;
	[tilespmem:$0x3100] =	vst v63  }
0x4d: {  	s31 =	rddreg [dreg:$0x3]  }
0x4e: {  	[tilespmem:s18], [sflag:$0x1] =	stream.indirect.gather [hbm4b:s31+s16], $0x20, s16, s16, $0xb8;
	[tilespmem:$0x3100] =	vst v63  }
0x4f: {  	_ = 	snop  }
0x50: {  	[tilespmem:s19], [sflag:$0x1] =	stream.indirect.gather [hbm4b:s3+s16], $0x10, s1, s16, $0xb8;
	[tilespmem:$0x3100] =	vst v63  }
0x51: {  	_ = 	snop  }
0x52: {  	[tilespmem:s20], [sflag:$0x1] =	stream.indirect.gather [hbm4b:s3+s16], $0x10, s16, s16, $0xb8;
	[tilespmem:$0x3100] =	vst v63  }
0x53: {  	_ =	swait.ge [sflag:s21], $0x1000  }
0x54: {  	[sflag:s21] =	ssyncset.done $0x0  }
0x55: {  	[sflag:s21] =	ssyncadd.s32 $0xFFFFF000  }
0x56: {  	_ =	swait.ge [sflag:s21], $0x1000  }
0x57: {  	[sflag:s21] =	ssyncset.done $0x0  }
0x58: {  	[sflag:s21] =	ssyncadd.s32 $0xFFFFF000  }
0x59: {  	_ =	swait.ge [sflag:s21], $0x800  }
0x5a: {  	[sflag:s21] =	ssyncset.done $0x0  }
0x5b: {  	[sflag:s21] =	ssyncadd.s32 $0xFFFFF800  }
0x5c: {  	s25 =	sadd.s32 $0x4000, s25;
	_ =	swait.ge [sflag:s21], $0x800  }
0x5d: {  	s29 =	sand.u32 $0x1FFFFE00, s25;
	[sflag:s21] =	ssyncset.done $0x0  }
0x5e: {  	s31 =	sadd.s32 s6, s29;
	[sflag:s21] =	ssyncadd.s32 $0xFFFFF800  }
0x5f: {  	[hbm4b:s31+s1] =	stream.linear.scatter [tilespmem:s17], [sflag:$0x2], $0x1000, $0x38;
	[tilespmem:$0x3100] =	vst v63  }
0x60: {  	s29 =	sadd.s32 s7, s29;
	s31 =	sand.u32 $0x1FFFFF00, s24  }
0x61: {  	[hbm4b:s29+s1] =	stream.linear.scatter [tilespmem:s18], [sflag:$0x2], $0x1000, $0x38;
	[tilespmem:$0x3100] =	vst v63  }
0x62: {  	s29 =	sadd.s32 s8, s31  }
0x63: {  	[hbm4b:s29+s1] =	stream.linear.scatter [tilespmem:s19], [sflag:$0x2], $0x800, $0x38;
	[tilespmem:$0x3100] =	vst v63  }
0x64: {  	s29 =	sadd.s32 s9, s31  }
0x65: {  	[hbm4b:s29+s1] =	stream.linear.scatter [tilespmem:s20], [sflag:$0x2], $0x800, $0x38;
	[tilespmem:$0x3100] =	vst v63  }
0x66: {  	_ =	swait.ge [sflag:s22], $0x1000  }
0x67: {  	[sflag:s22] =	ssyncset.done $0x0  }
0x68: {  	[sflag:s22] =	ssyncadd.s32 $0xFFFFF000  }
0x69: {  	_ =	swait.ge [sflag:s22], $0x1000  }
0x6a: {  	[sflag:s22] =	ssyncset.done $0x0  }
0x6b: {  	p1 =	sne.s32 s28, $0x1;
	[sflag:s22] =	ssyncadd.s32 $0xFFFFF000  }
.Ltmp2:
0x6c: {  	_ =	swait.ge [sflag:s22], $0x800;
	(pc) =	sbr.rel @p1 .LBB2_5-.Ltmp2, $4  }
0x6d: {  	[sflag:s22] =	ssyncset.done $0x0  }
0x6e: {  	[sflag:s22] =	ssyncadd.s32 $0xFFFFF800  }
0x6f: {  	s28 =	sadd.s32 $0xFFFFFFFF, s28;
	s26 =	sadd.s32 $0x1000, s26;
	_ =	swait.ge [sflag:s22], $0x800  }
0x70: {  	s24 =	sadd.s32 $0x2000, s24;
	s29 =	sshrl.u32 s26, $0x3;
	[sflag:s22] =	ssyncset.done $0x0  }
.LBB2_6:
0x71: {  	s26 =	sadd.s32 s4, s29;
	[sflag:s22] =	ssyncadd.s32 @p0 $0xFFFFF800  }
0x72: {  	[tilespmem:s1], [sflag:$0x3] =	stream.linear.gather [hbm4b:s26+s1], $0x80, $0x38;
	[tilespmem:$0x3100] =	vst v63  }
0x73: {  	_ =	swait.ge [sflag:s15], $0x80  }
0x74: {  	[sflag:s15] =	ssyncset.done $0x0  }
0x75: {  	s29 =	sadd.s32 s5, s29;
	[sflag:s15] =	ssyncadd.s32 $0xFFFFFF80  }
0x76: {  	[tilespmem:s16], [sflag:$0x3] =	stream.linear.gather [hbm4b:s29+s1], $0x80, $0x38;
	[tilespmem:$0x3100] =	vst v63  }
0x77: {  	_ =	swait.ge [sflag:s15], $0x80  }
0x78: {  	[sflag:s15] =	ssyncset.done $0x0  }
0x79: {  	s30 =	rddreg [dreg:$0x2];
	[sflag:s15] =	ssyncadd.s32 $0xFFFFFF80  }
0x7a: {  	[tilespmem:s17], [sflag:$0x1] =	stream.indirect.gather [hbm4b:s30+s16], $0x20, s1, s16, $0xb8;
	[tilespmem:$0x3100] =	vst v63  }
0x7b: {  	s28 =	rddreg [dreg:$0x3]  }
0x7c: {  	[tilespmem:s18], [sflag:$0x1] =	stream.indirect.gather [hbm4b:s28+s16], $0x20, s16, s16, $0xb8;
	[tilespmem:$0x3100] =	vst v63  }
0x7d: {  	_ = 	snop  }
0x7e: {  	[tilespmem:s19], [sflag:$0x1] =	stream.indirect.gather [hbm4b:s3+s16], $0x10, s1, s16, $0xb8;
	[tilespmem:$0x3100] =	vst v63  }
0x7f: {  	_ = 	snop  }
0x80: {  	[tilespmem:s20], [sflag:$0x1] =	stream.indirect.gather [hbm4b:s3+s16], $0x10, s16, s16, $0xb8;
	[tilespmem:$0x3100] =	vst v63  }
0x81: {  	_ =	swait.ge [sflag:s21], $0x1000  }
0x82: {  	[sflag:s21] =	ssyncset.done $0x0  }
0x83: {  	[sflag:s21] =	ssyncadd.s32 $0xFFFFF000  }
0x84: {  	_ =	swait.ge [sflag:s21], $0x1000  }
0x85: {  	[sflag:s21] =	ssyncset.done $0x0  }
0x86: {  	[sflag:s21] =	ssyncadd.s32 $0xFFFFF000  }
0x87: {  	_ =	swait.ge [sflag:s21], $0x800  }
0x88: {  	[sflag:s21] =	ssyncset.done $0x0  }
0x89: {  	s25 =	sadd.s32 @p0 $0x4000, s25;
	s26 =	smov.u32 s13;
	[sflag:s21] =	ssyncadd.s32 $0xFFFFF800  }
0x8a: {  	s26 =	smov.u32 @p0 s25;
	_ =	swait.ge [sflag:s21], $0x800  }
0x8b: {  	s25 =	sand.u32 $0x1FFFFE00, s26;
	[sflag:s21] =	ssyncset.done $0x0  }
0x8c: {  	s26 =	sadd.s32 s6, s25;
	[sflag:s21] =	ssyncadd.s32 $0xFFFFF800  }
0x8d: {  	[hbm4b:s26+s1] =	stream.linear.scatter [tilespmem:s17], [sflag:$0x2], $0x1000, $0x38;
	[tilespmem:$0x3100] =	vst v63  }
0x8e: {  	s24 =	sand.u32 $0x1FFFFF00, s24;
	s25 =	sadd.s32 s7, s25  }
0x8f: {  	[hbm4b:s25+s1] =	stream.linear.scatter [tilespmem:s18], [sflag:$0x2], $0x1000, $0x38;
	[tilespmem:$0x3100] =	vst v63  }
0x90: {  	s31 =	sadd.s32 s8, s24  }
0x91: {  	[hbm4b:s31+s1] =	stream.linear.scatter [tilespmem:s19], [sflag:$0x2], $0x800, $0x38;
	[tilespmem:$0x3100] =	vst v63  }
0x92: {  	s24 =	sadd.s32 s9, s24  }
0x93: {  	[hbm4b:s24+s1] =	stream.linear.scatter [tilespmem:s20], [sflag:$0x2], $0x800, $0x38;
	[tilespmem:$0x3100] =	vst v63  }
0x94: {  	_ =	swait.ge [sflag:s22], $0x1000  }
0x95: {  	[sflag:s22] =	ssyncset.done $0x0  }
0x96: {  	[sflag:s22] =	ssyncadd.s32 $0xFFFFF000  }
0x97: {  	_ =	swait.ge [sflag:s22], $0x1000  }
0x98: {  	[sflag:s22] =	ssyncset.done $0x0  }
0x99: {  	s23 =	sadd.s32 $0x1, s23;
	[sflag:s22] =	ssyncadd.s32 $0xFFFFF000  }
0x9a: {  	p0 =	sne.s32 s23, s10;
	_ =	swait.ge [sflag:s22], $0x800  }
.Ltmp3:
0x9b: {  	[sflag:s22] =	ssyncset.done $0x0;
	(pc) =	sbr.rel @p0 .LBB2_1-.Ltmp3, $4  }
.Ltmp4:
0x9c: {  	[sflag:s22] =	ssyncadd.s32 $0xFFFFF800;
	(pc) =	sbr.rel @!p0 .LBB2_7-.Ltmp4, $4  }
0x9d: {  	_ =	swait.ge [sflag:s22], $0x800  }
0x9e: {  	[sflag:s22] =	ssyncset.done $0x0  }
0x9f: {  	[sflag:s22] =	ssyncadd.s32 $0xFFFFF800  }
0xa0: {  	_ = 	snop  }
.LBB2_2:
.Ltmp5:
0xa1: {  	(pc) =	sbr.rel .LBB2_6-.Ltmp5, $2  }
0xa2: {  	_ =	sdelay $0x2  }
0xa3: {  	s25 =	smov.u32 s13;
	s24 =	smov.u32 s14  }
.LBB2_4:
.Ltmp6:
0xa4: {  	(pc) =	sbr.rel .LBB2_6-.Ltmp6, $2  }
0xa5: {  	_ =	sdelay $0x2  }
0xa6: {  	s25 =	smov.u32 s13  }
.LBB2_7:
0xa7: {  	_ =	sfence.sel $0x180000  }
0xa8: {  	[bflag:$0x0] =	sbarrier.arrive $0xFFFF  }
0xa9: {  	p0 =	sne.s32 s2, $0x0;
	_ =	strace $0x90000047  }
0xaa: {  	s0 =	sadd.s32 @!p0 $0x100000, s0;
	[bflag:$0x2] =	sbarrier.arrive $0xFFFF  }
0xab: {  	[sflag:s0] =	ssyncadd.tile.s32 @!p0 $0x1;
	_ =	shalt  }
.Lfunc_end2:
_tile_overlayer_lowered:
.L_overlay_start_2:
0xac: {  	(tag) =	ssettag $0x2  }
0xad: {  	s0 =	rddreg [dreg:$0x0];
	s2 =	stileid.u32  }
0xae: {  	s1 =	rddreg [dreg:$0x1];
	p0 =	sne.s32 s2, $0x0  }
0xaf: {  	s3 =	rddreg [dreg:$0x2];
	[bflag:$0x3] =	sbarrier.arrive $0xFFFF;
	s2 =	simm.s32 @!p0 $0x1C03  }
0xb0: {  	[timem:s3], [sflag:s2] =	dma.local @!p0 [hbm:s0], s1  }
0xb1: {  	s0 =	simm.s32 @!p0 $0x3  }
0xb2: {  	_ =	swait.ge @!p0 [sflag:s0], s1  }
0xb3: {  	s1 =	ssub.s32 @!p0 $0x0, s1;
	[sflag:s0] =	ssyncset.done @!p0 $0x0  }
0xb4: {  	[sflag:s0] =	ssyncadd.s32 @!p0 s1  }
0xb5: {  	[bflag:$0x3] =	sbarrier.arrive $0xFFFF  }
0xb6: {  	_ =	shalt  }

// kernel: egnn_sc_gather.7.cloned.1.call-start
scs
__scs_entry_jumppad:
0x0: {  	(pc) =	sbr.rel $0x88, $3  }
0x1: {  	(tag) =	ssettag $0x0;
	lr =	simm.s32 $0x1  }
0x2: {  	[smem:$0x3F84] =	sst lr;
	_ =	strace $0xD0000000  }
0x3: {  	_ = 	snop  }
0x4: {  	_ = 	snop  }
0x5: {  	_ = 	snop  }
0x6: {  	_ = 	snop  }
0x7: {  	_ = 	snop  }
__scs_overlays_trampoline_lowered:
0x8: {  	[smem:$0x3F93] =	sst s0  }
0x9: {  	[smem:$0x3F94] =	sst s1  }
0xa: {  	[smem:$0x3F95] =	sst s2  }
0xb: {  	[smem:$0x3F96] =	sst s3  }
0xc: {  	[smem:$0x3F97] =	sst s4  }
0xd: {  	[smem:$0x3F98] =	sst s5  }
0xe: {  	[smem:$0x3F99] =	sst s6  }
0xf: {  	[smem:$0x3F9A] =	sst s7  }
0x10: {  	[smem:$0x3F9B] =	sst s8  }
0x11: {  	[smem:$0x3F9C] =	sst s9;
	s0 =	simm.s32 @!p0 $0x0  }
0x12: {  	s1 =	sld [smem:$0x3F82];
	s0 =	simm.s32 @p0 $0x1  }
0x13: {  	[smem:$0x3F9D] =	sst s0;
	s0 =	simm.s32 @!p1 $0x0  }
0x14: {  	s2 =	sld [smem:$0x3F81];
	s0 =	simm.s32 @p1 $0x1  }
0x15: {  	[smem:$0x3F9E] =	sst s0;
	s0 =	simm.s32 @!p2 $0x0  }
0x16: {  	s3 =	sld [smem:$0x3FDB];
	s0 =	simm.s32 @p2 $0x1  }
0x17: {  	s4 =	simm.s32 $0x1BF5;
	[smem:$0x3FA0] =	sst s0  }
0x18: {  	s0 =	sld [smem:$0x3F83];
	_ =	swait.ge [sflag:s4], $0x0  }
0x19: {  	s7 =	sld [smem:$0x3F84]  }
0x1a: {  	s8 =	sadd.s32 $0xFFFFE003, lr  }
0x1b: {  	s9 =	sadd.s32 $0xFFFFFEF7, lr;
	s5 =	simm.s32 $0xFFFFFFFF;
	p2 =	slt.u32 s8, $0xFFFFF086  }
0x1c: {  	p1 =	slt.u32 s9, $0xF7A;
	s5 =	simm.s32 @!p2 $0x0  }
0x1d: {  	s5 =	simm.s32 @p1 $0x1;
	p0 =	seq.s32 s7, s2  }
0x1e: {  	s7 =	smul.u32 @!p0 $0xF7A, s2;
	p2 =	seq.s32 @!p0 s5, $0x0  }
0x1f: {  	s9 =	smul.u32 $0xF7A, s1;
	s8 =	simm.s32 @!p0 $0x1BF5;
	p2 =	por !p2, p0  }
0x20: {  	[sflag:s8] =	ssyncset.s32 @!p0 $0xFFFFF086;
	s6 =	sadd.s32 @!p0 s3, s7;
	s7 =	simm.s32 @!p0 $0x108  }
0x21: {  	s3 =	sadd.s32 s3, s9;
	s6 =	sadd.s32 @!p0 $0x88, s6;
	s7 =	simm.s32 @p2 $0x1082  }
0x22: {  	[simem:s7], [sflag:s8] =	dma.local @!p0 [hbm:s6], $0xF7A  }
0x23: {  	s9 =	sor.u32 $0xD0000000, s2;
	s6 =	simm.s32 $0x108;
	_ =	swait.ge @!p0 [sflag:s8], $0x0  }
0x24: {  	s3 =	sadd.s32 $0x88, s3;
	s6 =	simm.s32 @!p1 $0x1082;
	[sflag:s4] =	ssyncset.s32 $0xFFFFF086  }
0x25: {  	[simem:s6], [sflag:s4] =	dma.local [hbm:s3], $0xF7A  }
0x26: {  	[smem:$0x3F84] =	sst s1;
	(tag) =	ssettag s2;
	_ =	strace s9  }
0x27: {  	s1 =	sld [smem:$0x3F94]  }
0x28: {  	s2 =	sld [smem:$0x3F95]  }
0x29: {  	s4 =	sld [smem:$0x3F97]  }
0x2a: {  	p0 =	seq.s32 s5, $0x0;
	s5 =	sld [smem:$0x3F98]  }
0x2b: {  	s6 =	sld [smem:$0x3F99]  }
0x2c: {  	s7 =	sld [smem:$0x3F9A]  }
0x2d: {  	s3 =	simm.s32 $0x108;
	s8 =	sld [smem:$0x3F9B]  }
0x2e: {  	s3 =	simm.s32 @!p0 $0x1082;
	s9 =	sld [smem:$0x3F9C]  }
0x2f: {  	lr =	sadd.s32 s0, s3;
	s0 =	sld [smem:$0x3F93]  }
0x30: {  	s3 =	sld [smem:$0x3F96]  }
0x31: {  	[smem:$0x3F9F] =	sst s10  }
0x32: {  	s10 =	sld [smem:$0x3F9D];
	_ =	sdelay $0x3  }
0x33: {  	p0 =	seq.s32 s10, $0x1;
	s10 =	sld [smem:$0x3F9F];
	_ =	sdelay $0x3  }
0x34: {  	[smem:$0x3F9F] =	sst s10  }
0x35: {  	s10 =	sld [smem:$0x3F9E];
	_ =	sdelay $0x3  }
0x36: {  	p1 =	seq.s32 s10, $0x1;
	s10 =	sld [smem:$0x3F9F];
	_ =	sdelay $0x3  }
0x37: {  	[smem:$0x3F9F] =	sst s10  }
0x38: {  	s10 =	sld [smem:$0x3FA0]  }
0x39: {  	_ = 	snop;
	(pc) =	sbr.ind lr, $3  }
0x3a: {  	_ = 	snop  }
0x3b: {  	_ = 	snop  }
0x3c: {  	p2 =	seq.s32 s10, $0x1;
	s10 =	sld [smem:$0x3F9F]  }
0x3d: {  	_ =	shalt  }
0x3e: {  	_ =	shalt  }
0x3f: {  	_ =	shalt  }
0x40: {  	_ =	shalt  }
0x41: {  	_ =	shalt  }
0x42: {  	_ =	shalt  }
0x43: {  	_ =	shalt  }
0x44: {  	_ =	shalt  }
0x45: {  	_ =	shalt  }
0x46: {  	_ =	shalt  }
0x47: {  	_ =	shalt  }
0x48: {  	_ =	shalt  }
0x49: {  	_ =	shalt  }
0x4a: {  	_ =	shalt  }
0x4b: {  	_ =	shalt  }
0x4c: {  	_ =	shalt  }
0x4d: {  	_ =	shalt  }
0x4e: {  	_ =	shalt  }
0x4f: {  	_ =	shalt  }
0x50: {  	_ =	shalt  }
0x51: {  	_ =	shalt  }
0x52: {  	_ =	shalt  }
0x53: {  	_ =	shalt  }
0x54: {  	_ =	shalt  }
0x55: {  	_ =	shalt  }
0x56: {  	_ =	shalt  }
0x57: {  	_ =	shalt  }
0x58: {  	_ =	shalt  }
0x59: {  	_ =	shalt  }
0x5a: {  	_ =	shalt  }
0x5b: {  	_ =	shalt  }
0x5c: {  	_ =	shalt  }
0x5d: {  	_ =	shalt  }
0x5e: {  	_ =	shalt  }
0x5f: {  	_ =	shalt  }
0x60: {  	_ =	shalt  }
0x61: {  	_ =	shalt  }
0x62: {  	_ =	shalt  }
0x63: {  	_ =	shalt  }
0x64: {  	_ =	shalt  }
0x65: {  	_ =	shalt  }
0x66: {  	_ =	shalt  }
0x67: {  	_ =	shalt  }
0x68: {  	_ =	shalt  }
0x69: {  	_ =	shalt  }
0x6a: {  	_ =	shalt  }
0x6b: {  	_ =	shalt  }
0x6c: {  	_ =	shalt  }
0x6d: {  	_ =	shalt  }
0x6e: {  	_ =	shalt  }
0x6f: {  	_ =	shalt  }
0x70: {  	_ =	shalt  }
0x71: {  	_ =	shalt  }
0x72: {  	_ =	shalt  }
0x73: {  	_ =	shalt  }
0x74: {  	_ =	shalt  }
0x75: {  	_ =	shalt  }
0x76: {  	_ =	shalt  }
0x77: {  	_ =	shalt  }
0x78: {  	_ =	shalt  }
0x79: {  	_ =	shalt  }
0x7a: {  	_ =	shalt  }
0x7b: {  	_ =	shalt  }
0x7c: {  	_ =	shalt  }
0x7d: {  	_ =	shalt  }
0x7e: {  	_ =	shalt  }
0x7f: {  	_ =	shalt  }
0x80: {  	_ =	shalt  }
0x81: {  	_ =	shalt  }
0x82: {  	_ =	shalt  }
0x83: {  	_ =	shalt  }
0x84: {  	_ =	shalt  }
0x85: {  	_ =	shalt  }
0x86: {  	_ =	shalt  }
0x87: {  	_ =	shalt  }
.Lfunc_end0:
.L_simem_size_0:
called_computation.3_lowered:
.L_overlay_start_0:
0x88: {  	s2 =	sld [smem:$0x3FD9]  }
0x89: {  	s3 =	sld [smem:$0x3FFE];
	_ =	sdelay $0x1  }
0x8a: {  	s1 =	srdreg.scid  }
0x8b: {  	s0 =	sand.u32 $0x1, s1  }
0x8c: {  	s16 =	sshll.u32 s0, $0xA;
	s2 =	sadd.s32 s3, s2  }
0x8d: {  	s2 =	sadd.s32 s2, s16  }
0x8e: {  	[smem:$0x3FAB] =	sst s2  }
0x8f: {  	_ = 	snop  }
0x90: {  	(tm) =	ssettm $0x1  }
0x91: {  	s17 =	sld [smem:$0x3FFB];
	_ =	sdelay $0x3  }
0x92: {  	_ =	strace s17  }
0x93: {  	s2 =	sld [smem:$0x3FFC];
	_ =	sdelay $0x3  }
0x94: {  	_ =	strace s2  }
0x95: {  	s2 =	sld [smem:$0x3FFD];
	_ =	sdelay $0x3  }
0x96: {  	_ =	strace s2  }
0x97: {  	_ =	strace $0x8FFFFFFF  }
0x98: {  	s18 =	sld [smem:$0x3FDB];
	_ =	sdelay $0x1  }
0x99: {  	s19 =	simm.s32 $_scs_section_size  }
0x9a: {  	s4 =	simm.s32 $_size__tile_overlayer_lowered;
	s5 =	simm.s32 $_tile_overlayer_lowered  }
0x9b: {  	s22 =	simm.s32 $0x1BFF;
	s21 =	sshll.u32 s5, $0x1;
	s2 =	sadd.s32 s19, s18  }
0x9c: {  	s6 =	simm.s32 $0x0;
	s20 =	sshll.u32 s4, $0x1;
	s4 =	sadd.s32 s21, s2  }
0x9d: {  	[timem:s6], [sflag:s22] =	dma.local [hbm:s4], s20  }
0x9e: {  	_ =	swait.ge [sflag:s22], s20  }
0x9f: {  	s3 =	ssub.s32 $0x0, s20;
	[sflag:s22] =	ssyncset.done $0x0  }
0xa0: {  	[sflag:s22] =	ssyncadd.s32 s3;
	_ =	sdelay $0x1  }
0xa1: {  	s23 =	simm.s32 $0x1B8B  }
0xa2: {  	_ =	swait.ge [sflag:s23], $0x1  }
0xa3: {  	[sflag:s23] =	ssyncset.done $0x0  }
0xa4: {  	s25 =	simm.s32 $0x1B8E;
	s24 =	sld [smem:$0x3FFE];
	[sflag:s23] =	ssyncadd.s32 $0xFFFFFFFF  }
0xa5: {  	s26 =	simm.s32 $execute0_lowered;
	[smem:$0x3FD2] =	sst s25  }
0xa6: {  	s4 =	sshll.u32 s26, $0x1;
	_ =	strace $0x8000004F;
	[dreg:$0x1] =	wrdreg $0xFFFFFFFF  }
0xa7: {  	s28 =	simm.s32 $_size_execute0_lowered;
	s2 =	sadd.s32 s2, s4;
	[dreg:$0x0] =	wrdreg $0x0  }
0xa8: {  	s4 =	sshll.u32 s28, $0x1;
	[dreg:$0x2] =	wrdreg s2  }
0xa9: {  	[dreg:$0x3] =	wrdreg s4  }
0xaa: {  	[dreg:$0x4] =	wrdreg $0xC0  }
0xab: {  	_ =	task [dreg:s6], $0x5FFFF  }
0xac: {  	[dreg:$0x1] =	wrdreg $0xFFFFFFFF  }
0xad: {  	[dreg:$0x0] =	wrdreg $0x60  }
0xae: {  	[dreg:$0x2] =	wrdreg s24  }
0xaf: {  	[dreg:$0x3] =	wrdreg $0x9  }
0xb0: {  	_ =	task.clear_ibuf [dreg:s6], $0x4FFFF;
	_ =	strace $0x9000004F  }
0xb1: {  	s29 =	simm.s32 $0x9;
	_ =	strace $0x80000051  }
0xb2: {  	_ =	swait.ge [sflag:s29], $0x1  }
0xb3: {  	[sflag:s29] =	ssyncadd.s32 $0xFFFFFFFF  }
0xb4: {  	_ =	strace $0x90000051  }
0xb5: {  	_ =	sfence  }
0xb6: {  	s30 =	sld [smem:$0x0];
	_ =	sdelay $0x2  }
0xb7: {  	s31 =	sshll.u32 s1, $0xD;
	s1 =	sshrl.u32 s1, $0x2  }
0xb8: {  	s3 =	sand.u32 $0x4000, s31;
	s1 =	sadd.s32 s1, s30  }
0xb9: {  	s0 =	sor.u32 s3, s0;
	s1 =	sshll.u32 s1, $0x11  }
0xba: {  	s0 =	sor.u32 s1, s0  }
0xbb: {  	s0 =	sadd.s32 $0x8F2B, s0  }
0xbc: {  	[sflag:s0] =	ssyncadd.remote.s32 $0x1  }
0xbd: {  	_ =	sfence.sel $0xFFFF  }
0xbe: {  	[dreg:$0x0] =	wrdreg $0xFFFFFFFF;
	(pc) =	sbr.abs _section_cstart, $3  }
0xbf: {  	[dreg:$0x1] =	wrdreg $0xFFFFFFFF  }
0xc0: {  	_ =	task.clear_ibuf [dreg:s6], $0x2FFFF;
	_ =	strace $0x9FFFFFFF  }
0xc1: {  	(tm) =	ssettm $0x7FFFFFFF  }
tec
execute0_lowered:
.L_overlay_start_1:
0x0: {  	(tag) =	ssettag $0x1  }
0x1: {  	s9 =	rddreg [dreg:$0x0]  }
0x2: {  	s0 =	rddreg [dreg:$0x1];
	s1 =	simm.s32 $0x0  }
0x3: {  	s6 =	srdreg.scid;
	s19 =	simm.s32 $0x2100;
	s20 =	simm.s32 $0x2900  }
0x4: {  	s21 =	simm.s32 $0x1;
	s22 =	simm.s32 $0x2;
	[smem:$0x7FF] =	sst s1  }
0x5: {  	s2 =	sadd.s32 $0x69200, s9;
	s29 =	sadd.s32 $0x7600, s9;
	s3 =	sadd.s32 $0xCAE00, s9  }
0x6: {  	s23 =	simm.s32 $0x0;
	s4 =	sadd.s32 $0x220A00, s9;
	s5 =	sadd.s32 $0x1EFC00, s9  }
0x7: {  	s12 =	sand.u32 $0x1, s6;
	_ =	strace $0x80000050;
	[dreg:$0x2] =	wrdreg s2  }
0x8: {  	s6 =	sadd.s32 $0x16EAC00, s9;
	s7 =	sadd.s32 $0x10D0400, s9;
	[dreg:$0x3] =	wrdreg s29  }
0x9: {  	s2 =	stileid.u32;
	s10 =	ssub.s32 $0x2, s12;
	s14 =	sshll.u32 s12, $0x7  }
0xa: {  	s16 =	sshll.u32 s12, $0x9;
	s18 =	sshll.u32 s12, $0x8;
	s8 =	sshll.u32 s2, $0x1  }
0xb: {  	s11 =	sshrl.u32 s10, $0x1;
	s31 =	sshll.u32 s2, $0x8;
	s15 =	sshll.u32 s2, $0xA  }
0xc: {  	s17 =	sshll.u32 s2, $0x9;
	s13 =	sor.u32 s8, s12;
	s8 =	sadd.s32 $0xDC3000, s9  }
0xd: {  	s10 =	ssub.s32 s10, s11;
	s9 =	sadd.s32 $0x251800, s9;
	s12 =	sor.u32 s14, s31  }
0xe: {  	s14 =	sor.u32 s18, s17;
	s17 =	simm.s32 $0x100;
	s18 =	simm.s32 $0x1100  }
0xf: {  	s30 =	ssub.s32 $0x30F3, s13;
	s10 =	smax.u32 s10, $0x1;
	s13 =	sor.u32 s16, s15  }
0x10: {  	s15 =	simm.s32 $0x3;
	s16 =	simm.s32 $0x80;
	s11 =	sshrl.u32 s30, $0x5  }
.LBB2_1:
0x11: {  	p1 =	sne.s32 s11, $0x1  }
.Ltmp0:
0x12: {  	_ = 	snop;
	(pc) =	sbr.rel @!p1 .LBB2_2-.Ltmp0, $2  }
0x13: {  	_ =	sdelay $0x2  }
0x14: {  	s24 =	sadd.s32 $0xFFFFFFFF, s11;
	s29 =	sshrl.u32 s12, $0x3;
	p0 =	por $0x0, $0x0  }
0x15: {  	s25 =	sadd.s32 s4, s29  }
0x16: {  	[tilespmem:s1], [sflag:$0x3] =	stream.linear.gather [hbm4b:s25+s1], $0x80, $0x38;
	[tilespmem:$0x3100] =	vst v63  }
0x17: {  	_ =	swait.ge [sflag:s15], $0x80  }
0x18: {  	[sflag:s15] =	ssyncset.done $0x0  }
0x19: {  	s26 =	sadd.s32 s5, s29;
	[sflag:s15] =	ssyncadd.s32 $0xFFFFFF80  }
0x1a: {  	[tilespmem:s16], [sflag:$0x3] =	stream.linear.gather [hbm4b:s26+s1], $0x80, $0x38;
	[tilespmem:$0x3100] =	vst v63  }
0x1b: {  	_ =	swait.ge [sflag:s15], $0x80  }
0x1c: {  	[sflag:s15] =	ssyncset.done $0x0  }
0x1d: {  	s30 =	rddreg [dreg:$0x2];
	[sflag:s15] =	ssyncadd.s32 $0xFFFFFF80  }
0x1e: {  	[tilespmem:s17], [sflag:$0x1] =	stream.indirect.gather [hbm4b:s30+s16], $0x20, s1, s16, $0xb8;
	[tilespmem:$0x3100] =	vst v63  }
0x1f: {  	s26 =	rddreg [dreg:$0x3]  }
0x20: {  	[tilespmem:s18], [sflag:$0x1] =	stream.indirect.gather [hbm4b:s26+s16], $0x20, s16, s16, $0xb8;
	[tilespmem:$0x3100] =	vst v63  }
0x21: {  	_ = 	snop  }
0x22: {  	[tilespmem:s19], [sflag:$0x1] =	stream.indirect.gather [hbm4b:s3+s16], $0x10, s1, s16, $0xb8;
	[tilespmem:$0x3100] =	vst v63  }
0x23: {  	_ = 	snop  }
0x24: {  	[tilespmem:s20], [sflag:$0x1] =	stream.indirect.gather [hbm4b:s3+s16], $0x10, s16, s16, $0xb8;
	[tilespmem:$0x3100] =	vst v63  }
0x25: {  	_ =	swait.ge [sflag:s21], $0x1000  }
0x26: {  	[sflag:s21] =	ssyncset.done $0x0  }
0x27: {  	[sflag:s21] =	ssyncadd.s32 $0xFFFFF000  }
0x28: {  	_ =	swait.ge [sflag:s21], $0x1000  }
0x29: {  	[sflag:s21] =	ssyncset.done $0x0  }
0x2a: {  	[sflag:s21] =	ssyncadd.s32 $0xFFFFF000  }
0x2b: {  	_ =	swait.ge [sflag:s21], $0x800  }
0x2c: {  	[sflag:s21] =	ssyncset.done $0x0  }
0x2d: {  	[sflag:s21] =	ssyncadd.s32 $0xFFFFF800  }
0x2e: {  	_ =	swait.ge [sflag:s21], $0x800  }
0x2f: {  	s31 =	sand.u32 $0x1FFFFE00, s13;
	[sflag:s21] =	ssyncset.done $0x0  }
0x30: {  	s30 =	sadd.s32 s6, s31;
	[sflag:s21] =	ssyncadd.s32 $0xFFFFF800  }
0x31: {  	[hbm4b:s30+s1] =	stream.linear.scatter [tilespmem:s17], [sflag:$0x2], $0x1000, $0x38;
	[tilespmem:$0x3100] =	vst v63  }
0x32: {  	s25 =	sadd.s32 s7, s31;
	s31 =	sand.u32 $0x1FFFFF00, s14  }
0x33: {  	[hbm4b:s25+s1] =	stream.linear.scatter [tilespmem:s18], [sflag:$0x2], $0x1000, $0x38;
	[tilespmem:$0x3100] =	vst v63  }
0x34: {  	s30 =	sadd.s32 s8, s31  }
0x35: {  	[hbm4b:s30+s1] =	stream.linear.scatter [tilespmem:s19], [sflag:$0x2], $0x800, $0x38;
	[tilespmem:$0x3100] =	vst v63  }
0x36: {  	s31 =	sadd.s32 s9, s31  }
0x37: {  	[hbm4b:s31+s1] =	stream.linear.scatter [tilespmem:s20], [sflag:$0x2], $0x800, $0x38;
	[tilespmem:$0x3100] =	vst v63  }
0x38: {  	_ =	swait.ge [sflag:s22], $0x1000  }
0x39: {  	[sflag:s22] =	ssyncset.done $0x0  }
0x3a: {  	[sflag:s22] =	ssyncadd.s32 $0xFFFFF000  }
0x3b: {  	_ =	swait.ge [sflag:s22], $0x1000  }
0x3c: {  	[sflag:s22] =	ssyncset.done $0x0  }
0x3d: {  	p1 =	sne.s32 s24, $0x1;
	[sflag:s22] =	ssyncadd.s32 $0xFFFFF000  }
.Ltmp1:
0x3e: {  	_ =	swait.ge [sflag:s22], $0x800;
	(pc) =	sbr.rel @!p1 .LBB2_4-.Ltmp1, $4  }
0x3f: {  	[sflag:s22] =	ssyncset.done $0x0  }
0x40: {  	s28 =	sadd.s32 $0xFFFFFFFF, s24;
	s24 =	sadd.s32 $0x2000, s14;
	[sflag:s22] =	ssyncadd.s32 $0xFFFFF800  }
0x41: {  	p0 =	por $0x1, $0x1;
	s26 =	sadd.s32 $0x1000, s12;
	_ =	swait.ge [sflag:s22], $0x800  }
0x42: {  	s29 =	sshrl.u32 s26, $0x3;
	s25 =	smov.u32 s13;
	[sflag:s22] =	ssyncset.done $0x0  }
.LBB2_5:
0x43: {  	s30 =	sadd.s32 s4, s29;
	[sflag:s22] =	ssyncadd.s32 $0xFFFFF800  }
0x44: {  	[tilespmem:s1], [sflag:$0x3] =	stream.linear.gather [hbm4b:s30+s1], $0x80, $0x38;
	[tilespmem:$0x3100] =	vst v63  }
0x45: {  	_ =	swait.ge [sflag:s15], $0x80  }
0x46: {  	[sflag:s15] =	ssyncset.done $0x0  }
0x47: {  	s29 =	sadd.s32 s5, s29;
	[sflag:s15] =	ssyncadd.s32 $0xFFFFFF80  }
0x48: {  	[tilespmem:s16], [sflag:$0x3] =	stream.linear.gather [hbm4b:s29+s1], $0x80, $0x38;
	[tilespmem:$0x3100] =	vst v63  }
0x49: {  	_ =	swait.ge [sflag:s15], $0x80  }
0x4a: {  	[sflag:s15] =	ssyncset.done $0x0  }
0x4b: {  	s29 =	rddreg [dreg:$0x2];
	[sflag:s15] =	ssyncadd.s32 $0xFFFFFF80  }
0x4c: {  	[tilespmem:s17], [sflag:$0x1] =	stream.indirect.gather [hbm4b:s29+s16], $0x20, s1, s16, $0xb8;
	[tilespmem:$0x3100] =	vst v63  }
0x4d: {  	s31 =	rddreg [dreg:$0x3]  }
0x4e: {  	[tilespmem:s18], [sflag:$0x1] =	stream.indirect.gather [hbm4b:s31+s16], $0x20, s16, s16, $0xb8;
	[tilespmem:$0x3100] =	vst v63  }
0x4f: {  	_ = 	snop  }
0x50: {  	[tilespmem:s19], [sflag:$0x1] =	stream.indirect.gather [hbm4b:s3+s16], $0x10, s1, s16, $0xb8;
	[tilespmem:$0x3100] =	vst v63  }
0x51: {  	_ = 	snop  }
0x52: {  	[tilespmem:s20], [sflag:$0x1] =	stream.indirect.gather [hbm4b:s3+s16], $0x10, s16, s16, $0xb8;
	[tilespmem:$0x3100] =	vst v63  }
0x53: {  	_ =	swait.ge [sflag:s21], $0x1000  }
0x54: {  	[sflag:s21] =	ssyncset.done $0x0  }
0x55: {  	[sflag:s21] =	ssyncadd.s32 $0xFFFFF000  }
0x56: {  	_ =	swait.ge [sflag:s21], $0x1000  }
0x57: {  	[sflag:s21] =	ssyncset.done $0x0  }
0x58: {  	[sflag:s21] =	ssyncadd.s32 $0xFFFFF000  }
0x59: {  	_ =	swait.ge [sflag:s21], $0x800  }
0x5a: {  	[sflag:s21] =	ssyncset.done $0x0  }
0x5b: {  	[sflag:s21] =	ssyncadd.s32 $0xFFFFF800  }
0x5c: {  	s25 =	sadd.s32 $0x4000, s25;
	_ =	swait.ge [sflag:s21], $0x800  }
0x5d: {  	s29 =	sand.u32 $0x1FFFFE00, s25;
	[sflag:s21] =	ssyncset.done $0x0  }
0x5e: {  	s31 =	sadd.s32 s6, s29;
	[sflag:s21] =	ssyncadd.s32 $0xFFFFF800  }
0x5f: {  	[hbm4b:s31+s1] =	stream.linear.scatter [tilespmem:s17], [sflag:$0x2], $0x1000, $0x38;
	[tilespmem:$0x3100] =	vst v63  }
0x60: {  	s29 =	sadd.s32 s7, s29;
	s31 =	sand.u32 $0x1FFFFF00, s24  }
0x61: {  	[hbm4b:s29+s1] =	stream.linear.scatter [tilespmem:s18], [sflag:$0x2], $0x1000, $0x38;
	[tilespmem:$0x3100] =	vst v63  }
0x62: {  	s29 =	sadd.s32 s8, s31  }
0x63: {  	[hbm4b:s29+s1] =	stream.linear.scatter [tilespmem:s19], [sflag:$0x2], $0x800, $0x38;
	[tilespmem:$0x3100] =	vst v63  }
0x64: {  	s29 =	sadd.s32 s9, s31  }
0x65: {  	[hbm4b:s29+s1] =	stream.linear.scatter [tilespmem:s20], [sflag:$0x2], $0x800, $0x38;
	[tilespmem:$0x3100] =	vst v63  }
0x66: {  	_ =	swait.ge [sflag:s22], $0x1000  }
0x67: {  	[sflag:s22] =	ssyncset.done $0x0  }
0x68: {  	[sflag:s22] =	ssyncadd.s32 $0xFFFFF000  }
0x69: {  	_ =	swait.ge [sflag:s22], $0x1000  }
0x6a: {  	[sflag:s22] =	ssyncset.done $0x0  }
0x6b: {  	p1 =	sne.s32 s28, $0x1;
	[sflag:s22] =	ssyncadd.s32 $0xFFFFF000  }
.Ltmp2:
0x6c: {  	_ =	swait.ge [sflag:s22], $0x800;
	(pc) =	sbr.rel @p1 .LBB2_5-.Ltmp2, $4  }
0x6d: {  	[sflag:s22] =	ssyncset.done $0x0  }
0x6e: {  	[sflag:s22] =	ssyncadd.s32 $0xFFFFF800  }
0x6f: {  	s28 =	sadd.s32 $0xFFFFFFFF, s28;
	s26 =	sadd.s32 $0x1000, s26;
	_ =	swait.ge [sflag:s22], $0x800  }
0x70: {  	s24 =	sadd.s32 $0x2000, s24;
	s29 =	sshrl.u32 s26, $0x3;
	[sflag:s22] =	ssyncset.done $0x0  }
.LBB2_6:
0x71: {  	s26 =	sadd.s32 s4, s29;
	[sflag:s22] =	ssyncadd.s32 @p0 $0xFFFFF800  }
0x72: {  	[tilespmem:s1], [sflag:$0x3] =	stream.linear.gather [hbm4b:s26+s1], $0x80, $0x38;
	[tilespmem:$0x3100] =	vst v63  }
0x73: {  	_ =	swait.ge [sflag:s15], $0x80  }
0x74: {  	[sflag:s15] =	ssyncset.done $0x0  }
0x75: {  	s29 =	sadd.s32 s5, s29;
	[sflag:s15] =	ssyncadd.s32 $0xFFFFFF80  }
0x76: {  	[tilespmem:s16], [sflag:$0x3] =	stream.linear.gather [hbm4b:s29+s1], $0x80, $0x38;
	[tilespmem:$0x3100] =	vst v63  }
0x77: {  	_ =	swait.ge [sflag:s15], $0x80  }
0x78: {  	[sflag:s15] =	ssyncset.done $0x0  }
0x79: {  	s30 =	rddreg [dreg:$0x2];
	[sflag:s15] =	ssyncadd.s32 $0xFFFFFF80  }
0x7a: {  	[tilespmem:s17], [sflag:$0x1] =	stream.indirect.gather [hbm4b:s30+s16], $0x20, s1, s16, $0xb8;
	[tilespmem:$0x3100] =	vst v63  }
0x7b: {  	s28 =	rddreg [dreg:$0x3]  }
0x7c: {  	[tilespmem:s18], [sflag:$0x1] =	stream.indirect.gather [hbm4b:s28+s16], $0x20, s16, s16, $0xb8;
	[tilespmem:$0x3100] =	vst v63  }
0x7d: {  	_ = 	snop  }
0x7e: {  	[tilespmem:s19], [sflag:$0x1] =	stream.indirect.gather [hbm4b:s3+s16], $0x10, s1, s16, $0xb8;
	[tilespmem:$0x3100] =	vst v63  }
0x7f: {  	_ = 	snop  }
0x80: {  	[tilespmem:s20], [sflag:$0x1] =	stream.indirect.gather [hbm4b:s3+s16], $0x10, s16, s16, $0xb8;
	[tilespmem:$0x3100] =	vst v63  }
0x81: {  	_ =	swait.ge [sflag:s21], $0x1000  }
0x82: {  	[sflag:s21] =	ssyncset.done $0x0  }
0x83: {  	[sflag:s21] =	ssyncadd.s32 $0xFFFFF000  }
0x84: {  	_ =	swait.ge [sflag:s21], $0x1000  }
0x85: {  	[sflag:s21] =	ssyncset.done $0x0  }
0x86: {  	[sflag:s21] =	ssyncadd.s32 $0xFFFFF000  }
0x87: {  	_ =	swait.ge [sflag:s21], $0x800  }
0x88: {  	[sflag:s21] =	ssyncset.done $0x0  }
0x89: {  	s25 =	sadd.s32 @p0 $0x4000, s25;
	s26 =	smov.u32 s13;
	[sflag:s21] =	ssyncadd.s32 $0xFFFFF800  }
0x8a: {  	s26 =	smov.u32 @p0 s25;
	_ =	swait.ge [sflag:s21], $0x800  }
0x8b: {  	s25 =	sand.u32 $0x1FFFFE00, s26;
	[sflag:s21] =	ssyncset.done $0x0  }
0x8c: {  	s26 =	sadd.s32 s6, s25;
	[sflag:s21] =	ssyncadd.s32 $0xFFFFF800  }
0x8d: {  	[hbm4b:s26+s1] =	stream.linear.scatter [tilespmem:s17], [sflag:$0x2], $0x1000, $0x38;
	[tilespmem:$0x3100] =	vst v63  }
0x8e: {  	s24 =	sand.u32 $0x1FFFFF00, s24;
	s25 =	sadd.s32 s7, s25  }
0x8f: {  	[hbm4b:s25+s1] =	stream.linear.scatter [tilespmem:s18], [sflag:$0x2], $0x1000, $0x38;
	[tilespmem:$0x3100] =	vst v63  }
0x90: {  	s31 =	sadd.s32 s8, s24  }
0x91: {  	[hbm4b:s31+s1] =	stream.linear.scatter [tilespmem:s19], [sflag:$0x2], $0x800, $0x38;
	[tilespmem:$0x3100] =	vst v63  }
0x92: {  	s24 =	sadd.s32 s9, s24  }
0x93: {  	[hbm4b:s24+s1] =	stream.linear.scatter [tilespmem:s20], [sflag:$0x2], $0x800, $0x38;
	[tilespmem:$0x3100] =	vst v63  }
0x94: {  	_ =	swait.ge [sflag:s22], $0x1000  }
0x95: {  	[sflag:s22] =	ssyncset.done $0x0  }
0x96: {  	[sflag:s22] =	ssyncadd.s32 $0xFFFFF000  }
0x97: {  	_ =	swait.ge [sflag:s22], $0x1000  }
0x98: {  	[sflag:s22] =	ssyncset.done $0x0  }
0x99: {  	s23 =	sadd.s32 $0x1, s23;
	[sflag:s22] =	ssyncadd.s32 $0xFFFFF000  }
0x9a: {  	p0 =	sne.s32 s23, s10;
	_ =	swait.ge [sflag:s22], $0x800  }
.Ltmp3:
0x9b: {  	[sflag:s22] =	ssyncset.done $0x0;
	(pc) =	sbr.rel @p0 .LBB2_1-.Ltmp3, $4  }
.Ltmp4:
0x9c: {  	[sflag:s22] =	ssyncadd.s32 $0xFFFFF800;
	(pc) =	sbr.rel @!p0 .LBB2_7-.Ltmp4, $4  }
0x9d: {  	_ =	swait.ge [sflag:s22], $0x800  }
0x9e: {  	[sflag:s22] =	ssyncset.done $0x0  }
0x9f: {  	[sflag:s22] =	ssyncadd.s32 $0xFFFFF800  }
0xa0: {  	_ = 	snop  }
.LBB2_2:
.Ltmp5:
0xa1: {  	(pc) =	sbr.rel .LBB2_6-.Ltmp5, $2  }
0xa2: {  	_ =	sdelay $0x2  }
0xa3: {  	s25 =	smov.u32 s13;
	s24 =	smov.u32 s14  }
.LBB2_4:
.Ltmp6:
0xa4: {  	(pc) =	sbr.rel .LBB2_6-.Ltmp6, $2  }
0xa5: {  	_ =	sdelay $0x2  }
0xa6: {  	s25 =	smov.u32 s13  }
.LBB2_7:
0xa7: {  	_ =	sfence.sel $0x180000  }
0xa8: {  	[bflag:$0x0] =	sbarrier.arrive $0xFFFF  }
0xa9: {  	p0 =	sne.s32 s2, $0x0;
	_ =	strace $0x90000050  }
0xaa: {  	s0 =	sadd.s32 @!p0 $0x100000, s0;
	[bflag:$0x2] =	sbarrier.arrive $0xFFFF  }
0xab: {  	[sflag:s0] =	ssyncadd.tile.s32 @!p0 $0x1;
	_ =	shalt  }
.Lfunc_end2:
_tile_overlayer_lowered:
.L_overlay_start_2:
0xac: {  	(tag) =	ssettag $0x2  }
0xad: {  	s0 =	rddreg [dreg:$0x0];
	s2 =	stileid.u32  }
0xae: {  	s1 =	rddreg [dreg:$0x1];
	p0 =	sne.s32 s2, $0x0  }
0xaf: {  	s3 =	rddreg [dreg:$0x2];
	[bflag:$0x3] =	sbarrier.arrive $0xFFFF;
	s2 =	simm.s32 @!p0 $0x1C03  }
0xb0: {  	[timem:s3], [sflag:s2] =	dma.local @!p0 [hbm:s0], s1  }
0xb1: {  	s0 =	simm.s32 @!p0 $0x3  }
0xb2: {  	_ =	swait.ge @!p0 [sflag:s0], s1  }
0xb3: {  	s1 =	ssub.s32 @!p0 $0x0, s1;
	[sflag:s0] =	ssyncset.done @!p0 $0x0  }
0xb4: {  	[sflag:s0] =	ssyncadd.s32 @!p0 s1  }
0xb5: {  	[bflag:$0x3] =	sbarrier.arrive $0xFFFF  }
0xb6: {  	_ =	shalt  }

// kernel: egnn_sc_scatter16.3.cloned.1.call-start
scs
__scs_entry_jumppad:
0x0: {  	(pc) =	sbr.rel $0x88, $3  }
0x1: {  	(tag) =	ssettag $0x0;
	lr =	simm.s32 $0x1  }
0x2: {  	[smem:$0x3F84] =	sst lr;
	_ =	strace $0xD0000000  }
0x3: {  	_ = 	snop  }
0x4: {  	_ = 	snop  }
0x5: {  	_ = 	snop  }
0x6: {  	_ = 	snop  }
0x7: {  	_ = 	snop  }
__scs_overlays_trampoline_lowered:
0x8: {  	[smem:$0x3F93] =	sst s0  }
0x9: {  	[smem:$0x3F94] =	sst s1  }
0xa: {  	[smem:$0x3F95] =	sst s2  }
0xb: {  	[smem:$0x3F96] =	sst s3  }
0xc: {  	[smem:$0x3F97] =	sst s4  }
0xd: {  	[smem:$0x3F98] =	sst s5  }
0xe: {  	[smem:$0x3F99] =	sst s6  }
0xf: {  	[smem:$0x3F9A] =	sst s7  }
0x10: {  	[smem:$0x3F9B] =	sst s8  }
0x11: {  	[smem:$0x3F9C] =	sst s9;
	s0 =	simm.s32 @!p0 $0x0  }
0x12: {  	s1 =	sld [smem:$0x3F82];
	s0 =	simm.s32 @p0 $0x1  }
0x13: {  	[smem:$0x3F9D] =	sst s0;
	s0 =	simm.s32 @!p1 $0x0  }
0x14: {  	s2 =	sld [smem:$0x3F81];
	s0 =	simm.s32 @p1 $0x1  }
0x15: {  	[smem:$0x3F9E] =	sst s0;
	s0 =	simm.s32 @!p2 $0x0  }
0x16: {  	s3 =	sld [smem:$0x3FDB];
	s0 =	simm.s32 @p2 $0x1  }
0x17: {  	s4 =	simm.s32 $0x1BF5;
	[smem:$0x3FA0] =	sst s0  }
0x18: {  	s0 =	sld [smem:$0x3F83];
	_ =	swait.ge [sflag:s4], $0x0  }
0x19: {  	s7 =	sld [smem:$0x3F84]  }
0x1a: {  	s8 =	sadd.s32 $0xFFFFE003, lr  }
0x1b: {  	s9 =	sadd.s32 $0xFFFFFEF7, lr;
	s5 =	simm.s32 $0xFFFFFFFF;
	p2 =	slt.u32 s8, $0xFFFFF086  }
0x1c: {  	p1 =	slt.u32 s9, $0xF7A;
	s5 =	simm.s32 @!p2 $0x0  }
0x1d: {  	s5 =	simm.s32 @p1 $0x1;
	p0 =	seq.s32 s7, s2  }
0x1e: {  	s7 =	smul.u32 @!p0 $0xF7A, s2;
	p2 =	seq.s32 @!p0 s5, $0x0  }
0x1f: {  	s9 =	smul.u32 $0xF7A, s1;
	s8 =	simm.s32 @!p0 $0x1BF5;
	p2 =	por !p2, p0  }
0x20: {  	[sflag:s8] =	ssyncset.s32 @!p0 $0xFFFFF086;
	s6 =	sadd.s32 @!p0 s3, s7;
	s7 =	simm.s32 @!p0 $0x108  }
0x21: {  	s3 =	sadd.s32 s3, s9;
	s6 =	sadd.s32 @!p0 $0x88, s6;
	s7 =	simm.s32 @p2 $0x1082  }
0x22: {  	[simem:s7], [sflag:s8] =	dma.local @!p0 [hbm:s6], $0xF7A  }
0x23: {  	s9 =	sor.u32 $0xD0000000, s2;
	s6 =	simm.s32 $0x108;
	_ =	swait.ge @!p0 [sflag:s8], $0x0  }
0x24: {  	s3 =	sadd.s32 $0x88, s3;
	s6 =	simm.s32 @!p1 $0x1082;
	[sflag:s4] =	ssyncset.s32 $0xFFFFF086  }
0x25: {  	[simem:s6], [sflag:s4] =	dma.local [hbm:s3], $0xF7A  }
0x26: {  	[smem:$0x3F84] =	sst s1;
	(tag) =	ssettag s2;
	_ =	strace s9  }
0x27: {  	s1 =	sld [smem:$0x3F94]  }
0x28: {  	s2 =	sld [smem:$0x3F95]  }
0x29: {  	s4 =	sld [smem:$0x3F97]  }
0x2a: {  	p0 =	seq.s32 s5, $0x0;
	s5 =	sld [smem:$0x3F98]  }
0x2b: {  	s6 =	sld [smem:$0x3F99]  }
0x2c: {  	s7 =	sld [smem:$0x3F9A]  }
0x2d: {  	s3 =	simm.s32 $0x108;
	s8 =	sld [smem:$0x3F9B]  }
0x2e: {  	s3 =	simm.s32 @!p0 $0x1082;
	s9 =	sld [smem:$0x3F9C]  }
0x2f: {  	lr =	sadd.s32 s0, s3;
	s0 =	sld [smem:$0x3F93]  }
0x30: {  	s3 =	sld [smem:$0x3F96]  }
0x31: {  	[smem:$0x3F9F] =	sst s10  }
0x32: {  	s10 =	sld [smem:$0x3F9D];
	_ =	sdelay $0x3  }
0x33: {  	p0 =	seq.s32 s10, $0x1;
	s10 =	sld [smem:$0x3F9F];
	_ =	sdelay $0x3  }
0x34: {  	[smem:$0x3F9F] =	sst s10  }
0x35: {  	s10 =	sld [smem:$0x3F9E];
	_ =	sdelay $0x3  }
0x36: {  	p1 =	seq.s32 s10, $0x1;
	s10 =	sld [smem:$0x3F9F];
	_ =	sdelay $0x3  }
0x37: {  	[smem:$0x3F9F] =	sst s10  }
0x38: {  	s10 =	sld [smem:$0x3FA0]  }
0x39: {  	_ = 	snop;
	(pc) =	sbr.ind lr, $3  }
0x3a: {  	_ = 	snop  }
0x3b: {  	_ = 	snop  }
0x3c: {  	p2 =	seq.s32 s10, $0x1;
	s10 =	sld [smem:$0x3F9F]  }
0x3d: {  	_ =	shalt  }
0x3e: {  	_ =	shalt  }
0x3f: {  	_ =	shalt  }
0x40: {  	_ =	shalt  }
0x41: {  	_ =	shalt  }
0x42: {  	_ =	shalt  }
0x43: {  	_ =	shalt  }
0x44: {  	_ =	shalt  }
0x45: {  	_ =	shalt  }
0x46: {  	_ =	shalt  }
0x47: {  	_ =	shalt  }
0x48: {  	_ =	shalt  }
0x49: {  	_ =	shalt  }
0x4a: {  	_ =	shalt  }
0x4b: {  	_ =	shalt  }
0x4c: {  	_ =	shalt  }
0x4d: {  	_ =	shalt  }
0x4e: {  	_ =	shalt  }
0x4f: {  	_ =	shalt  }
0x50: {  	_ =	shalt  }
0x51: {  	_ =	shalt  }
0x52: {  	_ =	shalt  }
0x53: {  	_ =	shalt  }
0x54: {  	_ =	shalt  }
0x55: {  	_ =	shalt  }
0x56: {  	_ =	shalt  }
0x57: {  	_ =	shalt  }
0x58: {  	_ =	shalt  }
0x59: {  	_ =	shalt  }
0x5a: {  	_ =	shalt  }
0x5b: {  	_ =	shalt  }
0x5c: {  	_ =	shalt  }
0x5d: {  	_ =	shalt  }
0x5e: {  	_ =	shalt  }
0x5f: {  	_ =	shalt  }
0x60: {  	_ =	shalt  }
0x61: {  	_ =	shalt  }
0x62: {  	_ =	shalt  }
0x63: {  	_ =	shalt  }
0x64: {  	_ =	shalt  }
0x65: {  	_ =	shalt  }
0x66: {  	_ =	shalt  }
0x67: {  	_ =	shalt  }
0x68: {  	_ =	shalt  }
0x69: {  	_ =	shalt  }
0x6a: {  	_ =	shalt  }
0x6b: {  	_ =	shalt  }
0x6c: {  	_ =	shalt  }
0x6d: {  	_ =	shalt  }
0x6e: {  	_ =	shalt  }
0x6f: {  	_ =	shalt  }
0x70: {  	_ =	shalt  }
0x71: {  	_ =	shalt  }
0x72: {  	_ =	shalt  }
0x73: {  	_ =	shalt  }
0x74: {  	_ =	shalt  }
0x75: {  	_ =	shalt  }
0x76: {  	_ =	shalt  }
0x77: {  	_ =	shalt  }
0x78: {  	_ =	shalt  }
0x79: {  	_ =	shalt  }
0x7a: {  	_ =	shalt  }
0x7b: {  	_ =	shalt  }
0x7c: {  	_ =	shalt  }
0x7d: {  	_ =	shalt  }
0x7e: {  	_ =	shalt  }
0x7f: {  	_ =	shalt  }
0x80: {  	_ =	shalt  }
0x81: {  	_ =	shalt  }
0x82: {  	_ =	shalt  }
0x83: {  	_ =	shalt  }
0x84: {  	_ =	shalt  }
0x85: {  	_ =	shalt  }
0x86: {  	_ =	shalt  }
0x87: {  	_ =	shalt  }
.Lfunc_end0:
.L_simem_size_0:
called_computation.5_lowered:
.L_overlay_start_0:
0x88: {  	s2 =	sld [smem:$0x3FD9]  }
0x89: {  	s3 =	sld [smem:$0x3FFE];
	_ =	sdelay $0x1  }
0x8a: {  	s1 =	srdreg.scid  }
0x8b: {  	s0 =	sand.u32 $0x1, s1  }
0x8c: {  	s17 =	sshll.u32 s0, $0xA;
	s2 =	sadd.s32 s3, s2  }
0x8d: {  	s2 =	sadd.s32 s2, s17  }
0x8e: {  	[smem:$0x3FAB] =	sst s2  }
0x8f: {  	_ = 	snop  }
0x90: {  	(tm) =	ssettm $0x1  }
0x91: {  	s18 =	sld [smem:$0x3FFB];
	_ =	sdelay $0x3  }
0x92: {  	_ =	strace s18  }
0x93: {  	s2 =	sld [smem:$0x3FFC];
	_ =	sdelay $0x3  }
0x94: {  	_ =	strace s2  }
0x95: {  	s2 =	sld [smem:$0x3FFD];
	_ =	sdelay $0x3  }
0x96: {  	_ =	strace s2  }
0x97: {  	_ =	strace $0x8FFFFFFF  }
0x98: {  	s19 =	sld [smem:$0x3FDB];
	_ =	sdelay $0x1  }
0x99: {  	s20 =	simm.s32 $_scs_section_size  }
0x9a: {  	s4 =	simm.s32 $_size__tile_overlayer_lowered;
	s5 =	simm.s32 $_tile_overlayer_lowered  }
0x9b: {  	s6 =	simm.s32 $0x1BFF;
	s21 =	sshll.u32 s5, $0x1;
	s3 =	sadd.s32 s20, s19  }
0x9c: {  	s22 =	simm.s32 $0x0;
	s4 =	sshll.u32 s4, $0x1;
	s5 =	sadd.s32 s21, s3  }
0x9d: {  	[timem:s22], [sflag:s6] =	dma.local [hbm:s5], s4  }
0x9e: {  	_ =	swait.ge [sflag:s6], s4  }
0x9f: {  	s4 =	ssub.s32 $0x0, s4;
	[sflag:s6] =	ssyncset.done $0x0  }
0xa0: {  	[sflag:s6] =	ssyncadd.s32 s4;
	_ =	sdelay $0x1  }
0xa1: {  	s23 =	simm.s32 $0x1B8B  }
0xa2: {  	_ =	swait.ge [sflag:s23], $0x1  }
0xa3: {  	[sflag:s23] =	ssyncset.done $0x0  }
0xa4: {  	[sflag:s23] =	ssyncadd.s32 $0xFFFFFFFF  }
0xa5: {  	s4 =	sld [smem:$0x0]  }
0xa6: {  	s5 =	sand.u32 $0xFFFFFFFE, s1  }
0xa7: {  	p0 =	sne.s32 s1, s5  }
0xa8: {  	s5 =	sshll.u32 @p0 s5, $0xE  }
0xa9: {  	s5 =	sadd.s32 @p0 $0x11B8D, s5;
	s6 =	sshll.u32 @p0 s4, $0x11  }
0xaa: {  	s5 =	sor.u32 @p0 s6, s5  }
0xab: {  	[sflag:s5] =	ssyncadd.remote.s32 @p0 $0x1;
	_ =	sdelay $0x1  }
0xac: {  	s5 =	simm.s32 @p0 $0x1B8D  }
0xad: {  	_ =	swait.eq @p0 [sflag:s5], $0x1  }
0xae: {  	[sflag:s5] =	ssyncadd.s32 @p0 $0xFFFFFFFF  }
0xaf: {  	s6 =	sshll.u32 @!p0 s1, $0xE  }
0xb0: {  	s6 =	sor.u32 @!p0 $0x4000, s6;
	s5 =	simm.s32 @!p0 $0x1B8D  }
0xb1: {  	s4 =	sshll.u32 @!p0 s4, $0x11;
	s6 =	sadd.s32 @!p0 $0x11B8D, s6;
	_ =	swait.eq @!p0 [sflag:s5], $0x1  }
0xb2: {  	s4 =	sor.u32 @!p0 s4, s6;
	[sflag:s5] =	ssyncadd.s32 @!p0 $0xFFFFFFFF  }
0xb3: {  	s25 =	simm.s32 $0x1B8E;
	s24 =	sld [smem:$0x3FFE];
	[sflag:s4] =	ssyncadd.remote.s32 @!p0 $0x1  }
0xb4: {  	s26 =	simm.s32 $execute0_lowered;
	[smem:$0x3FD2] =	sst s25  }
0xb5: {  	s5 =	sshll.u32 s26, $0x1;
	_ =	strace $0x80000055;
	[dreg:$0x1] =	wrdreg $0xFFFFFFFF  }
0xb6: {  	s28 =	simm.s32 $_size_execute0_lowered;
	s3 =	sadd.s32 s3, s5;
	[dreg:$0x0] =	wrdreg $0x0  }
0xb7: {  	s5 =	sshll.u32 s28, $0x1;
	[dreg:$0x2] =	wrdreg s3  }
0xb8: {  	[dreg:$0x3] =	wrdreg s5  }
0xb9: {  	[dreg:$0x4] =	wrdreg $0xC0  }
0xba: {  	_ =	task [dreg:s22], $0x5FFFF  }
0xbb: {  	[dreg:$0x1] =	wrdreg $0xFFFFFFFF  }
0xbc: {  	[dreg:$0x0] =	wrdreg $0x60  }
0xbd: {  	[dreg:$0x2] =	wrdreg s24  }
0xbe: {  	[dreg:$0x3] =	wrdreg $0x0  }
0xbf: {  	[dreg:$0x4] =	wrdreg $0xA  }
0xc0: {  	_ =	task.clear_ibuf [dreg:s22], $0x5FFFF;
	_ =	strace $0x90000055  }
0xc1: {  	s29 =	simm.s32 $0xA;
	_ =	strace $0x80000057  }
0xc2: {  	_ =	swait.ge [sflag:s29], $0x1  }
0xc3: {  	[sflag:s29] =	ssyncadd.s32 $0xFFFFFFFF  }
0xc4: {  	_ =	strace $0x90000057  }
0xc5: {  	_ =	sfence  }
0xc6: {  	s30 =	sld [smem:$0x0];
	_ =	sdelay $0x2  }
0xc7: {  	s31 =	sshll.u32 s1, $0xD;
	s1 =	sshrl.u32 s1, $0x2  }
0xc8: {  	s4 =	sand.u32 $0x4000, s31;
	s1 =	sadd.s32 s1, s30  }
0xc9: {  	s0 =	sor.u32 s4, s0;
	s1 =	sshll.u32 s1, $0x11  }
0xca: {  	s0 =	sor.u32 s1, s0  }
0xcb: {  	s0 =	sadd.s32 $0x8F2B, s0  }
0xcc: {  	[sflag:s0] =	ssyncadd.remote.s32 $0x1  }
0xcd: {  	_ =	sfence.sel $0xFFFF  }
0xce: {  	[dreg:$0x0] =	wrdreg $0xFFFFFFFF;
	(pc) =	sbr.abs _section_cstart, $3  }
0xcf: {  	[dreg:$0x1] =	wrdreg $0xFFFFFFFF  }
0xd0: {  	_ =	task.clear_ibuf [dreg:s22], $0x2FFFF;
	_ =	strace $0x9FFFFFFF  }
0xd1: {  	(tm) =	ssettm $0x7FFFFFFF  }
tec
execute0_lowered:
.L_overlay_start_1:
0x0: {  	(tag) =	ssettag $0x1  }
0x1: {  	s0 =	rddreg [dreg:$0x0]  }
0x2: {  	s1 =	rddreg [dreg:$0x1];
	s3 =	simm.s32 $0x0;
	s4 =	srdreg.scid  }
0x3: {  	s2 =	stileid.u32;
	s18 =	simm.s32 $0xD100;
	s19 =	simm.s32 $0x1  }
0x4: {  	s20 =	simm.s32 $0xC800;
	s21 =	simm.s32 $0xC900;
	s7 =	smul.u32 $0xC80, s2  }
0x5: {  	[smem:$0x7FF] =	sst s3;
	s4 =	sand.u32 $0x1, s4;
	s28 =	smul.u32 $0x32000, s2  }
0x6: {  	s5 =	sshll.u32 s2, $0x4;
	s23 =	sshll.u32 s2, $0x8;
	s17 =	smul.u32 $0x1900, s2  }
0x7: {  	s30 =	ssub.s32 $0x30E3, s2;
	_ =	strace $0x80000056;
	s6 =	smul.u32 $0x186A0, s4  }
0x8: {  	s14 =	sadd.s32 s5, s0;
	s15 =	sadd.s32 s23, s0;
	s24 =	ssub.s32 $0x2, s4  }
0x9: {  	s22 =	smul.u32 $0xC350, s4;
	s4 =	sshrl.u32 s30, $0x4;
	s25 =	sshrl.u32 s24, $0x1  }
0xa: {  	s26 =	ssub.s32 $0xC350, s7;
	s7 =	sshrl.u32 s28, $0x2;
	s14 =	sadd.s32 $0x220A00, s14  }
0xb: {  	s16 =	sadd.s32 s6, s0;
	s0 =	ssub.s32 s24, s25;
	s29 =	smin.u32 s26, $0xC80  }
0xc: {  	s23 =	sadd.s32 $0xC350, s22;
	s5 =	sadd.s32 s7, s1;
	v0 =	vmov s22;
	s22 =	simm.s32 $0x80  }
0xd: {  	s24 =	simm.s32 $0x0;
	s6 =	smul.u32 $0x51F, s29;
	s7 =	smax.u32 s0, $0x1  }
0xe: {  	s8 =	sadd.s32 $0x1900, s5;
	s9 =	sadd.s32 $0x3200, s5;
	s10 =	sadd.s32 $0x4B00, s5  }
0xf: {  	s11 =	sadd.s32 $0x6400, s5;
	s12 =	sadd.s32 $0x7D00, s5;
	s13 =	sadd.s32 $0x9600, s5  }
0x10: {  	s0 =	sadd.s32 $0x251800, s15;
	s31 =	sadd.s32 s17, s16;
	s16 =	sadd.s32 $0xAF00, s5  }
0x11: {  	v2 =	vimm.f32 $0.0e+00;
	v1 =	vmov s23;
	s23 =	simm.s32 $0xC880;
	s17 =	sadd.s32 $0x990E00, s31;
	s6 =	sshrl.u32 s6, $0x13  }
.LBB2_1:
0x12: {  	s15 =	simm.s32 $0x40;
	s25 =	simm.s32 $0x0  }
.LBB2_2:
0x13: {  	p0 =	sne.s32 s15, $0x63C0;
	[tilespmem:s25+$0xD100] =	vst v2;
	s25 =	smov.u32 s15;
	s15 =	sadd.s32 $0x40, s15  }
.Ltmp0:
0x14: {  	(pc) =	sbr.rel @p0 .LBB2_2-.Ltmp0, $2  }
0x15: {  	_ =	sdelay $0x2  }
0x16: {  	s25 =	sshra.s32 s25, $0x2  }
0x17: {  	[tilespmem:s25+$0xD100] =	vst v2  }
0x18: {  	[spmem:s5] =	stream.linear.scatter [tilespmem:s18], [sflag:$0x1], $0x1900, $0x38;
	[tilespmem:$0xEA00] =	vst v63  }
0x19: {  	_ =	swait.ge [sflag:s19], $0x1900  }
0x1a: {  	[sflag:s19] =	ssyncset.done $0x0  }
0x1b: {  	[sflag:s19] =	ssyncadd.s32 $0xFFFFE700  }
0x1c: {  	[spmem:s8] =	stream.linear.scatter [tilespmem:s18], [sflag:$0x1], $0x1900, $0x38;
	[tilespmem:$0xEA00] =	vst v63  }
0x1d: {  	_ =	swait.ge [sflag:s19], $0x1900  }
0x1e: {  	[sflag:s19] =	ssyncset.done $0x0  }
0x1f: {  	[sflag:s19] =	ssyncadd.s32 $0xFFFFE700  }
0x20: {  	[spmem:s9] =	stream.linear.scatter [tilespmem:s18], [sflag:$0x1], $0x1900, $0x38;
	[tilespmem:$0xEA00] =	vst v63  }
0x21: {  	_ =	swait.ge [sflag:s19], $0x1900  }
0x22: {  	[sflag:s19] =	ssyncset.done $0x0  }
0x23: {  	[sflag:s19] =	ssyncadd.s32 $0xFFFFE700  }
0x24: {  	[spmem:s10] =	stream.linear.scatter [tilespmem:s18], [sflag:$0x1], $0x1900, $0x38;
	[tilespmem:$0xEA00] =	vst v63  }
0x25: {  	_ =	swait.ge [sflag:s19], $0x1900  }
0x26: {  	[sflag:s19] =	ssyncset.done $0x0  }
0x27: {  	[sflag:s19] =	ssyncadd.s32 $0xFFFFE700  }
0x28: {  	[spmem:s11] =	stream.linear.scatter [tilespmem:s18], [sflag:$0x1], $0x1900, $0x38;
	[tilespmem:$0xEA00] =	vst v63  }
0x29: {  	_ =	swait.ge [sflag:s19], $0x1900  }
0x2a: {  	[sflag:s19] =	ssyncset.done $0x0  }
0x2b: {  	[sflag:s19] =	ssyncadd.s32 $0xFFFFE700  }
0x2c: {  	[spmem:s12] =	stream.linear.scatter [tilespmem:s18], [sflag:$0x1], $0x1900, $0x38;
	[tilespmem:$0xEA00] =	vst v63  }
0x2d: {  	_ =	swait.ge [sflag:s19], $0x1900  }
0x2e: {  	[sflag:s19] =	ssyncset.done $0x0  }
0x2f: {  	[sflag:s19] =	ssyncadd.s32 $0xFFFFE700  }
0x30: {  	[spmem:s13] =	stream.linear.scatter [tilespmem:s18], [sflag:$0x1], $0x1900, $0x38;
	[tilespmem:$0xEA00] =	vst v63  }
0x31: {  	_ =	swait.ge [sflag:s19], $0x1900  }
0x32: {  	[sflag:s19] =	ssyncset.done $0x0  }
0x33: {  	p2 =	sne.s32 s4, $0x1;
	[sflag:s19] =	ssyncadd.s32 $0xFFFFE700  }
0x34: {  	[spmem:s16] =	stream.linear.scatter [tilespmem:s18], [sflag:$0x1], $0x1900, $0x38;
	[tilespmem:$0xEA00] =	vst v63  }
.Ltmp1:
0x35: {  	_ =	swait.ge [sflag:s19], $0x1900;
	(pc) =	sbr.rel @!p2 .LBB2_4-.Ltmp1, $4  }
0x36: {  	[sflag:s19] =	ssyncset.done $0x0  }
0x37: {  	[sflag:s19] =	ssyncadd.s32 $0xFFFFE700  }
0x38: {  	[bflag:$0x0] =	sbarrier.arrive $0xFFFF  }
0x39: {  	s25 =	sadd.s32 $0xFFFFFFFF, s4;
	p0 =	por $0x0, $0x0;
	p1 =	por $0x0, $0x0  }
0x3a: {  	p2 =	sne.s32 s25, $0x1  }
.Ltmp2:
0x3b: {  	_ = 	snop;
	(pc) =	sbr.rel @!p2 .LBB2_6-.Ltmp2, $3  }
0x3c: {  	_ =	sdelay $0x1  }
0x3d: {  	s26 =	sadd.s32 $0x100, s14  }
0x3e: {  	s15 =	sadd.s32 $0x1000, s0;
	s28 =	sadd.s32 $0xFFFFFFFF, s25;
	p0 =	por $0x1, $0x1  }
0x3f: {  	[tilespmem:s20], [sflag:$0x1] =	stream.linear.gather [hbm4b:s14+s3], $0x80, $0x38;
	[tilespmem:$0xEA00] =	vst v63  }
0x40: {  	_ =	swait.ge [sflag:s19], $0x80  }
0x41: {  	[sflag:s19] =	ssyncset.done $0x0  }
0x42: {  	[sflag:s19] =	ssyncadd.s32 $0xFFFFFF80  }
0x43: {  	[tilespmem:s21], [sflag:$0x1] =	stream.linear.gather [hbm4b:s0+s3], $0x800, $0x38;
	[tilespmem:$0xEA00] =	vst v63  }
0x44: {  	_ =	swait.ge [sflag:s19], $0x800  }
0x45: {  	[sflag:s19] =	ssyncset.done $0x0  }
0x46: {  	[sflag:s19] =	ssyncadd.s32 $0xFFFFF800  }
0x47: {  	v3 =	vld [tilespmem:$0xC800]  }
0x48: {  	v4 =	vld [tilespmem:$0xC840]  }
0x49: {  	v5 =	vld [tilespmem:$0xC820]  }
0x4a: {  	v6 =	vld [tilespmem:$0xC850]  }
0x4b: {  	v7 =	vld [tilespmem:$0xC870]  }
0x4c: {  	v8 =	vld [tilespmem:$0xC860]  }
0x4d: {  	vm0 =	vlt.s32 v3, v1;
	v9 =	vsub.s32 v3, v0;
	vm1 =	vge.s32 v4, v0  }
0x4e: {  	v10 =	vld [tilespmem:$0xC810];
	vm2 =	vge.s32 v3, v0;
	vm3 =	vlt.s32 v5, v1;
	v11 =	vsub.s32 v5, v0  }
0x4f: {  	vm4 =	vge.s32 v5, v0;
	vm5 =	vlt.s32 v4, v1;
	vm6 =	vge.s32 v6, v0  }
0x50: {  	vm7 =	vlt.s32 v6, v1;
	v5 =	vsub.s32 v6, v0;
	vm8 =	vge.s32 v7, v0  }
0x51: {  	v4 =	vsub.s32 v4, v0;
	vm13 =	vge.s32 v8, v0;
	v6 =	vsub.s32 v8, v0  }
0x52: {  	v3 =	vld [tilespmem:$0xC830];
	v12 =	vsub.s32 v7, v0;
	vm14 =	vlt.s32 v7, v1;
	vm1 =	vmand vm1, vm5  }
0x53: {  	p2 =	sne.s32 s28, $0x1;
	vm15 =	vge.s32 v10, v0;
	v4 =	vnsel vm1, $0xC350, v4;
	vm1 =	vmand vm2, vm0  }
.Ltmp3:
0x54: {  	vm2 =	vlt.s32 v10, v1;
	[tilespmem:$0xC8C0] =	vst v4;
	v4 =	vnsel vm1, $0xC350, v9;
	vm1 =	vmand vm4, vm3;
	(pc) =	sbr.rel @!p2 .LBB2_8-.Ltmp3, $4  }
0x55: {  	vm3 =	vlt.s32 v8, v1;
	[tilespmem:$0xC880] =	vst v4;
	v4 =	vnsel vm1, $0xC350, v11;
	vm1 =	vmand vm6, vm7  }
0x56: {  	[tilespmem:$0xC8A0] =	vst v4;
	v4 =	vnsel vm1, $0xC350, v5;
	vm1 =	vmand vm13, vm3;
	vm3 =	vmand vm8, vm14  }
0x57: {  	s29 =	sadd.s32 $0x100, s26;
	s25 =	sadd.s32 $0x1000, s15;
	s30 =	sadd.s32 $0xFFFFFFFF, s28;
	vm0 =	vge.s32 v3, v0;
	[tilespmem:$0xC8D0] =	vst v4;
	v4 =	vnsel vm1, $0xC350, v6;
	v6 =	vnsel vm3, $0xC350, v12  }
0x58: {  	p1 =	por $0x1, $0x1;
	s31 =	smov.u32 s29;
	s28 =	smov.u32 s25;
	v5 =	vsub.s32 v10, v0;
	vm1 =	vmand vm15, vm2;
	vm2 =	vlt.s32 v3, v1;
	[tilespmem:$0xC8F0] =	vst v6  }
.LBB2_9:
0x59: {  	p2 =	sne.s32 s30, $0x1;
	s31 =	sadd.s32 $0x100, s31;
	s28 =	sadd.s32 $0x1000, s28;
	v5 =	vnsel vm1, $0xC350, v5;
	vm0 =	vmand vm0, vm2;
	v3 =	vsub.s32 v3, v0;
	[tilespmem:$0xC8E0] =	vst v4  }
0x5a: {  	s30 =	sadd.s32 $0xFFFFFFFF, s30;
	[tilespmem:$0xC890] =	vst v5;
	v3 =	vnsel vm0, $0xC350, v3  }
0x5b: {  	[tilespmem:$0xC8B0] =	vst v3  }
0x5c: {  	[spmem:s1] =	stream.indirect.scatter.add.f32 [tilespmem:s21], [sflag:$0x1], $0x10, s23, s22, $0xb8;
	[tilespmem:$0xEA00] =	vst v63  }
0x5d: {  	_ =	swait.ge [sflag:s19], $0x800  }
0x5e: {  	[sflag:s19] =	ssyncset.done $0x0  }
0x5f: {  	[sflag:s19] =	ssyncadd.s32 $0xFFFFF800  }
0x60: {  	[tilespmem:s20], [sflag:$0x1] =	stream.linear.gather [hbm4b:s26+s3], $0x80, $0x38;
	[tilespmem:$0xEA00] =	vst v63  }
0x61: {  	s26 =	smov.u32 s29;
	s29 =	smov.u32 s31;
	_ =	swait.ge [sflag:s19], $0x80  }
0x62: {  	[sflag:s19] =	ssyncset.done $0x0  }
0x63: {  	[sflag:s19] =	ssyncadd.s32 $0xFFFFFF80  }
0x64: {  	[tilespmem:s21], [sflag:$0x1] =	stream.linear.gather [hbm4b:s15+s3], $0x800, $0x38;
	[tilespmem:$0xEA00] =	vst v63  }
0x65: {  	s15 =	smov.u32 s25;
	s25 =	smov.u32 s28;
	_ =	swait.ge [sflag:s19], $0x800  }
0x66: {  	[sflag:s19] =	ssyncset.done $0x0  }
0x67: {  	[sflag:s19] =	ssyncadd.s32 $0xFFFFF800  }
0x68: {  	v3 =	vld [tilespmem:$0xC800]  }
0x69: {  	v4 =	vld [tilespmem:$0xC840]  }
0x6a: {  	v5 =	vld [tilespmem:$0xC820]  }
0x6b: {  	v6 =	vld [tilespmem:$0xC850]  }
0x6c: {  	v7 =	vld [tilespmem:$0xC870]  }
0x6d: {  	v8 =	vld [tilespmem:$0xC860]  }
0x6e: {  	vm0 =	vlt.s32 v3, v1;
	v9 =	vsub.s32 v3, v0;
	v10 =	vld [tilespmem:$0xC810];
	vm1 =	vge.s32 v4, v0  }
0x6f: {  	vm2 =	vge.s32 v3, v0;
	vm3 =	vlt.s32 v5, v1;
	v11 =	vsub.s32 v5, v0;
	v3 =	vld [tilespmem:$0xC830]  }
0x70: {  	vm5 =	vlt.s32 v4, v1;
	vm4 =	vge.s32 v5, v0;
	vm6 =	vge.s32 v6, v0  }
0x71: {  	vm7 =	vlt.s32 v6, v1;
	v5 =	vsub.s32 v6, v0;
	vm8 =	vge.s32 v7, v0  }
0x72: {  	v4 =	vsub.s32 v4, v0;
	vm1 =	vmand vm1, vm5;
	vm5 =	vge.s32 v8, v0  }
0x73: {  	v4 =	vnsel vm1, $0xC350, v4;
	v12 =	vsub.s32 v7, v0;
	v6 =	vsub.s32 v8, v0  }
0x74: {  	vm1 =	vmand vm2, vm0;
	vm2 =	vlt.s32 v10, v1;
	vm0 =	vge.s32 v3, v0;
	[tilespmem:$0xC8C0] =	vst v4  }
.Ltmp4:
0x75: {  	v4 =	vnsel vm1, $0xC350, v9;
	vm1 =	vmand vm4, vm3;
	vm3 =	vlt.s32 v8, v1;
	(pc) =	sbr.rel @p2 .LBB2_9-.Ltmp4, $4  }
0x76: {  	vm4 =	vlt.s32 v7, v1;
	[tilespmem:$0xC880] =	vst v4;
	v4 =	vnsel vm1, $0xC350, v11;
	vm1 =	vmand vm6, vm7  }
0x77: {  	[tilespmem:$0xC8A0] =	vst v4;
	v4 =	vnsel vm1, $0xC350, v5;
	vm1 =	vmand vm5, vm3;
	vm3 =	vmand vm8, vm4  }
0x78: {  	vm4 =	vge.s32 v10, v0;
	[tilespmem:$0xC8D0] =	vst v4;
	v4 =	vnsel vm1, $0xC350, v6;
	v6 =	vnsel vm3, $0xC350, v12  }
0x79: {  	v5 =	vsub.s32 v10, v0;
	vm1 =	vmand vm4, vm2;
	vm2 =	vlt.s32 v3, v1;
	[tilespmem:$0xC8F0] =	vst v6  }
0x7a: {  	s28 =	smov.u32 s26  }
0x7b: {  	s30 =	smov.u32 s15;
	s26 =	smov.u32 s29;
	s15 =	smov.u32 s25  }
.LBB2_11:
0x7c: {  	v5 =	vnsel @p1 vm1, $0xC350, v5;
	vm0 =	vmand @p1 vm0, vm2;
	v3 =	vsub.s32 @p1 v3, v0;
	[tilespmem:$0xC8E0] =	vst @p1 v4  }
0x7d: {  	[tilespmem:$0xC890] =	vst @p1 v5;
	v3 =	vnsel @p1 vm0, $0xC350, v3  }
0x7e: {  	[tilespmem:$0xC8B0] =	vst @p1 v3  }
0x7f: {  	[spmem:s1] =	stream.indirect.scatter.add.f32 @p1 [tilespmem:s21], [sflag:$0x1], $0x10, s23, s22, $0xb8;
	[tilespmem:$0xEA00] =	vst v63  }
0x80: {  	_ =	swait.ge @p1 [sflag:s19], $0x800  }
0x81: {  	[sflag:s19] =	ssyncset.done @p1 $0x0  }
0x82: {  	[sflag:s19] =	ssyncadd.s32 @p1 $0xFFFFF800  }
0x83: {  	[tilespmem:s20], [sflag:$0x1] =	stream.linear.gather @p0 [hbm4b:s28+s3], $0x80, $0x38;
	[tilespmem:$0xEA00] =	vst v63  }
0x84: {  	_ =	swait.ge @p0 [sflag:s19], $0x80  }
0x85: {  	[sflag:s19] =	ssyncset.done @p0 $0x0  }
0x86: {  	[sflag:s19] =	ssyncadd.s32 @p0 $0xFFFFFF80  }
0x87: {  	[tilespmem:s21], [sflag:$0x1] =	stream.linear.gather @p0 [hbm4b:s30+s3], $0x800, $0x38;
	[tilespmem:$0xEA00] =	vst v63  }
0x88: {  	_ =	swait.ge @p0 [sflag:s19], $0x800  }
0x89: {  	[sflag:s19] =	ssyncset.done @p0 $0x0  }
0x8a: {  	[sflag:s19] =	ssyncadd.s32 @p0 $0xFFFFF800  }
0x8b: {  	v3 =	vld @p0 [tilespmem:$0xC800]  }
0x8c: {  	v4 =	vld @p0 [tilespmem:$0xC840]  }
0x8d: {  	v5 =	vld @p0 [tilespmem:$0xC820]  }
0x8e: {  	v6 =	vld @p0 [tilespmem:$0xC850]  }
0x8f: {  	v7 =	vld @p0 [tilespmem:$0xC870]  }
0x90: {  	v8 =	vld @p0 [tilespmem:$0xC860]  }
0x91: {  	v10 =	vld @p0 [tilespmem:$0xC810];
	vm0 =	vlt.s32 @p0 v3, v1;
	v9 =	vsub.s32 @p0 v3, v0;
	vm1 =	vge.s32 @p0 v4, v0  }
0x92: {  	v11 =	vld @p0 [tilespmem:$0xC830];
	vm2 =	vge.s32 @p0 v3, v0;
	vm3 =	vlt.s32 @p0 v5, v1;
	v3 =	vsub.s32 @p0 v5, v0  }
0x93: {  	vm4 =	vge.s32 @p0 v5, v0;
	vm5 =	vlt.s32 @p0 v4, v1;
	vm6 =	vge.s32 @p0 v6, v0  }
0x94: {  	vm7 =	vlt.s32 @p0 v6, v1;
	v5 =	vsub.s32 @p0 v6, v0;
	vm8 =	vge.s32 @p0 v7, v0  }
0x95: {  	v4 =	vsub.s32 @p0 v4, v0;
	v6 =	vsub.s32 @p0 v8, v0;
	v12 =	vsub.s32 @p0 v7, v0  }
0x96: {  	vm1 =	vmand @p0 vm1, vm5;
	vm5 =	vge.s32 @p0 v8, v0;
	vm0 =	vmand @p0 vm2, vm0  }
0x97: {  	vm2 =	vge.s32 @p0 v11, v0;
	v4 =	vnsel @p0 vm1, $0xC350, v4;
	vm1 =	vlt.s32 @p0 v10, v1  }
0x98: {  	v9 =	vnsel @p0 vm0, $0xC350, v9;
	vm0 =	vmand @p0 vm4, vm3;
	vm3 =	vlt.s32 @p0 v8, v1  }
0x99: {  	vm4 =	vlt.s32 @p0 v7, v1;
	v3 =	vnsel @p0 vm0, $0xC350, v3;
	vm0 =	vmand @p0 vm6, vm7  }
0x9a: {  	vm2 =	vmmov @p0 vm2;
	[tilespmem:$0xC8C0] =	vst @p0 v4;
	v4 =	vnsel @p0 vm0, $0xC350, v5;
	vm0 =	vmand @p0 vm5, vm3  }
0x9b: {  	vm3 =	vmand @p0 vm8, vm4;
	vm4 =	vge.s32 @p0 v10, v0;
	[tilespmem:$0xC8A0] =	vst @p0 v3;
	v3 =	vsub.s32 @p0 v10, v0  }
0x9c: {  	[tilespmem:$0xC880] =	vst @p0 v9;
	v5 =	vnsel @p0 vm0, $0xC350, v6;
	v6 =	vnsel @p0 vm3, $0xC350, v12;
	vm0 =	vmand @p0 vm4, vm1  }
0x9d: {  	vm1 =	vlt.s32 @p0 v11, v1;
	[tilespmem:$0xC8D0] =	vst @p0 v4;
	v3 =	vpsel p0, v3, v0;
	v4 =	vpsel p0, v11, v0  }
0x9e: {  	vm0 =	vmmov @p0 vm0;
	[tilespmem:$0xC8F0] =	vst @p0 v6;
	vm1 =	vmmov @p0 vm1;
	v5 =	vpsel p0, v5, v0  }
0x9f: {  	v4 =	vsub.s32 @p0 v4, v0;
	v3 =	vnsel @p0 vm0, $0xC350, v3;
	vm0 =	vmand @p0 vm2, vm1;
	[tilespmem:$0xC8E0] =	vst @p0 v5  }
0xa0: {  	[tilespmem:$0xC890] =	vst @p0 v3;
	v3 =	vnsel @p0 vm0, $0xC350, v4  }
0xa1: {  	[tilespmem:$0xC8B0] =	vst @p0 v3  }
0xa2: {  	[spmem:s1] =	stream.indirect.scatter.add.f32 @p0 [tilespmem:s21], [sflag:$0x1], $0x10, s23, s22, $0xb8;
	[tilespmem:$0xEA00] =	vst v63  }
0xa3: {  	_ =	swait.ge @p0 [sflag:s19], $0x800  }
0xa4: {  	[sflag:s19] =	ssyncset.done @p0 $0x0  }
0xa5: {  	[sflag:s19] =	ssyncadd.s32 @p0 $0xFFFFF800  }
0xa6: {  	[tilespmem:s20], [sflag:$0x1] =	stream.linear.gather [hbm4b:s26+s3], $0x80, $0x38;
	[tilespmem:$0xEA00] =	vst v63  }
0xa7: {  	_ =	swait.ge [sflag:s19], $0x80  }
0xa8: {  	[sflag:s19] =	ssyncset.done $0x0  }
0xa9: {  	[sflag:s19] =	ssyncadd.s32 $0xFFFFFF80  }
0xaa: {  	[tilespmem:s21], [sflag:$0x1] =	stream.linear.gather [hbm4b:s15+s3], $0x800, $0x38;
	[tilespmem:$0xEA00] =	vst v63  }
0xab: {  	_ =	swait.ge [sflag:s19], $0x800  }
0xac: {  	[sflag:s19] =	ssyncset.done $0x0  }
0xad: {  	[sflag:s19] =	ssyncadd.s32 $0xFFFFF800  }
0xae: {  	v3 =	vld [tilespmem:$0xC800]  }
0xaf: {  	v48 =	vld [tilespmem:$0xC840]  }
0xb0: {  	v49 =	vld [tilespmem:$0xC820]  }
0xb1: {  	v50 =	vld [tilespmem:$0xC850]  }
0xb2: {  	v51 =	vld [tilespmem:$0xC870]  }
0xb3: {  	v52 =	vld [tilespmem:$0xC860]  }
0xb4: {  	v54 =	vld [tilespmem:$0xC810];
	vm0 =	vlt.s32 v3, v1;
	v53 =	vsub.s32 v3, v0;
	vm12 =	vge.s32 v48, v0  }
0xb5: {  	vm2 =	vge.s32 v3, v0;
	vm3 =	vlt.s32 v49, v1;
	v3 =	vsub.s32 v49, v0  }
0xb6: {  	v55 =	vld [tilespmem:$0xC830];
	vm13 =	vge.s32 v49, v0;
	vm14 =	vlt.s32 v48, v1;
	vm6 =	vge.s32 v50, v0  }
0xb7: {  	vm15 =	vlt.s32 v50, v1;
	v56 =	vsub.s32 v50, v0;
	vm8 =	vge.s32 v51, v0  }
0xb8: {  	v4 =	vsub.s32 v48, v0;
	v57 =	vsub.s32 v52, v0;
	v58 =	vsub.s32 v51, v0  }
0xb9: {  	vm9 =	vlt.s32 v51, v1;
	v61 =	vsub.s32 v54, v0;
	vm1 =	vmand vm12, vm14  }
0xba: {  	vm12 =	vge.s32 v52, v0;
	vm0 =	vmand vm2, vm0;
	v4 =	vnsel vm1, $0xC350, v4  }
0xbb: {  	vm2 =	vge.s32 v55, v0;
	vm13 =	vmand vm13, vm3;
	v59 =	vnsel vm0, $0xC350, v53;
	[tilespmem:$0xC8C0] =	vst v4  }
0xbc: {  	vm14 =	vlt.s32 v52, v1;
	vm11 =	vmand vm8, vm9;
	v3 =	vnsel vm13, $0xC350, v3;
	[tilespmem:$0xC880] =	vst v59  }
0xbd: {  	vm15 =	vmand vm6, vm15;
	vm1 =	vlt.s32 v54, v1;
	v60 =	vnsel vm11, $0xC350, v58;
	[tilespmem:$0xC8A0] =	vst v3  }
0xbe: {  	vm10 =	vmand vm12, vm14;
	vm12 =	vge.s32 v54, v0;
	v3 =	vnsel vm15, $0xC350, v56;
	[tilespmem:$0xC8F0] =	vst v60  }
0xbf: {  	vm14 =	vlt.s32 v55, v1;
	vm13 =	vmand vm12, vm1;
	[tilespmem:$0xC8D0] =	vst v3;
	v3 =	vnsel vm10, $0xC350, v57  }
0xc0: {  	v63 =	vsub.s32 v55, v0;
	vm15 =	vmand vm2, vm14;
	v62 =	vnsel vm13, $0xC350, v61;
	[tilespmem:$0xC8E0] =	vst v3  }
0xc1: {  	[tilespmem:$0xC890] =	vst v62;
	v3 =	vnsel vm15, $0xC350, v63  }
0xc2: {  	[tilespmem:$0xC8B0] =	vst v3  }
0xc3: {  	[spmem:s1] =	stream.indirect.scatter.add.f32 [tilespmem:s21], [sflag:$0x1], $0x10, s23, s22, $0xb8;
	[tilespmem:$0xEA00] =	vst v63  }
0xc4: {  	_ =	swait.ge [sflag:s19], $0x800  }
0xc5: {  	[sflag:s19] =	ssyncset.done $0x0  }
0xc6: {  	[sflag:s19] =	ssyncadd.s32 $0xFFFFF800  }
0xc7: {  	[bflag:$0x0] =	sbarrier.arrive $0xFFFF  }
0xc8: {  	[tilespmem:s18], [sflag:$0x1] =	stream.linear.gather [spmem:s5], $0x1900, $0x38;
	[tilespmem:$0xEA00] =	vst v63  }
0xc9: {  	p0 =	sne.s32 s6, $0x1;
	_ =	swait.ge [sflag:s19], $0x1900  }
.Ltmp5:
0xca: {  	[sflag:s19] =	ssyncset.done $0x0;
	(pc) =	sbr.rel @!p0 .LBB2_13-.Ltmp5, $4  }
0xcb: {  	[sflag:s19] =	ssyncadd.s32 $0xFFFFE700  }
0xcc: {  	[hbm4b:s17+s3] =	stream.linear.scatter [tilespmem:s18], [sflag:$0x1], $0x1900, $0x38;
	[tilespmem:$0xEA00] =	vst v63  }
0xcd: {  	s25 =	smov.u32 s5;
	_ =	swait.ge [sflag:s19], $0x1900  }
0xce: {  	s26 =	smov.u32 s17;
	s15 =	sadd.s32 $0xFFFFFFFF, s6;
	[sflag:s19] =	ssyncset.done $0x0  }
.LBB2_12:
0xcf: {  	[sflag:s19] =	ssyncadd.s32 $0xFFFFE700;
	s25 =	sadd.s32 $0x1900, s25;
	s26 =	sadd.s32 $0x320, s26  }
0xd0: {  	[tilespmem:s18], [sflag:$0x1] =	stream.linear.gather [spmem:s25], $0x1900, $0x38;
	[tilespmem:$0xEA00] =	vst v63  }
0xd1: {  	p0 =	sne.s32 s15, $0x1;
	s15 =	sadd.s32 $0xFFFFFFFF, s15;
	_ =	swait.ge [sflag:s19], $0x1900  }
.Ltmp6:
0xd2: {  	[sflag:s19] =	ssyncset.done $0x0;
	(pc) =	sbr.rel @p0 .LBB2_12-.Ltmp6, $4  }
0xd3: {  	[sflag:s19] =	ssyncadd.s32 $0xFFFFE700  }
0xd4: {  	[hbm4b:s26+s3] =	stream.linear.scatter [tilespmem:s18], [sflag:$0x1], $0x1900, $0x38;
	[tilespmem:$0xEA00] =	vst v63  }
0xd5: {  	_ =	swait.ge [sflag:s19], $0x1900  }
0xd6: {  	[sflag:s19] =	ssyncset.done $0x0  }
.LBB2_13:
0xd7: {  	s24 =	sadd.s32 $0x1, s24  }
0xd8: {  	p0 =	sne.s32 s24, s7  }
.Ltmp7:
0xd9: {  	_ = 	snop;
	(pc) =	sbr.rel @p0 .LBB2_1-.Ltmp7, $4  }
.Ltmp8:
0xda: {  	_ = 	snop;
	(pc) =	sbr.rel @!p0 .LBB2_14-.Ltmp8, $4  }
0xdb: {  	_ = 	snop  }
0xdc: {  	_ = 	snop  }
0xdd: {  	[sflag:s19] =	ssyncadd.s32 $0xFFFFE700  }
0xde: {  	_ = 	snop  }
.LBB2_4:
.Ltmp9:
0xdf: {  	(pc) =	sbr.rel .LBB2_11-.Ltmp9, $2  }
0xe0: {  	_ =	sdelay $0x2  }
0xe1: {  	s26 =	smov.u32 s14;
	s15 =	smov.u32 s0  }
.LBB2_6:
.Ltmp10:
0xe2: {  	(pc) =	sbr.rel .LBB2_11-.Ltmp10, $2  }
0xe3: {  	_ =	sdelay $0x2  }
0xe4: {  	s28 =	smov.u32 s14;
	s30 =	smov.u32 s0  }
.LBB2_8:
.Ltmp11:
0xe5: {  	(pc) =	sbr.rel .LBB2_11-.Ltmp11, $3  }
0xe6: {  	_ =	sdelay $0x1  }
0xe7: {  	s28 =	smov.u32 s26  }
0xe8: {  	s30 =	smov.u32 s15;
	s26 =	smov.u32 s29;
	s15 =	smov.u32 s25  }
.LBB2_14:
0xe9: {  	_ =	sfence.sel $0x180000  }
0xea: {  	[bflag:$0x0] =	sbarrier.arrive $0xFFFF  }
0xeb: {  	_ =	strace $0x90000056  }
0xec: {  	[bflag:$0x2] =	sbarrier.arrive $0xFFFF  }
0xed: {  	p0 =	sne.s32 s2, $0x0;
	s0 =	rddreg [dreg:$0x2]  }
0xee: {  	s0 =	sadd.s32 @!p0 $0x100000, s0  }
0xef: {  	[sflag:s0] =	ssyncadd.tile.s32 @!p0 $0x1;
	_ =	shalt  }
.Lfunc_end2:
_tile_overlayer_lowered:
.L_overlay_start_2:
0xf0: {  	(tag) =	ssettag $0x2  }
0xf1: {  	s0 =	rddreg [dreg:$0x0];
	s2 =	stileid.u32  }
0xf2: {  	s1 =	rddreg [dreg:$0x1];
	p0 =	sne.s32 s2, $0x0  }
0xf3: {  	s3 =	rddreg [dreg:$0x2];
	[bflag:$0x3] =	sbarrier.arrive $0xFFFF;
	s2 =	simm.s32 @!p0 $0x1C01  }
0xf4: {  	[timem:s3], [sflag:s2] =	dma.local @!p0 [hbm:s0], s1  }
0xf5: {  	s0 =	simm.s32 @!p0 $0x1  }
0xf6: {  	_ =	swait.ge @!p0 [sflag:s0], s1  }
0xf7: {  	s1 =	ssub.s32 @!p0 $0x0, s1;
	[sflag:s0] =	ssyncset.done @!p0 $0x0  }
0xf8: {  	[sflag:s0] =	ssyncadd.s32 @!p0 s1  }
0xf9: {  	[bflag:$0x3] =	sbarrier.arrive $0xFFFF  }
0xfa: {  	_ =	shalt  }

// kernel: egnn_sc_scatter32.11.cloned.1.call-start
scs
__scs_entry_jumppad:
0x0: {  	(pc) =	sbr.rel $0x88, $3  }
0x1: {  	(tag) =	ssettag $0x0;
	lr =	simm.s32 $0x1  }
0x2: {  	[smem:$0x3F84] =	sst lr;
	_ =	strace $0xD0000000  }
0x3: {  	_ = 	snop  }
0x4: {  	_ = 	snop  }
0x5: {  	_ = 	snop  }
0x6: {  	_ = 	snop  }
0x7: {  	_ = 	snop  }
__scs_overlays_trampoline_lowered:
0x8: {  	[smem:$0x3F93] =	sst s0  }
0x9: {  	[smem:$0x3F94] =	sst s1  }
0xa: {  	[smem:$0x3F95] =	sst s2  }
0xb: {  	[smem:$0x3F96] =	sst s3  }
0xc: {  	[smem:$0x3F97] =	sst s4  }
0xd: {  	[smem:$0x3F98] =	sst s5  }
0xe: {  	[smem:$0x3F99] =	sst s6  }
0xf: {  	[smem:$0x3F9A] =	sst s7  }
0x10: {  	[smem:$0x3F9B] =	sst s8  }
0x11: {  	[smem:$0x3F9C] =	sst s9;
	s0 =	simm.s32 @!p0 $0x0  }
0x12: {  	s1 =	sld [smem:$0x3F82];
	s0 =	simm.s32 @p0 $0x1  }
0x13: {  	[smem:$0x3F9D] =	sst s0;
	s0 =	simm.s32 @!p1 $0x0  }
0x14: {  	s2 =	sld [smem:$0x3F81];
	s0 =	simm.s32 @p1 $0x1  }
0x15: {  	[smem:$0x3F9E] =	sst s0;
	s0 =	simm.s32 @!p2 $0x0  }
0x16: {  	s3 =	sld [smem:$0x3FDB];
	s0 =	simm.s32 @p2 $0x1  }
0x17: {  	s4 =	simm.s32 $0x1BF5;
	[smem:$0x3FA0] =	sst s0  }
0x18: {  	s0 =	sld [smem:$0x3F83];
	_ =	swait.ge [sflag:s4], $0x0  }
0x19: {  	s7 =	sld [smem:$0x3F84]  }
0x1a: {  	s8 =	sadd.s32 $0xFFFFE003, lr  }
0x1b: {  	s9 =	sadd.s32 $0xFFFFFEF7, lr;
	s5 =	simm.s32 $0xFFFFFFFF;
	p2 =	slt.u32 s8, $0xFFFFF086  }
0x1c: {  	p1 =	slt.u32 s9, $0xF7A;
	s5 =	simm.s32 @!p2 $0x0  }
0x1d: {  	s5 =	simm.s32 @p1 $0x1;
	p0 =	seq.s32 s7, s2  }
0x1e: {  	s7 =	smul.u32 @!p0 $0xF7A, s2;
	p2 =	seq.s32 @!p0 s5, $0x0  }
0x1f: {  	s9 =	smul.u32 $0xF7A, s1;
	s8 =	simm.s32 @!p0 $0x1BF5;
	p2 =	por !p2, p0  }
0x20: {  	[sflag:s8] =	ssyncset.s32 @!p0 $0xFFFFF086;
	s6 =	sadd.s32 @!p0 s3, s7;
	s7 =	simm.s32 @!p0 $0x108  }
0x21: {  	s3 =	sadd.s32 s3, s9;
	s6 =	sadd.s32 @!p0 $0x88, s6;
	s7 =	simm.s32 @p2 $0x1082  }
0x22: {  	[simem:s7], [sflag:s8] =	dma.local @!p0 [hbm:s6], $0xF7A  }
0x23: {  	s9 =	sor.u32 $0xD0000000, s2;
	s6 =	simm.s32 $0x108;
	_ =	swait.ge @!p0 [sflag:s8], $0x0  }
0x24: {  	s3 =	sadd.s32 $0x88, s3;
	s6 =	simm.s32 @!p1 $0x1082;
	[sflag:s4] =	ssyncset.s32 $0xFFFFF086  }
0x25: {  	[simem:s6], [sflag:s4] =	dma.local [hbm:s3], $0xF7A  }
0x26: {  	[smem:$0x3F84] =	sst s1;
	(tag) =	ssettag s2;
	_ =	strace s9  }
0x27: {  	s1 =	sld [smem:$0x3F94]  }
0x28: {  	s2 =	sld [smem:$0x3F95]  }
0x29: {  	s4 =	sld [smem:$0x3F97]  }
0x2a: {  	p0 =	seq.s32 s5, $0x0;
	s5 =	sld [smem:$0x3F98]  }
0x2b: {  	s6 =	sld [smem:$0x3F99]  }
0x2c: {  	s7 =	sld [smem:$0x3F9A]  }
0x2d: {  	s3 =	simm.s32 $0x108;
	s8 =	sld [smem:$0x3F9B]  }
0x2e: {  	s3 =	simm.s32 @!p0 $0x1082;
	s9 =	sld [smem:$0x3F9C]  }
0x2f: {  	lr =	sadd.s32 s0, s3;
	s0 =	sld [smem:$0x3F93]  }
0x30: {  	s3 =	sld [smem:$0x3F96]  }
0x31: {  	[smem:$0x3F9F] =	sst s10  }
0x32: {  	s10 =	sld [smem:$0x3F9D];
	_ =	sdelay $0x3  }
0x33: {  	p0 =	seq.s32 s10, $0x1;
	s10 =	sld [smem:$0x3F9F];
	_ =	sdelay $0x3  }
0x34: {  	[smem:$0x3F9F] =	sst s10  }
0x35: {  	s10 =	sld [smem:$0x3F9E];
	_ =	sdelay $0x3  }
0x36: {  	p1 =	seq.s32 s10, $0x1;
	s10 =	sld [smem:$0x3F9F];
	_ =	sdelay $0x3  }
0x37: {  	[smem:$0x3F9F] =	sst s10  }
0x38: {  	s10 =	sld [smem:$0x3FA0]  }
0x39: {  	_ = 	snop;
	(pc) =	sbr.ind lr, $3  }
0x3a: {  	_ = 	snop  }
0x3b: {  	_ = 	snop  }
0x3c: {  	p2 =	seq.s32 s10, $0x1;
	s10 =	sld [smem:$0x3F9F]  }
0x3d: {  	_ =	shalt  }
0x3e: {  	_ =	shalt  }
0x3f: {  	_ =	shalt  }
0x40: {  	_ =	shalt  }
0x41: {  	_ =	shalt  }
0x42: {  	_ =	shalt  }
0x43: {  	_ =	shalt  }
0x44: {  	_ =	shalt  }
0x45: {  	_ =	shalt  }
0x46: {  	_ =	shalt  }
0x47: {  	_ =	shalt  }
0x48: {  	_ =	shalt  }
0x49: {  	_ =	shalt  }
0x4a: {  	_ =	shalt  }
0x4b: {  	_ =	shalt  }
0x4c: {  	_ =	shalt  }
0x4d: {  	_ =	shalt  }
0x4e: {  	_ =	shalt  }
0x4f: {  	_ =	shalt  }
0x50: {  	_ =	shalt  }
0x51: {  	_ =	shalt  }
0x52: {  	_ =	shalt  }
0x53: {  	_ =	shalt  }
0x54: {  	_ =	shalt  }
0x55: {  	_ =	shalt  }
0x56: {  	_ =	shalt  }
0x57: {  	_ =	shalt  }
0x58: {  	_ =	shalt  }
0x59: {  	_ =	shalt  }
0x5a: {  	_ =	shalt  }
0x5b: {  	_ =	shalt  }
0x5c: {  	_ =	shalt  }
0x5d: {  	_ =	shalt  }
0x5e: {  	_ =	shalt  }
0x5f: {  	_ =	shalt  }
0x60: {  	_ =	shalt  }
0x61: {  	_ =	shalt  }
0x62: {  	_ =	shalt  }
0x63: {  	_ =	shalt  }
0x64: {  	_ =	shalt  }
0x65: {  	_ =	shalt  }
0x66: {  	_ =	shalt  }
0x67: {  	_ =	shalt  }
0x68: {  	_ =	shalt  }
0x69: {  	_ =	shalt  }
0x6a: {  	_ =	shalt  }
0x6b: {  	_ =	shalt  }
0x6c: {  	_ =	shalt  }
0x6d: {  	_ =	shalt  }
0x6e: {  	_ =	shalt  }
0x6f: {  	_ =	shalt  }
0x70: {  	_ =	shalt  }
0x71: {  	_ =	shalt  }
0x72: {  	_ =	shalt  }
0x73: {  	_ =	shalt  }
0x74: {  	_ =	shalt  }
0x75: {  	_ =	shalt  }
0x76: {  	_ =	shalt  }
0x77: {  	_ =	shalt  }
0x78: {  	_ =	shalt  }
0x79: {  	_ =	shalt  }
0x7a: {  	_ =	shalt  }
0x7b: {  	_ =	shalt  }
0x7c: {  	_ =	shalt  }
0x7d: {  	_ =	shalt  }
0x7e: {  	_ =	shalt  }
0x7f: {  	_ =	shalt  }
0x80: {  	_ =	shalt  }
0x81: {  	_ =	shalt  }
0x82: {  	_ =	shalt  }
0x83: {  	_ =	shalt  }
0x84: {  	_ =	shalt  }
0x85: {  	_ =	shalt  }
0x86: {  	_ =	shalt  }
0x87: {  	_ =	shalt  }
.Lfunc_end0:
.L_simem_size_0:
called_computation.4_lowered:
.L_overlay_start_0:
0x88: {  	s2 =	sld [smem:$0x3FD9]  }
0x89: {  	s3 =	sld [smem:$0x3FFE];
	_ =	sdelay $0x1  }
0x8a: {  	s1 =	srdreg.scid  }
0x8b: {  	s0 =	sand.u32 $0x1, s1  }
0x8c: {  	s16 =	sshll.u32 s0, $0xA;
	s2 =	sadd.s32 s3, s2  }
0x8d: {  	s2 =	sadd.s32 s2, s16  }
0x8e: {  	[smem:$0x3FAB] =	sst s2  }
0x8f: {  	_ = 	snop  }
0x90: {  	(tm) =	ssettm $0x1  }
0x91: {  	s17 =	sld [smem:$0x3FFB];
	_ =	sdelay $0x3  }
0x92: {  	_ =	strace s17  }
0x93: {  	s2 =	sld [smem:$0x3FFC];
	_ =	sdelay $0x3  }
0x94: {  	_ =	strace s2  }
0x95: {  	s2 =	sld [smem:$0x3FFD];
	_ =	sdelay $0x3  }
0x96: {  	_ =	strace s2  }
0x97: {  	_ =	strace $0x8FFFFFFF  }
0x98: {  	s18 =	sld [smem:$0x3FDB];
	_ =	sdelay $0x1  }
0x99: {  	s19 =	simm.s32 $_scs_section_size  }
0x9a: {  	s4 =	simm.s32 $_size__tile_overlayer_lowered;
	s5 =	simm.s32 $_tile_overlayer_lowered  }
0x9b: {  	s22 =	simm.s32 $0x1BFF;
	s21 =	sshll.u32 s5, $0x1;
	s2 =	sadd.s32 s19, s18  }
0x9c: {  	s6 =	simm.s32 $0x0;
	s20 =	sshll.u32 s4, $0x1;
	s4 =	sadd.s32 s21, s2  }
0x9d: {  	[timem:s6], [sflag:s22] =	dma.local [hbm:s4], s20  }
0x9e: {  	_ =	swait.ge [sflag:s22], s20  }
0x9f: {  	s3 =	ssub.s32 $0x0, s20;
	[sflag:s22] =	ssyncset.done $0x0  }
0xa0: {  	[sflag:s22] =	ssyncadd.s32 s3;
	_ =	sdelay $0x1  }
0xa1: {  	s23 =	simm.s32 $0x1B8B  }
0xa2: {  	_ =	swait.ge [sflag:s23], $0x1  }
0xa3: {  	[sflag:s23] =	ssyncset.done $0x0  }
0xa4: {  	s25 =	simm.s32 $0x1B8E;
	s24 =	sld [smem:$0x3FFE];
	[sflag:s23] =	ssyncadd.s32 $0xFFFFFFFF  }
0xa5: {  	s26 =	simm.s32 $execute0_lowered;
	[smem:$0x3FD2] =	sst s25  }
0xa6: {  	s4 =	sshll.u32 s26, $0x1;
	_ =	strace $0x80000052;
	[dreg:$0x1] =	wrdreg $0xFFFFFFFF  }
0xa7: {  	s28 =	simm.s32 $_size_execute0_lowered;
	s2 =	sadd.s32 s2, s4;
	[dreg:$0x0] =	wrdreg $0x0  }
0xa8: {  	s4 =	sshll.u32 s28, $0x1;
	[dreg:$0x2] =	wrdreg s2  }
0xa9: {  	[dreg:$0x3] =	wrdreg s4  }
0xaa: {  	[dreg:$0x4] =	wrdreg $0xC0  }
0xab: {  	_ =	task [dreg:s6], $0x5FFFF  }
0xac: {  	[dreg:$0x1] =	wrdreg $0xFFFFFFFF  }
0xad: {  	[dreg:$0x0] =	wrdreg $0x60  }
0xae: {  	[dreg:$0x2] =	wrdreg s24  }
0xaf: {  	[dreg:$0x3] =	wrdreg $0x0  }
0xb0: {  	[dreg:$0x4] =	wrdreg $0x9  }
0xb1: {  	_ =	task.clear_ibuf [dreg:s6], $0x5FFFF;
	_ =	strace $0x90000052  }
0xb2: {  	s29 =	simm.s32 $0x9;
	_ =	strace $0x80000054  }
0xb3: {  	_ =	swait.ge [sflag:s29], $0x1  }
0xb4: {  	[sflag:s29] =	ssyncadd.s32 $0xFFFFFFFF  }
0xb5: {  	_ =	strace $0x90000054  }
0xb6: {  	_ =	sfence  }
0xb7: {  	s30 =	sld [smem:$0x0];
	_ =	sdelay $0x2  }
0xb8: {  	s31 =	sshll.u32 s1, $0xD;
	s1 =	sshrl.u32 s1, $0x2  }
0xb9: {  	s3 =	sand.u32 $0x4000, s31;
	s1 =	sadd.s32 s1, s30  }
0xba: {  	s0 =	sor.u32 s3, s0;
	s1 =	sshll.u32 s1, $0x11  }
0xbb: {  	s0 =	sor.u32 s1, s0  }
0xbc: {  	s0 =	sadd.s32 $0x8F2B, s0  }
0xbd: {  	[sflag:s0] =	ssyncadd.remote.s32 $0x1  }
0xbe: {  	_ =	sfence.sel $0xFFFF  }
0xbf: {  	[dreg:$0x0] =	wrdreg $0xFFFFFFFF;
	(pc) =	sbr.abs _section_cstart, $3  }
0xc0: {  	[dreg:$0x1] =	wrdreg $0xFFFFFFFF  }
0xc1: {  	_ =	task.clear_ibuf [dreg:s6], $0x2FFFF;
	_ =	strace $0x9FFFFFFF  }
0xc2: {  	(tm) =	ssettm $0x7FFFFFFF  }
0xc3: {  	_ =	shalt  }
tec
execute0_lowered:
.L_overlay_start_1:
0x0: {  	(tag) =	ssettag $0x1  }
0x1: {  	s0 =	rddreg [dreg:$0x0]  }
0x2: {  	s1 =	rddreg [dreg:$0x1];
	s3 =	simm.s32 $0x0;
	s4 =	srdreg.scid  }
0x3: {  	s2 =	stileid.u32;
	s18 =	simm.s32 $0x1A100;
	s19 =	simm.s32 $0x1  }
0x4: {  	s20 =	simm.s32 $0x19000;
	s21 =	simm.s32 $0x19100;
	s7 =	smul.u32 $0xC80, s2  }
0x5: {  	[smem:$0x7FF] =	sst s3;
	s4 =	sand.u32 $0x1, s4;
	s8 =	smul.u32 $0x64000, s2  }
0x6: {  	s5 =	sshll.u32 s2, $0x4;
	s24 =	sshll.u32 s2, $0x9;
	s17 =	smul.u32 $0x3200, s2  }
0x7: {  	s29 =	ssub.s32 $0x30E3, s2;
	_ =	strace $0x80000053;
	s6 =	smul.u32 $0x30D40, s4  }
0x8: {  	s15 =	sadd.s32 s5, s0;
	s16 =	sadd.s32 s24, s0;
	s25 =	ssub.s32 $0x2, s4  }
0x9: {  	s22 =	smul.u32 $0xC350, s4;
	s4 =	sshrl.u32 s29, $0x4;
	s24 =	simm.s32 $0x0  }
0xa: {  	s26 =	sshrl.u32 s25, $0x1;
	s7 =	ssub.s32 $0xC350, s7;
	s31 =	sshrl.u32 s8, $0x2  }
0xb: {  	s15 =	sadd.s32 $0x220A00, s15;
	s0 =	sadd.s32 s6, s0;
	s9 =	ssub.s32 s25, s26  }
0xc: {  	s28 =	smin.u32 s7, $0xC80;
	s23 =	sadd.s32 $0xC350, s22;
	s5 =	sadd.s32 s31, s1  }
0xd: {  	v0 =	vmov s22;
	s22 =	simm.s32 $0x80;
	s30 =	smul.u32 $0x51F, s28;
	s7 =	smax.u32 s9, $0x1  }
0xe: {  	s8 =	sadd.s32 $0x3200, s5;
	s9 =	sadd.s32 $0x6400, s5;
	s10 =	sadd.s32 $0x9600, s5  }
0xf: {  	s11 =	sadd.s32 $0xC800, s5;
	s12 =	sadd.s32 $0xFA00, s5;
	s13 =	sadd.s32 $0x12C00, s5  }
0x10: {  	s14 =	sadd.s32 $0x15E00, s5;
	s17 =	sadd.s32 s17, s0;
	s0 =	sadd.s32 $0xDC3000, s16  }
0x11: {  	v2 =	vimm.f32 $0.0e+00;
	v1 =	vmov s23;
	s23 =	simm.s32 $0x19080;
	s17 =	sadd.s32 $0x92F200, s17;
	s6 =	sshrl.u32 s30, $0x13  }
.LBB2_1:
0x12: {  	s16 =	simm.s32 $0x80;
	s25 =	simm.s32 $0x0  }
.LBB2_2:
0x13: {  	p0 =	sne.s32 s16, $0xC780;
	[tilespmem:s25+$0x1A100] =	vst v2;
	s26 =	smov.u32 s16;
	s16 =	sadd.s32 $0x80, s16  }
.Ltmp0:
0x14: {  	[tilespmem:s25+$0x1A110] =	vst v2;
	(pc) =	sbr.rel @p0 .LBB2_2-.Ltmp0, $2  }
0x15: {  	_ =	sdelay $0x2  }
0x16: {  	s25 =	sshra.s32 s26, $0x2  }
0x17: {  	[tilespmem:s25+$0x1A100] =	vst v2  }
0x18: {  	[tilespmem:s25+$0x1A110] =	vst v2  }
0x19: {  	[spmem:s5] =	stream.linear.scatter [tilespmem:s18], [sflag:$0x1], $0x3200, $0x38;
	[tilespmem:$0x1D300] =	vst v63  }
0x1a: {  	_ =	swait.ge [sflag:s19], $0x3200  }
0x1b: {  	[sflag:s19] =	ssyncset.done $0x0  }
0x1c: {  	[sflag:s19] =	ssyncadd.s32 $0xFFFFCE00  }
0x1d: {  	[spmem:s8] =	stream.linear.scatter [tilespmem:s18], [sflag:$0x1], $0x3200, $0x38;
	[tilespmem:$0x1D300] =	vst v63  }
0x1e: {  	_ =	swait.ge [sflag:s19], $0x3200  }
0x1f: {  	[sflag:s19] =	ssyncset.done $0x0  }
0x20: {  	[sflag:s19] =	ssyncadd.s32 $0xFFFFCE00  }
0x21: {  	[spmem:s9] =	stream.linear.scatter [tilespmem:s18], [sflag:$0x1], $0x3200, $0x38;
	[tilespmem:$0x1D300] =	vst v63  }
0x22: {  	_ =	swait.ge [sflag:s19], $0x3200  }
0x23: {  	[sflag:s19] =	ssyncset.done $0x0  }
0x24: {  	[sflag:s19] =	ssyncadd.s32 $0xFFFFCE00  }
0x25: {  	[spmem:s10] =	stream.linear.scatter [tilespmem:s18], [sflag:$0x1], $0x3200, $0x38;
	[tilespmem:$0x1D300] =	vst v63  }
0x26: {  	_ =	swait.ge [sflag:s19], $0x3200  }
0x27: {  	[sflag:s19] =	ssyncset.done $0x0  }
0x28: {  	[sflag:s19] =	ssyncadd.s32 $0xFFFFCE00  }
0x29: {  	[spmem:s11] =	stream.linear.scatter [tilespmem:s18], [sflag:$0x1], $0x3200, $0x38;
	[tilespmem:$0x1D300] =	vst v63  }
0x2a: {  	_ =	swait.ge [sflag:s19], $0x3200  }
0x2b: {  	[sflag:s19] =	ssyncset.done $0x0  }
0x2c: {  	[sflag:s19] =	ssyncadd.s32 $0xFFFFCE00  }
0x2d: {  	[spmem:s12] =	stream.linear.scatter [tilespmem:s18], [sflag:$0x1], $0x3200, $0x38;
	[tilespmem:$0x1D300] =	vst v63  }
0x2e: {  	_ =	swait.ge [sflag:s19], $0x3200  }
0x2f: {  	[sflag:s19] =	ssyncset.done $0x0  }
0x30: {  	[sflag:s19] =	ssyncadd.s32 $0xFFFFCE00  }
0x31: {  	[spmem:s13] =	stream.linear.scatter [tilespmem:s18], [sflag:$0x1], $0x3200, $0x38;
	[tilespmem:$0x1D300] =	vst v63  }
0x32: {  	_ =	swait.ge [sflag:s19], $0x3200  }
0x33: {  	[sflag:s19] =	ssyncset.done $0x0  }
0x34: {  	p2 =	sne.s32 s4, $0x1;
	[sflag:s19] =	ssyncadd.s32 $0xFFFFCE00  }
0x35: {  	[spmem:s14] =	stream.linear.scatter [tilespmem:s18], [sflag:$0x1], $0x3200, $0x38;
	[tilespmem:$0x1D300] =	vst v63  }
.Ltmp1:
0x36: {  	_ =	swait.ge [sflag:s19], $0x3200;
	(pc) =	sbr.rel @!p2 .LBB2_4-.Ltmp1, $4  }
0x37: {  	[sflag:s19] =	ssyncset.done $0x0  }
0x38: {  	[sflag:s19] =	ssyncadd.s32 $0xFFFFCE00  }
0x39: {  	[bflag:$0x0] =	sbarrier.arrive $0xFFFF  }
0x3a: {  	s25 =	sadd.s32 $0xFFFFFFFF, s4;
	p0 =	por $0x0, $0x0;
	p1 =	por $0x0, $0x0  }
0x3b: {  	p2 =	sne.s32 s25, $0x1  }
.Ltmp2:
0x3c: {  	_ = 	snop;
	(pc) =	sbr.rel @!p2 .LBB2_6-.Ltmp2, $3  }
0x3d: {  	_ =	sdelay $0x1  }
0x3e: {  	s26 =	sadd.s32 $0x100, s15  }
0x3f: {  	s16 =	sadd.s32 $0x2000, s0;
	s28 =	sadd.s32 $0xFFFFFFFF, s25;
	p0 =	por $0x1, $0x1  }
0x40: {  	[tilespmem:s20], [sflag:$0x1] =	stream.linear.gather [hbm4b:s15+s3], $0x80, $0x38;
	[tilespmem:$0x1D300] =	vst v63  }
0x41: {  	_ =	swait.ge [sflag:s19], $0x80  }
0x42: {  	[sflag:s19] =	ssyncset.done $0x0  }
0x43: {  	[sflag:s19] =	ssyncadd.s32 $0xFFFFFF80  }
0x44: {  	[tilespmem:s21], [sflag:$0x1] =	stream.linear.gather [hbm4b:s0+s3], $0x1000, $0x38;
	[tilespmem:$0x1D300] =	vst v63  }
0x45: {  	_ =	swait.ge [sflag:s19], $0x1000  }
0x46: {  	[sflag:s19] =	ssyncset.done $0x0  }
0x47: {  	[sflag:s19] =	ssyncadd.s32 $0xFFFFF000  }
0x48: {  	v3 =	vld [tilespmem:$0x19000]  }
0x49: {  	v4 =	vld [tilespmem:$0x19040]  }
0x4a: {  	v5 =	vld [tilespmem:$0x19020]  }
0x4b: {  	v6 =	vld [tilespmem:$0x19050]  }
0x4c: {  	v7 =	vld [tilespmem:$0x19070]  }
0x4d: {  	v8 =	vld [tilespmem:$0x19060]  }
0x4e: {  	vm0 =	vlt.s32 v3, v1;
	v9 =	vsub.s32 v3, v0;
	vm1 =	vge.s32 v4, v0  }
0x4f: {  	v10 =	vld [tilespmem:$0x19010];
	vm2 =	vge.s32 v3, v0;
	vm3 =	vlt.s32 v5, v1;
	v11 =	vsub.s32 v5, v0  }
0x50: {  	vm4 =	vge.s32 v5, v0;
	vm5 =	vlt.s32 v4, v1;
	vm6 =	vge.s32 v6, v0  }
0x51: {  	vm7 =	vlt.s32 v6, v1;
	v5 =	vsub.s32 v6, v0;
	vm8 =	vge.s32 v7, v0  }
0x52: {  	v4 =	vsub.s32 v4, v0;
	vm13 =	vge.s32 v8, v0;
	v6 =	vsub.s32 v8, v0  }
0x53: {  	v3 =	vld [tilespmem:$0x19030];
	v12 =	vsub.s32 v7, v0;
	vm14 =	vlt.s32 v7, v1;
	vm1 =	vmand vm1, vm5  }
0x54: {  	p2 =	sne.s32 s28, $0x1;
	vm15 =	vge.s32 v10, v0;
	v4 =	vnsel vm1, $0xC350, v4;
	vm1 =	vmand vm2, vm0  }
.Ltmp3:
0x55: {  	vm2 =	vlt.s32 v10, v1;
	[tilespmem:$0x190C0] =	vst v4;
	v4 =	vnsel vm1, $0xC350, v9;
	vm1 =	vmand vm4, vm3;
	(pc) =	sbr.rel @!p2 .LBB2_8-.Ltmp3, $4  }
0x56: {  	vm3 =	vlt.s32 v8, v1;
	[tilespmem:$0x19080] =	vst v4;
	v4 =	vnsel vm1, $0xC350, v11;
	vm1 =	vmand vm6, vm7  }
0x57: {  	[tilespmem:$0x190A0] =	vst v4;
	v4 =	vnsel vm1, $0xC350, v5;
	vm1 =	vmand vm13, vm3;
	vm3 =	vmand vm8, vm14  }
0x58: {  	s29 =	sadd.s32 $0x100, s26;
	s25 =	sadd.s32 $0x2000, s16;
	s30 =	sadd.s32 $0xFFFFFFFF, s28;
	vm0 =	vge.s32 v3, v0;
	[tilespmem:$0x190D0] =	vst v4;
	v4 =	vnsel vm1, $0xC350, v6;
	v6 =	vnsel vm3, $0xC350, v12  }
0x59: {  	p1 =	por $0x1, $0x1;
	s31 =	smov.u32 s29;
	s28 =	smov.u32 s25;
	v5 =	vsub.s32 v10, v0;
	vm1 =	vmand vm15, vm2;
	vm2 =	vlt.s32 v3, v1;
	[tilespmem:$0x190F0] =	vst v6  }
.LBB2_9:
0x5a: {  	p2 =	sne.s32 s30, $0x1;
	s31 =	sadd.s32 $0x100, s31;
	s28 =	sadd.s32 $0x2000, s28;
	v5 =	vnsel vm1, $0xC350, v5;
	vm0 =	vmand vm0, vm2;
	v3 =	vsub.s32 v3, v0;
	[tilespmem:$0x190E0] =	vst v4  }
0x5b: {  	s30 =	sadd.s32 $0xFFFFFFFF, s30;
	[tilespmem:$0x19090] =	vst v5;
	v3 =	vnsel vm0, $0xC350, v3  }
0x5c: {  	[tilespmem:$0x190B0] =	vst v3  }
0x5d: {  	[spmem:s1] =	stream.indirect.scatter.add.f32 [tilespmem:s21], [sflag:$0x1], $0x20, s23, s22, $0xb8;
	[tilespmem:$0x1D300] =	vst v63  }
0x5e: {  	_ =	swait.ge [sflag:s19], $0x1000  }
0x5f: {  	[sflag:s19] =	ssyncset.done $0x0  }
0x60: {  	[sflag:s19] =	ssyncadd.s32 $0xFFFFF000  }
0x61: {  	[tilespmem:s20], [sflag:$0x1] =	stream.linear.gather [hbm4b:s26+s3], $0x80, $0x38;
	[tilespmem:$0x1D300] =	vst v63  }
0x62: {  	s26 =	smov.u32 s29;
	s29 =	smov.u32 s31;
	_ =	swait.ge [sflag:s19], $0x80  }
0x63: {  	[sflag:s19] =	ssyncset.done $0x0  }
0x64: {  	[sflag:s19] =	ssyncadd.s32 $0xFFFFFF80  }
0x65: {  	[tilespmem:s21], [sflag:$0x1] =	stream.linear.gather [hbm4b:s16+s3], $0x1000, $0x38;
	[tilespmem:$0x1D300] =	vst v63  }
0x66: {  	s16 =	smov.u32 s25;
	s25 =	smov.u32 s28;
	_ =	swait.ge [sflag:s19], $0x1000  }
0x67: {  	[sflag:s19] =	ssyncset.done $0x0  }
0x68: {  	[sflag:s19] =	ssyncadd.s32 $0xFFFFF000  }
0x69: {  	v3 =	vld [tilespmem:$0x19000]  }
0x6a: {  	v4 =	vld [tilespmem:$0x19040]  }
0x6b: {  	v5 =	vld [tilespmem:$0x19020]  }
0x6c: {  	v6 =	vld [tilespmem:$0x19050]  }
0x6d: {  	v7 =	vld [tilespmem:$0x19070]  }
0x6e: {  	v8 =	vld [tilespmem:$0x19060]  }
0x6f: {  	vm0 =	vlt.s32 v3, v1;
	v9 =	vsub.s32 v3, v0;
	v10 =	vld [tilespmem:$0x19010];
	vm1 =	vge.s32 v4, v0  }
0x70: {  	vm2 =	vge.s32 v3, v0;
	vm3 =	vlt.s32 v5, v1;
	v11 =	vsub.s32 v5, v0;
	v3 =	vld [tilespmem:$0x19030]  }
0x71: {  	vm5 =	vlt.s32 v4, v1;
	vm4 =	vge.s32 v5, v0;
	vm6 =	vge.s32 v6, v0  }
0x72: {  	vm7 =	vlt.s32 v6, v1;
	v5 =	vsub.s32 v6, v0;
	vm8 =	vge.s32 v7, v0  }
0x73: {  	v4 =	vsub.s32 v4, v0;
	vm1 =	vmand vm1, vm5;
	vm5 =	vge.s32 v8, v0  }
0x74: {  	v4 =	vnsel vm1, $0xC350, v4;
	v12 =	vsub.s32 v7, v0;
	v6 =	vsub.s32 v8, v0  }
0x75: {  	vm1 =	vmand vm2, vm0;
	vm2 =	vlt.s32 v10, v1;
	vm0 =	vge.s32 v3, v0;
	[tilespmem:$0x190C0] =	vst v4  }
.Ltmp4:
0x76: {  	v4 =	vnsel vm1, $0xC350, v9;
	vm1 =	vmand vm4, vm3;
	vm3 =	vlt.s32 v8, v1;
	(pc) =	sbr.rel @p2 .LBB2_9-.Ltmp4, $4  }
0x77: {  	vm4 =	vlt.s32 v7, v1;
	[tilespmem:$0x19080] =	vst v4;
	v4 =	vnsel vm1, $0xC350, v11;
	vm1 =	vmand vm6, vm7  }
0x78: {  	[tilespmem:$0x190A0] =	vst v4;
	v4 =	vnsel vm1, $0xC350, v5;
	vm1 =	vmand vm5, vm3;
	vm3 =	vmand vm8, vm4  }
0x79: {  	vm4 =	vge.s32 v10, v0;
	[tilespmem:$0x190D0] =	vst v4;
	v4 =	vnsel vm1, $0xC350, v6;
	v6 =	vnsel vm3, $0xC350, v12  }
0x7a: {  	v5 =	vsub.s32 v10, v0;
	vm1 =	vmand vm4, vm2;
	vm2 =	vlt.s32 v3, v1;
	[tilespmem:$0x190F0] =	vst v6  }
0x7b: {  	s28 =	smov.u32 s26  }
0x7c: {  	s30 =	smov.u32 s16;
	s26 =	smov.u32 s29;
	s16 =	smov.u32 s25  }
.LBB2_11:
0x7d: {  	v5 =	vnsel @p1 vm1, $0xC350, v5;
	vm0 =	vmand @p1 vm0, vm2;
	v3 =	vsub.s32 @p1 v3, v0;
	[tilespmem:$0x190E0] =	vst @p1 v4  }
0x7e: {  	[tilespmem:$0x19090] =	vst @p1 v5;
	v3 =	vnsel @p1 vm0, $0xC350, v3  }
0x7f: {  	[tilespmem:$0x190B0] =	vst @p1 v3  }
0x80: {  	[spmem:s1] =	stream.indirect.scatter.add.f32 @p1 [tilespmem:s21], [sflag:$0x1], $0x20, s23, s22, $0xb8;
	[tilespmem:$0x1D300] =	vst v63  }
0x81: {  	_ =	swait.ge @p1 [sflag:s19], $0x1000  }
0x82: {  	[sflag:s19] =	ssyncset.done @p1 $0x0  }
0x83: {  	[sflag:s19] =	ssyncadd.s32 @p1 $0xFFFFF000  }
0x84: {  	[tilespmem:s20], [sflag:$0x1] =	stream.linear.gather @p0 [hbm4b:s28+s3], $0x80, $0x38;
	[tilespmem:$0x1D300] =	vst v63  }
0x85: {  	_ =	swait.ge @p0 [sflag:s19], $0x80  }
0x86: {  	[sflag:s19] =	ssyncset.done @p0 $0x0  }
0x87: {  	[sflag:s19] =	ssyncadd.s32 @p0 $0xFFFFFF80  }
0x88: {  	[tilespmem:s21], [sflag:$0x1] =	stream.linear.gather @p0 [hbm4b:s30+s3], $0x1000, $0x38;
	[tilespmem:$0x1D300] =	vst v63  }
0x89: {  	_ =	swait.ge @p0 [sflag:s19], $0x1000  }
0x8a: {  	[sflag:s19] =	ssyncset.done @p0 $0x0  }
0x8b: {  	[sflag:s19] =	ssyncadd.s32 @p0 $0xFFFFF000  }
0x8c: {  	v3 =	vld @p0 [tilespmem:$0x19000]  }
0x8d: {  	v4 =	vld @p0 [tilespmem:$0x19040]  }
0x8e: {  	v5 =	vld @p0 [tilespmem:$0x19020]  }
0x8f: {  	v6 =	vld @p0 [tilespmem:$0x19050]  }
0x90: {  	v7 =	vld @p0 [tilespmem:$0x19070]  }
0x91: {  	v8 =	vld @p0 [tilespmem:$0x19060]  }
0x92: {  	v10 =	vld @p0 [tilespmem:$0x19010];
	vm0 =	vlt.s32 @p0 v3, v1;
	v9 =	vsub.s32 @p0 v3, v0;
	vm1 =	vge.s32 @p0 v4, v0  }
0x93: {  	v11 =	vld @p0 [tilespmem:$0x19030];
	vm2 =	vge.s32 @p0 v3, v0;
	vm3 =	vlt.s32 @p0 v5, v1;
	v3 =	vsub.s32 @p0 v5, v0  }
0x94: {  	vm4 =	vge.s32 @p0 v5, v0;
	vm5 =	vlt.s32 @p0 v4, v1;
	vm6 =	vge.s32 @p0 v6, v0  }
0x95: {  	vm7 =	vlt.s32 @p0 v6, v1;
	v5 =	vsub.s32 @p0 v6, v0;
	vm8 =	vge.s32 @p0 v7, v0  }
0x96: {  	v4 =	vsub.s32 @p0 v4, v0;
	v6 =	vsub.s32 @p0 v8, v0;
	v12 =	vsub.s32 @p0 v7, v0  }
0x97: {  	vm1 =	vmand @p0 vm1, vm5;
	vm5 =	vge.s32 @p0 v8, v0;
	vm0 =	vmand @p0 vm2, vm0  }
0x98: {  	vm2 =	vge.s32 @p0 v11, v0;
	v4 =	vnsel @p0 vm1, $0xC350, v4;
	vm1 =	vlt.s32 @p0 v10, v1  }
0x99: {  	v9 =	vnsel @p0 vm0, $0xC350, v9;
	vm0 =	vmand @p0 vm4, vm3;
	vm3 =	vlt.s32 @p0 v8, v1  }
0x9a: {  	vm4 =	vlt.s32 @p0 v7, v1;
	v3 =	vnsel @p0 vm0, $0xC350, v3;
	vm0 =	vmand @p0 vm6, vm7  }
0x9b: {  	vm2 =	vmmov @p0 vm2;
	[tilespmem:$0x190C0] =	vst @p0 v4;
	v4 =	vnsel @p0 vm0, $0xC350, v5;
	vm0 =	vmand @p0 vm5, vm3  }
0x9c: {  	vm3 =	vmand @p0 vm8, vm4;
	vm4 =	vge.s32 @p0 v10, v0;
	[tilespmem:$0x190A0] =	vst @p0 v3;
	v3 =	vsub.s32 @p0 v10, v0  }
0x9d: {  	[tilespmem:$0x19080] =	vst @p0 v9;
	v5 =	vnsel @p0 vm0, $0xC350, v6;
	v6 =	vnsel @p0 vm3, $0xC350, v12;
	vm0 =	vmand @p0 vm4, vm1  }
0x9e: {  	vm1 =	vlt.s32 @p0 v11, v1;
	[tilespmem:$0x190D0] =	vst @p0 v4;
	v3 =	vpsel p0, v3, v0;
	v4 =	vpsel p0, v11, v0  }
0x9f: {  	vm0 =	vmmov @p0 vm0;
	[tilespmem:$0x190F0] =	vst @p0 v6;
	vm1 =	vmmov @p0 vm1;
	v5 =	vpsel p0, v5, v0  }
0xa0: {  	v4 =	vsub.s32 @p0 v4, v0;
	v3 =	vnsel @p0 vm0, $0xC350, v3;
	vm0 =	vmand @p0 vm2, vm1;
	[tilespmem:$0x190E0] =	vst @p0 v5  }
0xa1: {  	[tilespmem:$0x19090] =	vst @p0 v3;
	v3 =	vnsel @p0 vm0, $0xC350, v4  }
0xa2: {  	[tilespmem:$0x190B0] =	vst @p0 v3  }
0xa3: {  	[spmem:s1] =	stream.indirect.scatter.add.f32 @p0 [tilespmem:s21], [sflag:$0x1], $0x20, s23, s22, $0xb8;
	[tilespmem:$0x1D300] =	vst v63  }
0xa4: {  	_ =	swait.ge @p0 [sflag:s19], $0x1000  }
0xa5: {  	[sflag:s19] =	ssyncset.done @p0 $0x0  }
0xa6: {  	[sflag:s19] =	ssyncadd.s32 @p0 $0xFFFFF000  }
0xa7: {  	[tilespmem:s20], [sflag:$0x1] =	stream.linear.gather [hbm4b:s26+s3], $0x80, $0x38;
	[tilespmem:$0x1D300] =	vst v63  }
0xa8: {  	_ =	swait.ge [sflag:s19], $0x80  }
0xa9: {  	[sflag:s19] =	ssyncset.done $0x0  }
0xaa: {  	[sflag:s19] =	ssyncadd.s32 $0xFFFFFF80  }
0xab: {  	[tilespmem:s21], [sflag:$0x1] =	stream.linear.gather [hbm4b:s16+s3], $0x1000, $0x38;
	[tilespmem:$0x1D300] =	vst v63  }
0xac: {  	_ =	swait.ge [sflag:s19], $0x1000  }
0xad: {  	[sflag:s19] =	ssyncset.done $0x0  }
0xae: {  	[sflag:s19] =	ssyncadd.s32 $0xFFFFF000  }
0xaf: {  	v3 =	vld [tilespmem:$0x19000]  }
0xb0: {  	v48 =	vld [tilespmem:$0x19040]  }
0xb1: {  	v49 =	vld [tilespmem:$0x19020]  }
0xb2: {  	v50 =	vld [tilespmem:$0x19050]  }
0xb3: {  	v51 =	vld [tilespmem:$0x19070]  }
0xb4: {  	v52 =	vld [tilespmem:$0x19060]  }
0xb5: {  	v54 =	vld [tilespmem:$0x19010];
	vm0 =	vlt.s32 v3, v1;
	v53 =	vsub.s32 v3, v0;
	vm12 =	vge.s32 v48, v0  }
0xb6: {  	vm2 =	vge.s32 v3, v0;
	vm3 =	vlt.s32 v49, v1;
	v3 =	vsub.s32 v49, v0  }
0xb7: {  	v55 =	vld [tilespmem:$0x19030];
	vm13 =	vge.s32 v49, v0;
	vm14 =	vlt.s32 v48, v1;
	vm6 =	vge.s32 v50, v0  }
0xb8: {  	vm15 =	vlt.s32 v50, v1;
	v56 =	vsub.s32 v50, v0;
	vm8 =	vge.s32 v51, v0  }
0xb9: {  	v4 =	vsub.s32 v48, v0;
	v57 =	vsub.s32 v52, v0;
	v58 =	vsub.s32 v51, v0  }
0xba: {  	vm9 =	vlt.s32 v51, v1;
	v61 =	vsub.s32 v54, v0;
	vm1 =	vmand vm12, vm14  }
0xbb: {  	vm12 =	vge.s32 v52, v0;
	vm0 =	vmand vm2, vm0;
	v4 =	vnsel vm1, $0xC350, v4  }
0xbc: {  	vm2 =	vge.s32 v55, v0;
	vm13 =	vmand vm13, vm3;
	v59 =	vnsel vm0, $0xC350, v53;
	[tilespmem:$0x190C0] =	vst v4  }
0xbd: {  	vm14 =	vlt.s32 v52, v1;
	vm11 =	vmand vm8, vm9;
	v3 =	vnsel vm13, $0xC350, v3;
	[tilespmem:$0x19080] =	vst v59  }
0xbe: {  	vm15 =	vmand vm6, vm15;
	vm1 =	vlt.s32 v54, v1;
	v60 =	vnsel vm11, $0xC350, v58;
	[tilespmem:$0x190A0] =	vst v3  }
0xbf: {  	vm10 =	vmand vm12, vm14;
	vm12 =	vge.s32 v54, v0;
	v3 =	vnsel vm15, $0xC350, v56;
	[tilespmem:$0x190F0] =	vst v60  }
0xc0: {  	vm14 =	vlt.s32 v55, v1;
	vm13 =	vmand vm12, vm1;
	[tilespmem:$0x190D0] =	vst v3;
	v3 =	vnsel vm10, $0xC350, v57  }
0xc1: {  	v63 =	vsub.s32 v55, v0;
	vm15 =	vmand vm2, vm14;
	v62 =	vnsel vm13, $0xC350, v61;
	[tilespmem:$0x190E0] =	vst v3  }
0xc2: {  	[tilespmem:$0x19090] =	vst v62;
	v3 =	vnsel vm15, $0xC350, v63  }
0xc3: {  	[tilespmem:$0x190B0] =	vst v3  }
0xc4: {  	[spmem:s1] =	stream.indirect.scatter.add.f32 [tilespmem:s21], [sflag:$0x1], $0x20, s23, s22, $0xb8;
	[tilespmem:$0x1D300] =	vst v63  }
0xc5: {  	_ =	swait.ge [sflag:s19], $0x1000  }
0xc6: {  	[sflag:s19] =	ssyncset.done $0x0  }
0xc7: {  	[sflag:s19] =	ssyncadd.s32 $0xFFFFF000  }
0xc8: {  	[bflag:$0x0] =	sbarrier.arrive $0xFFFF  }
0xc9: {  	[tilespmem:s18], [sflag:$0x1] =	stream.linear.gather [spmem:s5], $0x3200, $0x38;
	[tilespmem:$0x1D300] =	vst v63  }
0xca: {  	p0 =	sne.s32 s6, $0x1;
	_ =	swait.ge [sflag:s19], $0x3200  }
.Ltmp5:
0xcb: {  	[sflag:s19] =	ssyncset.done $0x0;
	(pc) =	sbr.rel @!p0 .LBB2_13-.Ltmp5, $4  }
0xcc: {  	[sflag:s19] =	ssyncadd.s32 $0xFFFFCE00  }
0xcd: {  	[hbm4b:s17+s3] =	stream.linear.scatter [tilespmem:s18], [sflag:$0x1], $0x3200, $0x38;
	[tilespmem:$0x1D300] =	vst v63  }
0xce: {  	s25 =	smov.u32 s5;
	_ =	swait.ge [sflag:s19], $0x3200  }
0xcf: {  	s26 =	smov.u32 s17;
	s16 =	sadd.s32 $0xFFFFFFFF, s6;
	[sflag:s19] =	ssyncset.done $0x0  }
.LBB2_12:
0xd0: {  	[sflag:s19] =	ssyncadd.s32 $0xFFFFCE00;
	s25 =	sadd.s32 $0x3200, s25;
	s26 =	sadd.s32 $0x640, s26  }
0xd1: {  	[tilespmem:s18], [sflag:$0x1] =	stream.linear.gather [spmem:s25], $0x3200, $0x38;
	[tilespmem:$0x1D300] =	vst v63  }
0xd2: {  	p0 =	sne.s32 s16, $0x1;
	s16 =	sadd.s32 $0xFFFFFFFF, s16;
	_ =	swait.ge [sflag:s19], $0x3200  }
.Ltmp6:
0xd3: {  	[sflag:s19] =	ssyncset.done $0x0;
	(pc) =	sbr.rel @p0 .LBB2_12-.Ltmp6, $4  }
0xd4: {  	[sflag:s19] =	ssyncadd.s32 $0xFFFFCE00  }
0xd5: {  	[hbm4b:s26+s3] =	stream.linear.scatter [tilespmem:s18], [sflag:$0x1], $0x3200, $0x38;
	[tilespmem:$0x1D300] =	vst v63  }
0xd6: {  	_ =	swait.ge [sflag:s19], $0x3200  }
0xd7: {  	[sflag:s19] =	ssyncset.done $0x0  }
.LBB2_13:
0xd8: {  	s24 =	sadd.s32 $0x1, s24  }
0xd9: {  	p0 =	sne.s32 s24, s7  }
.Ltmp7:
0xda: {  	_ = 	snop;
	(pc) =	sbr.rel @p0 .LBB2_1-.Ltmp7, $4  }
.Ltmp8:
0xdb: {  	_ = 	snop;
	(pc) =	sbr.rel @!p0 .LBB2_14-.Ltmp8, $4  }
0xdc: {  	_ = 	snop  }
0xdd: {  	_ = 	snop  }
0xde: {  	[sflag:s19] =	ssyncadd.s32 $0xFFFFCE00  }
0xdf: {  	_ = 	snop  }
.LBB2_4:
.Ltmp9:
0xe0: {  	(pc) =	sbr.rel .LBB2_11-.Ltmp9, $2  }
0xe1: {  	_ =	sdelay $0x2  }
0xe2: {  	s26 =	smov.u32 s15;
	s16 =	smov.u32 s0  }
.LBB2_6:
.Ltmp10:
0xe3: {  	(pc) =	sbr.rel .LBB2_11-.Ltmp10, $2  }
0xe4: {  	_ =	sdelay $0x2  }
0xe5: {  	s28 =	smov.u32 s15;
	s30 =	smov.u32 s0  }
.LBB2_8:
.Ltmp11:
0xe6: {  	(pc) =	sbr.rel .LBB2_11-.Ltmp11, $3  }
0xe7: {  	_ =	sdelay $0x1  }
0xe8: {  	s28 =	smov.u32 s26  }
0xe9: {  	s30 =	smov.u32 s16;
	s26 =	smov.u32 s29;
	s16 =	smov.u32 s25  }
.LBB2_14:
0xea: {  	_ =	sfence.sel $0x180000  }
0xeb: {  	[bflag:$0x0] =	sbarrier.arrive $0xFFFF  }
0xec: {  	_ =	strace $0x90000053  }
0xed: {  	[bflag:$0x2] =	sbarrier.arrive $0xFFFF  }
0xee: {  	p0 =	sne.s32 s2, $0x0;
	s0 =	rddreg [dreg:$0x2]  }
0xef: {  	s0 =	sadd.s32 @!p0 $0x100000, s0  }
0xf0: {  	[sflag:s0] =	ssyncadd.tile.s32 @!p0 $0x1;
	_ =	shalt  }
.Lfunc_end2:
_tile_overlayer_lowered:
.L_overlay_start_2:
0xf1: {  	(tag) =	ssettag $0x2  }
0xf2: {  	s0 =	rddreg [dreg:$0x0];
	s2 =	stileid.u32  }
0xf3: {  	s1 =	rddreg [dreg:$0x1];
	p0 =	sne.s32 s2, $0x0  }
0xf4: {  	s3 =	rddreg [dreg:$0x2];
	[bflag:$0x3] =	sbarrier.arrive $0xFFFF;
	s2 =	simm.s32 @!p0 $0x1C01  }
0xf5: {  	[timem:s3], [sflag:s2] =	dma.local @!p0 [hbm:s0], s1  }
0xf6: {  	s0 =	simm.s32 @!p0 $0x1  }
0xf7: {  	_ =	swait.ge @!p0 [sflag:s0], s1  }
0xf8: {  	s1 =	ssub.s32 @!p0 $0x0, s1;
	[sflag:s0] =	ssyncset.done @!p0 $0x0  }
0xf9: {  	[sflag:s0] =	ssyncadd.s32 @!p0 s1  }
0xfa: {  	[bflag:$0x3] =	sbarrier.arrive $0xFFFF  }
0xfb: {  	_ =	shalt  }

// kernel: egnn_sc_scatter32.5.cloned.1.call-start
scs
__scs_entry_jumppad:
0x0: {  	(pc) =	sbr.rel $0x88, $3  }
0x1: {  	(tag) =	ssettag $0x0;
	lr =	simm.s32 $0x1  }
0x2: {  	[smem:$0x3F84] =	sst lr;
	_ =	strace $0xD0000000  }
0x3: {  	_ = 	snop  }
0x4: {  	_ = 	snop  }
0x5: {  	_ = 	snop  }
0x6: {  	_ = 	snop  }
0x7: {  	_ = 	snop  }
__scs_overlays_trampoline_lowered:
0x8: {  	[smem:$0x3F93] =	sst s0  }
0x9: {  	[smem:$0x3F94] =	sst s1  }
0xa: {  	[smem:$0x3F95] =	sst s2  }
0xb: {  	[smem:$0x3F96] =	sst s3  }
0xc: {  	[smem:$0x3F97] =	sst s4  }
0xd: {  	[smem:$0x3F98] =	sst s5  }
0xe: {  	[smem:$0x3F99] =	sst s6  }
0xf: {  	[smem:$0x3F9A] =	sst s7  }
0x10: {  	[smem:$0x3F9B] =	sst s8  }
0x11: {  	[smem:$0x3F9C] =	sst s9;
	s0 =	simm.s32 @!p0 $0x0  }
0x12: {  	s1 =	sld [smem:$0x3F82];
	s0 =	simm.s32 @p0 $0x1  }
0x13: {  	[smem:$0x3F9D] =	sst s0;
	s0 =	simm.s32 @!p1 $0x0  }
0x14: {  	s2 =	sld [smem:$0x3F81];
	s0 =	simm.s32 @p1 $0x1  }
0x15: {  	[smem:$0x3F9E] =	sst s0;
	s0 =	simm.s32 @!p2 $0x0  }
0x16: {  	s3 =	sld [smem:$0x3FDB];
	s0 =	simm.s32 @p2 $0x1  }
0x17: {  	s4 =	simm.s32 $0x1BF5;
	[smem:$0x3FA0] =	sst s0  }
0x18: {  	s0 =	sld [smem:$0x3F83];
	_ =	swait.ge [sflag:s4], $0x0  }
0x19: {  	s7 =	sld [smem:$0x3F84]  }
0x1a: {  	s8 =	sadd.s32 $0xFFFFE003, lr  }
0x1b: {  	s9 =	sadd.s32 $0xFFFFFEF7, lr;
	s5 =	simm.s32 $0xFFFFFFFF;
	p2 =	slt.u32 s8, $0xFFFFF086  }
0x1c: {  	p1 =	slt.u32 s9, $0xF7A;
	s5 =	simm.s32 @!p2 $0x0  }
0x1d: {  	s5 =	simm.s32 @p1 $0x1;
	p0 =	seq.s32 s7, s2  }
0x1e: {  	s7 =	smul.u32 @!p0 $0xF7A, s2;
	p2 =	seq.s32 @!p0 s5, $0x0  }
0x1f: {  	s9 =	smul.u32 $0xF7A, s1;
	s8 =	simm.s32 @!p0 $0x1BF5;
	p2 =	por !p2, p0  }
0x20: {  	[sflag:s8] =	ssyncset.s32 @!p0 $0xFFFFF086;
	s6 =	sadd.s32 @!p0 s3, s7;
	s7 =	simm.s32 @!p0 $0x108  }
0x21: {  	s3 =	sadd.s32 s3, s9;
	s6 =	sadd.s32 @!p0 $0x88, s6;
	s7 =	simm.s32 @p2 $0x1082  }
0x22: {  	[simem:s7], [sflag:s8] =	dma.local @!p0 [hbm:s6], $0xF7A  }
0x23: {  	s9 =	sor.u32 $0xD0000000, s2;
	s6 =	simm.s32 $0x108;
	_ =	swait.ge @!p0 [sflag:s8], $0x0  }
0x24: {  	s3 =	sadd.s32 $0x88, s3;
	s6 =	simm.s32 @!p1 $0x1082;
	[sflag:s4] =	ssyncset.s32 $0xFFFFF086  }
0x25: {  	[simem:s6], [sflag:s4] =	dma.local [hbm:s3], $0xF7A  }
0x26: {  	[smem:$0x3F84] =	sst s1;
	(tag) =	ssettag s2;
	_ =	strace s9  }
0x27: {  	s1 =	sld [smem:$0x3F94]  }
0x28: {  	s2 =	sld [smem:$0x3F95]  }
0x29: {  	s4 =	sld [smem:$0x3F97]  }
0x2a: {  	p0 =	seq.s32 s5, $0x0;
	s5 =	sld [smem:$0x3F98]  }
0x2b: {  	s6 =	sld [smem:$0x3F99]  }
0x2c: {  	s7 =	sld [smem:$0x3F9A]  }
0x2d: {  	s3 =	simm.s32 $0x108;
	s8 =	sld [smem:$0x3F9B]  }
0x2e: {  	s3 =	simm.s32 @!p0 $0x1082;
	s9 =	sld [smem:$0x3F9C]  }
0x2f: {  	lr =	sadd.s32 s0, s3;
	s0 =	sld [smem:$0x3F93]  }
0x30: {  	s3 =	sld [smem:$0x3F96]  }
0x31: {  	[smem:$0x3F9F] =	sst s10  }
0x32: {  	s10 =	sld [smem:$0x3F9D];
	_ =	sdelay $0x3  }
0x33: {  	p0 =	seq.s32 s10, $0x1;
	s10 =	sld [smem:$0x3F9F];
	_ =	sdelay $0x3  }
0x34: {  	[smem:$0x3F9F] =	sst s10  }
0x35: {  	s10 =	sld [smem:$0x3F9E];
	_ =	sdelay $0x3  }
0x36: {  	p1 =	seq.s32 s10, $0x1;
	s10 =	sld [smem:$0x3F9F];
	_ =	sdelay $0x3  }
0x37: {  	[smem:$0x3F9F] =	sst s10  }
0x38: {  	s10 =	sld [smem:$0x3FA0]  }
0x39: {  	_ = 	snop;
	(pc) =	sbr.ind lr, $3  }
0x3a: {  	_ = 	snop  }
0x3b: {  	_ = 	snop  }
0x3c: {  	p2 =	seq.s32 s10, $0x1;
	s10 =	sld [smem:$0x3F9F]  }
0x3d: {  	_ =	shalt  }
0x3e: {  	_ =	shalt  }
0x3f: {  	_ =	shalt  }
0x40: {  	_ =	shalt  }
0x41: {  	_ =	shalt  }
0x42: {  	_ =	shalt  }
0x43: {  	_ =	shalt  }
0x44: {  	_ =	shalt  }
0x45: {  	_ =	shalt  }
0x46: {  	_ =	shalt  }
0x47: {  	_ =	shalt  }
0x48: {  	_ =	shalt  }
0x49: {  	_ =	shalt  }
0x4a: {  	_ =	shalt  }
0x4b: {  	_ =	shalt  }
0x4c: {  	_ =	shalt  }
0x4d: {  	_ =	shalt  }
0x4e: {  	_ =	shalt  }
0x4f: {  	_ =	shalt  }
0x50: {  	_ =	shalt  }
0x51: {  	_ =	shalt  }
0x52: {  	_ =	shalt  }
0x53: {  	_ =	shalt  }
0x54: {  	_ =	shalt  }
0x55: {  	_ =	shalt  }
0x56: {  	_ =	shalt  }
0x57: {  	_ =	shalt  }
0x58: {  	_ =	shalt  }
0x59: {  	_ =	shalt  }
0x5a: {  	_ =	shalt  }
0x5b: {  	_ =	shalt  }
0x5c: {  	_ =	shalt  }
0x5d: {  	_ =	shalt  }
0x5e: {  	_ =	shalt  }
0x5f: {  	_ =	shalt  }
0x60: {  	_ =	shalt  }
0x61: {  	_ =	shalt  }
0x62: {  	_ =	shalt  }
0x63: {  	_ =	shalt  }
0x64: {  	_ =	shalt  }
0x65: {  	_ =	shalt  }
0x66: {  	_ =	shalt  }
0x67: {  	_ =	shalt  }
0x68: {  	_ =	shalt  }
0x69: {  	_ =	shalt  }
0x6a: {  	_ =	shalt  }
0x6b: {  	_ =	shalt  }
0x6c: {  	_ =	shalt  }
0x6d: {  	_ =	shalt  }
0x6e: {  	_ =	shalt  }
0x6f: {  	_ =	shalt  }
0x70: {  	_ =	shalt  }
0x71: {  	_ =	shalt  }
0x72: {  	_ =	shalt  }
0x73: {  	_ =	shalt  }
0x74: {  	_ =	shalt  }
0x75: {  	_ =	shalt  }
0x76: {  	_ =	shalt  }
0x77: {  	_ =	shalt  }
0x78: {  	_ =	shalt  }
0x79: {  	_ =	shalt  }
0x7a: {  	_ =	shalt  }
0x7b: {  	_ =	shalt  }
0x7c: {  	_ =	shalt  }
0x7d: {  	_ =	shalt  }
0x7e: {  	_ =	shalt  }
0x7f: {  	_ =	shalt  }
0x80: {  	_ =	shalt  }
0x81: {  	_ =	shalt  }
0x82: {  	_ =	shalt  }
0x83: {  	_ =	shalt  }
0x84: {  	_ =	shalt  }
0x85: {  	_ =	shalt  }
0x86: {  	_ =	shalt  }
0x87: {  	_ =	shalt  }
.Lfunc_end0:
.L_simem_size_0:
called_computation.1_lowered:
.L_overlay_start_0:
0x88: {  	s2 =	sld [smem:$0x3FD9]  }
0x89: {  	s3 =	sld [smem:$0x3FFE];
	_ =	sdelay $0x1  }
0x8a: {  	s1 =	srdreg.scid  }
0x8b: {  	s0 =	sand.u32 $0x1, s1  }
0x8c: {  	s17 =	sshll.u32 s0, $0xA;
	s2 =	sadd.s32 s3, s2  }
0x8d: {  	s2 =	sadd.s32 s2, s17  }
0x8e: {  	[smem:$0x3FAB] =	sst s2  }
0x8f: {  	_ = 	snop  }
0x90: {  	(tm) =	ssettm $0x1  }
0x91: {  	s18 =	sld [smem:$0x3FFB];
	_ =	sdelay $0x3  }
0x92: {  	_ =	strace s18  }
0x93: {  	s2 =	sld [smem:$0x3FFC];
	_ =	sdelay $0x3  }
0x94: {  	_ =	strace s2  }
0x95: {  	s2 =	sld [smem:$0x3FFD];
	_ =	sdelay $0x3  }
0x96: {  	_ =	strace s2  }
0x97: {  	_ =	strace $0x8FFFFFFF  }
0x98: {  	s19 =	sld [smem:$0x3FDB];
	_ =	sdelay $0x1  }
0x99: {  	s20 =	simm.s32 $_scs_section_size  }
0x9a: {  	s4 =	simm.s32 $_size__tile_overlayer_lowered;
	s5 =	simm.s32 $_tile_overlayer_lowered  }
0x9b: {  	s6 =	simm.s32 $0x1BFF;
	s21 =	sshll.u32 s5, $0x1;
	s3 =	sadd.s32 s20, s19  }
0x9c: {  	s22 =	simm.s32 $0x0;
	s4 =	sshll.u32 s4, $0x1;
	s5 =	sadd.s32 s21, s3  }
0x9d: {  	[timem:s22], [sflag:s6] =	dma.local [hbm:s5], s4  }
0x9e: {  	_ =	swait.ge [sflag:s6], s4  }
0x9f: {  	s4 =	ssub.s32 $0x0, s4;
	[sflag:s6] =	ssyncset.done $0x0  }
0xa0: {  	[sflag:s6] =	ssyncadd.s32 s4;
	_ =	sdelay $0x1  }
0xa1: {  	s23 =	simm.s32 $0x1B8B  }
0xa2: {  	_ =	swait.ge [sflag:s23], $0x1  }
0xa3: {  	[sflag:s23] =	ssyncset.done $0x0  }
0xa4: {  	[sflag:s23] =	ssyncadd.s32 $0xFFFFFFFF  }
0xa5: {  	s4 =	sld [smem:$0x0]  }
0xa6: {  	s5 =	sand.u32 $0xFFFFFFFE, s1  }
0xa7: {  	p0 =	sne.s32 s1, s5  }
0xa8: {  	s5 =	sshll.u32 @p0 s5, $0xE  }
0xa9: {  	s5 =	sadd.s32 @p0 $0x11B8D, s5;
	s6 =	sshll.u32 @p0 s4, $0x11  }
0xaa: {  	s5 =	sor.u32 @p0 s6, s5  }
0xab: {  	[sflag:s5] =	ssyncadd.remote.s32 @p0 $0x1;
	_ =	sdelay $0x1  }
0xac: {  	s5 =	simm.s32 @p0 $0x1B8D  }
0xad: {  	_ =	swait.eq @p0 [sflag:s5], $0x1  }
0xae: {  	[sflag:s5] =	ssyncadd.s32 @p0 $0xFFFFFFFF  }
0xaf: {  	s6 =	sshll.u32 @!p0 s1, $0xE  }
0xb0: {  	s6 =	sor.u32 @!p0 $0x4000, s6;
	s5 =	simm.s32 @!p0 $0x1B8D  }
0xb1: {  	s4 =	sshll.u32 @!p0 s4, $0x11;
	s6 =	sadd.s32 @!p0 $0x11B8D, s6;
	_ =	swait.eq @!p0 [sflag:s5], $0x1  }
0xb2: {  	s4 =	sor.u32 @!p0 s4, s6;
	[sflag:s5] =	ssyncadd.s32 @!p0 $0xFFFFFFFF  }
0xb3: {  	s25 =	simm.s32 $0x1B8E;
	s24 =	sld [smem:$0x3FFE];
	[sflag:s4] =	ssyncadd.remote.s32 @!p0 $0x1  }
0xb4: {  	s26 =	simm.s32 $execute0_lowered;
	[smem:$0x3FD2] =	sst s25  }
0xb5: {  	s5 =	sshll.u32 s26, $0x1;
	_ =	strace $0x8000004C;
	[dreg:$0x1] =	wrdreg $0xFFFFFFFF  }
0xb6: {  	s28 =	simm.s32 $_size_execute0_lowered;
	s3 =	sadd.s32 s3, s5;
	[dreg:$0x0] =	wrdreg $0x0  }
0xb7: {  	s5 =	sshll.u32 s28, $0x1;
	[dreg:$0x2] =	wrdreg s3  }
0xb8: {  	[dreg:$0x3] =	wrdreg s5  }
0xb9: {  	[dreg:$0x4] =	wrdreg $0xC0  }
0xba: {  	_ =	task [dreg:s22], $0x5FFFF  }
0xbb: {  	[dreg:$0x1] =	wrdreg $0xFFFFFFFF  }
0xbc: {  	[dreg:$0x0] =	wrdreg $0x60  }
0xbd: {  	[dreg:$0x2] =	wrdreg s24  }
0xbe: {  	[dreg:$0x3] =	wrdreg $0x0  }
0xbf: {  	[dreg:$0x4] =	wrdreg $0x9  }
0xc0: {  	_ =	task.clear_ibuf [dreg:s22], $0x5FFFF;
	_ =	strace $0x9000004C  }
0xc1: {  	s29 =	simm.s32 $0x9;
	_ =	strace $0x8000004E  }
0xc2: {  	_ =	swait.ge [sflag:s29], $0x1  }
0xc3: {  	[sflag:s29] =	ssyncadd.s32 $0xFFFFFFFF  }
0xc4: {  	_ =	strace $0x9000004E  }
0xc5: {  	_ =	sfence  }
0xc6: {  	s30 =	sld [smem:$0x0];
	_ =	sdelay $0x2  }
0xc7: {  	s31 =	sshll.u32 s1, $0xD;
	s1 =	sshrl.u32 s1, $0x2  }
0xc8: {  	s4 =	sand.u32 $0x4000, s31;
	s1 =	sadd.s32 s1, s30  }
0xc9: {  	s0 =	sor.u32 s4, s0;
	s1 =	sshll.u32 s1, $0x11  }
0xca: {  	s0 =	sor.u32 s1, s0  }
0xcb: {  	s0 =	sadd.s32 $0x8F2B, s0  }
0xcc: {  	[sflag:s0] =	ssyncadd.remote.s32 $0x1  }
0xcd: {  	_ =	sfence.sel $0xFFFF  }
0xce: {  	[dreg:$0x0] =	wrdreg $0xFFFFFFFF;
	(pc) =	sbr.abs _section_cstart, $3  }
0xcf: {  	[dreg:$0x1] =	wrdreg $0xFFFFFFFF  }
0xd0: {  	_ =	task.clear_ibuf [dreg:s22], $0x2FFFF;
	_ =	strace $0x9FFFFFFF  }
0xd1: {  	(tm) =	ssettm $0x7FFFFFFF  }
tec
execute0_lowered:
.L_overlay_start_1:
0x0: {  	(tag) =	ssettag $0x1  }
0x1: {  	s0 =	rddreg [dreg:$0x0]  }
0x2: {  	s1 =	rddreg [dreg:$0x1];
	s3 =	simm.s32 $0x0;
	s4 =	srdreg.scid  }
0x3: {  	s2 =	stileid.u32;
	s18 =	simm.s32 $0x1A100;
	s19 =	simm.s32 $0x1  }
0x4: {  	s20 =	simm.s32 $0x19000;
	s21 =	simm.s32 $0x19100;
	s7 =	smul.u32 $0xC80, s2  }
0x5: {  	[smem:$0x7FF] =	sst s3;
	s4 =	sand.u32 $0x1, s4;
	s28 =	smul.u32 $0x64000, s2  }
0x6: {  	s5 =	sshll.u32 s2, $0x4;
	s23 =	sshll.u32 s2, $0x9;
	s17 =	smul.u32 $0x3200, s2  }
0x7: {  	s30 =	ssub.s32 $0x30E3, s2;
	_ =	strace $0x8000004D;
	s6 =	smul.u32 $0x30D40, s4  }
0x8: {  	s14 =	sadd.s32 s5, s0;
	s15 =	sadd.s32 s23, s0;
	s24 =	ssub.s32 $0x2, s4  }
0x9: {  	s22 =	smul.u32 $0xC350, s4;
	s4 =	sshrl.u32 s30, $0x4;
	s25 =	sshrl.u32 s24, $0x1  }
0xa: {  	s26 =	ssub.s32 $0xC350, s7;
	s7 =	sshrl.u32 s28, $0x2;
	s14 =	sadd.s32 $0x220A00, s14  }
0xb: {  	s16 =	sadd.s32 s6, s0;
	s0 =	ssub.s32 s24, s25;
	s29 =	smin.u32 s26, $0xC80  }
0xc: {  	s23 =	sadd.s32 $0xC350, s22;
	s5 =	sadd.s32 s7, s1;
	v0 =	vmov s22;
	s22 =	simm.s32 $0x80  }
0xd: {  	s24 =	simm.s32 $0x0;
	s6 =	smul.u32 $0x51F, s29;
	s7 =	smax.u32 s0, $0x1  }
0xe: {  	s8 =	sadd.s32 $0x3200, s5;
	s9 =	sadd.s32 $0x6400, s5;
	s10 =	sadd.s32 $0x9600, s5  }
0xf: {  	s11 =	sadd.s32 $0xC800, s5;
	s12 =	sadd.s32 $0xFA00, s5;
	s13 =	sadd.s32 $0x12C00, s5  }
0x10: {  	s0 =	sadd.s32 $0xC3C600, s15;
	s31 =	sadd.s32 s17, s16;
	s16 =	sadd.s32 $0x15E00, s5  }
0x11: {  	v2 =	vimm.f32 $0.0e+00;
	v1 =	vmov s23;
	s23 =	simm.s32 $0x19080;
	s17 =	sadd.s32 $0x251800, s31;
	s6 =	sshrl.u32 s6, $0x13  }
.LBB2_1:
0x12: {  	s15 =	simm.s32 $0x80;
	s25 =	simm.s32 $0x0  }
.LBB2_2:
0x13: {  	p0 =	sne.s32 s15, $0xC780;
	[tilespmem:s25+$0x1A100] =	vst v2;
	s26 =	smov.u32 s15;
	s15 =	sadd.s32 $0x80, s15  }
.Ltmp0:
0x14: {  	[tilespmem:s25+$0x1A110] =	vst v2;
	(pc) =	sbr.rel @p0 .LBB2_2-.Ltmp0, $2  }
0x15: {  	_ =	sdelay $0x2  }
0x16: {  	s25 =	sshra.s32 s26, $0x2  }
0x17: {  	[tilespmem:s25+$0x1A100] =	vst v2  }
0x18: {  	[tilespmem:s25+$0x1A110] =	vst v2  }
0x19: {  	[spmem:s5] =	stream.linear.scatter [tilespmem:s18], [sflag:$0x1], $0x3200, $0x38;
	[tilespmem:$0x1D300] =	vst v63  }
0x1a: {  	_ =	swait.ge [sflag:s19], $0x3200  }
0x1b: {  	[sflag:s19] =	ssyncset.done $0x0  }
0x1c: {  	[sflag:s19] =	ssyncadd.s32 $0xFFFFCE00  }
0x1d: {  	[spmem:s8] =	stream.linear.scatter [tilespmem:s18], [sflag:$0x1], $0x3200, $0x38;
	[tilespmem:$0x1D300] =	vst v63  }
0x1e: {  	_ =	swait.ge [sflag:s19], $0x3200  }
0x1f: {  	[sflag:s19] =	ssyncset.done $0x0  }
0x20: {  	[sflag:s19] =	ssyncadd.s32 $0xFFFFCE00  }
0x21: {  	[spmem:s9] =	stream.linear.scatter [tilespmem:s18], [sflag:$0x1], $0x3200, $0x38;
	[tilespmem:$0x1D300] =	vst v63  }
0x22: {  	_ =	swait.ge [sflag:s19], $0x3200  }
0x23: {  	[sflag:s19] =	ssyncset.done $0x0  }
0x24: {  	[sflag:s19] =	ssyncadd.s32 $0xFFFFCE00  }
0x25: {  	[spmem:s10] =	stream.linear.scatter [tilespmem:s18], [sflag:$0x1], $0x3200, $0x38;
	[tilespmem:$0x1D300] =	vst v63  }
0x26: {  	_ =	swait.ge [sflag:s19], $0x3200  }
0x27: {  	[sflag:s19] =	ssyncset.done $0x0  }
0x28: {  	[sflag:s19] =	ssyncadd.s32 $0xFFFFCE00  }
0x29: {  	[spmem:s11] =	stream.linear.scatter [tilespmem:s18], [sflag:$0x1], $0x3200, $0x38;
	[tilespmem:$0x1D300] =	vst v63  }
0x2a: {  	_ =	swait.ge [sflag:s19], $0x3200  }
0x2b: {  	[sflag:s19] =	ssyncset.done $0x0  }
0x2c: {  	[sflag:s19] =	ssyncadd.s32 $0xFFFFCE00  }
0x2d: {  	[spmem:s12] =	stream.linear.scatter [tilespmem:s18], [sflag:$0x1], $0x3200, $0x38;
	[tilespmem:$0x1D300] =	vst v63  }
0x2e: {  	_ =	swait.ge [sflag:s19], $0x3200  }
0x2f: {  	[sflag:s19] =	ssyncset.done $0x0  }
0x30: {  	[sflag:s19] =	ssyncadd.s32 $0xFFFFCE00  }
0x31: {  	[spmem:s13] =	stream.linear.scatter [tilespmem:s18], [sflag:$0x1], $0x3200, $0x38;
	[tilespmem:$0x1D300] =	vst v63  }
0x32: {  	_ =	swait.ge [sflag:s19], $0x3200  }
0x33: {  	[sflag:s19] =	ssyncset.done $0x0  }
0x34: {  	p2 =	sne.s32 s4, $0x1;
	[sflag:s19] =	ssyncadd.s32 $0xFFFFCE00  }
0x35: {  	[spmem:s16] =	stream.linear.scatter [tilespmem:s18], [sflag:$0x1], $0x3200, $0x38;
	[tilespmem:$0x1D300] =	vst v63  }
.Ltmp1:
0x36: {  	_ =	swait.ge [sflag:s19], $0x3200;
	(pc) =	sbr.rel @!p2 .LBB2_4-.Ltmp1, $4  }
0x37: {  	[sflag:s19] =	ssyncset.done $0x0  }
0x38: {  	[sflag:s19] =	ssyncadd.s32 $0xFFFFCE00  }
0x39: {  	[bflag:$0x0] =	sbarrier.arrive $0xFFFF  }
0x3a: {  	s25 =	sadd.s32 $0xFFFFFFFF, s4;
	p0 =	por $0x0, $0x0;
	p1 =	por $0x0, $0x0  }
0x3b: {  	p2 =	sne.s32 s25, $0x1  }
.Ltmp2:
0x3c: {  	_ = 	snop;
	(pc) =	sbr.rel @!p2 .LBB2_6-.Ltmp2, $3  }
0x3d: {  	_ =	sdelay $0x1  }
0x3e: {  	s26 =	sadd.s32 $0x100, s14  }
0x3f: {  	s15 =	sadd.s32 $0x2000, s0;
	s28 =	sadd.s32 $0xFFFFFFFF, s25;
	p0 =	por $0x1, $0x1  }
0x40: {  	[tilespmem:s20], [sflag:$0x1] =	stream.linear.gather [hbm4b:s14+s3], $0x80, $0x38;
	[tilespmem:$0x1D300] =	vst v63  }
0x41: {  	_ =	swait.ge [sflag:s19], $0x80  }
0x42: {  	[sflag:s19] =	ssyncset.done $0x0  }
0x43: {  	[sflag:s19] =	ssyncadd.s32 $0xFFFFFF80  }
0x44: {  	[tilespmem:s21], [sflag:$0x1] =	stream.linear.gather [hbm4b:s0+s3], $0x1000, $0x38;
	[tilespmem:$0x1D300] =	vst v63  }
0x45: {  	_ =	swait.ge [sflag:s19], $0x1000  }
0x46: {  	[sflag:s19] =	ssyncset.done $0x0  }
0x47: {  	[sflag:s19] =	ssyncadd.s32 $0xFFFFF000  }
0x48: {  	v3 =	vld [tilespmem:$0x19000]  }
0x49: {  	v4 =	vld [tilespmem:$0x19040]  }
0x4a: {  	v5 =	vld [tilespmem:$0x19020]  }
0x4b: {  	v6 =	vld [tilespmem:$0x19050]  }
0x4c: {  	v7 =	vld [tilespmem:$0x19070]  }
0x4d: {  	v8 =	vld [tilespmem:$0x19060]  }
0x4e: {  	vm0 =	vlt.s32 v3, v1;
	v9 =	vsub.s32 v3, v0;
	vm1 =	vge.s32 v4, v0  }
0x4f: {  	v10 =	vld [tilespmem:$0x19010];
	vm2 =	vge.s32 v3, v0;
	vm3 =	vlt.s32 v5, v1;
	v11 =	vsub.s32 v5, v0  }
0x50: {  	vm4 =	vge.s32 v5, v0;
	vm5 =	vlt.s32 v4, v1;
	vm6 =	vge.s32 v6, v0  }
0x51: {  	vm7 =	vlt.s32 v6, v1;
	v5 =	vsub.s32 v6, v0;
	vm8 =	vge.s32 v7, v0  }
0x52: {  	v4 =	vsub.s32 v4, v0;
	vm13 =	vge.s32 v8, v0;
	v6 =	vsub.s32 v8, v0  }
0x53: {  	v3 =	vld [tilespmem:$0x19030];
	v12 =	vsub.s32 v7, v0;
	vm14 =	vlt.s32 v7, v1;
	vm1 =	vmand vm1, vm5  }
0x54: {  	p2 =	sne.s32 s28, $0x1;
	vm15 =	vge.s32 v10, v0;
	v4 =	vnsel vm1, $0xC350, v4;
	vm1 =	vmand vm2, vm0  }
.Ltmp3:
0x55: {  	vm2 =	vlt.s32 v10, v1;
	[tilespmem:$0x190C0] =	vst v4;
	v4 =	vnsel vm1, $0xC350, v9;
	vm1 =	vmand vm4, vm3;
	(pc) =	sbr.rel @!p2 .LBB2_8-.Ltmp3, $4  }
0x56: {  	vm3 =	vlt.s32 v8, v1;
	[tilespmem:$0x19080] =	vst v4;
	v4 =	vnsel vm1, $0xC350, v11;
	vm1 =	vmand vm6, vm7  }
0x57: {  	[tilespmem:$0x190A0] =	vst v4;
	v4 =	vnsel vm1, $0xC350, v5;
	vm1 =	vmand vm13, vm3;
	vm3 =	vmand vm8, vm14  }
0x58: {  	s29 =	sadd.s32 $0x100, s26;
	s25 =	sadd.s32 $0x2000, s15;
	s30 =	sadd.s32 $0xFFFFFFFF, s28;
	vm0 =	vge.s32 v3, v0;
	[tilespmem:$0x190D0] =	vst v4;
	v4 =	vnsel vm1, $0xC350, v6;
	v6 =	vnsel vm3, $0xC350, v12  }
0x59: {  	p1 =	por $0x1, $0x1;
	s31 =	smov.u32 s29;
	s28 =	smov.u32 s25;
	v5 =	vsub.s32 v10, v0;
	vm1 =	vmand vm15, vm2;
	vm2 =	vlt.s32 v3, v1;
	[tilespmem:$0x190F0] =	vst v6  }
.LBB2_9:
0x5a: {  	p2 =	sne.s32 s30, $0x1;
	s31 =	sadd.s32 $0x100, s31;
	s28 =	sadd.s32 $0x2000, s28;
	v5 =	vnsel vm1, $0xC350, v5;
	vm0 =	vmand vm0, vm2;
	v3 =	vsub.s32 v3, v0;
	[tilespmem:$0x190E0] =	vst v4  }
0x5b: {  	s30 =	sadd.s32 $0xFFFFFFFF, s30;
	[tilespmem:$0x19090] =	vst v5;
	v3 =	vnsel vm0, $0xC350, v3  }
0x5c: {  	[tilespmem:$0x190B0] =	vst v3  }
0x5d: {  	[spmem:s1] =	stream.indirect.scatter.add.f32 [tilespmem:s21], [sflag:$0x1], $0x20, s23, s22, $0xb8;
	[tilespmem:$0x1D300] =	vst v63  }
0x5e: {  	_ =	swait.ge [sflag:s19], $0x1000  }
0x5f: {  	[sflag:s19] =	ssyncset.done $0x0  }
0x60: {  	[sflag:s19] =	ssyncadd.s32 $0xFFFFF000  }
0x61: {  	[tilespmem:s20], [sflag:$0x1] =	stream.linear.gather [hbm4b:s26+s3], $0x80, $0x38;
	[tilespmem:$0x1D300] =	vst v63  }
0x62: {  	s26 =	smov.u32 s29;
	s29 =	smov.u32 s31;
	_ =	swait.ge [sflag:s19], $0x80  }
0x63: {  	[sflag:s19] =	ssyncset.done $0x0  }
0x64: {  	[sflag:s19] =	ssyncadd.s32 $0xFFFFFF80  }
0x65: {  	[tilespmem:s21], [sflag:$0x1] =	stream.linear.gather [hbm4b:s15+s3], $0x1000, $0x38;
	[tilespmem:$0x1D300] =	vst v63  }
0x66: {  	s15 =	smov.u32 s25;
	s25 =	smov.u32 s28;
	_ =	swait.ge [sflag:s19], $0x1000  }
0x67: {  	[sflag:s19] =	ssyncset.done $0x0  }
0x68: {  	[sflag:s19] =	ssyncadd.s32 $0xFFFFF000  }
0x69: {  	v3 =	vld [tilespmem:$0x19000]  }
0x6a: {  	v4 =	vld [tilespmem:$0x19040]  }
0x6b: {  	v5 =	vld [tilespmem:$0x19020]  }
0x6c: {  	v6 =	vld [tilespmem:$0x19050]  }
0x6d: {  	v7 =	vld [tilespmem:$0x19070]  }
0x6e: {  	v8 =	vld [tilespmem:$0x19060]  }
0x6f: {  	vm0 =	vlt.s32 v3, v1;
	v9 =	vsub.s32 v3, v0;
	v10 =	vld [tilespmem:$0x19010];
	vm1 =	vge.s32 v4, v0  }
0x70: {  	vm2 =	vge.s32 v3, v0;
	vm3 =	vlt.s32 v5, v1;
	v11 =	vsub.s32 v5, v0;
	v3 =	vld [tilespmem:$0x19030]  }
0x71: {  	vm5 =	vlt.s32 v4, v1;
	vm4 =	vge.s32 v5, v0;
	vm6 =	vge.s32 v6, v0  }
0x72: {  	vm7 =	vlt.s32 v6, v1;
	v5 =	vsub.s32 v6, v0;
	vm8 =	vge.s32 v7, v0  }
0x73: {  	v4 =	vsub.s32 v4, v0;
	vm1 =	vmand vm1, vm5;
	vm5 =	vge.s32 v8, v0  }
0x74: {  	v4 =	vnsel vm1, $0xC350, v4;
	v12 =	vsub.s32 v7, v0;
	v6 =	vsub.s32 v8, v0  }
0x75: {  	vm1 =	vmand vm2, vm0;
	vm2 =	vlt.s32 v10, v1;
	vm0 =	vge.s32 v3, v0;
	[tilespmem:$0x190C0] =	vst v4  }
.Ltmp4:
0x76: {  	v4 =	vnsel vm1, $0xC350, v9;
	vm1 =	vmand vm4, vm3;
	vm3 =	vlt.s32 v8, v1;
	(pc) =	sbr.rel @p2 .LBB2_9-.Ltmp4, $4  }
0x77: {  	vm4 =	vlt.s32 v7, v1;
	[tilespmem:$0x19080] =	vst v4;
	v4 =	vnsel vm1, $0xC350, v11;
	vm1 =	vmand vm6, vm7  }
0x78: {  	[tilespmem:$0x190A0] =	vst v4;
	v4 =	vnsel vm1, $0xC350, v5;
	vm1 =	vmand vm5, vm3;
	vm3 =	vmand vm8, vm4  }
0x79: {  	vm4 =	vge.s32 v10, v0;
	[tilespmem:$0x190D0] =	vst v4;
	v4 =	vnsel vm1, $0xC350, v6;
	v6 =	vnsel vm3, $0xC350, v12  }
0x7a: {  	v5 =	vsub.s32 v10, v0;
	vm1 =	vmand vm4, vm2;
	vm2 =	vlt.s32 v3, v1;
	[tilespmem:$0x190F0] =	vst v6  }
0x7b: {  	s28 =	smov.u32 s26  }
0x7c: {  	s30 =	smov.u32 s15;
	s26 =	smov.u32 s29;
	s15 =	smov.u32 s25  }
.LBB2_11:
0x7d: {  	v5 =	vnsel @p1 vm1, $0xC350, v5;
	vm0 =	vmand @p1 vm0, vm2;
	v3 =	vsub.s32 @p1 v3, v0;
	[tilespmem:$0x190E0] =	vst @p1 v4  }
0x7e: {  	[tilespmem:$0x19090] =	vst @p1 v5;
	v3 =	vnsel @p1 vm0, $0xC350, v3  }
0x7f: {  	[tilespmem:$0x190B0] =	vst @p1 v3  }
0x80: {  	[spmem:s1] =	stream.indirect.scatter.add.f32 @p1 [tilespmem:s21], [sflag:$0x1], $0x20, s23, s22, $0xb8;
	[tilespmem:$0x1D300] =	vst v63  }
0x81: {  	_ =	swait.ge @p1 [sflag:s19], $0x1000  }
0x82: {  	[sflag:s19] =	ssyncset.done @p1 $0x0  }
0x83: {  	[sflag:s19] =	ssyncadd.s32 @p1 $0xFFFFF000  }
0x84: {  	[tilespmem:s20], [sflag:$0x1] =	stream.linear.gather @p0 [hbm4b:s28+s3], $0x80, $0x38;
	[tilespmem:$0x1D300] =	vst v63  }
0x85: {  	_ =	swait.ge @p0 [sflag:s19], $0x80  }
0x86: {  	[sflag:s19] =	ssyncset.done @p0 $0x0  }
0x87: {  	[sflag:s19] =	ssyncadd.s32 @p0 $0xFFFFFF80  }
0x88: {  	[tilespmem:s21], [sflag:$0x1] =	stream.linear.gather @p0 [hbm4b:s30+s3], $0x1000, $0x38;
	[tilespmem:$0x1D300] =	vst v63  }
0x89: {  	_ =	swait.ge @p0 [sflag:s19], $0x1000  }
0x8a: {  	[sflag:s19] =	ssyncset.done @p0 $0x0  }
0x8b: {  	[sflag:s19] =	ssyncadd.s32 @p0 $0xFFFFF000  }
0x8c: {  	v3 =	vld @p0 [tilespmem:$0x19000]  }
0x8d: {  	v4 =	vld @p0 [tilespmem:$0x19040]  }
0x8e: {  	v5 =	vld @p0 [tilespmem:$0x19020]  }
0x8f: {  	v6 =	vld @p0 [tilespmem:$0x19050]  }
0x90: {  	v7 =	vld @p0 [tilespmem:$0x19070]  }
0x91: {  	v8 =	vld @p0 [tilespmem:$0x19060]  }
0x92: {  	v10 =	vld @p0 [tilespmem:$0x19010];
	vm0 =	vlt.s32 @p0 v3, v1;
	v9 =	vsub.s32 @p0 v3, v0;
	vm1 =	vge.s32 @p0 v4, v0  }
0x93: {  	v11 =	vld @p0 [tilespmem:$0x19030];
	vm2 =	vge.s32 @p0 v3, v0;
	vm3 =	vlt.s32 @p0 v5, v1;
	v3 =	vsub.s32 @p0 v5, v0  }
0x94: {  	vm4 =	vge.s32 @p0 v5, v0;
	vm5 =	vlt.s32 @p0 v4, v1;
	vm6 =	vge.s32 @p0 v6, v0  }
0x95: {  	vm7 =	vlt.s32 @p0 v6, v1;
	v5 =	vsub.s32 @p0 v6, v0;
	vm8 =	vge.s32 @p0 v7, v0  }
0x96: {  	v4 =	vsub.s32 @p0 v4, v0;
	v6 =	vsub.s32 @p0 v8, v0;
	v12 =	vsub.s32 @p0 v7, v0  }
0x97: {  	vm1 =	vmand @p0 vm1, vm5;
	vm5 =	vge.s32 @p0 v8, v0;
	vm0 =	vmand @p0 vm2, vm0  }
0x98: {  	vm2 =	vge.s32 @p0 v11, v0;
	v4 =	vnsel @p0 vm1, $0xC350, v4;
	vm1 =	vlt.s32 @p0 v10, v1  }
0x99: {  	v9 =	vnsel @p0 vm0, $0xC350, v9;
	vm0 =	vmand @p0 vm4, vm3;
	vm3 =	vlt.s32 @p0 v8, v1  }
0x9a: {  	vm4 =	vlt.s32 @p0 v7, v1;
	v3 =	vnsel @p0 vm0, $0xC350, v3;
	vm0 =	vmand @p0 vm6, vm7  }
0x9b: {  	vm2 =	vmmov @p0 vm2;
	[tilespmem:$0x190C0] =	vst @p0 v4;
	v4 =	vnsel @p0 vm0, $0xC350, v5;
	vm0 =	vmand @p0 vm5, vm3  }
0x9c: {  	vm3 =	vmand @p0 vm8, vm4;
	vm4 =	vge.s32 @p0 v10, v0;
	[tilespmem:$0x190A0] =	vst @p0 v3;
	v3 =	vsub.s32 @p0 v10, v0  }
0x9d: {  	[tilespmem:$0x19080] =	vst @p0 v9;
	v5 =	vnsel @p0 vm0, $0xC350, v6;
	v6 =	vnsel @p0 vm3, $0xC350, v12;
	vm0 =	vmand @p0 vm4, vm1  }
0x9e: {  	vm1 =	vlt.s32 @p0 v11, v1;
	[tilespmem:$0x190D0] =	vst @p0 v4;
	v3 =	vpsel p0, v3, v0;
	v4 =	vpsel p0, v11, v0  }
0x9f: {  	vm0 =	vmmov @p0 vm0;
	[tilespmem:$0x190F0] =	vst @p0 v6;
	vm1 =	vmmov @p0 vm1;
	v5 =	vpsel p0, v5, v0  }
0xa0: {  	v4 =	vsub.s32 @p0 v4, v0;
	v3 =	vnsel @p0 vm0, $0xC350, v3;
	vm0 =	vmand @p0 vm2, vm1;
	[tilespmem:$0x190E0] =	vst @p0 v5  }
0xa1: {  	[tilespmem:$0x19090] =	vst @p0 v3;
	v3 =	vnsel @p0 vm0, $0xC350, v4  }
0xa2: {  	[tilespmem:$0x190B0] =	vst @p0 v3  }
0xa3: {  	[spmem:s1] =	stream.indirect.scatter.add.f32 @p0 [tilespmem:s21], [sflag:$0x1], $0x20, s23, s22, $0xb8;
	[tilespmem:$0x1D300] =	vst v63  }
0xa4: {  	_ =	swait.ge @p0 [sflag:s19], $0x1000  }
0xa5: {  	[sflag:s19] =	ssyncset.done @p0 $0x0  }
0xa6: {  	[sflag:s19] =	ssyncadd.s32 @p0 $0xFFFFF000  }
0xa7: {  	[tilespmem:s20], [sflag:$0x1] =	stream.linear.gather [hbm4b:s26+s3], $0x80, $0x38;
	[tilespmem:$0x1D300] =	vst v63  }
0xa8: {  	_ =	swait.ge [sflag:s19], $0x80  }
0xa9: {  	[sflag:s19] =	ssyncset.done $0x0  }
0xaa: {  	[sflag:s19] =	ssyncadd.s32 $0xFFFFFF80  }
0xab: {  	[tilespmem:s21], [sflag:$0x1] =	stream.linear.gather [hbm4b:s15+s3], $0x1000, $0x38;
	[tilespmem:$0x1D300] =	vst v63  }
0xac: {  	_ =	swait.ge [sflag:s19], $0x1000  }
0xad: {  	[sflag:s19] =	ssyncset.done $0x0  }
0xae: {  	[sflag:s19] =	ssyncadd.s32 $0xFFFFF000  }
0xaf: {  	v3 =	vld [tilespmem:$0x19000]  }
0xb0: {  	v48 =	vld [tilespmem:$0x19040]  }
0xb1: {  	v49 =	vld [tilespmem:$0x19020]  }
0xb2: {  	v50 =	vld [tilespmem:$0x19050]  }
0xb3: {  	v51 =	vld [tilespmem:$0x19070]  }
0xb4: {  	v52 =	vld [tilespmem:$0x19060]  }
0xb5: {  	v54 =	vld [tilespmem:$0x19010];
	vm0 =	vlt.s32 v3, v1;
	v53 =	vsub.s32 v3, v0;
	vm12 =	vge.s32 v48, v0  }
0xb6: {  	vm2 =	vge.s32 v3, v0;
	vm3 =	vlt.s32 v49, v1;
	v3 =	vsub.s32 v49, v0  }
0xb7: {  	v55 =	vld [tilespmem:$0x19030];
	vm13 =	vge.s32 v49, v0;
	vm14 =	vlt.s32 v48, v1;
	vm6 =	vge.s32 v50, v0  }
0xb8: {  	vm15 =	vlt.s32 v50, v1;
	v56 =	vsub.s32 v50, v0;
	vm8 =	vge.s32 v51, v0  }
0xb9: {  	v4 =	vsub.s32 v48, v0;
	v57 =	vsub.s32 v52, v0;
	v58 =	vsub.s32 v51, v0  }
0xba: {  	vm9 =	vlt.s32 v51, v1;
	v61 =	vsub.s32 v54, v0;
	vm1 =	vmand vm12, vm14  }
0xbb: {  	vm12 =	vge.s32 v52, v0;
	vm0 =	vmand vm2, vm0;
	v4 =	vnsel vm1, $0xC350, v4  }
0xbc: {  	vm2 =	vge.s32 v55, v0;
	vm13 =	vmand vm13, vm3;
	v59 =	vnsel vm0, $0xC350, v53;
	[tilespmem:$0x190C0] =	vst v4  }
0xbd: {  	vm14 =	vlt.s32 v52, v1;
	vm11 =	vmand vm8, vm9;
	v3 =	vnsel vm13, $0xC350, v3;
	[tilespmem:$0x19080] =	vst v59  }
0xbe: {  	vm15 =	vmand vm6, vm15;
	vm1 =	vlt.s32 v54, v1;
	v60 =	vnsel vm11, $0xC350, v58;
	[tilespmem:$0x190A0] =	vst v3  }
0xbf: {  	vm10 =	vmand vm12, vm14;
	vm12 =	vge.s32 v54, v0;
	v3 =	vnsel vm15, $0xC350, v56;
	[tilespmem:$0x190F0] =	vst v60  }
0xc0: {  	vm14 =	vlt.s32 v55, v1;
	vm13 =	vmand vm12, vm1;
	[tilespmem:$0x190D0] =	vst v3;
	v3 =	vnsel vm10, $0xC350, v57  }
0xc1: {  	v63 =	vsub.s32 v55, v0;
	vm15 =	vmand vm2, vm14;
	v62 =	vnsel vm13, $0xC350, v61;
	[tilespmem:$0x190E0] =	vst v3  }
0xc2: {  	[tilespmem:$0x19090] =	vst v62;
	v3 =	vnsel vm15, $0xC350, v63  }
0xc3: {  	[tilespmem:$0x190B0] =	vst v3  }
0xc4: {  	[spmem:s1] =	stream.indirect.scatter.add.f32 [tilespmem:s21], [sflag:$0x1], $0x20, s23, s22, $0xb8;
	[tilespmem:$0x1D300] =	vst v63  }
0xc5: {  	_ =	swait.ge [sflag:s19], $0x1000  }
0xc6: {  	[sflag:s19] =	ssyncset.done $0x0  }
0xc7: {  	[sflag:s19] =	ssyncadd.s32 $0xFFFFF000  }
0xc8: {  	[bflag:$0x0] =	sbarrier.arrive $0xFFFF  }
0xc9: {  	[tilespmem:s18], [sflag:$0x1] =	stream.linear.gather [spmem:s5], $0x3200, $0x38;
	[tilespmem:$0x1D300] =	vst v63  }
0xca: {  	p0 =	sne.s32 s6, $0x1;
	_ =	swait.ge [sflag:s19], $0x3200  }
.Ltmp5:
0xcb: {  	[sflag:s19] =	ssyncset.done $0x0;
	(pc) =	sbr.rel @!p0 .LBB2_13-.Ltmp5, $4  }
0xcc: {  	[sflag:s19] =	ssyncadd.s32 $0xFFFFCE00  }
0xcd: {  	[hbm4b:s17+s3] =	stream.linear.scatter [tilespmem:s18], [sflag:$0x1], $0x3200, $0x38;
	[tilespmem:$0x1D300] =	vst v63  }
0xce: {  	s25 =	smov.u32 s5;
	_ =	swait.ge [sflag:s19], $0x3200  }
0xcf: {  	s26 =	smov.u32 s17;
	s15 =	sadd.s32 $0xFFFFFFFF, s6;
	[sflag:s19] =	ssyncset.done $0x0  }
.LBB2_12:
0xd0: {  	[sflag:s19] =	ssyncadd.s32 $0xFFFFCE00;
	s25 =	sadd.s32 $0x3200, s25;
	s26 =	sadd.s32 $0x640, s26  }
0xd1: {  	[tilespmem:s18], [sflag:$0x1] =	stream.linear.gather [spmem:s25], $0x3200, $0x38;
	[tilespmem:$0x1D300] =	vst v63  }
0xd2: {  	p0 =	sne.s32 s15, $0x1;
	s15 =	sadd.s32 $0xFFFFFFFF, s15;
	_ =	swait.ge [sflag:s19], $0x3200  }
.Ltmp6:
0xd3: {  	[sflag:s19] =	ssyncset.done $0x0;
	(pc) =	sbr.rel @p0 .LBB2_12-.Ltmp6, $4  }
0xd4: {  	[sflag:s19] =	ssyncadd.s32 $0xFFFFCE00  }
0xd5: {  	[hbm4b:s26+s3] =	stream.linear.scatter [tilespmem:s18], [sflag:$0x1], $0x3200, $0x38;
	[tilespmem:$0x1D300] =	vst v63  }
0xd6: {  	_ =	swait.ge [sflag:s19], $0x3200  }
0xd7: {  	[sflag:s19] =	ssyncset.done $0x0  }
.LBB2_13:
0xd8: {  	s24 =	sadd.s32 $0x1, s24  }
0xd9: {  	p0 =	sne.s32 s24, s7  }
.Ltmp7:
0xda: {  	_ = 	snop;
	(pc) =	sbr.rel @p0 .LBB2_1-.Ltmp7, $4  }
.Ltmp8:
0xdb: {  	_ = 	snop;
	(pc) =	sbr.rel @!p0 .LBB2_14-.Ltmp8, $4  }
0xdc: {  	_ = 	snop  }
0xdd: {  	_ = 	snop  }
0xde: {  	[sflag:s19] =	ssyncadd.s32 $0xFFFFCE00  }
0xdf: {  	_ = 	snop  }
.LBB2_4:
.Ltmp9:
0xe0: {  	(pc) =	sbr.rel .LBB2_11-.Ltmp9, $2  }
0xe1: {  	_ =	sdelay $0x2  }
0xe2: {  	s26 =	smov.u32 s14;
	s15 =	smov.u32 s0  }
.LBB2_6:
.Ltmp10:
0xe3: {  	(pc) =	sbr.rel .LBB2_11-.Ltmp10, $2  }
0xe4: {  	_ =	sdelay $0x2  }
0xe5: {  	s28 =	smov.u32 s14;
	s30 =	smov.u32 s0  }
.LBB2_8:
.Ltmp11:
0xe6: {  	(pc) =	sbr.rel .LBB2_11-.Ltmp11, $3  }
0xe7: {  	_ =	sdelay $0x1  }
0xe8: {  	s28 =	smov.u32 s26  }
0xe9: {  	s30 =	smov.u32 s15;
	s26 =	smov.u32 s29;
	s15 =	smov.u32 s25  }
.LBB2_14:
0xea: {  	_ =	sfence.sel $0x180000  }
0xeb: {  	[bflag:$0x0] =	sbarrier.arrive $0xFFFF  }
0xec: {  	_ =	strace $0x9000004D  }
0xed: {  	[bflag:$0x2] =	sbarrier.arrive $0xFFFF  }
0xee: {  	p0 =	sne.s32 s2, $0x0;
	s0 =	rddreg [dreg:$0x2]  }
0xef: {  	s0 =	sadd.s32 @!p0 $0x100000, s0  }
0xf0: {  	[sflag:s0] =	ssyncadd.tile.s32 @!p0 $0x1;
	_ =	shalt  }
.Lfunc_end2:
_tile_overlayer_lowered:
.L_overlay_start_2:
0xf1: {  	(tag) =	ssettag $0x2  }
0xf2: {  	s0 =	rddreg [dreg:$0x0];
	s2 =	stileid.u32  }
0xf3: {  	s1 =	rddreg [dreg:$0x1];
	p0 =	sne.s32 s2, $0x0  }
0xf4: {  	s3 =	rddreg [dreg:$0x2];
	[bflag:$0x3] =	sbarrier.arrive $0xFFFF;
	s2 =	simm.s32 @!p0 $0x1C01  }
0xf5: {  	[timem:s3], [sflag:s2] =	dma.local @!p0 [hbm:s0], s1  }
0xf6: {  	s0 =	simm.s32 @!p0 $0x1  }
0xf7: {  	_ =	swait.ge @!p0 [sflag:s0], s1  }
0xf8: {  	s1 =	ssub.s32 @!p0 $0x0, s1;
	[sflag:s0] =	ssyncset.done @!p0 $0x0  }
0xf9: {  	[sflag:s0] =	ssyncadd.s32 @!p0 s1  }
0xfa: {  	[bflag:$0x3] =	sbarrier.arrive $0xFFFF  }
0xfb: {  	_ =	shalt  }

// kernel: egnn_sc_scatter32.8.cloned.1.call-start
scs
__scs_entry_jumppad:
0x0: {  	(pc) =	sbr.rel $0x88, $3  }
0x1: {  	(tag) =	ssettag $0x0;
	lr =	simm.s32 $0x1  }
0x2: {  	[smem:$0x3F84] =	sst lr;
	_ =	strace $0xD0000000  }
0x3: {  	_ = 	snop  }
0x4: {  	_ = 	snop  }
0x5: {  	_ = 	snop  }
0x6: {  	_ = 	snop  }
0x7: {  	_ = 	snop  }
__scs_overlays_trampoline_lowered:
0x8: {  	[smem:$0x3F93] =	sst s0  }
0x9: {  	[smem:$0x3F94] =	sst s1  }
0xa: {  	[smem:$0x3F95] =	sst s2  }
0xb: {  	[smem:$0x3F96] =	sst s3  }
0xc: {  	[smem:$0x3F97] =	sst s4  }
0xd: {  	[smem:$0x3F98] =	sst s5  }
0xe: {  	[smem:$0x3F99] =	sst s6  }
0xf: {  	[smem:$0x3F9A] =	sst s7  }
0x10: {  	[smem:$0x3F9B] =	sst s8  }
0x11: {  	[smem:$0x3F9C] =	sst s9;
	s0 =	simm.s32 @!p0 $0x0  }
0x12: {  	s1 =	sld [smem:$0x3F82];
	s0 =	simm.s32 @p0 $0x1  }
0x13: {  	[smem:$0x3F9D] =	sst s0;
	s0 =	simm.s32 @!p1 $0x0  }
0x14: {  	s2 =	sld [smem:$0x3F81];
	s0 =	simm.s32 @p1 $0x1  }
0x15: {  	[smem:$0x3F9E] =	sst s0;
	s0 =	simm.s32 @!p2 $0x0  }
0x16: {  	s3 =	sld [smem:$0x3FDB];
	s0 =	simm.s32 @p2 $0x1  }
0x17: {  	s4 =	simm.s32 $0x1BF5;
	[smem:$0x3FA0] =	sst s0  }
0x18: {  	s0 =	sld [smem:$0x3F83];
	_ =	swait.ge [sflag:s4], $0x0  }
0x19: {  	s7 =	sld [smem:$0x3F84]  }
0x1a: {  	s8 =	sadd.s32 $0xFFFFE003, lr  }
0x1b: {  	s9 =	sadd.s32 $0xFFFFFEF7, lr;
	s5 =	simm.s32 $0xFFFFFFFF;
	p2 =	slt.u32 s8, $0xFFFFF086  }
0x1c: {  	p1 =	slt.u32 s9, $0xF7A;
	s5 =	simm.s32 @!p2 $0x0  }
0x1d: {  	s5 =	simm.s32 @p1 $0x1;
	p0 =	seq.s32 s7, s2  }
0x1e: {  	s7 =	smul.u32 @!p0 $0xF7A, s2;
	p2 =	seq.s32 @!p0 s5, $0x0  }
0x1f: {  	s9 =	smul.u32 $0xF7A, s1;
	s8 =	simm.s32 @!p0 $0x1BF5;
	p2 =	por !p2, p0  }
0x20: {  	[sflag:s8] =	ssyncset.s32 @!p0 $0xFFFFF086;
	s6 =	sadd.s32 @!p0 s3, s7;
	s7 =	simm.s32 @!p0 $0x108  }
0x21: {  	s3 =	sadd.s32 s3, s9;
	s6 =	sadd.s32 @!p0 $0x88, s6;
	s7 =	simm.s32 @p2 $0x1082  }
0x22: {  	[simem:s7], [sflag:s8] =	dma.local @!p0 [hbm:s6], $0xF7A  }
0x23: {  	s9 =	sor.u32 $0xD0000000, s2;
	s6 =	simm.s32 $0x108;
	_ =	swait.ge @!p0 [sflag:s8], $0x0  }
0x24: {  	s3 =	sadd.s32 $0x88, s3;
	s6 =	simm.s32 @!p1 $0x1082;
	[sflag:s4] =	ssyncset.s32 $0xFFFFF086  }
0x25: {  	[simem:s6], [sflag:s4] =	dma.local [hbm:s3], $0xF7A  }
0x26: {  	[smem:$0x3F84] =	sst s1;
	(tag) =	ssettag s2;
	_ =	strace s9  }
0x27: {  	s1 =	sld [smem:$0x3F94]  }
0x28: {  	s2 =	sld [smem:$0x3F95]  }
0x29: {  	s4 =	sld [smem:$0x3F97]  }
0x2a: {  	p0 =	seq.s32 s5, $0x0;
	s5 =	sld [smem:$0x3F98]  }
0x2b: {  	s6 =	sld [smem:$0x3F99]  }
0x2c: {  	s7 =	sld [smem:$0x3F9A]  }
0x2d: {  	s3 =	simm.s32 $0x108;
	s8 =	sld [smem:$0x3F9B]  }
0x2e: {  	s3 =	simm.s32 @!p0 $0x1082;
	s9 =	sld [smem:$0x3F9C]  }
0x2f: {  	lr =	sadd.s32 s0, s3;
	s0 =	sld [smem:$0x3F93]  }
0x30: {  	s3 =	sld [smem:$0x3F96]  }
0x31: {  	[smem:$0x3F9F] =	sst s10  }
0x32: {  	s10 =	sld [smem:$0x3F9D];
	_ =	sdelay $0x3  }
0x33: {  	p0 =	seq.s32 s10, $0x1;
	s10 =	sld [smem:$0x3F9F];
	_ =	sdelay $0x3  }
0x34: {  	[smem:$0x3F9F] =	sst s10  }
0x35: {  	s10 =	sld [smem:$0x3F9E];
	_ =	sdelay $0x3  }
0x36: {  	p1 =	seq.s32 s10, $0x1;
	s10 =	sld [smem:$0x3F9F];
	_ =	sdelay $0x3  }
0x37: {  	[smem:$0x3F9F] =	sst s10  }
0x38: {  	s10 =	sld [smem:$0x3FA0]  }
0x39: {  	_ = 	snop;
	(pc) =	sbr.ind lr, $3  }
0x3a: {  	_ = 	snop  }
0x3b: {  	_ = 	snop  }
0x3c: {  	p2 =	seq.s32 s10, $0x1;
	s10 =	sld [smem:$0x3F9F]  }
0x3d: {  	_ =	shalt  }
0x3e: {  	_ =	shalt  }
0x3f: {  	_ =	shalt  }
0x40: {  	_ =	shalt  }
0x41: {  	_ =	shalt  }
0x42: {  	_ =	shalt  }
0x43: {  	_ =	shalt  }
0x44: {  	_ =	shalt  }
0x45: {  	_ =	shalt  }
0x46: {  	_ =	shalt  }
0x47: {  	_ =	shalt  }
0x48: {  	_ =	shalt  }
0x49: {  	_ =	shalt  }
0x4a: {  	_ =	shalt  }
0x4b: {  	_ =	shalt  }
0x4c: {  	_ =	shalt  }
0x4d: {  	_ =	shalt  }
0x4e: {  	_ =	shalt  }
0x4f: {  	_ =	shalt  }
0x50: {  	_ =	shalt  }
0x51: {  	_ =	shalt  }
0x52: {  	_ =	shalt  }
0x53: {  	_ =	shalt  }
0x54: {  	_ =	shalt  }
0x55: {  	_ =	shalt  }
0x56: {  	_ =	shalt  }
0x57: {  	_ =	shalt  }
0x58: {  	_ =	shalt  }
0x59: {  	_ =	shalt  }
0x5a: {  	_ =	shalt  }
0x5b: {  	_ =	shalt  }
0x5c: {  	_ =	shalt  }
0x5d: {  	_ =	shalt  }
0x5e: {  	_ =	shalt  }
0x5f: {  	_ =	shalt  }
0x60: {  	_ =	shalt  }
0x61: {  	_ =	shalt  }
0x62: {  	_ =	shalt  }
0x63: {  	_ =	shalt  }
0x64: {  	_ =	shalt  }
0x65: {  	_ =	shalt  }
0x66: {  	_ =	shalt  }
0x67: {  	_ =	shalt  }
0x68: {  	_ =	shalt  }
0x69: {  	_ =	shalt  }
0x6a: {  	_ =	shalt  }
0x6b: {  	_ =	shalt  }
0x6c: {  	_ =	shalt  }
0x6d: {  	_ =	shalt  }
0x6e: {  	_ =	shalt  }
0x6f: {  	_ =	shalt  }
0x70: {  	_ =	shalt  }
0x71: {  	_ =	shalt  }
0x72: {  	_ =	shalt  }
0x73: {  	_ =	shalt  }
0x74: {  	_ =	shalt  }
0x75: {  	_ =	shalt  }
0x76: {  	_ =	shalt  }
0x77: {  	_ =	shalt  }
0x78: {  	_ =	shalt  }
0x79: {  	_ =	shalt  }
0x7a: {  	_ =	shalt  }
0x7b: {  	_ =	shalt  }
0x7c: {  	_ =	shalt  }
0x7d: {  	_ =	shalt  }
0x7e: {  	_ =	shalt  }
0x7f: {  	_ =	shalt  }
0x80: {  	_ =	shalt  }
0x81: {  	_ =	shalt  }
0x82: {  	_ =	shalt  }
0x83: {  	_ =	shalt  }
0x84: {  	_ =	shalt  }
0x85: {  	_ =	shalt  }
0x86: {  	_ =	shalt  }
0x87: {  	_ =	shalt  }
.Lfunc_end0:
.L_simem_size_0:
called_computation.2_lowered:
.L_overlay_start_0:
0x88: {  	s2 =	sld [smem:$0x3FD9]  }
0x89: {  	s3 =	sld [smem:$0x3FFE];
	_ =	sdelay $0x1  }
0x8a: {  	s1 =	srdreg.scid  }
0x8b: {  	s0 =	sand.u32 $0x1, s1  }
0x8c: {  	s16 =	sshll.u32 s0, $0xA;
	s2 =	sadd.s32 s3, s2  }
0x8d: {  	s2 =	sadd.s32 s2, s16  }
0x8e: {  	[smem:$0x3FAB] =	sst s2  }
0x8f: {  	_ = 	snop  }
0x90: {  	(tm) =	ssettm $0x1  }
0x91: {  	s17 =	sld [smem:$0x3FFB];
	_ =	sdelay $0x3  }
0x92: {  	_ =	strace s17  }
0x93: {  	s2 =	sld [smem:$0x3FFC];
	_ =	sdelay $0x3  }
0x94: {  	_ =	strace s2  }
0x95: {  	s2 =	sld [smem:$0x3FFD];
	_ =	sdelay $0x3  }
0x96: {  	_ =	strace s2  }
0x97: {  	_ =	strace $0x8FFFFFFF  }
0x98: {  	s18 =	sld [smem:$0x3FDB];
	_ =	sdelay $0x1  }
0x99: {  	s19 =	simm.s32 $_scs_section_size  }
0x9a: {  	s4 =	simm.s32 $_size__tile_overlayer_lowered;
	s5 =	simm.s32 $_tile_overlayer_lowered  }
0x9b: {  	s22 =	simm.s32 $0x1BFF;
	s21 =	sshll.u32 s5, $0x1;
	s2 =	sadd.s32 s19, s18  }
0x9c: {  	s6 =	simm.s32 $0x0;
	s20 =	sshll.u32 s4, $0x1;
	s4 =	sadd.s32 s21, s2  }
0x9d: {  	[timem:s6], [sflag:s22] =	dma.local [hbm:s4], s20  }
0x9e: {  	_ =	swait.ge [sflag:s22], s20  }
0x9f: {  	s3 =	ssub.s32 $0x0, s20;
	[sflag:s22] =	ssyncset.done $0x0  }
0xa0: {  	[sflag:s22] =	ssyncadd.s32 s3;
	_ =	sdelay $0x1  }
0xa1: {  	s23 =	simm.s32 $0x1B8B  }
0xa2: {  	_ =	swait.ge [sflag:s23], $0x1  }
0xa3: {  	[sflag:s23] =	ssyncset.done $0x0  }
0xa4: {  	s25 =	simm.s32 $0x1B8E;
	s24 =	sld [smem:$0x3FFE];
	[sflag:s23] =	ssyncadd.s32 $0xFFFFFFFF  }
0xa5: {  	s26 =	simm.s32 $execute0_lowered;
	[smem:$0x3FD2] =	sst s25  }
0xa6: {  	s4 =	sshll.u32 s26, $0x1;
	_ =	strace $0x80000049;
	[dreg:$0x1] =	wrdreg $0xFFFFFFFF  }
0xa7: {  	s28 =	simm.s32 $_size_execute0_lowered;
	s2 =	sadd.s32 s2, s4;
	[dreg:$0x0] =	wrdreg $0x0  }
0xa8: {  	s4 =	sshll.u32 s28, $0x1;
	[dreg:$0x2] =	wrdreg s2  }
0xa9: {  	[dreg:$0x3] =	wrdreg s4  }
0xaa: {  	[dreg:$0x4] =	wrdreg $0xC0  }
0xab: {  	_ =	task [dreg:s6], $0x5FFFF  }
0xac: {  	[dreg:$0x1] =	wrdreg $0xFFFFFFFF  }
0xad: {  	[dreg:$0x0] =	wrdreg $0x60  }
0xae: {  	[dreg:$0x2] =	wrdreg s24  }
0xaf: {  	[dreg:$0x3] =	wrdreg $0x0  }
0xb0: {  	[dreg:$0x4] =	wrdreg $0xA  }
0xb1: {  	_ =	task.clear_ibuf [dreg:s6], $0x5FFFF;
	_ =	strace $0x90000049  }
0xb2: {  	s29 =	simm.s32 $0xA;
	_ =	strace $0x8000004B  }
0xb3: {  	_ =	swait.ge [sflag:s29], $0x1  }
0xb4: {  	[sflag:s29] =	ssyncadd.s32 $0xFFFFFFFF  }
0xb5: {  	_ =	strace $0x9000004B  }
0xb6: {  	_ =	sfence  }
0xb7: {  	s30 =	sld [smem:$0x0];
	_ =	sdelay $0x2  }
0xb8: {  	s31 =	sshll.u32 s1, $0xD;
	s1 =	sshrl.u32 s1, $0x2  }
0xb9: {  	s3 =	sand.u32 $0x4000, s31;
	s1 =	sadd.s32 s1, s30  }
0xba: {  	s0 =	sor.u32 s3, s0;
	s1 =	sshll.u32 s1, $0x11  }
0xbb: {  	s0 =	sor.u32 s1, s0  }
0xbc: {  	s0 =	sadd.s32 $0x8F2B, s0  }
0xbd: {  	[sflag:s0] =	ssyncadd.remote.s32 $0x1  }
0xbe: {  	_ =	sfence.sel $0xFFFF  }
0xbf: {  	[dreg:$0x0] =	wrdreg $0xFFFFFFFF;
	(pc) =	sbr.abs _section_cstart, $3  }
0xc0: {  	[dreg:$0x1] =	wrdreg $0xFFFFFFFF  }
0xc1: {  	_ =	task.clear_ibuf [dreg:s6], $0x2FFFF;
	_ =	strace $0x9FFFFFFF  }
0xc2: {  	(tm) =	ssettm $0x7FFFFFFF  }
0xc3: {  	_ =	shalt  }
tec
execute0_lowered:
.L_overlay_start_1:
0x0: {  	(tag) =	ssettag $0x1  }
0x1: {  	s0 =	rddreg [dreg:$0x0]  }
0x2: {  	s1 =	rddreg [dreg:$0x1];
	s3 =	simm.s32 $0x0;
	s4 =	srdreg.scid  }
0x3: {  	s2 =	stileid.u32;
	s18 =	simm.s32 $0x1A100;
	s19 =	simm.s32 $0x1  }
0x4: {  	s20 =	simm.s32 $0x19000;
	s21 =	simm.s32 $0x19100;
	s7 =	smul.u32 $0xC80, s2  }
0x5: {  	[smem:$0x7FF] =	sst s3;
	s4 =	sand.u32 $0x1, s4;
	s8 =	smul.u32 $0x64000, s2  }
0x6: {  	s5 =	sshll.u32 s2, $0x4;
	s24 =	sshll.u32 s2, $0x9;
	s17 =	smul.u32 $0x3200, s2  }
0x7: {  	s29 =	ssub.s32 $0x30E3, s2;
	_ =	strace $0x8000004A;
	s6 =	smul.u32 $0x30D40, s4  }
0x8: {  	s15 =	sadd.s32 s5, s0;
	s16 =	sadd.s32 s24, s0;
	s25 =	ssub.s32 $0x2, s4  }
0x9: {  	s22 =	smul.u32 $0xC350, s4;
	s4 =	sshrl.u32 s29, $0x4;
	s24 =	simm.s32 $0x0  }
0xa: {  	s26 =	sshrl.u32 s25, $0x1;
	s7 =	ssub.s32 $0xC350, s7;
	s31 =	sshrl.u32 s8, $0x2  }
0xb: {  	s15 =	sadd.s32 $0x220A00, s15;
	s0 =	sadd.s32 s6, s0;
	s9 =	ssub.s32 s25, s26  }
0xc: {  	s28 =	smin.u32 s7, $0xC80;
	s23 =	sadd.s32 $0xC350, s22;
	s5 =	sadd.s32 s31, s1  }
0xd: {  	v0 =	vmov s22;
	s22 =	simm.s32 $0x80;
	s30 =	smul.u32 $0x51F, s28;
	s7 =	smax.u32 s9, $0x1  }
0xe: {  	s8 =	sadd.s32 $0x3200, s5;
	s9 =	sadd.s32 $0x6400, s5;
	s10 =	sadd.s32 $0x9600, s5  }
0xf: {  	s11 =	sadd.s32 $0xC800, s5;
	s12 =	sadd.s32 $0xFA00, s5;
	s13 =	sadd.s32 $0x12C00, s5  }
0x10: {  	s14 =	sadd.s32 $0x15E00, s5;
	s17 =	sadd.s32 s17, s0;
	s0 =	sadd.s32 $0x621E00, s16  }
0x11: {  	v2 =	vimm.f32 $0.0e+00;
	v1 =	vmov s23;
	s23 =	simm.s32 $0x19080;
	s17 =	sadd.s32 $0x18E000, s17;
	s6 =	sshrl.u32 s30, $0x13  }
.LBB2_1:
0x12: {  	s16 =	simm.s32 $0x80;
	s25 =	simm.s32 $0x0  }
.LBB2_2:
0x13: {  	p0 =	sne.s32 s16, $0xC780;
	[tilespmem:s25+$0x1A100] =	vst v2;
	s26 =	smov.u32 s16;
	s16 =	sadd.s32 $0x80, s16  }
.Ltmp0:
0x14: {  	[tilespmem:s25+$0x1A110] =	vst v2;
	(pc) =	sbr.rel @p0 .LBB2_2-.Ltmp0, $2  }
0x15: {  	_ =	sdelay $0x2  }
0x16: {  	s25 =	sshra.s32 s26, $0x2  }
0x17: {  	[tilespmem:s25+$0x1A100] =	vst v2  }
0x18: {  	[tilespmem:s25+$0x1A110] =	vst v2  }
0x19: {  	[spmem:s5] =	stream.linear.scatter [tilespmem:s18], [sflag:$0x1], $0x3200, $0x38;
	[tilespmem:$0x1D300] =	vst v63  }
0x1a: {  	_ =	swait.ge [sflag:s19], $0x3200  }
0x1b: {  	[sflag:s19] =	ssyncset.done $0x0  }
0x1c: {  	[sflag:s19] =	ssyncadd.s32 $0xFFFFCE00  }
0x1d: {  	[spmem:s8] =	stream.linear.scatter [tilespmem:s18], [sflag:$0x1], $0x3200, $0x38;
	[tilespmem:$0x1D300] =	vst v63  }
0x1e: {  	_ =	swait.ge [sflag:s19], $0x3200  }
0x1f: {  	[sflag:s19] =	ssyncset.done $0x0  }
0x20: {  	[sflag:s19] =	ssyncadd.s32 $0xFFFFCE00  }
0x21: {  	[spmem:s9] =	stream.linear.scatter [tilespmem:s18], [sflag:$0x1], $0x3200, $0x38;
	[tilespmem:$0x1D300] =	vst v63  }
0x22: {  	_ =	swait.ge [sflag:s19], $0x3200  }
0x23: {  	[sflag:s19] =	ssyncset.done $0x0  }
0x24: {  	[sflag:s19] =	ssyncadd.s32 $0xFFFFCE00  }
0x25: {  	[spmem:s10] =	stream.linear.scatter [tilespmem:s18], [sflag:$0x1], $0x3200, $0x38;
	[tilespmem:$0x1D300] =	vst v63  }
0x26: {  	_ =	swait.ge [sflag:s19], $0x3200  }
0x27: {  	[sflag:s19] =	ssyncset.done $0x0  }
0x28: {  	[sflag:s19] =	ssyncadd.s32 $0xFFFFCE00  }
0x29: {  	[spmem:s11] =	stream.linear.scatter [tilespmem:s18], [sflag:$0x1], $0x3200, $0x38;
	[tilespmem:$0x1D300] =	vst v63  }
0x2a: {  	_ =	swait.ge [sflag:s19], $0x3200  }
0x2b: {  	[sflag:s19] =	ssyncset.done $0x0  }
0x2c: {  	[sflag:s19] =	ssyncadd.s32 $0xFFFFCE00  }
0x2d: {  	[spmem:s12] =	stream.linear.scatter [tilespmem:s18], [sflag:$0x1], $0x3200, $0x38;
	[tilespmem:$0x1D300] =	vst v63  }
0x2e: {  	_ =	swait.ge [sflag:s19], $0x3200  }
0x2f: {  	[sflag:s19] =	ssyncset.done $0x0  }
0x30: {  	[sflag:s19] =	ssyncadd.s32 $0xFFFFCE00  }
0x31: {  	[spmem:s13] =	stream.linear.scatter [tilespmem:s18], [sflag:$0x1], $0x3200, $0x38;
	[tilespmem:$0x1D300] =	vst v63  }
0x32: {  	_ =	swait.ge [sflag:s19], $0x3200  }
0x33: {  	[sflag:s19] =	ssyncset.done $0x0  }
0x34: {  	p2 =	sne.s32 s4, $0x1;
	[sflag:s19] =	ssyncadd.s32 $0xFFFFCE00  }
0x35: {  	[spmem:s14] =	stream.linear.scatter [tilespmem:s18], [sflag:$0x1], $0x3200, $0x38;
	[tilespmem:$0x1D300] =	vst v63  }
.Ltmp1:
0x36: {  	_ =	swait.ge [sflag:s19], $0x3200;
	(pc) =	sbr.rel @!p2 .LBB2_4-.Ltmp1, $4  }
0x37: {  	[sflag:s19] =	ssyncset.done $0x0  }
0x38: {  	[sflag:s19] =	ssyncadd.s32 $0xFFFFCE00  }
0x39: {  	[bflag:$0x0] =	sbarrier.arrive $0xFFFF  }
0x3a: {  	s25 =	sadd.s32 $0xFFFFFFFF, s4;
	p0 =	por $0x0, $0x0;
	p1 =	por $0x0, $0x0  }
0x3b: {  	p2 =	sne.s32 s25, $0x1  }
.Ltmp2:
0x3c: {  	_ = 	snop;
	(pc) =	sbr.rel @!p2 .LBB2_6-.Ltmp2, $3  }
0x3d: {  	_ =	sdelay $0x1  }
0x3e: {  	s26 =	sadd.s32 $0x100, s15  }
0x3f: {  	s16 =	sadd.s32 $0x2000, s0;
	s28 =	sadd.s32 $0xFFFFFFFF, s25;
	p0 =	por $0x1, $0x1  }
0x40: {  	[tilespmem:s20], [sflag:$0x1] =	stream.linear.gather [hbm4b:s15+s3], $0x80, $0x38;
	[tilespmem:$0x1D300] =	vst v63  }
0x41: {  	_ =	swait.ge [sflag:s19], $0x80  }
0x42: {  	[sflag:s19] =	ssyncset.done $0x0  }
0x43: {  	[sflag:s19] =	ssyncadd.s32 $0xFFFFFF80  }
0x44: {  	[tilespmem:s21], [sflag:$0x1] =	stream.linear.gather [hbm4b:s0+s3], $0x1000, $0x38;
	[tilespmem:$0x1D300] =	vst v63  }
0x45: {  	_ =	swait.ge [sflag:s19], $0x1000  }
0x46: {  	[sflag:s19] =	ssyncset.done $0x0  }
0x47: {  	[sflag:s19] =	ssyncadd.s32 $0xFFFFF000  }
0x48: {  	v3 =	vld [tilespmem:$0x19000]  }
0x49: {  	v4 =	vld [tilespmem:$0x19040]  }
0x4a: {  	v5 =	vld [tilespmem:$0x19020]  }
0x4b: {  	v6 =	vld [tilespmem:$0x19050]  }
0x4c: {  	v7 =	vld [tilespmem:$0x19070]  }
0x4d: {  	v8 =	vld [tilespmem:$0x19060]  }
0x4e: {  	vm0 =	vlt.s32 v3, v1;
	v9 =	vsub.s32 v3, v0;
	vm1 =	vge.s32 v4, v0  }
0x4f: {  	v10 =	vld [tilespmem:$0x19010];
	vm2 =	vge.s32 v3, v0;
	vm3 =	vlt.s32 v5, v1;
	v11 =	vsub.s32 v5, v0  }
0x50: {  	vm4 =	vge.s32 v5, v0;
	vm5 =	vlt.s32 v4, v1;
	vm6 =	vge.s32 v6, v0  }
0x51: {  	vm7 =	vlt.s32 v6, v1;
	v5 =	vsub.s32 v6, v0;
	vm8 =	vge.s32 v7, v0  }
0x52: {  	v4 =	vsub.s32 v4, v0;
	vm13 =	vge.s32 v8, v0;
	v6 =	vsub.s32 v8, v0  }
0x53: {  	v3 =	vld [tilespmem:$0x19030];
	v12 =	vsub.s32 v7, v0;
	vm14 =	vlt.s32 v7, v1;
	vm1 =	vmand vm1, vm5  }
0x54: {  	p2 =	sne.s32 s28, $0x1;
	vm15 =	vge.s32 v10, v0;
	v4 =	vnsel vm1, $0xC350, v4;
	vm1 =	vmand vm2, vm0  }
.Ltmp3:
0x55: {  	vm2 =	vlt.s32 v10, v1;
	[tilespmem:$0x190C0] =	vst v4;
	v4 =	vnsel vm1, $0xC350, v9;
	vm1 =	vmand vm4, vm3;
	(pc) =	sbr.rel @!p2 .LBB2_8-.Ltmp3, $4  }
0x56: {  	vm3 =	vlt.s32 v8, v1;
	[tilespmem:$0x19080] =	vst v4;
	v4 =	vnsel vm1, $0xC350, v11;
	vm1 =	vmand vm6, vm7  }
0x57: {  	[tilespmem:$0x190A0] =	vst v4;
	v4 =	vnsel vm1, $0xC350, v5;
	vm1 =	vmand vm13, vm3;
	vm3 =	vmand vm8, vm14  }
0x58: {  	s29 =	sadd.s32 $0x100, s26;
	s25 =	sadd.s32 $0x2000, s16;
	s30 =	sadd.s32 $0xFFFFFFFF, s28;
	vm0 =	vge.s32 v3, v0;
	[tilespmem:$0x190D0] =	vst v4;
	v4 =	vnsel vm1, $0xC350, v6;
	v6 =	vnsel vm3, $0xC350, v12  }
0x59: {  	p1 =	por $0x1, $0x1;
	s31 =	smov.u32 s29;
	s28 =	smov.u32 s25;
	v5 =	vsub.s32 v10, v0;
	vm1 =	vmand vm15, vm2;
	vm2 =	vlt.s32 v3, v1;
	[tilespmem:$0x190F0] =	vst v6  }
.LBB2_9:
0x5a: {  	p2 =	sne.s32 s30, $0x1;
	s31 =	sadd.s32 $0x100, s31;
	s28 =	sadd.s32 $0x2000, s28;
	v5 =	vnsel vm1, $0xC350, v5;
	vm0 =	vmand vm0, vm2;
	v3 =	vsub.s32 v3, v0;
	[tilespmem:$0x190E0] =	vst v4  }
0x5b: {  	s30 =	sadd.s32 $0xFFFFFFFF, s30;
	[tilespmem:$0x19090] =	vst v5;
	v3 =	vnsel vm0, $0xC350, v3  }
0x5c: {  	[tilespmem:$0x190B0] =	vst v3  }
0x5d: {  	[spmem:s1] =	stream.indirect.scatter.add.f32 [tilespmem:s21], [sflag:$0x1], $0x20, s23, s22, $0xb8;
	[tilespmem:$0x1D300] =	vst v63  }
0x5e: {  	_ =	swait.ge [sflag:s19], $0x1000  }
0x5f: {  	[sflag:s19] =	ssyncset.done $0x0  }
0x60: {  	[sflag:s19] =	ssyncadd.s32 $0xFFFFF000  }
0x61: {  	[tilespmem:s20], [sflag:$0x1] =	stream.linear.gather [hbm4b:s26+s3], $0x80, $0x38;
	[tilespmem:$0x1D300] =	vst v63  }
0x62: {  	s26 =	smov.u32 s29;
	s29 =	smov.u32 s31;
	_ =	swait.ge [sflag:s19], $0x80  }
0x63: {  	[sflag:s19] =	ssyncset.done $0x0  }
0x64: {  	[sflag:s19] =	ssyncadd.s32 $0xFFFFFF80  }
0x65: {  	[tilespmem:s21], [sflag:$0x1] =	stream.linear.gather [hbm4b:s16+s3], $0x1000, $0x38;
	[tilespmem:$0x1D300] =	vst v63  }
0x66: {  	s16 =	smov.u32 s25;
	s25 =	smov.u32 s28;
	_ =	swait.ge [sflag:s19], $0x1000  }
0x67: {  	[sflag:s19] =	ssyncset.done $0x0  }
0x68: {  	[sflag:s19] =	ssyncadd.s32 $0xFFFFF000  }
0x69: {  	v3 =	vld [tilespmem:$0x19000]  }
0x6a: {  	v4 =	vld [tilespmem:$0x19040]  }
0x6b: {  	v5 =	vld [tilespmem:$0x19020]  }
0x6c: {  	v6 =	vld [tilespmem:$0x19050]  }
0x6d: {  	v7 =	vld [tilespmem:$0x19070]  }
0x6e: {  	v8 =	vld [tilespmem:$0x19060]  }
0x6f: {  	vm0 =	vlt.s32 v3, v1;
	v9 =	vsub.s32 v3, v0;
	v10 =	vld [tilespmem:$0x19010];
	vm1 =	vge.s32 v4, v0  }
0x70: {  	vm2 =	vge.s32 v3, v0;
	vm3 =	vlt.s32 v5, v1;
	v11 =	vsub.s32 v5, v0;
	v3 =	vld [tilespmem:$0x19030]  }
0x71: {  	vm5 =	vlt.s32 v4, v1;
	vm4 =	vge.s32 v5, v0;
	vm6 =	vge.s32 v6, v0  }
0x72: {  	vm7 =	vlt.s32 v6, v1;
	v5 =	vsub.s32 v6, v0;
	vm8 =	vge.s32 v7, v0  }
0x73: {  	v4 =	vsub.s32 v4, v0;
	vm1 =	vmand vm1, vm5;
	vm5 =	vge.s32 v8, v0  }
0x74: {  	v4 =	vnsel vm1, $0xC350, v4;
	v12 =	vsub.s32 v7, v0;
	v6 =	vsub.s32 v8, v0  }
0x75: {  	vm1 =	vmand vm2, vm0;
	vm2 =	vlt.s32 v10, v1;
	vm0 =	vge.s32 v3, v0;
	[tilespmem:$0x190C0] =	vst v4  }
.Ltmp4:
0x76: {  	v4 =	vnsel vm1, $0xC350, v9;
	vm1 =	vmand vm4, vm3;
	vm3 =	vlt.s32 v8, v1;
	(pc) =	sbr.rel @p2 .LBB2_9-.Ltmp4, $4  }
0x77: {  	vm4 =	vlt.s32 v7, v1;
	[tilespmem:$0x19080] =	vst v4;
	v4 =	vnsel vm1, $0xC350, v11;
	vm1 =	vmand vm6, vm7  }
0x78: {  	[tilespmem:$0x190A0] =	vst v4;
	v4 =	vnsel vm1, $0xC350, v5;
	vm1 =	vmand vm5, vm3;
	vm3 =	vmand vm8, vm4  }
0x79: {  	vm4 =	vge.s32 v10, v0;
	[tilespmem:$0x190D0] =	vst v4;
	v4 =	vnsel vm1, $0xC350, v6;
	v6 =	vnsel vm3, $0xC350, v12  }
0x7a: {  	v5 =	vsub.s32 v10, v0;
	vm1 =	vmand vm4, vm2;
	vm2 =	vlt.s32 v3, v1;
	[tilespmem:$0x190F0] =	vst v6  }
0x7b: {  	s28 =	smov.u32 s26  }
0x7c: {  	s30 =	smov.u32 s16;
	s26 =	smov.u32 s29;
	s16 =	smov.u32 s25  }
.LBB2_11:
0x7d: {  	v5 =	vnsel @p1 vm1, $0xC350, v5;
	vm0 =	vmand @p1 vm0, vm2;
	v3 =	vsub.s32 @p1 v3, v0;
	[tilespmem:$0x190E0] =	vst @p1 v4  }
0x7e: {  	[tilespmem:$0x19090] =	vst @p1 v5;
	v3 =	vnsel @p1 vm0, $0xC350, v3  }
0x7f: {  	[tilespmem:$0x190B0] =	vst @p1 v3  }
0x80: {  	[spmem:s1] =	stream.indirect.scatter.add.f32 @p1 [tilespmem:s21], [sflag:$0x1], $0x20, s23, s22, $0xb8;
	[tilespmem:$0x1D300] =	vst v63  }
0x81: {  	_ =	swait.ge @p1 [sflag:s19], $0x1000  }
0x82: {  	[sflag:s19] =	ssyncset.done @p1 $0x0  }
0x83: {  	[sflag:s19] =	ssyncadd.s32 @p1 $0xFFFFF000  }
0x84: {  	[tilespmem:s20], [sflag:$0x1] =	stream.linear.gather @p0 [hbm4b:s28+s3], $0x80, $0x38;
	[tilespmem:$0x1D300] =	vst v63  }
0x85: {  	_ =	swait.ge @p0 [sflag:s19], $0x80  }
0x86: {  	[sflag:s19] =	ssyncset.done @p0 $0x0  }
0x87: {  	[sflag:s19] =	ssyncadd.s32 @p0 $0xFFFFFF80  }
0x88: {  	[tilespmem:s21], [sflag:$0x1] =	stream.linear.gather @p0 [hbm4b:s30+s3], $0x1000, $0x38;
	[tilespmem:$0x1D300] =	vst v63  }
0x89: {  	_ =	swait.ge @p0 [sflag:s19], $0x1000  }
0x8a: {  	[sflag:s19] =	ssyncset.done @p0 $0x0  }
0x8b: {  	[sflag:s19] =	ssyncadd.s32 @p0 $0xFFFFF000  }
0x8c: {  	v3 =	vld @p0 [tilespmem:$0x19000]  }
0x8d: {  	v4 =	vld @p0 [tilespmem:$0x19040]  }
0x8e: {  	v5 =	vld @p0 [tilespmem:$0x19020]  }
0x8f: {  	v6 =	vld @p0 [tilespmem:$0x19050]  }
0x90: {  	v7 =	vld @p0 [tilespmem:$0x19070]  }
0x91: {  	v8 =	vld @p0 [tilespmem:$0x19060]  }
0x92: {  	v10 =	vld @p0 [tilespmem:$0x19010];
	vm0 =	vlt.s32 @p0 v3, v1;
	v9 =	vsub.s32 @p0 v3, v0;
	vm1 =	vge.s32 @p0 v4, v0  }
0x93: {  	v11 =	vld @p0 [tilespmem:$0x19030];
	vm2 =	vge.s32 @p0 v3, v0;
	vm3 =	vlt.s32 @p0 v5, v1;
	v3 =	vsub.s32 @p0 v5, v0  }
0x94: {  	vm4 =	vge.s32 @p0 v5, v0;
	vm5 =	vlt.s32 @p0 v4, v1;
	vm6 =	vge.s32 @p0 v6, v0  }
0x95: {  	vm7 =	vlt.s32 @p0 v6, v1;
	v5 =	vsub.s32 @p0 v6, v0;
	vm8 =	vge.s32 @p0 v7, v0  }
0x96: {  	v4 =	vsub.s32 @p0 v4, v0;
	v6 =	vsub.s32 @p0 v8, v0;
	v12 =	vsub.s32 @p0 v7, v0  }
0x97: {  	vm1 =	vmand @p0 vm1, vm5;
	vm5 =	vge.s32 @p0 v8, v0;
	vm0 =	vmand @p0 vm2, vm0  }
0x98: {  	vm2 =	vge.s32 @p0 v11, v0;
	v4 =	vnsel @p0 vm1, $0xC350, v4;
	vm1 =	vlt.s32 @p0 v10, v1  }
0x99: {  	v9 =	vnsel @p0 vm0, $0xC350, v9;
	vm0 =	vmand @p0 vm4, vm3;
	vm3 =	vlt.s32 @p0 v8, v1  }
0x9a: {  	vm4 =	vlt.s32 @p0 v7, v1;
	v3 =	vnsel @p0 vm0, $0xC350, v3;
	vm0 =	vmand @p0 vm6, vm7  }
0x9b: {  	vm2 =	vmmov @p0 vm2;
	[tilespmem:$0x190C0] =	vst @p0 v4;
	v4 =	vnsel @p0 vm0, $0xC350, v5;
	vm0 =	vmand @p0 vm5, vm3  }
0x9c: {  	vm3 =	vmand @p0 vm8, vm4;
	vm4 =	vge.s32 @p0 v10, v0;
	[tilespmem:$0x190A0] =	vst @p0 v3;
	v3 =	vsub.s32 @p0 v10, v0  }
0x9d: {  	[tilespmem:$0x19080] =	vst @p0 v9;
	v5 =	vnsel @p0 vm0, $0xC350, v6;
	v6 =	vnsel @p0 vm3, $0xC350, v12;
	vm0 =	vmand @p0 vm4, vm1  }
0x9e: {  	vm1 =	vlt.s32 @p0 v11, v1;
	[tilespmem:$0x190D0] =	vst @p0 v4;
	v3 =	vpsel p0, v3, v0;
	v4 =	vpsel p0, v11, v0  }
0x9f: {  	vm0 =	vmmov @p0 vm0;
	[tilespmem:$0x190F0] =	vst @p0 v6;
	vm1 =	vmmov @p0 vm1;
	v5 =	vpsel p0, v5, v0  }
0xa0: {  	v4 =	vsub.s32 @p0 v4, v0;
	v3 =	vnsel @p0 vm0, $0xC350, v3;
	vm0 =	vmand @p0 vm2, vm1;
	[tilespmem:$0x190E0] =	vst @p0 v5  }
0xa1: {  	[tilespmem:$0x19090] =	vst @p0 v3;
	v3 =	vnsel @p0 vm0, $0xC350, v4  }
0xa2: {  	[tilespmem:$0x190B0] =	vst @p0 v3  }
0xa3: {  	[spmem:s1] =	stream.indirect.scatter.add.f32 @p0 [tilespmem:s21], [sflag:$0x1], $0x20, s23, s22, $0xb8;
	[tilespmem:$0x1D300] =	vst v63  }
0xa4: {  	_ =	swait.ge @p0 [sflag:s19], $0x1000  }
0xa5: {  	[sflag:s19] =	ssyncset.done @p0 $0x0  }
0xa6: {  	[sflag:s19] =	ssyncadd.s32 @p0 $0xFFFFF000  }
0xa7: {  	[tilespmem:s20], [sflag:$0x1] =	stream.linear.gather [hbm4b:s26+s3], $0x80, $0x38;
	[tilespmem:$0x1D300] =	vst v63  }
0xa8: {  	_ =	swait.ge [sflag:s19], $0x80  }
0xa9: {  	[sflag:s19] =	ssyncset.done $0x0  }
0xaa: {  	[sflag:s19] =	ssyncadd.s32 $0xFFFFFF80  }
0xab: {  	[tilespmem:s21], [sflag:$0x1] =	stream.linear.gather [hbm4b:s16+s3], $0x1000, $0x38;
	[tilespmem:$0x1D300] =	vst v63  }
0xac: {  	_ =	swait.ge [sflag:s19], $0x1000  }
0xad: {  	[sflag:s19] =	ssyncset.done $0x0  }
0xae: {  	[sflag:s19] =	ssyncadd.s32 $0xFFFFF000  }
0xaf: {  	v3 =	vld [tilespmem:$0x19000]  }
0xb0: {  	v48 =	vld [tilespmem:$0x19040]  }
0xb1: {  	v49 =	vld [tilespmem:$0x19020]  }
0xb2: {  	v50 =	vld [tilespmem:$0x19050]  }
0xb3: {  	v51 =	vld [tilespmem:$0x19070]  }
0xb4: {  	v52 =	vld [tilespmem:$0x19060]  }
0xb5: {  	v54 =	vld [tilespmem:$0x19010];
	vm0 =	vlt.s32 v3, v1;
	v53 =	vsub.s32 v3, v0;
	vm12 =	vge.s32 v48, v0  }
0xb6: {  	vm2 =	vge.s32 v3, v0;
	vm3 =	vlt.s32 v49, v1;
	v3 =	vsub.s32 v49, v0  }
0xb7: {  	v55 =	vld [tilespmem:$0x19030];
	vm13 =	vge.s32 v49, v0;
	vm14 =	vlt.s32 v48, v1;
	vm6 =	vge.s32 v50, v0  }
0xb8: {  	vm15 =	vlt.s32 v50, v1;
	v56 =	vsub.s32 v50, v0;
	vm8 =	vge.s32 v51, v0  }
0xb9: {  	v4 =	vsub.s32 v48, v0;
	v57 =	vsub.s32 v52, v0;
	v58 =	vsub.s32 v51, v0  }
0xba: {  	vm9 =	vlt.s32 v51, v1;
	v61 =	vsub.s32 v54, v0;
	vm1 =	vmand vm12, vm14  }
0xbb: {  	vm12 =	vge.s32 v52, v0;
	vm0 =	vmand vm2, vm0;
	v4 =	vnsel vm1, $0xC350, v4  }
0xbc: {  	vm2 =	vge.s32 v55, v0;
	vm13 =	vmand vm13, vm3;
	v59 =	vnsel vm0, $0xC350, v53;
	[tilespmem:$0x190C0] =	vst v4  }
0xbd: {  	vm14 =	vlt.s32 v52, v1;
	vm11 =	vmand vm8, vm9;
	v3 =	vnsel vm13, $0xC350, v3;
	[tilespmem:$0x19080] =	vst v59  }
0xbe: {  	vm15 =	vmand vm6, vm15;
	vm1 =	vlt.s32 v54, v1;
	v60 =	vnsel vm11, $0xC350, v58;
	[tilespmem:$0x190A0] =	vst v3  }
0xbf: {  	vm10 =	vmand vm12, vm14;
	vm12 =	vge.s32 v54, v0;
	v3 =	vnsel vm15, $0xC350, v56;
	[tilespmem:$0x190F0] =	vst v60  }
0xc0: {  	vm14 =	vlt.s32 v55, v1;
	vm13 =	vmand vm12, vm1;
	[tilespmem:$0x190D0] =	vst v3;
	v3 =	vnsel vm10, $0xC350, v57  }
0xc1: {  	v63 =	vsub.s32 v55, v0;
	vm15 =	vmand vm2, vm14;
	v62 =	vnsel vm13, $0xC350, v61;
	[tilespmem:$0x190E0] =	vst v3  }
0xc2: {  	[tilespmem:$0x19090] =	vst v62;
	v3 =	vnsel vm15, $0xC350, v63  }
0xc3: {  	[tilespmem:$0x190B0] =	vst v3  }
0xc4: {  	[spmem:s1] =	stream.indirect.scatter.add.f32 [tilespmem:s21], [sflag:$0x1], $0x20, s23, s22, $0xb8;
	[tilespmem:$0x1D300] =	vst v63  }
0xc5: {  	_ =	swait.ge [sflag:s19], $0x1000  }
0xc6: {  	[sflag:s19] =	ssyncset.done $0x0  }
0xc7: {  	[sflag:s19] =	ssyncadd.s32 $0xFFFFF000  }
0xc8: {  	[bflag:$0x0] =	sbarrier.arrive $0xFFFF  }
0xc9: {  	[tilespmem:s18], [sflag:$0x1] =	stream.linear.gather [spmem:s5], $0x3200, $0x38;
	[tilespmem:$0x1D300] =	vst v63  }
0xca: {  	p0 =	sne.s32 s6, $0x1;
	_ =	swait.ge [sflag:s19], $0x3200  }
.Ltmp5:
0xcb: {  	[sflag:s19] =	ssyncset.done $0x0;
	(pc) =	sbr.rel @!p0 .LBB2_13-.Ltmp5, $4  }
0xcc: {  	[sflag:s19] =	ssyncadd.s32 $0xFFFFCE00  }
0xcd: {  	[hbm4b:s17+s3] =	stream.linear.scatter [tilespmem:s18], [sflag:$0x1], $0x3200, $0x38;
	[tilespmem:$0x1D300] =	vst v63  }
0xce: {  	s25 =	smov.u32 s5;
	_ =	swait.ge [sflag:s19], $0x3200  }
0xcf: {  	s26 =	smov.u32 s17;
	s16 =	sadd.s32 $0xFFFFFFFF, s6;
	[sflag:s19] =	ssyncset.done $0x0  }
.LBB2_12:
0xd0: {  	[sflag:s19] =	ssyncadd.s32 $0xFFFFCE00;
	s25 =	sadd.s32 $0x3200, s25;
	s26 =	sadd.s32 $0x640, s26  }
0xd1: {  	[tilespmem:s18], [sflag:$0x1] =	stream.linear.gather [spmem:s25], $0x3200, $0x38;
	[tilespmem:$0x1D300] =	vst v63  }
0xd2: {  	p0 =	sne.s32 s16, $0x1;
	s16 =	sadd.s32 $0xFFFFFFFF, s16;
	_ =	swait.ge [sflag:s19], $0x3200  }
.Ltmp6:
0xd3: {  	[sflag:s19] =	ssyncset.done $0x0;
	(pc) =	sbr.rel @p0 .LBB2_12-.Ltmp6, $4  }
0xd4: {  	[sflag:s19] =	ssyncadd.s32 $0xFFFFCE00  }
0xd5: {  	[hbm4b:s26+s3] =	stream.linear.scatter [tilespmem:s18], [sflag:$0x1], $0x3200, $0x38;
	[tilespmem:$0x1D300] =	vst v63  }
0xd6: {  	_ =	swait.ge [sflag:s19], $0x3200  }
0xd7: {  	[sflag:s19] =	ssyncset.done $0x0  }
.LBB2_13:
0xd8: {  	s24 =	sadd.s32 $0x1, s24  }
0xd9: {  	p0 =	sne.s32 s24, s7  }
.Ltmp7:
0xda: {  	_ = 	snop;
	(pc) =	sbr.rel @p0 .LBB2_1-.Ltmp7, $4  }
.Ltmp8:
0xdb: {  	_ = 	snop;
	(pc) =	sbr.rel @!p0 .LBB2_14-.Ltmp8, $4  }
0xdc: {  	_ = 	snop  }
0xdd: {  	_ = 	snop  }
0xde: {  	[sflag:s19] =	ssyncadd.s32 $0xFFFFCE00  }
0xdf: {  	_ = 	snop  }
.LBB2_4:
.Ltmp9:
0xe0: {  	(pc) =	sbr.rel .LBB2_11-.Ltmp9, $2  }
0xe1: {  	_ =	sdelay $0x2  }
0xe2: {  	s26 =	smov.u32 s15;
	s16 =	smov.u32 s0  }
.LBB2_6:
.Ltmp10:
0xe3: {  	(pc) =	sbr.rel .LBB2_11-.Ltmp10, $2  }
0xe4: {  	_ =	sdelay $0x2  }
0xe5: {  	s28 =	smov.u32 s15;
	s30 =	smov.u32 s0  }
.LBB2_8:
.Ltmp11:
0xe6: {  	(pc) =	sbr.rel .LBB2_11-.Ltmp11, $3  }
0xe7: {  	_ =	sdelay $0x1  }
0xe8: {  	s28 =	smov.u32 s26  }
0xe9: {  	s30 =	smov.u32 s16;
	s26 =	smov.u32 s29;
	s16 =	smov.u32 s25  }
.LBB2_14:
0xea: {  	_ =	sfence.sel $0x180000  }
0xeb: {  	[bflag:$0x0] =	sbarrier.arrive $0xFFFF  }
0xec: {  	_ =	strace $0x9000004A  }
0xed: {  	[bflag:$0x2] =	sbarrier.arrive $0xFFFF  }
0xee: {  	p0 =	sne.s32 s2, $0x0;
	s0 =	rddreg [dreg:$0x2]  }
0xef: {  	s0 =	sadd.s32 @!p0 $0x100000, s0  }
0xf0: {  	[sflag:s0] =	ssyncadd.tile.s32 @!p0 $0x1;
	_ =	shalt  }
.Lfunc_end2:
_tile_overlayer_lowered:
.L_overlay_start_2:
0xf1: {  	(tag) =	ssettag $0x2  }
0xf2: {  	s0 =	rddreg [dreg:$0x0];
	s2 =	stileid.u32  }
0xf3: {  	s1 =	rddreg [dreg:$0x1];
	p0 =	sne.s32 s2, $0x0  }
0xf4: {  	s3 =	rddreg [dreg:$0x2];
	[bflag:$0x3] =	sbarrier.arrive $0xFFFF;
	s2 =	simm.s32 @!p0 $0x1C01  }
0xf5: {  	[timem:s3], [sflag:s2] =	dma.local @!p0 [hbm:s0], s1  }
0xf6: {  	s0 =	simm.s32 @!p0 $0x1  }
0xf7: {  	_ =	swait.ge @!p0 [sflag:s0], s1  }
0xf8: {  	s1 =	ssub.s32 @!p0 $0x0, s1;
	[sflag:s0] =	ssyncset.done @!p0 $0x0  }
0xf9: {  	[sflag:s0] =	ssyncadd.s32 @!p0 s1  }
0xfa: {  	[bflag:$0x3] =	sbarrier.arrive $0xFFFF  }
0xfb: {  	_ =	shalt  }

</sc_bundles>
